<compile_context>
chip_gen: v7x
topology: tpu7x:2x2x1
jax: 0.10.2.dev20260603
libtpu: 0.0.44.dev20260713+nightly
codegen_flags: <defaults>
</compile_context>

<pallas_src>
import functools

import jax
import jax.numpy as jnp
from jax import lax
from jax.experimental import pallas as pl
from jax.experimental.pallas import tpu as pltpu
from jax.experimental.pallas import tpu_sc as plsc

_K = 16
_RB = 256
_CC = 512
_RD = 512
_SQRT_HALF = 0.7071067811865476


def _gelu(v):
    return v * 0.5 * (1.0 + lax.erf(v * _SQRT_HALF))


def _zp_body(x_ref, c_ref, w1x_ref, w1c_ref, b1_ref, z_ref, p_ref):
    cw = jnp.dot(c_ref[0], w1c_ref[...], preferred_element_type=jnp.float32)
    xw = jnp.dot(x_ref[0], w1x_ref[...], preferred_element_type=jnp.float32)
    p_ref[0] = cw
    z_ref[0] = xw + cw + b1_ref[...]


def _colmin(a):
    r = a.shape[0]
    while r > 8:
        r //= 2
        a = jnp.minimum(a[:r], a[r:])
    return jnp.min(a, axis=0)


def _colmin8(a):
    g = a.shape[0]
    while g > 1:
        g //= 2
        a = jnp.minimum(a[:g], a[g:])
    a = a[0]
    for s in (4, 2, 1):
        a = jnp.minimum(a, pltpu.roll(a, s, axis=0))
    return a


def _colargmin(d, g):
    r = d.shape[0]
    while r > 1:
        r //= 2
        dlo, dhi = d[:r], d[r:]
        glo, ghi = g[:r], g[r:]
        take = (dhi < dlo) | ((dhi == dlo) & (ghi < glo))
        d = jnp.where(take, dhi, dlo)
        g = jnp.where(take, ghi, glo)
    return d[0], g[0]


def _knn_body(ca_ref, cb_ref, idx_ref, vals_ref, gidx_ref):
    b = pl.program_id(0)
    c = pl.program_id(2)
    nch = pl.num_programs(2)
    cc, rb = _CC, _RB
    n = nch * cc
    ca = ca_ref[0]
    cbt = cb_ref[0]
    sqa = jnp.sum(ca * ca, axis=1, keepdims=True)
    sqb = jnp.sum(cbt * cbt, axis=0)
    dots = lax.dot_general(ca, cbt, (((1,), (0,)), ((), ())),
                           preferred_element_type=jnp.float32)
    d2 = jnp.maximum((sqb[None, :] + sqa) - 2.0 * dots, 1e-12)
    inf = jnp.float32(jnp.inf)
    goff = c * cc

    d = d2.reshape(cc // 8, 8, rb)
    liota3 = (lax.broadcasted_iota(jnp.int32, (cc // 8, 8, rb), 0) * 8
              + lax.broadcasted_iota(jnp.int32, (cc // 8, 8, rb), 1))
    ms = []
    lchs = []
    for k in range(_K):
        m8 = _colmin8(d)
        cand = jnp.where(d == m8[None], liota3, cc)
        l8 = _colmin8(cand)
        ms.append(m8[0])
        lchs.append(l8[0] + goff)
        if k < _K - 1:
            d = jnp.where(liota3 == l8[None], inf, d)
    vals_ref[pl.ds(c * _K, _K), :] = jnp.stack(ms, axis=0)
    gidx_ref[pl.ds(c * _K, _K), :] = jnp.stack(lchs, axis=0)

    @pl.when(c == nch - 1)
    def _phase2():
        base = b * n
        v = vals_ref[...]
        g = gidx_ref[...]
        for k in range(_K):
            m = _colmin(v)
            cand2 = jnp.where(v == m[None, :], g, n)
            chg = _colmin(cand2)
            idx_ref[0, k, :] = chg + base
            if k < _K - 1:
                v = jnp.where(g == chg[None, :], inf, v)


def _mlp_body(zg_ref, p_ref, w2_ref, b2_ref, w3_ref, b3_ref, bias_ref, out_ref):
    _, kk, rd, hid = zg_ref.shape
    zg = zg_ref[0]
    h1 = _gelu(zg - p_ref[0][None])
    h2 = _gelu(jnp.dot(h1.reshape(kk * rd, hid), w2_ref[...],
                       preferred_element_type=jnp.float32) + b2_ref[...])
    hm = jnp.mean(h2.reshape(kk, rd, hid), axis=0)
    out_ref[0] = (jnp.dot(hm, w3_ref[...], preferred_element_type=jnp.float32)
                  + b3_ref[...] + bias_ref[...])


def _sc_gather(z2d, idxf):
    rt = idxf.shape[0]
    hid = z2d.shape[1]
    mesh = plsc.VectorSubcoreMesh(core_axis_name="c", subcore_axis_name="s")
    nw = mesh.num_cores * mesh.num_subcores
    per_w = rt // nw
    ch = 128
    chunks = per_w // ch

    nbuf = 4
    assert chunks % nbuf == 0

    @functools.partial(
        pl.kernel,
        out_type=jax.ShapeDtypeStruct((rt, hid), jnp.float32),
        mesh=mesh,
        scratch_types=[
            [pltpu.VMEM((ch,), jnp.int32) for _ in range(nbuf)],
            [pltpu.VMEM((ch, hid), jnp.float32) for _ in range(nbuf)],
            [pltpu.SemaphoreType.DMA for _ in range(nbuf)],
            [pltpu.SemaphoreType.DMA for _ in range(nbuf)],
        ],
    )
    def gk(z_hbm, idx_hbm, out_hbm, idx_vs, rows_vs, gsems, osems):
        wid = lax.axis_index("s") * mesh.num_cores + lax.axis_index("c")
        base = wid * per_w

        def body(i, carry):
            gcps = []
            for j in range(nbuf):
                off = base + (i * nbuf + j) * ch
                pltpu.sync_copy(idx_hbm.at[pl.ds(off, ch)], idx_vs[j])
                gcps.append(pltpu.async_copy(z_hbm.at[idx_vs[j]], rows_vs[j],
                                             gsems[j]))
            ocps = []
            for j in range(nbuf):
                off = base + (i * nbuf + j) * ch
                gcps[j].wait()
                ocps.append(pltpu.async_copy(rows_vs[j],
                                             out_hbm.at[pl.ds(off, ch)],
                                             osems[j]))
            for j in range(nbuf):
                ocps[j].wait()
            return carry

        lax.fori_loop(0, chunks // nbuf, body, 0)

    return gk(z2d, idxf)


def kernel(x, coords, W1, b1, W2, b2, W3, b3, bias):
    b, n, cin = x.shape
    dim = coords.shape[-1]
    hid = W1.shape[1]
    cout = W3.shape[1]
    k = _K

    cpad = jnp.pad(coords, ((0, 0), (0, 0), (0, 8 - dim)))
    w1c = jnp.pad(W1[:dim], ((0, 8 - dim), (0, 0)))
    w1x = W1[dim:]

    z, p = pl.pallas_call(
        _zp_body,
        grid=(b,),
        in_specs=[
            pl.BlockSpec((1, n, cin), lambda i: (i, 0, 0)),
            pl.BlockSpec((1, n, 8), lambda i: (i, 0, 0)),
            pl.BlockSpec((cin, hid), lambda i: (0, 0)),
            pl.BlockSpec((8, hid), lambda i: (0, 0)),
            pl.BlockSpec((1, hid), lambda i: (0, 0)),
        ],
        out_specs=[
            pl.BlockSpec((1, n, hid), lambda i: (i, 0, 0)),
            pl.BlockSpec((1, n, hid), lambda i: (i, 0, 0)),
        ],
        out_shape=[
            jax.ShapeDtypeStruct((b, n, hid), jnp.float32),
            jax.ShapeDtypeStruct((b, n, hid), jnp.float32),
        ],
    )(x, cpad, w1x, w1c, b1[None])

    cpadt = jnp.swapaxes(cpad, 1, 2)

    outs = []
    for bi in range(b):
        idx_b = pl.pallas_call(
            _knn_body,
            grid=(1, n // _RB, n // _CC),
            in_specs=[
                pl.BlockSpec((1, _CC, 8), lambda i, j, c: (i, c, 0)),
                pl.BlockSpec((1, 8, _RB), lambda i, j, c: (i, 0, j)),
            ],
            out_specs=pl.BlockSpec((1, k, _RB), lambda i, j, c: (i, 0, j)),
            out_shape=jax.ShapeDtypeStruct((1, k, n), jnp.int32),
            scratch_shapes=[
                pltpu.VMEM(((n // _CC) * k, _RB), jnp.float32),
                pltpu.VMEM(((n // _CC) * k, _RB), jnp.int32),
            ],
        )(cpad[bi:bi + 1], cpadt[bi:bi + 1])

        zg_b = _sc_gather(z[bi], idx_b.reshape(k * n))

        out_b = pl.pallas_call(
            _mlp_body,
            grid=(1, n // _RD),
            in_specs=[
                pl.BlockSpec((1, k, _RD, hid), lambda i, j: (i, 0, j, 0)),
                pl.BlockSpec((1, _RD, hid), lambda i, j: (i, j, 0)),
                pl.BlockSpec((hid, hid), lambda i, j: (0, 0)),
                pl.BlockSpec((1, hid), lambda i, j: (0, 0)),
                pl.BlockSpec((hid, cout), lambda i, j: (0, 0)),
                pl.BlockSpec((1, cout), lambda i, j: (0, 0)),
                pl.BlockSpec((1, cout), lambda i, j: (0, 0)),
            ],
            out_specs=pl.BlockSpec((1, _RD, cout), lambda i, j: (i, j, 0)),
            out_shape=jax.ShapeDtypeStruct((1, n, cout), jnp.float32),
        )(zg_b.reshape(1, k, n, hid), p[bi:bi + 1], W2, b2[None], W3,
          b3[None], bias[None])
        outs.append(out_b)

    return jnp.concatenate(outs, axis=0)

# --- scband reference (transcript-rebuilt; emitter-appended) ---
"""Pipeline reference for scband-point-kernel-operator-80255758893084 (READ-ONLY COPY).

The authoritative reference and input builder live on the scoring server;
editing this copy changes nothing except your own understanding.
"""

import jax, jax.numpy as jnp
import numpy as np

B, N, CIN, DIM, COUT, HID, K = 4, 4096, 128, 3, 128, 128, 16

def setup_inputs(seed: int = 0) -> dict:
    key = jax.random.key(seed)
    ks = jax.random.split(key, 10)
    x = jax.random.normal(ks[0], (B, N, CIN), dtype=jnp.float32)
    coords = jax.random.uniform(ks[1], (B, N, DIM), dtype=jnp.float32)
    s1 = 1.0 / np.sqrt(DIM + CIN)
    s2 = 1.0 / np.sqrt(HID)
    W1 = jax.random.uniform(ks[2], (DIM + CIN, HID), jnp.float32, -s1, s1)
    b1 = jax.random.uniform(ks[3], (HID,), jnp.float32, -s1, s1)
    W2 = jax.random.uniform(ks[4], (HID, HID), jnp.float32, -s2, s2)
    b2 = jax.random.uniform(ks[5], (HID,), jnp.float32, -s2, s2)
    W3 = jax.random.uniform(ks[6], (HID, COUT), jnp.float32, -s2, s2)
    b3 = jax.random.uniform(ks[7], (COUT,), jnp.float32, -s2, s2)
    bias = jnp.zeros((COUT,), dtype=jnp.float32)
    return {"x": x, "coords": coords, "W1": W1, "b1": b1, "W2": W2, "b2": b2, "W3": W3, "b3": b3, "bias": bias}

def reference(x, coords, W1, b1, W2, b2, W3, b3, bias):
    # pairwise euclidean distances (cdist), matmul form
    sq = jnp.sum(coords * coords, axis=-1)
    d2 = sq[:, :, None] + sq[:, None, :] - 2.0 * jnp.einsum('bnd,bmd->bnm', coords, coords)
    d = jnp.sqrt(jnp.clip(d2, 1e-12, None))
    # k nearest (smallest distance) -> largest of -d
    _, idx = jax.lax.top_k(-jax.lax.stop_gradient(d), min(K, N))  # (B, N, K)
    # gather neighbor coords and features
    coords_j = jax.vmap(lambda c, i: c[i])(coords, idx)  # (B, N, K, DIM)
    x_j = jax.vmap(lambda xx, i: xx[i])(x, idx)          # (B, N, K, CIN)
    rel = coords_j - coords[:, :, None, :]
    inp = jnp.concatenate([rel, x_j], axis=-1)
    h = jax.nn.gelu(inp @ W1 + b1, approximate=False)
    h = jax.nn.gelu(h @ W2 + b2, approximate=False)
    msg = h @ W3 + b3
    out = jnp.mean(msg, axis=2) + bias
    return out

if __name__ == "__main__":
    import jax
    _d = setup_inputs()
    print(jax.jit(kernel)(*tuple(_d.values())))

</pallas_src>

<mosaic_0001>
#map = affine_map<(d0, d1) -> (0, 0)>
#map1 = affine_map<(d0, d1) -> (0)>
module attributes {stable_mosaic.version = 14 : i64} {
  func.func @gk(%arg0: i32, %arg1: i32, %arg2: memref<4096x128xf32, #tpu.memory_space<hbm>>, %arg3: memref<65536xi32, #tpu.memory_space<hbm>>, %arg4: memref<65536x128xf32, #tpu.memory_space<hbm>>, %arg5: memref<128xi32, #tpu.memory_space<vmem>>, %arg6: memref<128xi32, #tpu.memory_space<vmem>>, %arg7: memref<128xi32, #tpu.memory_space<vmem>>, %arg8: memref<128xi32, #tpu.memory_space<vmem>>, %arg9: memref<128x128xf32, #tpu.memory_space<vmem>>, %arg10: memref<128x128xf32, #tpu.memory_space<vmem>>, %arg11: memref<128x128xf32, #tpu.memory_space<vmem>>, %arg12: memref<128x128xf32, #tpu.memory_space<vmem>>, %arg13: memref<!tpu.dma_semaphore, #tpu.memory_space<semaphore_mem>>, %arg14: memref<!tpu.dma_semaphore, #tpu.memory_space<semaphore_mem>>, %arg15: memref<!tpu.dma_semaphore, #tpu.memory_space<semaphore_mem>>, %arg16: memref<!tpu.dma_semaphore, #tpu.memory_space<semaphore_mem>>, %arg17: memref<!tpu.dma_semaphore, #tpu.memory_space<semaphore_mem>>, %arg18: memref<!tpu.dma_semaphore, #tpu.memory_space<semaphore_mem>>, %arg19: memref<!tpu.dma_semaphore, #tpu.memory_space<semaphore_mem>>, %arg20: memref<!tpu.dma_semaphore, #tpu.memory_space<semaphore_mem>>) attributes {dimension_semantics = [#tpu.dimension_semantics<core_parallel>, #tpu.dimension_semantics<subcore_parallel>], iteration_bounds = array<i64: 2, 16>, scalar_prefetch = 0 : i64, scratch_operands = 16 : i64, tpu.core_type = #tpu.core_type<sc_vector_subcore>, window_params = [{transform_indices = #map}, {transform_indices = #map1}, {transform_indices = #map}]} {
    %mul3A = arith.constant 2 : i32
    %mul3A_0 = arith.muli %arg1, %mul3A : i32
    %add3A = arith.addi %mul3A_0, %arg0 : i32
    %mul3A_1 = arith.constant 2048 : i32
    %mul3A_2 = arith.muli %add3A, %mul3A_1 : i32
    %scan3A = arith.constant 0 : i32
    %scan3A_3 = arith.constant 0 : i32
    %scan3A_4 = arith.constant 4 : i32
    %scan3A_5 = arith.addi %scan3A_3, %scan3A_4 : i32
    %scan3A_6 = arith.constant 1 : i32
    scf.for %scan3A_8 = %scan3A_3 to %scan3A_5 step %scan3A_6  : i32 {
      %mul3A_9 = arith.constant 4 : i32
      %mul3A_10 = arith.muli %scan3A_8, %mul3A_9 : i32
      %add3A_11 = arith.constant 0 : i32
      %add3A_12 = arith.addi %mul3A_10, %add3A_11 : i32
      %mul3A_13 = arith.constant 128 : i32
      %mul3A_14 = arith.muli %add3A_12, %mul3A_13 : i32
      %add3A_15 = arith.addi %mul3A_2, %mul3A_14 : i32
      "tpu.region"() ({
        %run_scoped3A = tpu.sem_alloc : memref<!tpu.dma_semaphore, #tpu.memory_space<semaphore_mem>>
        %dma_start3A_119 = tpu.memref_slice %arg3[%add3A_15] : memref<65536xi32, #tpu.memory_space<hbm>> -> memref<128xi32, #tpu.memory_space<hbm>>
        %dma_start3A_120 = tpu.memref_slice %arg3[%add3A_15] : memref<65536xi32, #tpu.memory_space<hbm>> -> memref<128xi32, #tpu.memory_space<hbm>>
        tpu.enqueue_dma source(%dma_start3A_120 : memref<128xi32, #tpu.memory_space<hbm>>) target(%arg5 : memref<128xi32, #tpu.memory_space<vmem>>) target_semaphore(%run_scoped3A : memref<!tpu.dma_semaphore, #tpu.memory_space<semaphore_mem>>)
        %dma_wait3A_121 = tpu.memref_slice %arg3[%add3A_15] : memref<65536xi32, #tpu.memory_space<hbm>> -> memref<128xi32, #tpu.memory_space<hbm>>
        %dma_wait3A_122 = tpu.memref_slice %arg3[%add3A_15] : memref<65536xi32, #tpu.memory_space<hbm>> -> memref<128xi32, #tpu.memory_space<hbm>>
        tpu.wait_dma2 semaphore(%run_scoped3A : memref<!tpu.dma_semaphore, #tpu.memory_space<semaphore_mem>>) src(%dma_wait3A_122 : memref<128xi32, #tpu.memory_space<hbm>>) dst(%arg5 : memref<128xi32, #tpu.memory_space<vmem>>)
        tpu.yield
      }) : () -> ()
      %dma_start3A = arith.constant 0 : i32
      %dma_start3A_16 = arith.constant 0 : i32
      %dma_start3A_17 = tpu.memref_slice %arg2[%dma_start3A, %dma_start3A_16] : memref<4096x128xf32, #tpu.memory_space<hbm>> -> memref<4096x128xf32, #tpu.memory_space<hbm>>
      tpu.enqueue_indirect_dma source(%dma_start3A_17 : memref<4096x128xf32, #tpu.memory_space<hbm>>) target(%arg9 : memref<128x128xf32, #tpu.memory_space<vmem>>) offsets(%arg5 : memref<128xi32, #tpu.memory_space<vmem>>) semaphore(%arg13 : memref<!tpu.dma_semaphore, #tpu.memory_space<semaphore_mem>>)
      %mul3A_18 = arith.constant 4 : i32
      %mul3A_19 = arith.muli %scan3A_8, %mul3A_18 : i32
      %add3A_20 = arith.constant 1 : i32
      %add3A_21 = arith.addi %mul3A_19, %add3A_20 : i32
      %mul3A_22 = arith.constant 128 : i32
      %mul3A_23 = arith.muli %add3A_21, %mul3A_22 : i32
      %add3A_24 = arith.addi %mul3A_2, %mul3A_23 : i32
      "tpu.region"() ({
        %run_scoped3A = tpu.sem_alloc : memref<!tpu.dma_semaphore, #tpu.memory_space<semaphore_mem>>
        %dma_start3A_119 = tpu.memref_slice %arg3[%add3A_24] : memref<65536xi32, #tpu.memory_space<hbm>> -> memref<128xi32, #tpu.memory_space<hbm>>
        %dma_start3A_120 = tpu.memref_slice %arg3[%add3A_24] : memref<65536xi32, #tpu.memory_space<hbm>> -> memref<128xi32, #tpu.memory_space<hbm>>
        tpu.enqueue_dma source(%dma_start3A_120 : memref<128xi32, #tpu.memory_space<hbm>>) target(%arg6 : memref<128xi32, #tpu.memory_space<vmem>>) target_semaphore(%run_scoped3A : memref<!tpu.dma_semaphore, #tpu.memory_space<semaphore_mem>>)
        %dma_wait3A_121 = tpu.memref_slice %arg3[%add3A_24] : memref<65536xi32, #tpu.memory_space<hbm>> -> memref<128xi32, #tpu.memory_space<hbm>>
        %dma_wait3A_122 = tpu.memref_slice %arg3[%add3A_24] : memref<65536xi32, #tpu.memory_space<hbm>> -> memref<128xi32, #tpu.memory_space<hbm>>
        tpu.wait_dma2 semaphore(%run_scoped3A : memref<!tpu.dma_semaphore, #tpu.memory_space<semaphore_mem>>) src(%dma_wait3A_122 : memref<128xi32, #tpu.memory_space<hbm>>) dst(%arg6 : memref<128xi32, #tpu.memory_space<vmem>>)
        tpu.yield
      }) : () -> ()
      %dma_start3A_25 = arith.constant 0 : i32
      %dma_start3A_26 = arith.constant 0 : i32
      %dma_start3A_27 = tpu.memref_slice %arg2[%dma_start3A_25, %dma_start3A_26] : memref<4096x128xf32, #tpu.memory_space<hbm>> -> memref<4096x128xf32, #tpu.memory_space<hbm>>
      tpu.enqueue_indirect_dma source(%dma_start3A_27 : memref<4096x128xf32, #tpu.memory_space<hbm>>) target(%arg10 : memref<128x128xf32, #tpu.memory_space<vmem>>) offsets(%arg6 : memref<128xi32, #tpu.memory_space<vmem>>) semaphore(%arg14 : memref<!tpu.dma_semaphore, #tpu.memory_space<semaphore_mem>>)
      %mul3A_28 = arith.constant 4 : i32
      %mul3A_29 = arith.muli %scan3A_8, %mul3A_28 : i32
      %add3A_30 = arith.constant 2 : i32
      %add3A_31 = arith.addi %mul3A_29, %add3A_30 : i32
      %mul3A_32 = arith.constant 128 : i32
      %mul3A_33 = arith.muli %add3A_31, %mul3A_32 : i32
      %add3A_34 = arith.addi %mul3A_2, %mul3A_33 : i32
      "tpu.region"() ({
        %run_scoped3A = tpu.sem_alloc : memref<!tpu.dma_semaphore, #tpu.memory_space<semaphore_mem>>
        %dma_start3A_119 = tpu.memref_slice %arg3[%add3A_34] : memref<65536xi32, #tpu.memory_space<hbm>> -> memref<128xi32, #tpu.memory_space<hbm>>
        %dma_start3A_120 = tpu.memref_slice %arg3[%add3A_34] : memref<65536xi32, #tpu.memory_space<hbm>> -> memref<128xi32, #tpu.memory_space<hbm>>
        tpu.enqueue_dma source(%dma_start3A_120 : memref<128xi32, #tpu.memory_space<hbm>>) target(%arg7 : memref<128xi32, #tpu.memory_space<vmem>>) target_semaphore(%run_scoped3A : memref<!tpu.dma_semaphore, #tpu.memory_space<semaphore_mem>>)
        %dma_wait3A_121 = tpu.memref_slice %arg3[%add3A_34] : memref<65536xi32, #tpu.memory_space<hbm>> -> memref<128xi32, #tpu.memory_space<hbm>>
        %dma_wait3A_122 = tpu.memref_slice %arg3[%add3A_34] : memref<65536xi32, #tpu.memory_space<hbm>> -> memref<128xi32, #tpu.memory_space<hbm>>
        tpu.wait_dma2 semaphore(%run_scoped3A : memref<!tpu.dma_semaphore, #tpu.memory_space<semaphore_mem>>) src(%dma_wait3A_122 : memref<128xi32, #tpu.memory_space<hbm>>) dst(%arg7 : memref<128xi32, #tpu.memory_space<vmem>>)
        tpu.yield
      }) : () -> ()
      %dma_start3A_35 = arith.constant 0 : i32
      %dma_start3A_36 = arith.constant 0 : i32
      %dma_start3A_37 = tpu.memref_slice %arg2[%dma_start3A_35, %dma_start3A_36] : memref<4096x128xf32, #tpu.memory_space<hbm>> -> memref<4096x128xf32, #tpu.memory_space<hbm>>
      tpu.enqueue_indirect_dma source(%dma_start3A_37 : memref<4096x128xf32, #tpu.memory_space<hbm>>) target(%arg11 : memref<128x128xf32, #tpu.memory_space<vmem>>) offsets(%arg7 : memref<128xi32, #tpu.memory_space<vmem>>) semaphore(%arg15 : memref<!tpu.dma_semaphore, #tpu.memory_space<semaphore_mem>>)
      %mul3A_38 = arith.constant 4 : i32
      %mul3A_39 = arith.muli %scan3A_8, %mul3A_38 : i32
      %add3A_40 = arith.constant 3 : i32
      %add3A_41 = arith.addi %mul3A_39, %add3A_40 : i32
      %mul3A_42 = arith.constant 128 : i32
      %mul3A_43 = arith.muli %add3A_41, %mul3A_42 : i32
      %add3A_44 = arith.addi %mul3A_2, %mul3A_43 : i32
      "tpu.region"() ({
        %run_scoped3A = tpu.sem_alloc : memref<!tpu.dma_semaphore, #tpu.memory_space<semaphore_mem>>
        %dma_start3A_119 = tpu.memref_slice %arg3[%add3A_44] : memref<65536xi32, #tpu.memory_space<hbm>> -> memref<128xi32, #tpu.memory_space<hbm>>
        %dma_start3A_120 = tpu.memref_slice %arg3[%add3A_44] : memref<65536xi32, #tpu.memory_space<hbm>> -> memref<128xi32, #tpu.memory_space<hbm>>
        tpu.enqueue_dma source(%dma_start3A_120 : memref<128xi32, #tpu.memory_space<hbm>>) target(%arg8 : memref<128xi32, #tpu.memory_space<vmem>>) target_semaphore(%run_scoped3A : memref<!tpu.dma_semaphore, #tpu.memory_space<semaphore_mem>>)
        %dma_wait3A_121 = tpu.memref_slice %arg3[%add3A_44] : memref<65536xi32, #tpu.memory_space<hbm>> -> memref<128xi32, #tpu.memory_space<hbm>>
        %dma_wait3A_122 = tpu.memref_slice %arg3[%add3A_44] : memref<65536xi32, #tpu.memory_space<hbm>> -> memref<128xi32, #tpu.memory_space<hbm>>
        tpu.wait_dma2 semaphore(%run_scoped3A : memref<!tpu.dma_semaphore, #tpu.memory_space<semaphore_mem>>) src(%dma_wait3A_122 : memref<128xi32, #tpu.memory_space<hbm>>) dst(%arg8 : memref<128xi32, #tpu.memory_space<vmem>>)
        tpu.yield
      }) : () -> ()
      %dma_start3A_45 = arith.constant 0 : i32
      %dma_start3A_46 = arith.constant 0 : i32
      %dma_start3A_47 = tpu.memref_slice %arg2[%dma_start3A_45, %dma_start3A_46] : memref<4096x128xf32, #tpu.memory_space<hbm>> -> memref<4096x128xf32, #tpu.memory_space<hbm>>
      tpu.enqueue_indirect_dma source(%dma_start3A_47 : memref<4096x128xf32, #tpu.memory_space<hbm>>) target(%arg12 : memref<128x128xf32, #tpu.memory_space<vmem>>) offsets(%arg8 : memref<128xi32, #tpu.memory_space<vmem>>) semaphore(%arg16 : memref<!tpu.dma_semaphore, #tpu.memory_space<semaphore_mem>>)
      %mul3A_48 = arith.constant 4 : i32
      %mul3A_49 = arith.muli %scan3A_8, %mul3A_48 : i32
      %add3A_50 = arith.constant 0 : i32
      %add3A_51 = arith.addi %mul3A_49, %add3A_50 : i32
      %mul3A_52 = arith.constant 128 : i32
      %mul3A_53 = arith.muli %add3A_51, %mul3A_52 : i32
      %add3A_54 = arith.addi %mul3A_2, %mul3A_53 : i32
      %dma_wait3A = arith.constant 0 : i32
      %dma_wait3A_55 = arith.constant 0 : i32
      %dma_wait3A_56 = tpu.memref_slice %arg2[%dma_wait3A, %dma_wait3A_55] : memref<4096x128xf32, #tpu.memory_space<hbm>> -> memref<4096x128xf32, #tpu.memory_space<hbm>>
      tpu.wait_indirect_dma semaphore(%arg13 : memref<!tpu.dma_semaphore, #tpu.memory_space<semaphore_mem>>) src(%dma_wait3A_56 : memref<4096x128xf32, #tpu.memory_space<hbm>>) dst(%arg9 : memref<128x128xf32, #tpu.memory_space<vmem>>)
      %dma_start3A_57 = arith.constant 0 : i32
      %dma_start3A_58 = tpu.memref_slice %arg4[%add3A_54, %dma_start3A_57] : memref<65536x128xf32, #tpu.memory_space<hbm>> -> memref<128x128xf32, #tpu.memory_space<hbm>>
      %dma_start3A_59 = arith.constant 0 : i32
      %dma_start3A_60 = tpu.memref_slice %arg4[%add3A_54, %dma_start3A_59] : memref<65536x128xf32, #tpu.memory_space<hbm>> -> memref<128x128xf32, #tpu.memory_space<hbm>>
      tpu.enqueue_dma source(%arg9 : memref<128x128xf32, #tpu.memory_space<vmem>>) target(%dma_start3A_60 : memref<128x128xf32, #tpu.memory_space<hbm>>) target_semaphore(%arg17 : memref<!tpu.dma_semaphore, #tpu.memory_space<semaphore_mem>>)
      %mul3A_61 = arith.constant 4 : i32
      %mul3A_62 = arith.muli %scan3A_8, %mul3A_61 : i32
      %add3A_63 = arith.constant 1 : i32
      %add3A_64 = arith.addi %mul3A_62, %add3A_63 : i32
      %mul3A_65 = arith.constant 128 : i32
      %mul3A_66 = arith.muli %add3A_64, %mul3A_65 : i32
      %add3A_67 = arith.addi %mul3A_2, %mul3A_66 : i32
      %dma_wait3A_68 = arith.constant 0 : i32
      %dma_wait3A_69 = arith.constant 0 : i32
      %dma_wait3A_70 = tpu.memref_slice %arg2[%dma_wait3A_68, %dma_wait3A_69] : memref<4096x128xf32, #tpu.memory_space<hbm>> -> memref<4096x128xf32, #tpu.memory_space<hbm>>
      tpu.wait_indirect_dma semaphore(%arg14 : memref<!tpu.dma_semaphore, #tpu.memory_space<semaphore_mem>>) src(%dma_wait3A_70 : memref<4096x128xf32, #tpu.memory_space<hbm>>) dst(%arg10 : memref<128x128xf32, #tpu.memory_space<vmem>>)
      %dma_start3A_71 = arith.constant 0 : i32
      %dma_start3A_72 = tpu.memref_slice %arg4[%add3A_67, %dma_start3A_71] : memref<65536x128xf32, #tpu.memory_space<hbm>> -> memref<128x128xf32, #tpu.memory_space<hbm>>
      %dma_start3A_73 = arith.constant 0 : i32
      %dma_start3A_74 = tpu.memref_slice %arg4[%add3A_67, %dma_start3A_73] : memref<65536x128xf32, #tpu.memory_space<hbm>> -> memref<128x128xf32, #tpu.memory_space<hbm>>
      tpu.enqueue_dma source(%arg10 : memref<128x128xf32, #tpu.memory_space<vmem>>) target(%dma_start3A_74 : memref<128x128xf32, #tpu.memory_space<hbm>>) target_semaphore(%arg18 : memref<!tpu.dma_semaphore, #tpu.memory_space<semaphore_mem>>)
      %mul3A_75 = arith.constant 4 : i32
      %mul3A_76 = arith.muli %scan3A_8, %mul3A_75 : i32
      %add3A_77 = arith.constant 2 : i32
      %add3A_78 = arith.addi %mul3A_76, %add3A_77 : i32
      %mul3A_79 = arith.constant 128 : i32
      %mul3A_80 = arith.muli %add3A_78, %mul3A_79 : i32
      %add3A_81 = arith.addi %mul3A_2, %mul3A_80 : i32
      %dma_wait3A_82 = arith.constant 0 : i32
      %dma_wait3A_83 = arith.constant 0 : i32
      %dma_wait3A_84 = tpu.memref_slice %arg2[%dma_wait3A_82, %dma_wait3A_83] : memref<4096x128xf32, #tpu.memory_space<hbm>> -> memref<4096x128xf32, #tpu.memory_space<hbm>>
      tpu.wait_indirect_dma semaphore(%arg15 : memref<!tpu.dma_semaphore, #tpu.memory_space<semaphore_mem>>) src(%dma_wait3A_84 : memref<4096x128xf32, #tpu.memory_space<hbm>>) dst(%arg11 : memref<128x128xf32, #tpu.memory_space<vmem>>)
      %dma_start3A_85 = arith.constant 0 : i32
      %dma_start3A_86 = tpu.memref_slice %arg4[%add3A_81, %dma_start3A_85] : memref<65536x128xf32, #tpu.memory_space<hbm>> -> memref<128x128xf32, #tpu.memory_space<hbm>>
      %dma_start3A_87 = arith.constant 0 : i32
      %dma_start3A_88 = tpu.memref_slice %arg4[%add3A_81, %dma_start3A_87] : memref<65536x128xf32, #tpu.memory_space<hbm>> -> memref<128x128xf32, #tpu.memory_space<hbm>>
      tpu.enqueue_dma source(%arg11 : memref<128x128xf32, #tpu.memory_space<vmem>>) target(%dma_start3A_88 : memref<128x128xf32, #tpu.memory_space<hbm>>) target_semaphore(%arg19 : memref<!tpu.dma_semaphore, #tpu.memory_space<semaphore_mem>>)
      %mul3A_89 = arith.constant 4 : i32
      %mul3A_90 = arith.muli %scan3A_8, %mul3A_89 : i32
      %add3A_91 = arith.constant 3 : i32
      %add3A_92 = arith.addi %mul3A_90, %add3A_91 : i32
      %mul3A_93 = arith.constant 128 : i32
      %mul3A_94 = arith.muli %add3A_92, %mul3A_93 : i32
      %add3A_95 = arith.addi %mul3A_2, %mul3A_94 : i32
      %dma_wait3A_96 = arith.constant 0 : i32
      %dma_wait3A_97 = arith.constant 0 : i32
      %dma_wait3A_98 = tpu.memref_slice %arg2[%dma_wait3A_96, %dma_wait3A_97] : memref<4096x128xf32, #tpu.memory_space<hbm>> -> memref<4096x128xf32, #tpu.memory_space<hbm>>
      tpu.wait_indirect_dma semaphore(%arg16 : memref<!tpu.dma_semaphore, #tpu.memory_space<semaphore_mem>>) src(%dma_wait3A_98 : memref<4096x128xf32, #tpu.memory_space<hbm>>) dst(%arg12 : memref<128x128xf32, #tpu.memory_space<vmem>>)
      %dma_start3A_99 = arith.constant 0 : i32
      %dma_start3A_100 = tpu.memref_slice %arg4[%add3A_95, %dma_start3A_99] : memref<65536x128xf32, #tpu.memory_space<hbm>> -> memref<128x128xf32, #tpu.memory_space<hbm>>
      %dma_start3A_101 = arith.constant 0 : i32
      %dma_start3A_102 = tpu.memref_slice %arg4[%add3A_95, %dma_start3A_101] : memref<65536x128xf32, #tpu.memory_space<hbm>> -> memref<128x128xf32, #tpu.memory_space<hbm>>
      tpu.enqueue_dma source(%arg12 : memref<128x128xf32, #tpu.memory_space<vmem>>) target(%dma_start3A_102 : memref<128x128xf32, #tpu.memory_space<hbm>>) target_semaphore(%arg20 : memref<!tpu.dma_semaphore, #tpu.memory_space<semaphore_mem>>)
      %dma_wait3A_103 = arith.constant 0 : i32
      %dma_wait3A_104 = tpu.memref_slice %arg4[%add3A_54, %dma_wait3A_103] : memref<65536x128xf32, #tpu.memory_space<hbm>> -> memref<128x128xf32, #tpu.memory_space<hbm>>
      %dma_wait3A_105 = arith.constant 0 : i32
      %dma_wait3A_106 = tpu.memref_slice %arg4[%add3A_54, %dma_wait3A_105] : memref<65536x128xf32, #tpu.memory_space<hbm>> -> memref<128x128xf32, #tpu.memory_space<hbm>>
      tpu.wait_dma2 semaphore(%arg17 : memref<!tpu.dma_semaphore, #tpu.memory_space<semaphore_mem>>) src(%arg9 : memref<128x128xf32, #tpu.memory_space<vmem>>) dst(%dma_wait3A_106 : memref<128x128xf32, #tpu.memory_space<hbm>>)
      %dma_wait3A_107 = arith.constant 0 : i32
      %dma_wait3A_108 = tpu.memref_slice %arg4[%add3A_67, %dma_wait3A_107] : memref<65536x128xf32, #tpu.memory_space<hbm>> -> memref<128x128xf32, #tpu.memory_space<hbm>>
      %dma_wait3A_109 = arith.constant 0 : i32
      %dma_wait3A_110 = tpu.memref_slice %arg4[%add3A_67, %dma_wait3A_109] : memref<65536x128xf32, #tpu.memory_space<hbm>> -> memref<128x128xf32, #tpu.memory_space<hbm>>
      tpu.wait_dma2 semaphore(%arg18 : memref<!tpu.dma_semaphore, #tpu.memory_space<semaphore_mem>>) src(%arg10 : memref<128x128xf32, #tpu.memory_space<vmem>>) dst(%dma_wait3A_110 : memref<128x128xf32, #tpu.memory_space<hbm>>)
      %dma_wait3A_111 = arith.constant 0 : i32
      %dma_wait3A_112 = tpu.memref_slice %arg4[%add3A_81, %dma_wait3A_111] : memref<65536x128xf32, #tpu.memory_space<hbm>> -> memref<128x128xf32, #tpu.memory_space<hbm>>
      %dma_wait3A_113 = arith.constant 0 : i32
      %dma_wait3A_114 = tpu.memref_slice %arg4[%add3A_81, %dma_wait3A_113] : memref<65536x128xf32, #tpu.memory_space<hbm>> -> memref<128x128xf32, #tpu.memory_space<hbm>>
      tpu.wait_dma2 semaphore(%arg19 : memref<!tpu.dma_semaphore, #tpu.memory_space<semaphore_mem>>) src(%arg11 : memref<128x128xf32, #tpu.memory_space<vmem>>) dst(%dma_wait3A_114 : memref<128x128xf32, #tpu.memory_space<hbm>>)
      %dma_wait3A_115 = arith.constant 0 : i32
      %dma_wait3A_116 = tpu.memref_slice %arg4[%add3A_95, %dma_wait3A_115] : memref<65536x128xf32, #tpu.memory_space<hbm>> -> memref<128x128xf32, #tpu.memory_space<hbm>>
      %dma_wait3A_117 = arith.constant 0 : i32
      %dma_wait3A_118 = tpu.memref_slice %arg4[%add3A_95, %dma_wait3A_117] : memref<65536x128xf32, #tpu.memory_space<hbm>> -> memref<128x128xf32, #tpu.memory_space<hbm>>
      tpu.wait_dma2 semaphore(%arg20 : memref<!tpu.dma_semaphore, #tpu.memory_space<semaphore_mem>>) src(%arg12 : memref<128x128xf32, #tpu.memory_space<vmem>>) dst(%dma_wait3A_118 : memref<128x128xf32, #tpu.memory_space<hbm>>)
    }
    %scan3A_7 = arith.constant 4 : i32
    return
  }
}

#map = affine_map<(d0, d1) -> (0, 0)>
#map1 = affine_map<(d0, d1) -> (0)>
module attributes {stable_mosaic.version = 14 : i64} {
  func.func @gk(%arg0: i32, %arg1: i32, %arg2: memref<4096x128xf32, #tpu.memory_space<hbm>>, %arg3: memref<65536xi32, #tpu.memory_space<hbm>>, %arg4: memref<65536x128xf32, #tpu.memory_space<hbm>>, %arg5: memref<128xi32, #tpu.memory_space<vmem>>, %arg6: memref<128xi32, #tpu.memory_space<vmem>>, %arg7: memref<128xi32, #tpu.memory_space<vmem>>, %arg8: memref<128xi32, #tpu.memory_space<vmem>>, %arg9: memref<128x128xf32, #tpu.memory_space<vmem>>, %arg10: memref<128x128xf32, #tpu.memory_space<vmem>>, %arg11: memref<128x128xf32, #tpu.memory_space<vmem>>, %arg12: memref<128x128xf32, #tpu.memory_space<vmem>>, %arg13: memref<!tpu.dma_semaphore, #tpu.memory_space<semaphore_mem>>, %arg14: memref<!tpu.dma_semaphore, #tpu.memory_space<semaphore_mem>>, %arg15: memref<!tpu.dma_semaphore, #tpu.memory_space<semaphore_mem>>, %arg16: memref<!tpu.dma_semaphore, #tpu.memory_space<semaphore_mem>>, %arg17: memref<!tpu.dma_semaphore, #tpu.memory_space<semaphore_mem>>, %arg18: memref<!tpu.dma_semaphore, #tpu.memory_space<semaphore_mem>>, %arg19: memref<!tpu.dma_semaphore, #tpu.memory_space<semaphore_mem>>, %arg20: memref<!tpu.dma_semaphore, #tpu.memory_space<semaphore_mem>>) attributes {dimension_semantics = [#tpu.dimension_semantics<core_parallel>, #tpu.dimension_semantics<subcore_parallel>], iteration_bounds = array<i64: 2, 16>, scalar_prefetch = 0 : i64, scratch_operands = 16 : i64, tpu.core_type = #tpu.core_type<sc_vector_subcore>, window_params = [{transform_indices = #map}, {transform_indices = #map1}, {transform_indices = #map}]} {
    %mul3A = arith.constant 2 : i32
    %mul3A_0 = arith.muli %arg1, %mul3A : i32
    %add3A = arith.addi %mul3A_0, %arg0 : i32
    %mul3A_1 = arith.constant 2048 : i32
    %mul3A_2 = arith.muli %add3A, %mul3A_1 : i32
    %scan3A = arith.constant 0 : i32
    %scan3A_3 = arith.constant 0 : i32
    %scan3A_4 = arith.constant 4 : i32
    %scan3A_5 = arith.addi %scan3A_3, %scan3A_4 : i32
    %scan3A_6 = arith.constant 1 : i32
    scf.for %scan3A_8 = %scan3A_3 to %scan3A_5 step %scan3A_6  : i32 {
      %mul3A_9 = arith.constant 4 : i32
      %mul3A_10 = arith.muli %scan3A_8, %mul3A_9 : i32
      %add3A_11 = arith.constant 0 : i32
      %add3A_12 = arith.addi %mul3A_10, %add3A_11 : i32
      %mul3A_13 = arith.constant 128 : i32
      %mul3A_14 = arith.muli %add3A_12, %mul3A_13 : i32
      %add3A_15 = arith.addi %mul3A_2, %mul3A_14 : i32
      "tpu.region"() ({
        %run_scoped3A = tpu.sem_alloc : memref<!tpu.dma_semaphore, #tpu.memory_space<semaphore_mem>>
        %dma_start3A_119 = tpu.memref_slice %arg3[%add3A_15] : memref<65536xi32, #tpu.memory_space<hbm>> -> memref<128xi32, #tpu.memory_space<hbm>>
        %dma_start3A_120 = tpu.memref_slice %arg3[%add3A_15] : memref<65536xi32, #tpu.memory_space<hbm>> -> memref<128xi32, #tpu.memory_space<hbm>>
        tpu.enqueue_dma source(%dma_start3A_120 : memref<128xi32, #tpu.memory_space<hbm>>) target(%arg5 : memref<128xi32, #tpu.memory_space<vmem>>) target_semaphore(%run_scoped3A : memref<!tpu.dma_semaphore, #tpu.memory_space<semaphore_mem>>)
        %dma_wait3A_121 = tpu.memref_slice %arg3[%add3A_15] : memref<65536xi32, #tpu.memory_space<hbm>> -> memref<128xi32, #tpu.memory_space<hbm>>
        %dma_wait3A_122 = tpu.memref_slice %arg3[%add3A_15] : memref<65536xi32, #tpu.memory_space<hbm>> -> memref<128xi32, #tpu.memory_space<hbm>>
        tpu.wait_dma2 semaphore(%run_scoped3A : memref<!tpu.dma_semaphore, #tpu.memory_space<semaphore_mem>>) src(%dma_wait3A_122 : memref<128xi32, #tpu.memory_space<hbm>>) dst(%arg5 : memref<128xi32, #tpu.memory_space<vmem>>)
        tpu.yield
      }) : () -> ()
      %dma_start3A = arith.constant 0 : i32
      %dma_start3A_16 = arith.constant 0 : i32
      %dma_start3A_17 = tpu.memref_slice %arg2[%dma_start3A, %dma_start3A_16] : memref<4096x128xf32, #tpu.memory_space<hbm>> -> memref<4096x128xf32, #tpu.memory_space<hbm>>
      tpu.enqueue_indirect_dma source(%dma_start3A_17 : memref<4096x128xf32, #tpu.memory_space<hbm>>) target(%arg9 : memref<128x128xf32, #tpu.memory_space<vmem>>) offsets(%arg5 : memref<128xi32, #tpu.memory_space<vmem>>) semaphore(%arg13 : memref<!tpu.dma_semaphore, #tpu.memory_space<semaphore_mem>>)
      %mul3A_18 = arith.constant 4 : i32
      %mul3A_19 = arith.muli %scan3A_8, %mul3A_18 : i32
      %add3A_20 = arith.constant 1 : i32
      %add3A_21 = arith.addi %mul3A_19, %add3A_20 : i32
      %mul3A_22 = arith.constant 128 : i32
      %mul3A_23 = arith.muli %add3A_21, %mul3A_22 : i32
      %add3A_24 = arith.addi %mul3A_2, %mul3A_23 : i32
      "tpu.region"() ({
        %run_scoped3A = tpu.sem_alloc : memref<!tpu.dma_semaphore, #tpu.memory_space<semaphore_mem>>
        %dma_start3A_119 = tpu.memref_slice %arg3[%add3A_24] : memref<65536xi32, #tpu.memory_space<hbm>> -> memref<128xi32, #tpu.memory_space<hbm>>
        %dma_start3A_120 = tpu.memref_slice %arg3[%add3A_24] : memref<65536xi32, #tpu.memory_space<hbm>> -> memref<128xi32, #tpu.memory_space<hbm>>
        tpu.enqueue_dma source(%dma_start3A_120 : memref<128xi32, #tpu.memory_space<hbm>>) target(%arg6 : memref<128xi32, #tpu.memory_space<vmem>>) target_semaphore(%run_scoped3A : memref<!tpu.dma_semaphore, #tpu.memory_space<semaphore_mem>>)
        %dma_wait3A_121 = tpu.memref_slice %arg3[%add3A_24] : memref<65536xi32, #tpu.memory_space<hbm>> -> memref<128xi32, #tpu.memory_space<hbm>>
        %dma_wait3A_122 = tpu.memref_slice %arg3[%add3A_24] : memref<65536xi32, #tpu.memory_space<hbm>> -> memref<128xi32, #tpu.memory_space<hbm>>
        tpu.wait_dma2 semaphore(%run_scoped3A : memref<!tpu.dma_semaphore, #tpu.memory_space<semaphore_mem>>) src(%dma_wait3A_122 : memref<128xi32, #tpu.memory_space<hbm>>) dst(%arg6 : memref<128xi32, #tpu.memory_space<vmem>>)
        tpu.yield
      }) : () -> ()
      %dma_start3A_25 = arith.constant 0 : i32
      %dma_start3A_26 = arith.constant 0 : i32
      %dma_start3A_27 = tpu.memref_slice %arg2[%dma_start3A_25, %dma_start3A_26] : memref<4096x128xf32, #tpu.memory_space<hbm>> -> memref<4096x128xf32, #tpu.memory_space<hbm>>
      tpu.enqueue_indirect_dma source(%dma_start3A_27 : memref<4096x128xf32, #tpu.memory_space<hbm>>) target(%arg10 : memref<128x128xf32, #tpu.memory_space<vmem>>) offsets(%arg6 : memref<128xi32, #tpu.memory_space<vmem>>) semaphore(%arg14 : memref<!tpu.dma_semaphore, #tpu.memory_space<semaphore_mem>>)
      %mul3A_28 = arith.constant 4 : i32
      %mul3A_29 = arith.muli %scan3A_8, %mul3A_28 : i32
      %add3A_30 = arith.constant 2 : i32
      %add3A_31 = arith.addi %mul3A_29, %add3A_30 : i32
      %mul3A_32 = arith.constant 128 : i32
      %mul3A_33 = arith.muli %add3A_31, %mul3A_32 : i32
      %add3A_34 = arith.addi %mul3A_2, %mul3A_33 : i32
      "tpu.region"() ({
        %run_scoped3A = tpu.sem_alloc : memref<!tpu.dma_semaphore, #tpu.memory_space<semaphore_mem>>
        %dma_start3A_119 = tpu.memref_slice %arg3[%add3A_34] : memref<65536xi32, #tpu.memory_space<hbm>> -> memref<128xi32, #tpu.memory_space<hbm>>
        %dma_start3A_120 = tpu.memref_slice %arg3[%add3A_34] : memref<65536xi32, #tpu.memory_space<hbm>> -> memref<128xi32, #tpu.memory_space<hbm>>
        tpu.enqueue_dma source(%dma_start3A_120 : memref<128xi32, #tpu.memory_space<hbm>>) target(%arg7 : memref<128xi32, #tpu.memory_space<vmem>>) target_semaphore(%run_scoped3A : memref<!tpu.dma_semaphore, #tpu.memory_space<semaphore_mem>>)
        %dma_wait3A_121 = tpu.memref_slice %arg3[%add3A_34] : memref<65536xi32, #tpu.memory_space<hbm>> -> memref<128xi32, #tpu.memory_space<hbm>>
        %dma_wait3A_122 = tpu.memref_slice %arg3[%add3A_34] : memref<65536xi32, #tpu.memory_space<hbm>> -> memref<128xi32, #tpu.memory_space<hbm>>
        tpu.wait_dma2 semaphore(%run_scoped3A : memref<!tpu.dma_semaphore, #tpu.memory_space<semaphore_mem>>) src(%dma_wait3A_122 : memref<128xi32, #tpu.memory_space<hbm>>) dst(%arg7 : memref<128xi32, #tpu.memory_space<vmem>>)
        tpu.yield
      }) : () -> ()
      %dma_start3A_35 = arith.constant 0 : i32
      %dma_start3A_36 = arith.constant 0 : i32
      %dma_start3A_37 = tpu.memref_slice %arg2[%dma_start3A_35, %dma_start3A_36] : memref<4096x128xf32, #tpu.memory_space<hbm>> -> memref<4096x128xf32, #tpu.memory_space<hbm>>
      tpu.enqueue_indirect_dma source(%dma_start3A_37 : memref<4096x128xf32, #tpu.memory_space<hbm>>) target(%arg11 : memref<128x128xf32, #tpu.memory_space<vmem>>) offsets(%arg7 : memref<128xi32, #tpu.memory_space<vmem>>) semaphore(%arg15 : memref<!tpu.dma_semaphore, #tpu.memory_space<semaphore_mem>>)
      %mul3A_38 = arith.constant 4 : i32
      %mul3A_39 = arith.muli %scan3A_8, %mul3A_38 : i32
      %add3A_40 = arith.constant 3 : i32
      %add3A_41 = arith.addi %mul3A_39, %add3A_40 : i32
      %mul3A_42 = arith.constant 128 : i32
      %mul3A_43 = arith.muli %add3A_41, %mul3A_42 : i32
      %add3A_44 = arith.addi %mul3A_2, %mul3A_43 : i32
      "tpu.region"() ({
        %run_scoped3A = tpu.sem_alloc : memref<!tpu.dma_semaphore, #tpu.memory_space<semaphore_mem>>
        %dma_start3A_119 = tpu.memref_slice %arg3[%add3A_44] : memref<65536xi32, #tpu.memory_space<hbm>> -> memref<128xi32, #tpu.memory_space<hbm>>
        %dma_start3A_120 = tpu.memref_slice %arg3[%add3A_44] : memref<65536xi32, #tpu.memory_space<hbm>> -> memref<128xi32, #tpu.memory_space<hbm>>
        tpu.enqueue_dma source(%dma_start3A_120 : memref<128xi32, #tpu.memory_space<hbm>>) target(%arg8 : memref<128xi32, #tpu.memory_space<vmem>>) target_semaphore(%run_scoped3A : memref<!tpu.dma_semaphore, #tpu.memory_space<semaphore_mem>>)
        %dma_wait3A_121 = tpu.memref_slice %arg3[%add3A_44] : memref<65536xi32, #tpu.memory_space<hbm>> -> memref<128xi32, #tpu.memory_space<hbm>>
        %dma_wait3A_122 = tpu.memref_slice %arg3[%add3A_44] : memref<65536xi32, #tpu.memory_space<hbm>> -> memref<128xi32, #tpu.memory_space<hbm>>
        tpu.wait_dma2 semaphore(%run_scoped3A : memref<!tpu.dma_semaphore, #tpu.memory_space<semaphore_mem>>) src(%dma_wait3A_122 : memref<128xi32, #tpu.memory_space<hbm>>) dst(%arg8 : memref<128xi32, #tpu.memory_space<vmem>>)
        tpu.yield
      }) : () -> ()
      %dma_start3A_45 = arith.constant 0 : i32
      %dma_start3A_46 = arith.constant 0 : i32
      %dma_start3A_47 = tpu.memref_slice %arg2[%dma_start3A_45, %dma_start3A_46] : memref<4096x128xf32, #tpu.memory_space<hbm>> -> memref<4096x128xf32, #tpu.memory_space<hbm>>
      tpu.enqueue_indirect_dma source(%dma_start3A_47 : memref<4096x128xf32, #tpu.memory_space<hbm>>) target(%arg12 : memref<128x128xf32, #tpu.memory_space<vmem>>) offsets(%arg8 : memref<128xi32, #tpu.memory_space<vmem>>) semaphore(%arg16 : memref<!tpu.dma_semaphore, #tpu.memory_space<semaphore_mem>>)
      %mul3A_48 = arith.constant 4 : i32
      %mul3A_49 = arith.muli %scan3A_8, %mul3A_48 : i32
      %add3A_50 = arith.constant 0 : i32
      %add3A_51 = arith.addi %mul3A_49, %add3A_50 : i32
      %mul3A_52 = arith.constant 128 : i32
      %mul3A_53 = arith.muli %add3A_51, %mul3A_52 : i32
      %add3A_54 = arith.addi %mul3A_2, %mul3A_53 : i32
      %dma_wait3A = arith.constant 0 : i32
      %dma_wait3A_55 = arith.constant 0 : i32
      %dma_wait3A_56 = tpu.memref_slice %arg2[%dma_wait3A, %dma_wait3A_55] : memref<4096x128xf32, #tpu.memory_space<hbm>> -> memref<4096x128xf32, #tpu.memory_space<hbm>>
      tpu.wait_indirect_dma semaphore(%arg13 : memref<!tpu.dma_semaphore, #tpu.memory_space<semaphore_mem>>) src(%dma_wait3A_56 : memref<4096x128xf32, #tpu.memory_space<hbm>>) dst(%arg9 : memref<128x128xf32, #tpu.memory_space<vmem>>)
      %dma_start3A_57 = arith.constant 0 : i32
      %dma_start3A_58 = tpu.memref_slice %arg4[%add3A_54, %dma_start3A_57] : memref<65536x128xf32, #tpu.memory_space<hbm>> -> memref<128x128xf32, #tpu.memory_space<hbm>>
      %dma_start3A_59 = arith.constant 0 : i32
      %dma_start3A_60 = tpu.memref_slice %arg4[%add3A_54, %dma_start3A_59] : memref<65536x128xf32, #tpu.memory_space<hbm>> -> memref<128x128xf32, #tpu.memory_space<hbm>>
      tpu.enqueue_dma source(%arg9 : memref<128x128xf32, #tpu.memory_space<vmem>>) target(%dma_start3A_60 : memref<128x128xf32, #tpu.memory_space<hbm>>) target_semaphore(%arg17 : memref<!tpu.dma_semaphore, #tpu.memory_space<semaphore_mem>>)
      %mul3A_61 = arith.constant 4 : i32
      %mul3A_62 = arith.muli %scan3A_8, %mul3A_61 : i32
      %add3A_63 = arith.constant 1 : i32
      %add3A_64 = arith.addi %mul3A_62, %add3A_63 : i32
      %mul3A_65 = arith.constant 128 : i32
      %mul3A_66 = arith.muli %add3A_64, %mul3A_65 : i32
      %add3A_67 = arith.addi %mul3A_2, %mul3A_66 : i32
      %dma_wait3A_68 = arith.constant 0 : i32
      %dma_wait3A_69 = arith.constant 0 : i32
      %dma_wait3A_70 = tpu.memref_slice %arg2[%dma_wait3A_68, %dma_wait3A_69] : memref<4096x128xf32, #tpu.memory_space<hbm>> -> memref<4096x128xf32, #tpu.memory_space<hbm>>
      tpu.wait_indirect_dma semaphore(%arg14 : memref<!tpu.dma_semaphore, #tpu.memory_space<semaphore_mem>>) src(%dma_wait3A_70 : memref<4096x128xf32, #tpu.memory_space<hbm>>) dst(%arg10 : memref<128x128xf32, #tpu.memory_space<vmem>>)
      %dma_start3A_71 = arith.constant 0 : i32
      %dma_start3A_72 = tpu.memref_slice %arg4[%add3A_67, %dma_start3A_71] : memref<65536x128xf32, #tpu.memory_space<hbm>> -> memref<128x128xf32, #tpu.memory_space<hbm>>
      %dma_start3A_73 = arith.constant 0 : i32
      %dma_start3A_74 = tpu.memref_slice %arg4[%add3A_67, %dma_start3A_73] : memref<65536x128xf32, #tpu.memory_space<hbm>> -> memref<128x128xf32, #tpu.memory_space<hbm>>
      tpu.enqueue_dma source(%arg10 : memref<128x128xf32, #tpu.memory_space<vmem>>) target(%dma_start3A_74 : memref<128x128xf32, #tpu.memory_space<hbm>>) target_semaphore(%arg18 : memref<!tpu.dma_semaphore, #tpu.memory_space<semaphore_mem>>)
      %mul3A_75 = arith.constant 4 : i32
      %mul3A_76 = arith.muli %scan3A_8, %mul3A_75 : i32
      %add3A_77 = arith.constant 2 : i32
      %add3A_78 = arith.addi %mul3A_76, %add3A_77 : i32
      %mul3A_79 = arith.constant 128 : i32
      %mul3A_80 = arith.muli %add3A_78, %mul3A_79 : i32
      %add3A_81 = arith.addi %mul3A_2, %mul3A_80 : i32
      %dma_wait3A_82 = arith.constant 0 : i32
      %dma_wait3A_83 = arith.constant 0 : i32
      %dma_wait3A_84 = tpu.memref_slice %arg2[%dma_wait3A_82, %dma_wait3A_83] : memref<4096x128xf32, #tpu.memory_space<hbm>> -> memref<4096x128xf32, #tpu.memory_space<hbm>>
      tpu.wait_indirect_dma semaphore(%arg15 : memref<!tpu.dma_semaphore, #tpu.memory_space<semaphore_mem>>) src(%dma_wait3A_84 : memref<4096x128xf32, #tpu.memory_space<hbm>>) dst(%arg11 : memref<128x128xf32, #tpu.memory_space<vmem>>)
      %dma_start3A_85 = arith.constant 0 : i32
      %dma_start3A_86 = tpu.memref_slice %arg4[%add3A_81, %dma_start3A_85] : memref<65536x128xf32, #tpu.memory_space<hbm>> -> memref<128x128xf32, #tpu.memory_space<hbm>>
      %dma_start3A_87 = arith.constant 0 : i32
      %dma_start3A_88 = tpu.memref_slice %arg4[%add3A_81, %dma_start3A_87] : memref<65536x128xf32, #tpu.memory_space<hbm>> -> memref<128x128xf32, #tpu.memory_space<hbm>>
      tpu.enqueue_dma source(%arg11 : memref<128x128xf32, #tpu.memory_space<vmem>>) target(%dma_start3A_88 : memref<128x128xf32, #tpu.memory_space<hbm>>) target_semaphore(%arg19 : memref<!tpu.dma_semaphore, #tpu.memory_space<semaphore_mem>>)
      %mul3A_89 = arith.constant 4 : i32
      %mul3A_90 = arith.muli %scan3A_8, %mul3A_89 : i32
      %add3A_91 = arith.constant 3 : i32
      %add3A_92 = arith.addi %mul3A_90, %add3A_91 : i32
      %mul3A_93 = arith.constant 128 : i32
      %mul3A_94 = arith.muli %add3A_92, %mul3A_93 : i32
      %add3A_95 = arith.addi %mul3A_2, %mul3A_94 : i32
      %dma_wait3A_96 = arith.constant 0 : i32
      %dma_wait3A_97 = arith.constant 0 : i32
      %dma_wait3A_98 = tpu.memref_slice %arg2[%dma_wait3A_96, %dma_wait3A_97] : memref<4096x128xf32, #tpu.memory_space<hbm>> -> memref<4096x128xf32, #tpu.memory_space<hbm>>
      tpu.wait_indirect_dma semaphore(%arg16 : memref<!tpu.dma_semaphore, #tpu.memory_space<semaphore_mem>>) src(%dma_wait3A_98 : memref<4096x128xf32, #tpu.memory_space<hbm>>) dst(%arg12 : memref<128x128xf32, #tpu.memory_space<vmem>>)
      %dma_start3A_99 = arith.constant 0 : i32
      %dma_start3A_100 = tpu.memref_slice %arg4[%add3A_95, %dma_start3A_99] : memref<65536x128xf32, #tpu.memory_space<hbm>> -> memref<128x128xf32, #tpu.memory_space<hbm>>
      %dma_start3A_101 = arith.constant 0 : i32
      %dma_start3A_102 = tpu.memref_slice %arg4[%add3A_95, %dma_start3A_101] : memref<65536x128xf32, #tpu.memory_space<hbm>> -> memref<128x128xf32, #tpu.memory_space<hbm>>
      tpu.enqueue_dma source(%arg12 : memref<128x128xf32, #tpu.memory_space<vmem>>) target(%dma_start3A_102 : memref<128x128xf32, #tpu.memory_space<hbm>>) target_semaphore(%arg20 : memref<!tpu.dma_semaphore, #tpu.memory_space<semaphore_mem>>)
      %dma_wait3A_103 = arith.constant 0 : i32
      %dma_wait3A_104 = tpu.memref_slice %arg4[%add3A_54, %dma_wait3A_103] : memref<65536x128xf32, #tpu.memory_space<hbm>> -> memref<128x128xf32, #tpu.memory_space<hbm>>
      %dma_wait3A_105 = arith.constant 0 : i32
      %dma_wait3A_106 = tpu.memref_slice %arg4[%add3A_54, %dma_wait3A_105] : memref<65536x128xf32, #tpu.memory_space<hbm>> -> memref<128x128xf32, #tpu.memory_space<hbm>>
      tpu.wait_dma2 semaphore(%arg17 : memref<!tpu.dma_semaphore, #tpu.memory_space<semaphore_mem>>) src(%arg9 : memref<128x128xf32, #tpu.memory_space<vmem>>) dst(%dma_wait3A_106 : memref<128x128xf32, #tpu.memory_space<hbm>>)
      %dma_wait3A_107 = arith.constant 0 : i32
      %dma_wait3A_108 = tpu.memref_slice %arg4[%add3A_67, %dma_wait3A_107] : memref<65536x128xf32, #tpu.memory_space<hbm>> -> memref<128x128xf32, #tpu.memory_space<hbm>>
      %dma_wait3A_109 = arith.constant 0 : i32
      %dma_wait3A_110 = tpu.memref_slice %arg4[%add3A_67, %dma_wait3A_109] : memref<65536x128xf32, #tpu.memory_space<hbm>> -> memref<128x128xf32, #tpu.memory_space<hbm>>
      tpu.wait_dma2 semaphore(%arg18 : memref<!tpu.dma_semaphore, #tpu.memory_space<semaphore_mem>>) src(%arg10 : memref<128x128xf32, #tpu.memory_space<vmem>>) dst(%dma_wait3A_110 : memref<128x128xf32, #tpu.memory_space<hbm>>)
      %dma_wait3A_111 = arith.constant 0 : i32
      %dma_wait3A_112 = tpu.memref_slice %arg4[%add3A_81, %dma_wait3A_111] : memref<65536x128xf32, #tpu.memory_space<hbm>> -> memref<128x128xf32, #tpu.memory_space<hbm>>
      %dma_wait3A_113 = arith.constant 0 : i32
      %dma_wait3A_114 = tpu.memref_slice %arg4[%add3A_81, %dma_wait3A_113] : memref<65536x128xf32, #tpu.memory_space<hbm>> -> memref<128x128xf32, #tpu.memory_space<hbm>>
      tpu.wait_dma2 semaphore(%arg19 : memref<!tpu.dma_semaphore, #tpu.memory_space<semaphore_mem>>) src(%arg11 : memref<128x128xf32, #tpu.memory_space<vmem>>) dst(%dma_wait3A_114 : memref<128x128xf32, #tpu.memory_space<hbm>>)
      %dma_wait3A_115 = arith.constant 0 : i32
      %dma_wait3A_116 = tpu.memref_slice %arg4[%add3A_95, %dma_wait3A_115] : memref<65536x128xf32, #tpu.memory_space<hbm>> -> memref<128x128xf32, #tpu.memory_space<hbm>>
      %dma_wait3A_117 = arith.constant 0 : i32
      %dma_wait3A_118 = tpu.memref_slice %arg4[%add3A_95, %dma_wait3A_117] : memref<65536x128xf32, #tpu.memory_space<hbm>> -> memref<128x128xf32, #tpu.memory_space<hbm>>
      tpu.wait_dma2 semaphore(%arg20 : memref<!tpu.dma_semaphore, #tpu.memory_space<semaphore_mem>>) src(%arg12 : memref<128x128xf32, #tpu.memory_space<vmem>>) dst(%dma_wait3A_118 : memref<128x128xf32, #tpu.memory_space<hbm>>)
    }
    %scan3A_7 = arith.constant 4 : i32
    return
  }
}

#map = affine_map<(d0, d1) -> (0, 0)>
#map1 = affine_map<(d0, d1) -> (0)>
module attributes {stable_mosaic.version = 14 : i64} {
  func.func @gk(%arg0: i32, %arg1: i32, %arg2: memref<4096x128xf32, #tpu.memory_space<hbm>>, %arg3: memref<65536xi32, #tpu.memory_space<hbm>>, %arg4: memref<65536x128xf32, #tpu.memory_space<hbm>>, %arg5: memref<128xi32, #tpu.memory_space<vmem>>, %arg6: memref<128xi32, #tpu.memory_space<vmem>>, %arg7: memref<128xi32, #tpu.memory_space<vmem>>, %arg8: memref<128xi32, #tpu.memory_space<vmem>>, %arg9: memref<128x128xf32, #tpu.memory_space<vmem>>, %arg10: memref<128x128xf32, #tpu.memory_space<vmem>>, %arg11: memref<128x128xf32, #tpu.memory_space<vmem>>, %arg12: memref<128x128xf32, #tpu.memory_space<vmem>>, %arg13: memref<!tpu.dma_semaphore, #tpu.memory_space<semaphore_mem>>, %arg14: memref<!tpu.dma_semaphore, #tpu.memory_space<semaphore_mem>>, %arg15: memref<!tpu.dma_semaphore, #tpu.memory_space<semaphore_mem>>, %arg16: memref<!tpu.dma_semaphore, #tpu.memory_space<semaphore_mem>>, %arg17: memref<!tpu.dma_semaphore, #tpu.memory_space<semaphore_mem>>, %arg18: memref<!tpu.dma_semaphore, #tpu.memory_space<semaphore_mem>>, %arg19: memref<!tpu.dma_semaphore, #tpu.memory_space<semaphore_mem>>, %arg20: memref<!tpu.dma_semaphore, #tpu.memory_space<semaphore_mem>>) attributes {dimension_semantics = [#tpu.dimension_semantics<core_parallel>, #tpu.dimension_semantics<subcore_parallel>], iteration_bounds = array<i64: 2, 16>, scalar_prefetch = 0 : i64, scratch_operands = 16 : i64, tpu.core_type = #tpu.core_type<sc_vector_subcore>, window_params = [{transform_indices = #map}, {transform_indices = #map1}, {transform_indices = #map}]} {
    %mul3A = arith.constant 2 : i32
    %mul3A_0 = arith.muli %arg1, %mul3A : i32
    %add3A = arith.addi %mul3A_0, %arg0 : i32
    %mul3A_1 = arith.constant 2048 : i32
    %mul3A_2 = arith.muli %add3A, %mul3A_1 : i32
    %scan3A = arith.constant 0 : i32
    %scan3A_3 = arith.constant 0 : i32
    %scan3A_4 = arith.constant 4 : i32
    %scan3A_5 = arith.addi %scan3A_3, %scan3A_4 : i32
    %scan3A_6 = arith.constant 1 : i32
    scf.for %scan3A_8 = %scan3A_3 to %scan3A_5 step %scan3A_6  : i32 {
      %mul3A_9 = arith.constant 4 : i32
      %mul3A_10 = arith.muli %scan3A_8, %mul3A_9 : i32
      %add3A_11 = arith.constant 0 : i32
      %add3A_12 = arith.addi %mul3A_10, %add3A_11 : i32
      %mul3A_13 = arith.constant 128 : i32
      %mul3A_14 = arith.muli %add3A_12, %mul3A_13 : i32
      %add3A_15 = arith.addi %mul3A_2, %mul3A_14 : i32
      "tpu.region"() ({
        %run_scoped3A = tpu.sem_alloc : memref<!tpu.dma_semaphore, #tpu.memory_space<semaphore_mem>>
        %dma_start3A_119 = tpu.memref_slice %arg3[%add3A_15] : memref<65536xi32, #tpu.memory_space<hbm>> -> memref<128xi32, #tpu.memory_space<hbm>>
        %dma_start3A_120 = tpu.memref_slice %arg3[%add3A_15] : memref<65536xi32, #tpu.memory_space<hbm>> -> memref<128xi32, #tpu.memory_space<hbm>>
        tpu.enqueue_dma source(%dma_start3A_120 : memref<128xi32, #tpu.memory_space<hbm>>) target(%arg5 : memref<128xi32, #tpu.memory_space<vmem>>) target_semaphore(%run_scoped3A : memref<!tpu.dma_semaphore, #tpu.memory_space<semaphore_mem>>)
        %dma_wait3A_121 = tpu.memref_slice %arg3[%add3A_15] : memref<65536xi32, #tpu.memory_space<hbm>> -> memref<128xi32, #tpu.memory_space<hbm>>
        %dma_wait3A_122 = tpu.memref_slice %arg3[%add3A_15] : memref<65536xi32, #tpu.memory_space<hbm>> -> memref<128xi32, #tpu.memory_space<hbm>>
        tpu.wait_dma2 semaphore(%run_scoped3A : memref<!tpu.dma_semaphore, #tpu.memory_space<semaphore_mem>>) src(%dma_wait3A_122 : memref<128xi32, #tpu.memory_space<hbm>>) dst(%arg5 : memref<128xi32, #tpu.memory_space<vmem>>)
        tpu.yield
      }) : () -> ()
      %dma_start3A = arith.constant 0 : i32
      %dma_start3A_16 = arith.constant 0 : i32
      %dma_start3A_17 = tpu.memref_slice %arg2[%dma_start3A, %dma_start3A_16] : memref<4096x128xf32, #tpu.memory_space<hbm>> -> memref<4096x128xf32, #tpu.memory_space<hbm>>
      tpu.enqueue_indirect_dma source(%dma_start3A_17 : memref<4096x128xf32, #tpu.memory_space<hbm>>) target(%arg9 : memref<128x128xf32, #tpu.memory_space<vmem>>) offsets(%arg5 : memref<128xi32, #tpu.memory_space<vmem>>) semaphore(%arg13 : memref<!tpu.dma_semaphore, #tpu.memory_space<semaphore_mem>>)
      %mul3A_18 = arith.constant 4 : i32
      %mul3A_19 = arith.muli %scan3A_8, %mul3A_18 : i32
      %add3A_20 = arith.constant 1 : i32
      %add3A_21 = arith.addi %mul3A_19, %add3A_20 : i32
      %mul3A_22 = arith.constant 128 : i32
      %mul3A_23 = arith.muli %add3A_21, %mul3A_22 : i32
      %add3A_24 = arith.addi %mul3A_2, %mul3A_23 : i32
      "tpu.region"() ({
        %run_scoped3A = tpu.sem_alloc : memref<!tpu.dma_semaphore, #tpu.memory_space<semaphore_mem>>
        %dma_start3A_119 = tpu.memref_slice %arg3[%add3A_24] : memref<65536xi32, #tpu.memory_space<hbm>> -> memref<128xi32, #tpu.memory_space<hbm>>
        %dma_start3A_120 = tpu.memref_slice %arg3[%add3A_24] : memref<65536xi32, #tpu.memory_space<hbm>> -> memref<128xi32, #tpu.memory_space<hbm>>
        tpu.enqueue_dma source(%dma_start3A_120 : memref<128xi32, #tpu.memory_space<hbm>>) target(%arg6 : memref<128xi32, #tpu.memory_space<vmem>>) target_semaphore(%run_scoped3A : memref<!tpu.dma_semaphore, #tpu.memory_space<semaphore_mem>>)
        %dma_wait3A_121 = tpu.memref_slice %arg3[%add3A_24] : memref<65536xi32, #tpu.memory_space<hbm>> -> memref<128xi32, #tpu.memory_space<hbm>>
        %dma_wait3A_122 = tpu.memref_slice %arg3[%add3A_24] : memref<65536xi32, #tpu.memory_space<hbm>> -> memref<128xi32, #tpu.memory_space<hbm>>
        tpu.wait_dma2 semaphore(%run_scoped3A : memref<!tpu.dma_semaphore, #tpu.memory_space<semaphore_mem>>) src(%dma_wait3A_122 : memref<128xi32, #tpu.memory_space<hbm>>) dst(%arg6 : memref<128xi32, #tpu.memory_space<vmem>>)
        tpu.yield
      }) : () -> ()
      %dma_start3A_25 = arith.constant 0 : i32
      %dma_start3A_26 = arith.constant 0 : i32
      %dma_start3A_27 = tpu.memref_slice %arg2[%dma_start3A_25, %dma_start3A_26] : memref<4096x128xf32, #tpu.memory_space<hbm>> -> memref<4096x128xf32, #tpu.memory_space<hbm>>
      tpu.enqueue_indirect_dma source(%dma_start3A_27 : memref<4096x128xf32, #tpu.memory_space<hbm>>) target(%arg10 : memref<128x128xf32, #tpu.memory_space<vmem>>) offsets(%arg6 : memref<128xi32, #tpu.memory_space<vmem>>) semaphore(%arg14 : memref<!tpu.dma_semaphore, #tpu.memory_space<semaphore_mem>>)
      %mul3A_28 = arith.constant 4 : i32
      %mul3A_29 = arith.muli %scan3A_8, %mul3A_28 : i32
      %add3A_30 = arith.constant 2 : i32
      %add3A_31 = arith.addi %mul3A_29, %add3A_30 : i32
      %mul3A_32 = arith.constant 128 : i32
      %mul3A_33 = arith.muli %add3A_31, %mul3A_32 : i32
      %add3A_34 = arith.addi %mul3A_2, %mul3A_33 : i32
      "tpu.region"() ({
        %run_scoped3A = tpu.sem_alloc : memref<!tpu.dma_semaphore, #tpu.memory_space<semaphore_mem>>
        %dma_start3A_119 = tpu.memref_slice %arg3[%add3A_34] : memref<65536xi32, #tpu.memory_space<hbm>> -> memref<128xi32, #tpu.memory_space<hbm>>
        %dma_start3A_120 = tpu.memref_slice %arg3[%add3A_34] : memref<65536xi32, #tpu.memory_space<hbm>> -> memref<128xi32, #tpu.memory_space<hbm>>
        tpu.enqueue_dma source(%dma_start3A_120 : memref<128xi32, #tpu.memory_space<hbm>>) target(%arg7 : memref<128xi32, #tpu.memory_space<vmem>>) target_semaphore(%run_scoped3A : memref<!tpu.dma_semaphore, #tpu.memory_space<semaphore_mem>>)
        %dma_wait3A_121 = tpu.memref_slice %arg3[%add3A_34] : memref<65536xi32, #tpu.memory_space<hbm>> -> memref<128xi32, #tpu.memory_space<hbm>>
        %dma_wait3A_122 = tpu.memref_slice %arg3[%add3A_34] : memref<65536xi32, #tpu.memory_space<hbm>> -> memref<128xi32, #tpu.memory_space<hbm>>
        tpu.wait_dma2 semaphore(%run_scoped3A : memref<!tpu.dma_semaphore, #tpu.memory_space<semaphore_mem>>) src(%dma_wait3A_122 : memref<128xi32, #tpu.memory_space<hbm>>) dst(%arg7 : memref<128xi32, #tpu.memory_space<vmem>>)
        tpu.yield
      }) : () -> ()
      %dma_start3A_35 = arith.constant 0 : i32
      %dma_start3A_36 = arith.constant 0 : i32
      %dma_start3A_37 = tpu.memref_slice %arg2[%dma_start3A_35, %dma_start3A_36] : memref<4096x128xf32, #tpu.memory_space<hbm>> -> memref<4096x128xf32, #tpu.memory_space<hbm>>
      tpu.enqueue_indirect_dma source(%dma_start3A_37 : memref<4096x128xf32, #tpu.memory_space<hbm>>) target(%arg11 : memref<128x128xf32, #tpu.memory_space<vmem>>) offsets(%arg7 : memref<128xi32, #tpu.memory_space<vmem>>) semaphore(%arg15 : memref<!tpu.dma_semaphore, #tpu.memory_space<semaphore_mem>>)
      %mul3A_38 = arith.constant 4 : i32
      %mul3A_39 = arith.muli %scan3A_8, %mul3A_38 : i32
      %add3A_40 = arith.constant 3 : i32
      %add3A_41 = arith.addi %mul3A_39, %add3A_40 : i32
      %mul3A_42 = arith.constant 128 : i32
      %mul3A_43 = arith.muli %add3A_41, %mul3A_42 : i32
      %add3A_44 = arith.addi %mul3A_2, %mul3A_43 : i32
      "tpu.region"() ({
        %run_scoped3A = tpu.sem_alloc : memref<!tpu.dma_semaphore, #tpu.memory_space<semaphore_mem>>
        %dma_start3A_119 = tpu.memref_slice %arg3[%add3A_44] : memref<65536xi32, #tpu.memory_space<hbm>> -> memref<128xi32, #tpu.memory_space<hbm>>
        %dma_start3A_120 = tpu.memref_slice %arg3[%add3A_44] : memref<65536xi32, #tpu.memory_space<hbm>> -> memref<128xi32, #tpu.memory_space<hbm>>
        tpu.enqueue_dma source(%dma_start3A_120 : memref<128xi32, #tpu.memory_space<hbm>>) target(%arg8 : memref<128xi32, #tpu.memory_space<vmem>>) target_semaphore(%run_scoped3A : memref<!tpu.dma_semaphore, #tpu.memory_space<semaphore_mem>>)
        %dma_wait3A_121 = tpu.memref_slice %arg3[%add3A_44] : memref<65536xi32, #tpu.memory_space<hbm>> -> memref<128xi32, #tpu.memory_space<hbm>>
        %dma_wait3A_122 = tpu.memref_slice %arg3[%add3A_44] : memref<65536xi32, #tpu.memory_space<hbm>> -> memref<128xi32, #tpu.memory_space<hbm>>
        tpu.wait_dma2 semaphore(%run_scoped3A : memref<!tpu.dma_semaphore, #tpu.memory_space<semaphore_mem>>) src(%dma_wait3A_122 : memref<128xi32, #tpu.memory_space<hbm>>) dst(%arg8 : memref<128xi32, #tpu.memory_space<vmem>>)
        tpu.yield
      }) : () -> ()
      %dma_start3A_45 = arith.constant 0 : i32
      %dma_start3A_46 = arith.constant 0 : i32
      %dma_start3A_47 = tpu.memref_slice %arg2[%dma_start3A_45, %dma_start3A_46] : memref<4096x128xf32, #tpu.memory_space<hbm>> -> memref<4096x128xf32, #tpu.memory_space<hbm>>
      tpu.enqueue_indirect_dma source(%dma_start3A_47 : memref<4096x128xf32, #tpu.memory_space<hbm>>) target(%arg12 : memref<128x128xf32, #tpu.memory_space<vmem>>) offsets(%arg8 : memref<128xi32, #tpu.memory_space<vmem>>) semaphore(%arg16 : memref<!tpu.dma_semaphore, #tpu.memory_space<semaphore_mem>>)
      %mul3A_48 = arith.constant 4 : i32
      %mul3A_49 = arith.muli %scan3A_8, %mul3A_48 : i32
      %add3A_50 = arith.constant 0 : i32
      %add3A_51 = arith.addi %mul3A_49, %add3A_50 : i32
      %mul3A_52 = arith.constant 128 : i32
      %mul3A_53 = arith.muli %add3A_51, %mul3A_52 : i32
      %add3A_54 = arith.addi %mul3A_2, %mul3A_53 : i32
      %dma_wait3A = arith.constant 0 : i32
      %dma_wait3A_55 = arith.constant 0 : i32
      %dma_wait3A_56 = tpu.memref_slice %arg2[%dma_wait3A, %dma_wait3A_55] : memref<4096x128xf32, #tpu.memory_space<hbm>> -> memref<4096x128xf32, #tpu.memory_space<hbm>>
      tpu.wait_indirect_dma semaphore(%arg13 : memref<!tpu.dma_semaphore, #tpu.memory_space<semaphore_mem>>) src(%dma_wait3A_56 : memref<4096x128xf32, #tpu.memory_space<hbm>>) dst(%arg9 : memref<128x128xf32, #tpu.memory_space<vmem>>)
      %dma_start3A_57 = arith.constant 0 : i32
      %dma_start3A_58 = tpu.memref_slice %arg4[%add3A_54, %dma_start3A_57] : memref<65536x128xf32, #tpu.memory_space<hbm>> -> memref<128x128xf32, #tpu.memory_space<hbm>>
      %dma_start3A_59 = arith.constant 0 : i32
      %dma_start3A_60 = tpu.memref_slice %arg4[%add3A_54, %dma_start3A_59] : memref<65536x128xf32, #tpu.memory_space<hbm>> -> memref<128x128xf32, #tpu.memory_space<hbm>>
      tpu.enqueue_dma source(%arg9 : memref<128x128xf32, #tpu.memory_space<vmem>>) target(%dma_start3A_60 : memref<128x128xf32, #tpu.memory_space<hbm>>) target_semaphore(%arg17 : memref<!tpu.dma_semaphore, #tpu.memory_space<semaphore_mem>>)
      %mul3A_61 = arith.constant 4 : i32
      %mul3A_62 = arith.muli %scan3A_8, %mul3A_61 : i32
      %add3A_63 = arith.constant 1 : i32
      %add3A_64 = arith.addi %mul3A_62, %add3A_63 : i32
      %mul3A_65 = arith.constant 128 : i32
      %mul3A_66 = arith.muli %add3A_64, %mul3A_65 : i32
      %add3A_67 = arith.addi %mul3A_2, %mul3A_66 : i32
      %dma_wait3A_68 = arith.constant 0 : i32
      %dma_wait3A_69 = arith.constant 0 : i32
      %dma_wait3A_70 = tpu.memref_slice %arg2[%dma_wait3A_68, %dma_wait3A_69] : memref<4096x128xf32, #tpu.memory_space<hbm>> -> memref<4096x128xf32, #tpu.memory_space<hbm>>
      tpu.wait_indirect_dma semaphore(%arg14 : memref<!tpu.dma_semaphore, #tpu.memory_space<semaphore_mem>>) src(%dma_wait3A_70 : memref<4096x128xf32, #tpu.memory_space<hbm>>) dst(%arg10 : memref<128x128xf32, #tpu.memory_space<vmem>>)
      %dma_start3A_71 = arith.constant 0 : i32
      %dma_start3A_72 = tpu.memref_slice %arg4[%add3A_67, %dma_start3A_71] : memref<65536x128xf32, #tpu.memory_space<hbm>> -> memref<128x128xf32, #tpu.memory_space<hbm>>
      %dma_start3A_73 = arith.constant 0 : i32
      %dma_start3A_74 = tpu.memref_slice %arg4[%add3A_67, %dma_start3A_73] : memref<65536x128xf32, #tpu.memory_space<hbm>> -> memref<128x128xf32, #tpu.memory_space<hbm>>
      tpu.enqueue_dma source(%arg10 : memref<128x128xf32, #tpu.memory_space<vmem>>) target(%dma_start3A_74 : memref<128x128xf32, #tpu.memory_space<hbm>>) target_semaphore(%arg18 : memref<!tpu.dma_semaphore, #tpu.memory_space<semaphore_mem>>)
      %mul3A_75 = arith.constant 4 : i32
      %mul3A_76 = arith.muli %scan3A_8, %mul3A_75 : i32
      %add3A_77 = arith.constant 2 : i32
      %add3A_78 = arith.addi %mul3A_76, %add3A_77 : i32
      %mul3A_79 = arith.constant 128 : i32
      %mul3A_80 = arith.muli %add3A_78, %mul3A_79 : i32
      %add3A_81 = arith.addi %mul3A_2, %mul3A_80 : i32
      %dma_wait3A_82 = arith.constant 0 : i32
      %dma_wait3A_83 = arith.constant 0 : i32
      %dma_wait3A_84 = tpu.memref_slice %arg2[%dma_wait3A_82, %dma_wait3A_83] : memref<4096x128xf32, #tpu.memory_space<hbm>> -> memref<4096x128xf32, #tpu.memory_space<hbm>>
      tpu.wait_indirect_dma semaphore(%arg15 : memref<!tpu.dma_semaphore, #tpu.memory_space<semaphore_mem>>) src(%dma_wait3A_84 : memref<4096x128xf32, #tpu.memory_space<hbm>>) dst(%arg11 : memref<128x128xf32, #tpu.memory_space<vmem>>)
      %dma_start3A_85 = arith.constant 0 : i32
      %dma_start3A_86 = tpu.memref_slice %arg4[%add3A_81, %dma_start3A_85] : memref<65536x128xf32, #tpu.memory_space<hbm>> -> memref<128x128xf32, #tpu.memory_space<hbm>>
      %dma_start3A_87 = arith.constant 0 : i32
      %dma_start3A_88 = tpu.memref_slice %arg4[%add3A_81, %dma_start3A_87] : memref<65536x128xf32, #tpu.memory_space<hbm>> -> memref<128x128xf32, #tpu.memory_space<hbm>>
      tpu.enqueue_dma source(%arg11 : memref<128x128xf32, #tpu.memory_space<vmem>>) target(%dma_start3A_88 : memref<128x128xf32, #tpu.memory_space<hbm>>) target_semaphore(%arg19 : memref<!tpu.dma_semaphore, #tpu.memory_space<semaphore_mem>>)
      %mul3A_89 = arith.constant 4 : i32
      %mul3A_90 = arith.muli %scan3A_8, %mul3A_89 : i32
      %add3A_91 = arith.constant 3 : i32
      %add3A_92 = arith.addi %mul3A_90, %add3A_91 : i32
      %mul3A_93 = arith.constant 128 : i32
      %mul3A_94 = arith.muli %add3A_92, %mul3A_93 : i32
      %add3A_95 = arith.addi %mul3A_2, %mul3A_94 : i32
      %dma_wait3A_96 = arith.constant 0 : i32
      %dma_wait3A_97 = arith.constant 0 : i32
      %dma_wait3A_98 = tpu.memref_slice %arg2[%dma_wait3A_96, %dma_wait3A_97] : memref<4096x128xf32, #tpu.memory_space<hbm>> -> memref<4096x128xf32, #tpu.memory_space<hbm>>
      tpu.wait_indirect_dma semaphore(%arg16 : memref<!tpu.dma_semaphore, #tpu.memory_space<semaphore_mem>>) src(%dma_wait3A_98 : memref<4096x128xf32, #tpu.memory_space<hbm>>) dst(%arg12 : memref<128x128xf32, #tpu.memory_space<vmem>>)
      %dma_start3A_99 = arith.constant 0 : i32
      %dma_start3A_100 = tpu.memref_slice %arg4[%add3A_95, %dma_start3A_99] : memref<65536x128xf32, #tpu.memory_space<hbm>> -> memref<128x128xf32, #tpu.memory_space<hbm>>
      %dma_start3A_101 = arith.constant 0 : i32
      %dma_start3A_102 = tpu.memref_slice %arg4[%add3A_95, %dma_start3A_101] : memref<65536x128xf32, #tpu.memory_space<hbm>> -> memref<128x128xf32, #tpu.memory_space<hbm>>
      tpu.enqueue_dma source(%arg12 : memref<128x128xf32, #tpu.memory_space<vmem>>) target(%dma_start3A_102 : memref<128x128xf32, #tpu.memory_space<hbm>>) target_semaphore(%arg20 : memref<!tpu.dma_semaphore, #tpu.memory_space<semaphore_mem>>)
      %dma_wait3A_103 = arith.constant 0 : i32
      %dma_wait3A_104 = tpu.memref_slice %arg4[%add3A_54, %dma_wait3A_103] : memref<65536x128xf32, #tpu.memory_space<hbm>> -> memref<128x128xf32, #tpu.memory_space<hbm>>
      %dma_wait3A_105 = arith.constant 0 : i32
      %dma_wait3A_106 = tpu.memref_slice %arg4[%add3A_54, %dma_wait3A_105] : memref<65536x128xf32, #tpu.memory_space<hbm>> -> memref<128x128xf32, #tpu.memory_space<hbm>>
      tpu.wait_dma2 semaphore(%arg17 : memref<!tpu.dma_semaphore, #tpu.memory_space<semaphore_mem>>) src(%arg9 : memref<128x128xf32, #tpu.memory_space<vmem>>) dst(%dma_wait3A_106 : memref<128x128xf32, #tpu.memory_space<hbm>>)
      %dma_wait3A_107 = arith.constant 0 : i32
      %dma_wait3A_108 = tpu.memref_slice %arg4[%add3A_67, %dma_wait3A_107] : memref<65536x128xf32, #tpu.memory_space<hbm>> -> memref<128x128xf32, #tpu.memory_space<hbm>>
      %dma_wait3A_109 = arith.constant 0 : i32
      %dma_wait3A_110 = tpu.memref_slice %arg4[%add3A_67, %dma_wait3A_109] : memref<65536x128xf32, #tpu.memory_space<hbm>> -> memref<128x128xf32, #tpu.memory_space<hbm>>
      tpu.wait_dma2 semaphore(%arg18 : memref<!tpu.dma_semaphore, #tpu.memory_space<semaphore_mem>>) src(%arg10 : memref<128x128xf32, #tpu.memory_space<vmem>>) dst(%dma_wait3A_110 : memref<128x128xf32, #tpu.memory_space<hbm>>)
      %dma_wait3A_111 = arith.constant 0 : i32
      %dma_wait3A_112 = tpu.memref_slice %arg4[%add3A_81, %dma_wait3A_111] : memref<65536x128xf32, #tpu.memory_space<hbm>> -> memref<128x128xf32, #tpu.memory_space<hbm>>
      %dma_wait3A_113 = arith.constant 0 : i32
      %dma_wait3A_114 = tpu.memref_slice %arg4[%add3A_81, %dma_wait3A_113] : memref<65536x128xf32, #tpu.memory_space<hbm>> -> memref<128x128xf32, #tpu.memory_space<hbm>>
      tpu.wait_dma2 semaphore(%arg19 : memref<!tpu.dma_semaphore, #tpu.memory_space<semaphore_mem>>) src(%arg11 : memref<128x128xf32, #tpu.memory_space<vmem>>) dst(%dma_wait3A_114 : memref<128x128xf32, #tpu.memory_space<hbm>>)
      %dma_wait3A_115 = arith.constant 0 : i32
      %dma_wait3A_116 = tpu.memref_slice %arg4[%add3A_95, %dma_wait3A_115] : memref<65536x128xf32, #tpu.memory_space<hbm>> -> memref<128x128xf32, #tpu.memory_space<hbm>>
      %dma_wait3A_117 = arith.constant 0 : i32
      %dma_wait3A_118 = tpu.memref_slice %arg4[%add3A_95, %dma_wait3A_117] : memref<65536x128xf32, #tpu.memory_space<hbm>> -> memref<128x128xf32, #tpu.memory_space<hbm>>
      tpu.wait_dma2 semaphore(%arg20 : memref<!tpu.dma_semaphore, #tpu.memory_space<semaphore_mem>>) src(%arg12 : memref<128x128xf32, #tpu.memory_space<vmem>>) dst(%dma_wait3A_118 : memref<128x128xf32, #tpu.memory_space<hbm>>)
    }
    %scan3A_7 = arith.constant 4 : i32
    return
  }
}

#map = affine_map<(d0, d1) -> (0, 0)>
#map1 = affine_map<(d0, d1) -> (0)>
module attributes {stable_mosaic.version = 14 : i64} {
  func.func @gk(%arg0: i32, %arg1: i32, %arg2: memref<4096x128xf32, #tpu.memory_space<hbm>>, %arg3: memref<65536xi32, #tpu.memory_space<hbm>>, %arg4: memref<65536x128xf32, #tpu.memory_space<hbm>>, %arg5: memref<128xi32, #tpu.memory_space<vmem>>, %arg6: memref<128xi32, #tpu.memory_space<vmem>>, %arg7: memref<128xi32, #tpu.memory_space<vmem>>, %arg8: memref<128xi32, #tpu.memory_space<vmem>>, %arg9: memref<128x128xf32, #tpu.memory_space<vmem>>, %arg10: memref<128x128xf32, #tpu.memory_space<vmem>>, %arg11: memref<128x128xf32, #tpu.memory_space<vmem>>, %arg12: memref<128x128xf32, #tpu.memory_space<vmem>>, %arg13: memref<!tpu.dma_semaphore, #tpu.memory_space<semaphore_mem>>, %arg14: memref<!tpu.dma_semaphore, #tpu.memory_space<semaphore_mem>>, %arg15: memref<!tpu.dma_semaphore, #tpu.memory_space<semaphore_mem>>, %arg16: memref<!tpu.dma_semaphore, #tpu.memory_space<semaphore_mem>>, %arg17: memref<!tpu.dma_semaphore, #tpu.memory_space<semaphore_mem>>, %arg18: memref<!tpu.dma_semaphore, #tpu.memory_space<semaphore_mem>>, %arg19: memref<!tpu.dma_semaphore, #tpu.memory_space<semaphore_mem>>, %arg20: memref<!tpu.dma_semaphore, #tpu.memory_space<semaphore_mem>>) attributes {dimension_semantics = [#tpu.dimension_semantics<core_parallel>, #tpu.dimension_semantics<subcore_parallel>], iteration_bounds = array<i64: 2, 16>, scalar_prefetch = 0 : i64, scratch_operands = 16 : i64, tpu.core_type = #tpu.core_type<sc_vector_subcore>, window_params = [{transform_indices = #map}, {transform_indices = #map1}, {transform_indices = #map}]} {
    %mul3A = arith.constant 2 : i32
    %mul3A_0 = arith.muli %arg1, %mul3A : i32
    %add3A = arith.addi %mul3A_0, %arg0 : i32
    %mul3A_1 = arith.constant 2048 : i32
    %mul3A_2 = arith.muli %add3A, %mul3A_1 : i32
    %scan3A = arith.constant 0 : i32
    %scan3A_3 = arith.constant 0 : i32
    %scan3A_4 = arith.constant 4 : i32
    %scan3A_5 = arith.addi %scan3A_3, %scan3A_4 : i32
    %scan3A_6 = arith.constant 1 : i32
    scf.for %scan3A_8 = %scan3A_3 to %scan3A_5 step %scan3A_6  : i32 {
      %mul3A_9 = arith.constant 4 : i32
      %mul3A_10 = arith.muli %scan3A_8, %mul3A_9 : i32
      %add3A_11 = arith.constant 0 : i32
      %add3A_12 = arith.addi %mul3A_10, %add3A_11 : i32
      %mul3A_13 = arith.constant 128 : i32
      %mul3A_14 = arith.muli %add3A_12, %mul3A_13 : i32
      %add3A_15 = arith.addi %mul3A_2, %mul3A_14 : i32
      "tpu.region"() ({
        %run_scoped3A = tpu.sem_alloc : memref<!tpu.dma_semaphore, #tpu.memory_space<semaphore_mem>>
        %dma_start3A_119 = tpu.memref_slice %arg3[%add3A_15] : memref<65536xi32, #tpu.memory_space<hbm>> -> memref<128xi32, #tpu.memory_space<hbm>>
        %dma_start3A_120 = tpu.memref_slice %arg3[%add3A_15] : memref<65536xi32, #tpu.memory_space<hbm>> -> memref<128xi32, #tpu.memory_space<hbm>>
        tpu.enqueue_dma source(%dma_start3A_120 : memref<128xi32, #tpu.memory_space<hbm>>) target(%arg5 : memref<128xi32, #tpu.memory_space<vmem>>) target_semaphore(%run_scoped3A : memref<!tpu.dma_semaphore, #tpu.memory_space<semaphore_mem>>)
        %dma_wait3A_121 = tpu.memref_slice %arg3[%add3A_15] : memref<65536xi32, #tpu.memory_space<hbm>> -> memref<128xi32, #tpu.memory_space<hbm>>
        %dma_wait3A_122 = tpu.memref_slice %arg3[%add3A_15] : memref<65536xi32, #tpu.memory_space<hbm>> -> memref<128xi32, #tpu.memory_space<hbm>>
        tpu.wait_dma2 semaphore(%run_scoped3A : memref<!tpu.dma_semaphore, #tpu.memory_space<semaphore_mem>>) src(%dma_wait3A_122 : memref<128xi32, #tpu.memory_space<hbm>>) dst(%arg5 : memref<128xi32, #tpu.memory_space<vmem>>)
        tpu.yield
      }) : () -> ()
      %dma_start3A = arith.constant 0 : i32
      %dma_start3A_16 = arith.constant 0 : i32
      %dma_start3A_17 = tpu.memref_slice %arg2[%dma_start3A, %dma_start3A_16] : memref<4096x128xf32, #tpu.memory_space<hbm>> -> memref<4096x128xf32, #tpu.memory_space<hbm>>
      tpu.enqueue_indirect_dma source(%dma_start3A_17 : memref<4096x128xf32, #tpu.memory_space<hbm>>) target(%arg9 : memref<128x128xf32, #tpu.memory_space<vmem>>) offsets(%arg5 : memref<128xi32, #tpu.memory_space<vmem>>) semaphore(%arg13 : memref<!tpu.dma_semaphore, #tpu.memory_space<semaphore_mem>>)
      %mul3A_18 = arith.constant 4 : i32
      %mul3A_19 = arith.muli %scan3A_8, %mul3A_18 : i32
      %add3A_20 = arith.constant 1 : i32
      %add3A_21 = arith.addi %mul3A_19, %add3A_20 : i32
      %mul3A_22 = arith.constant 128 : i32
      %mul3A_23 = arith.muli %add3A_21, %mul3A_22 : i32
      %add3A_24 = arith.addi %mul3A_2, %mul3A_23 : i32
      "tpu.region"() ({
        %run_scoped3A = tpu.sem_alloc : memref<!tpu.dma_semaphore, #tpu.memory_space<semaphore_mem>>
        %dma_start3A_119 = tpu.memref_slice %arg3[%add3A_24] : memref<65536xi32, #tpu.memory_space<hbm>> -> memref<128xi32, #tpu.memory_space<hbm>>
        %dma_start3A_120 = tpu.memref_slice %arg3[%add3A_24] : memref<65536xi32, #tpu.memory_space<hbm>> -> memref<128xi32, #tpu.memory_space<hbm>>
        tpu.enqueue_dma source(%dma_start3A_120 : memref<128xi32, #tpu.memory_space<hbm>>) target(%arg6 : memref<128xi32, #tpu.memory_space<vmem>>) target_semaphore(%run_scoped3A : memref<!tpu.dma_semaphore, #tpu.memory_space<semaphore_mem>>)
        %dma_wait3A_121 = tpu.memref_slice %arg3[%add3A_24] : memref<65536xi32, #tpu.memory_space<hbm>> -> memref<128xi32, #tpu.memory_space<hbm>>
        %dma_wait3A_122 = tpu.memref_slice %arg3[%add3A_24] : memref<65536xi32, #tpu.memory_space<hbm>> -> memref<128xi32, #tpu.memory_space<hbm>>
        tpu.wait_dma2 semaphore(%run_scoped3A : memref<!tpu.dma_semaphore, #tpu.memory_space<semaphore_mem>>) src(%dma_wait3A_122 : memref<128xi32, #tpu.memory_space<hbm>>) dst(%arg6 : memref<128xi32, #tpu.memory_space<vmem>>)
        tpu.yield
      }) : () -> ()
      %dma_start3A_25 = arith.constant 0 : i32
      %dma_start3A_26 = arith.constant 0 : i32
      %dma_start3A_27 = tpu.memref_slice %arg2[%dma_start3A_25, %dma_start3A_26] : memref<4096x128xf32, #tpu.memory_space<hbm>> -> memref<4096x128xf32, #tpu.memory_space<hbm>>
      tpu.enqueue_indirect_dma source(%dma_start3A_27 : memref<4096x128xf32, #tpu.memory_space<hbm>>) target(%arg10 : memref<128x128xf32, #tpu.memory_space<vmem>>) offsets(%arg6 : memref<128xi32, #tpu.memory_space<vmem>>) semaphore(%arg14 : memref<!tpu.dma_semaphore, #tpu.memory_space<semaphore_mem>>)
      %mul3A_28 = arith.constant 4 : i32
      %mul3A_29 = arith.muli %scan3A_8, %mul3A_28 : i32
      %add3A_30 = arith.constant 2 : i32
      %add3A_31 = arith.addi %mul3A_29, %add3A_30 : i32
      %mul3A_32 = arith.constant 128 : i32
      %mul3A_33 = arith.muli %add3A_31, %mul3A_32 : i32
      %add3A_34 = arith.addi %mul3A_2, %mul3A_33 : i32
      "tpu.region"() ({
        %run_scoped3A = tpu.sem_alloc : memref<!tpu.dma_semaphore, #tpu.memory_space<semaphore_mem>>
        %dma_start3A_119 = tpu.memref_slice %arg3[%add3A_34] : memref<65536xi32, #tpu.memory_space<hbm>> -> memref<128xi32, #tpu.memory_space<hbm>>
        %dma_start3A_120 = tpu.memref_slice %arg3[%add3A_34] : memref<65536xi32, #tpu.memory_space<hbm>> -> memref<128xi32, #tpu.memory_space<hbm>>
        tpu.enqueue_dma source(%dma_start3A_120 : memref<128xi32, #tpu.memory_space<hbm>>) target(%arg7 : memref<128xi32, #tpu.memory_space<vmem>>) target_semaphore(%run_scoped3A : memref<!tpu.dma_semaphore, #tpu.memory_space<semaphore_mem>>)
        %dma_wait3A_121 = tpu.memref_slice %arg3[%add3A_34] : memref<65536xi32, #tpu.memory_space<hbm>> -> memref<128xi32, #tpu.memory_space<hbm>>
        %dma_wait3A_122 = tpu.memref_slice %arg3[%add3A_34] : memref<65536xi32, #tpu.memory_space<hbm>> -> memref<128xi32, #tpu.memory_space<hbm>>
        tpu.wait_dma2 semaphore(%run_scoped3A : memref<!tpu.dma_semaphore, #tpu.memory_space<semaphore_mem>>) src(%dma_wait3A_122 : memref<128xi32, #tpu.memory_space<hbm>>) dst(%arg7 : memref<128xi32, #tpu.memory_space<vmem>>)
        tpu.yield
      }) : () -> ()
      %dma_start3A_35 = arith.constant 0 : i32
      %dma_start3A_36 = arith.constant 0 : i32
      %dma_start3A_37 = tpu.memref_slice %arg2[%dma_start3A_35, %dma_start3A_36] : memref<4096x128xf32, #tpu.memory_space<hbm>> -> memref<4096x128xf32, #tpu.memory_space<hbm>>
      tpu.enqueue_indirect_dma source(%dma_start3A_37 : memref<4096x128xf32, #tpu.memory_space<hbm>>) target(%arg11 : memref<128x128xf32, #tpu.memory_space<vmem>>) offsets(%arg7 : memref<128xi32, #tpu.memory_space<vmem>>) semaphore(%arg15 : memref<!tpu.dma_semaphore, #tpu.memory_space<semaphore_mem>>)
      %mul3A_38 = arith.constant 4 : i32
      %mul3A_39 = arith.muli %scan3A_8, %mul3A_38 : i32
      %add3A_40 = arith.constant 3 : i32
      %add3A_41 = arith.addi %mul3A_39, %add3A_40 : i32
      %mul3A_42 = arith.constant 128 : i32
      %mul3A_43 = arith.muli %add3A_41, %mul3A_42 : i32
      %add3A_44 = arith.addi %mul3A_2, %mul3A_43 : i32
      "tpu.region"() ({
        %run_scoped3A = tpu.sem_alloc : memref<!tpu.dma_semaphore, #tpu.memory_space<semaphore_mem>>
        %dma_start3A_119 = tpu.memref_slice %arg3[%add3A_44] : memref<65536xi32, #tpu.memory_space<hbm>> -> memref<128xi32, #tpu.memory_space<hbm>>
        %dma_start3A_120 = tpu.memref_slice %arg3[%add3A_44] : memref<65536xi32, #tpu.memory_space<hbm>> -> memref<128xi32, #tpu.memory_space<hbm>>
        tpu.enqueue_dma source(%dma_start3A_120 : memref<128xi32, #tpu.memory_space<hbm>>) target(%arg8 : memref<128xi32, #tpu.memory_space<vmem>>) target_semaphore(%run_scoped3A : memref<!tpu.dma_semaphore, #tpu.memory_space<semaphore_mem>>)
        %dma_wait3A_121 = tpu.memref_slice %arg3[%add3A_44] : memref<65536xi32, #tpu.memory_space<hbm>> -> memref<128xi32, #tpu.memory_space<hbm>>
        %dma_wait3A_122 = tpu.memref_slice %arg3[%add3A_44] : memref<65536xi32, #tpu.memory_space<hbm>> -> memref<128xi32, #tpu.memory_space<hbm>>
        tpu.wait_dma2 semaphore(%run_scoped3A : memref<!tpu.dma_semaphore, #tpu.memory_space<semaphore_mem>>) src(%dma_wait3A_122 : memref<128xi32, #tpu.memory_space<hbm>>) dst(%arg8 : memref<128xi32, #tpu.memory_space<vmem>>)
        tpu.yield
      }) : () -> ()
      %dma_start3A_45 = arith.constant 0 : i32
      %dma_start3A_46 = arith.constant 0 : i32
      %dma_start3A_47 = tpu.memref_slice %arg2[%dma_start3A_45, %dma_start3A_46] : memref<4096x128xf32, #tpu.memory_space<hbm>> -> memref<4096x128xf32, #tpu.memory_space<hbm>>
      tpu.enqueue_indirect_dma source(%dma_start3A_47 : memref<4096x128xf32, #tpu.memory_space<hbm>>) target(%arg12 : memref<128x128xf32, #tpu.memory_space<vmem>>) offsets(%arg8 : memref<128xi32, #tpu.memory_space<vmem>>) semaphore(%arg16 : memref<!tpu.dma_semaphore, #tpu.memory_space<semaphore_mem>>)
      %mul3A_48 = arith.constant 4 : i32
      %mul3A_49 = arith.muli %scan3A_8, %mul3A_48 : i32
      %add3A_50 = arith.constant 0 : i32
      %add3A_51 = arith.addi %mul3A_49, %add3A_50 : i32
      %mul3A_52 = arith.constant 128 : i32
      %mul3A_53 = arith.muli %add3A_51, %mul3A_52 : i32
      %add3A_54 = arith.addi %mul3A_2, %mul3A_53 : i32
      %dma_wait3A = arith.constant 0 : i32
      %dma_wait3A_55 = arith.constant 0 : i32
      %dma_wait3A_56 = tpu.memref_slice %arg2[%dma_wait3A, %dma_wait3A_55] : memref<4096x128xf32, #tpu.memory_space<hbm>> -> memref<4096x128xf32, #tpu.memory_space<hbm>>
      tpu.wait_indirect_dma semaphore(%arg13 : memref<!tpu.dma_semaphore, #tpu.memory_space<semaphore_mem>>) src(%dma_wait3A_56 : memref<4096x128xf32, #tpu.memory_space<hbm>>) dst(%arg9 : memref<128x128xf32, #tpu.memory_space<vmem>>)
      %dma_start3A_57 = arith.constant 0 : i32
      %dma_start3A_58 = tpu.memref_slice %arg4[%add3A_54, %dma_start3A_57] : memref<65536x128xf32, #tpu.memory_space<hbm>> -> memref<128x128xf32, #tpu.memory_space<hbm>>
      %dma_start3A_59 = arith.constant 0 : i32
      %dma_start3A_60 = tpu.memref_slice %arg4[%add3A_54, %dma_start3A_59] : memref<65536x128xf32, #tpu.memory_space<hbm>> -> memref<128x128xf32, #tpu.memory_space<hbm>>
      tpu.enqueue_dma source(%arg9 : memref<128x128xf32, #tpu.memory_space<vmem>>) target(%dma_start3A_60 : memref<128x128xf32, #tpu.memory_space<hbm>>) target_semaphore(%arg17 : memref<!tpu.dma_semaphore, #tpu.memory_space<semaphore_mem>>)
      %mul3A_61 = arith.constant 4 : i32
      %mul3A_62 = arith.muli %scan3A_8, %mul3A_61 : i32
      %add3A_63 = arith.constant 1 : i32
      %add3A_64 = arith.addi %mul3A_62, %add3A_63 : i32
      %mul3A_65 = arith.constant 128 : i32
      %mul3A_66 = arith.muli %add3A_64, %mul3A_65 : i32
      %add3A_67 = arith.addi %mul3A_2, %mul3A_66 : i32
      %dma_wait3A_68 = arith.constant 0 : i32
      %dma_wait3A_69 = arith.constant 0 : i32
      %dma_wait3A_70 = tpu.memref_slice %arg2[%dma_wait3A_68, %dma_wait3A_69] : memref<4096x128xf32, #tpu.memory_space<hbm>> -> memref<4096x128xf32, #tpu.memory_space<hbm>>
      tpu.wait_indirect_dma semaphore(%arg14 : memref<!tpu.dma_semaphore, #tpu.memory_space<semaphore_mem>>) src(%dma_wait3A_70 : memref<4096x128xf32, #tpu.memory_space<hbm>>) dst(%arg10 : memref<128x128xf32, #tpu.memory_space<vmem>>)
      %dma_start3A_71 = arith.constant 0 : i32
      %dma_start3A_72 = tpu.memref_slice %arg4[%add3A_67, %dma_start3A_71] : memref<65536x128xf32, #tpu.memory_space<hbm>> -> memref<128x128xf32, #tpu.memory_space<hbm>>
      %dma_start3A_73 = arith.constant 0 : i32
      %dma_start3A_74 = tpu.memref_slice %arg4[%add3A_67, %dma_start3A_73] : memref<65536x128xf32, #tpu.memory_space<hbm>> -> memref<128x128xf32, #tpu.memory_space<hbm>>
      tpu.enqueue_dma source(%arg10 : memref<128x128xf32, #tpu.memory_space<vmem>>) target(%dma_start3A_74 : memref<128x128xf32, #tpu.memory_space<hbm>>) target_semaphore(%arg18 : memref<!tpu.dma_semaphore, #tpu.memory_space<semaphore_mem>>)
      %mul3A_75 = arith.constant 4 : i32
      %mul3A_76 = arith.muli %scan3A_8, %mul3A_75 : i32
      %add3A_77 = arith.constant 2 : i32
      %add3A_78 = arith.addi %mul3A_76, %add3A_77 : i32
      %mul3A_79 = arith.constant 128 : i32
      %mul3A_80 = arith.muli %add3A_78, %mul3A_79 : i32
      %add3A_81 = arith.addi %mul3A_2, %mul3A_80 : i32
      %dma_wait3A_82 = arith.constant 0 : i32
      %dma_wait3A_83 = arith.constant 0 : i32
      %dma_wait3A_84 = tpu.memref_slice %arg2[%dma_wait3A_82, %dma_wait3A_83] : memref<4096x128xf32, #tpu.memory_space<hbm>> -> memref<4096x128xf32, #tpu.memory_space<hbm>>
      tpu.wait_indirect_dma semaphore(%arg15 : memref<!tpu.dma_semaphore, #tpu.memory_space<semaphore_mem>>) src(%dma_wait3A_84 : memref<4096x128xf32, #tpu.memory_space<hbm>>) dst(%arg11 : memref<128x128xf32, #tpu.memory_space<vmem>>)
      %dma_start3A_85 = arith.constant 0 : i32
      %dma_start3A_86 = tpu.memref_slice %arg4[%add3A_81, %dma_start3A_85] : memref<65536x128xf32, #tpu.memory_space<hbm>> -> memref<128x128xf32, #tpu.memory_space<hbm>>
      %dma_start3A_87 = arith.constant 0 : i32
      %dma_start3A_88 = tpu.memref_slice %arg4[%add3A_81, %dma_start3A_87] : memref<65536x128xf32, #tpu.memory_space<hbm>> -> memref<128x128xf32, #tpu.memory_space<hbm>>
      tpu.enqueue_dma source(%arg11 : memref<128x128xf32, #tpu.memory_space<vmem>>) target(%dma_start3A_88 : memref<128x128xf32, #tpu.memory_space<hbm>>) target_semaphore(%arg19 : memref<!tpu.dma_semaphore, #tpu.memory_space<semaphore_mem>>)
      %mul3A_89 = arith.constant 4 : i32
      %mul3A_90 = arith.muli %scan3A_8, %mul3A_89 : i32
      %add3A_91 = arith.constant 3 : i32
      %add3A_92 = arith.addi %mul3A_90, %add3A_91 : i32
      %mul3A_93 = arith.constant 128 : i32
      %mul3A_94 = arith.muli %add3A_92, %mul3A_93 : i32
      %add3A_95 = arith.addi %mul3A_2, %mul3A_94 : i32
      %dma_wait3A_96 = arith.constant 0 : i32
      %dma_wait3A_97 = arith.constant 0 : i32
      %dma_wait3A_98 = tpu.memref_slice %arg2[%dma_wait3A_96, %dma_wait3A_97] : memref<4096x128xf32, #tpu.memory_space<hbm>> -> memref<4096x128xf32, #tpu.memory_space<hbm>>
      tpu.wait_indirect_dma semaphore(%arg16 : memref<!tpu.dma_semaphore, #tpu.memory_space<semaphore_mem>>) src(%dma_wait3A_98 : memref<4096x128xf32, #tpu.memory_space<hbm>>) dst(%arg12 : memref<128x128xf32, #tpu.memory_space<vmem>>)
      %dma_start3A_99 = arith.constant 0 : i32
      %dma_start3A_100 = tpu.memref_slice %arg4[%add3A_95, %dma_start3A_99] : memref<65536x128xf32, #tpu.memory_space<hbm>> -> memref<128x128xf32, #tpu.memory_space<hbm>>
      %dma_start3A_101 = arith.constant 0 : i32
      %dma_start3A_102 = tpu.memref_slice %arg4[%add3A_95, %dma_start3A_101] : memref<65536x128xf32, #tpu.memory_space<hbm>> -> memref<128x128xf32, #tpu.memory_space<hbm>>
      tpu.enqueue_dma source(%arg12 : memref<128x128xf32, #tpu.memory_space<vmem>>) target(%dma_start3A_102 : memref<128x128xf32, #tpu.memory_space<hbm>>) target_semaphore(%arg20 : memref<!tpu.dma_semaphore, #tpu.memory_space<semaphore_mem>>)
      %dma_wait3A_103 = arith.constant 0 : i32
      %dma_wait3A_104 = tpu.memref_slice %arg4[%add3A_54, %dma_wait3A_103] : memref<65536x128xf32, #tpu.memory_space<hbm>> -> memref<128x128xf32, #tpu.memory_space<hbm>>
      %dma_wait3A_105 = arith.constant 0 : i32
      %dma_wait3A_106 = tpu.memref_slice %arg4[%add3A_54, %dma_wait3A_105] : memref<65536x128xf32, #tpu.memory_space<hbm>> -> memref<128x128xf32, #tpu.memory_space<hbm>>
      tpu.wait_dma2 semaphore(%arg17 : memref<!tpu.dma_semaphore, #tpu.memory_space<semaphore_mem>>) src(%arg9 : memref<128x128xf32, #tpu.memory_space<vmem>>) dst(%dma_wait3A_106 : memref<128x128xf32, #tpu.memory_space<hbm>>)
      %dma_wait3A_107 = arith.constant 0 : i32
      %dma_wait3A_108 = tpu.memref_slice %arg4[%add3A_67, %dma_wait3A_107] : memref<65536x128xf32, #tpu.memory_space<hbm>> -> memref<128x128xf32, #tpu.memory_space<hbm>>
      %dma_wait3A_109 = arith.constant 0 : i32
      %dma_wait3A_110 = tpu.memref_slice %arg4[%add3A_67, %dma_wait3A_109] : memref<65536x128xf32, #tpu.memory_space<hbm>> -> memref<128x128xf32, #tpu.memory_space<hbm>>
      tpu.wait_dma2 semaphore(%arg18 : memref<!tpu.dma_semaphore, #tpu.memory_space<semaphore_mem>>) src(%arg10 : memref<128x128xf32, #tpu.memory_space<vmem>>) dst(%dma_wait3A_110 : memref<128x128xf32, #tpu.memory_space<hbm>>)
      %dma_wait3A_111 = arith.constant 0 : i32
      %dma_wait3A_112 = tpu.memref_slice %arg4[%add3A_81, %dma_wait3A_111] : memref<65536x128xf32, #tpu.memory_space<hbm>> -> memref<128x128xf32, #tpu.memory_space<hbm>>
      %dma_wait3A_113 = arith.constant 0 : i32
      %dma_wait3A_114 = tpu.memref_slice %arg4[%add3A_81, %dma_wait3A_113] : memref<65536x128xf32, #tpu.memory_space<hbm>> -> memref<128x128xf32, #tpu.memory_space<hbm>>
      tpu.wait_dma2 semaphore(%arg19 : memref<!tpu.dma_semaphore, #tpu.memory_space<semaphore_mem>>) src(%arg11 : memref<128x128xf32, #tpu.memory_space<vmem>>) dst(%dma_wait3A_114 : memref<128x128xf32, #tpu.memory_space<hbm>>)
      %dma_wait3A_115 = arith.constant 0 : i32
      %dma_wait3A_116 = tpu.memref_slice %arg4[%add3A_95, %dma_wait3A_115] : memref<65536x128xf32, #tpu.memory_space<hbm>> -> memref<128x128xf32, #tpu.memory_space<hbm>>
      %dma_wait3A_117 = arith.constant 0 : i32
      %dma_wait3A_118 = tpu.memref_slice %arg4[%add3A_95, %dma_wait3A_117] : memref<65536x128xf32, #tpu.memory_space<hbm>> -> memref<128x128xf32, #tpu.memory_space<hbm>>
      tpu.wait_dma2 semaphore(%arg20 : memref<!tpu.dma_semaphore, #tpu.memory_space<semaphore_mem>>) src(%arg12 : memref<128x128xf32, #tpu.memory_space<vmem>>) dst(%dma_wait3A_118 : memref<128x128xf32, #tpu.memory_space<hbm>>)
    }
    %scan3A_7 = arith.constant 4 : i32
    return
  }
}

module attributes {stable_mosaic.version = 14 : i64} {
  func.func @_zp_body(%arg0: i32, %arg1: memref<1x4096x128xf32, #tpu.memory_space<vmem>>, %arg2: memref<1x4096x8xf32, #tpu.memory_space<vmem>>, %arg3: memref<128x128xf32, #tpu.memory_space<vmem>>, %arg4: memref<8x128xf32, #tpu.memory_space<vmem>>, %arg5: memref<1x128xf32, #tpu.memory_space<vmem>>, %arg6: memref<1x4096x128xf32, #tpu.memory_space<vmem>>, %arg7: memref<1x4096x128xf32, #tpu.memory_space<vmem>>) attributes {dimension_semantics = [#tpu.dimension_semantics<arbitrary>], iteration_bounds = array<i64: 4>, scalar_prefetch = 0 : i64, scratch_operands = 0 : i64, tpu.core_type = #tpu.core_type<tc>, window_params = [{transform_indices = @transform_0, window_bounds = array<i64: 1, 4096, 128>}, {transform_indices = @transform_1, window_bounds = array<i64: 1, 4096, 8>}, {pipeline_mode = #tpu.pipeline_mode<synchronous>, transform_indices = @transform_2, window_bounds = array<i64: 128, 128>}, {pipeline_mode = #tpu.pipeline_mode<synchronous>, transform_indices = @transform_3, window_bounds = array<i64: 8, 128>}, {pipeline_mode = #tpu.pipeline_mode<synchronous>, transform_indices = @transform_4, window_bounds = array<i64: 1, 128>}, {transform_indices = @transform_5, window_bounds = array<i64: 1, 4096, 128>}, {transform_indices = @transform_6, window_bounds = array<i64: 1, 4096, 128>}]} {
    %get3A = arith.constant 0 : index
    %get3A_0 = arith.constant 0 : index
    %get3A_1 = arith.constant 0 : index
    %get3A_2 = vector.load %arg2[%get3A, %get3A_0, %get3A_1] : memref<1x4096x8xf32, #tpu.memory_space<vmem>>, vector<1x4096x8xf32>
    %get3A_3 = vector.shape_cast %get3A_2 : vector<1x4096x8xf32> to vector<4096x8xf32>
    %get3A_4 = arith.constant 0 : index
    %get3A_5 = arith.constant 0 : index
    %get3A_6 = vector.load %arg4[%get3A_4, %get3A_5] : memref<8x128xf32, #tpu.memory_space<vmem>>, vector<8x128xf32>
    %dot_general3A = arith.constant dense<0.000000e+00> : vector<4096x128xf32>
    %dot_general3A_7 = tpu.matmul %get3A_3, %get3A_6, %dot_general3A {dimension_numbers = #tpu.dot_dimension_numbers<[1], [0], [0], [1], [0, 0, 1, 1], [], []>, transpose_lhs_hint = false} : vector<4096x8xf32>, vector<8x128xf32>, vector<4096x128xf32> -> vector<4096x128xf32>
    %get3A_8 = arith.constant 0 : index
    %get3A_9 = arith.constant 0 : index
    %get3A_10 = arith.constant 0 : index
    %get3A_11 = vector.load %arg1[%get3A_8, %get3A_9, %get3A_10] : memref<1x4096x128xf32, #tpu.memory_space<vmem>>, vector<1x4096x128xf32>
    %get3A_12 = vector.shape_cast %get3A_11 : vector<1x4096x128xf32> to vector<4096x128xf32>
    %get3A_13 = arith.constant 0 : index
    %get3A_14 = arith.constant 0 : index
    %get3A_15 = vector.load %arg3[%get3A_13, %get3A_14] : memref<128x128xf32, #tpu.memory_space<vmem>>, vector<128x128xf32>
    %dot_general3A_16 = arith.constant dense<0.000000e+00> : vector<4096x128xf32>
    %dot_general3A_17 = tpu.matmul %get3A_12, %get3A_15, %dot_general3A_16 {dimension_numbers = #tpu.dot_dimension_numbers<[1], [0], [0], [1], [0, 0, 1, 1], [], []>, transpose_lhs_hint = false} : vector<4096x128xf32>, vector<128x128xf32>, vector<4096x128xf32> -> vector<4096x128xf32>
    %swap3A = arith.constant 0 : index
    %swap3A_18 = arith.constant 0 : index
    %swap3A_19 = arith.constant 0 : index
    %swap3A_20 = vector.load %arg7[%swap3A, %swap3A_18, %swap3A_19] : memref<1x4096x128xf32, #tpu.memory_space<vmem>>, vector<1x4096x128xf32>
    %swap3A_21 = vector.shape_cast %swap3A_20 : vector<1x4096x128xf32> to vector<4096x128xf32>
    %swap3A_22 = vector.shape_cast %dot_general3A_7 : vector<4096x128xf32> to vector<1x4096x128xf32>
    tpu.vector_store %arg7[%swap3A, %swap3A_18, %swap3A_19], %swap3A_22 {strides = array<i32>} : memref<1x4096x128xf32, #tpu.memory_space<vmem>>, vector<1x4096x128xf32>,
    %add3A = arith.addf %dot_general3A_17, %dot_general3A_7 : vector<4096x128xf32>
    %get3A_23 = arith.constant 0 : index
    %get3A_24 = arith.constant 0 : index
    %get3A_25 = vector.load %arg5[%get3A_23, %get3A_24] : memref<1x128xf32, #tpu.memory_space<vmem>>, vector<1x128xf32>
    %add3A_26 = vector.broadcast %get3A_25 : vector<1x128xf32> to vector<4096x128xf32>
    %add3A_27 = arith.addf %add3A, %add3A_26 : vector<4096x128xf32>
    %swap3A_28 = arith.constant 0 : index
    %swap3A_29 = arith.constant 0 : index
    %swap3A_30 = arith.constant 0 : index
    %swap3A_31 = vector.load %arg6[%swap3A_28, %swap3A_29, %swap3A_30] : memref<1x4096x128xf32, #tpu.memory_space<vmem>>, vector<1x4096x128xf32>
    %swap3A_32 = vector.shape_cast %swap3A_31 : vector<1x4096x128xf32> to vector<4096x128xf32>
    %swap3A_33 = vector.shape_cast %add3A_27 : vector<4096x128xf32> to vector<1x4096x128xf32>
    tpu.vector_store %arg6[%swap3A_28, %swap3A_29, %swap3A_30], %swap3A_33 {strides = array<i32>} : memref<1x4096x128xf32, #tpu.memory_space<vmem>>, vector<1x4096x128xf32>,
    return
  }
  func.func @transform_0(%arg0: i32) -> (i32, i32, i32) {
    %c0_i32 = arith.constant 0 : i32
    %c0_i32_0 = arith.constant 0 : i32
    %c0_i32_1 = arith.constant 0 : i32
    return %arg0, %c0_i32, %c0_i32_0 : i32, i32, i32
  }
  func.func @transform_1(%arg0: i32) -> (i32, i32, i32) {
    %c0_i32 = arith.constant 0 : i32
    %c0_i32_0 = arith.constant 0 : i32
    %c0_i32_1 = arith.constant 0 : i32
    return %arg0, %c0_i32, %c0_i32_0 : i32, i32, i32
  }
  func.func @transform_2(%arg0: i32) -> (i32, i32) {
    %c0_i32 = arith.constant 0 : i32
    %c0_i32_0 = arith.constant 0 : i32
    %c0_i32_1 = arith.constant 0 : i32
    return %c0_i32, %c0_i32_0 : i32, i32
  }
  func.func @transform_3(%arg0: i32) -> (i32, i32) {
    %c0_i32 = arith.constant 0 : i32
    %c0_i32_0 = arith.constant 0 : i32
    %c0_i32_1 = arith.constant 0 : i32
    return %c0_i32, %c0_i32_0 : i32, i32
  }
  func.func @transform_4(%arg0: i32) -> (i32, i32) {
    %c0_i32 = arith.constant 0 : i32
    %c0_i32_0 = arith.constant 0 : i32
    %c0_i32_1 = arith.constant 0 : i32
    return %c0_i32, %c0_i32_0 : i32, i32
  }
  func.func @transform_5(%arg0: i32) -> (i32, i32, i32) {
    %c0_i32 = arith.constant 0 : i32
    %c0_i32_0 = arith.constant 0 : i32
    %c0_i32_1 = arith.constant 0 : i32
    return %arg0, %c0_i32, %c0_i32_0 : i32, i32, i32
  }
  func.func @transform_6(%arg0: i32) -> (i32, i32, i32) {
    %c0_i32 = arith.constant 0 : i32
    %c0_i32_0 = arith.constant 0 : i32
    %c0_i32_1 = arith.constant 0 : i32
    return %arg0, %c0_i32, %c0_i32_0 : i32, i32, i32
  }
}

module attributes {stable_mosaic.version = 14 : i64} {
  func.func @_knn_body(%arg0: i32, %arg1: i32, %arg2: i32, %arg3: memref<1x512x8xf32, #tpu.memory_space<vmem>>, %arg4: memref<1x8x256xf32, #tpu.memory_space<vmem>>, %arg5: memref<1x16x256xi32, #tpu.memory_space<vmem>>, %arg6: memref<128x256xf32, #tpu.memory_space<vmem>>, %arg7: memref<128x256xi32, #tpu.memory_space<vmem>>) attributes {dimension_semantics = [#tpu.dimension_semantics<arbitrary>, #tpu.dimension_semantics<arbitrary>, #tpu.dimension_semantics<arbitrary>], iteration_bounds = array<i64: 1, 16, 8>, scalar_prefetch = 0 : i64, scratch_operands = 2 : i64, tpu.core_type = #tpu.core_type<tc>, window_params = [{transform_indices = @transform_0, window_bounds = array<i64: 1, 512, 8>}, {transform_indices = @transform_1, window_bounds = array<i64: 1, 8, 256>}, {transform_indices = @transform_2, window_bounds = array<i64: 1, 16, 256>}]} {
    %get3A = arith.constant 0 : index
    %get3A_0 = arith.constant 0 : index
    %get3A_1 = arith.constant 0 : index
    %get3A_2 = vector.load %arg3[%get3A, %get3A_0, %get3A_1] : memref<1x512x8xf32, #tpu.memory_space<vmem>>, vector<1x512x8xf32>
    %get3A_3 = vector.shape_cast %get3A_2 : vector<1x512x8xf32> to vector<512x8xf32>
    %get3A_4 = arith.constant 0 : index
    %get3A_5 = arith.constant 0 : index
    %get3A_6 = arith.constant 0 : index
    %get3A_7 = vector.load %arg4[%get3A_4, %get3A_5, %get3A_6] : memref<1x8x256xf32, #tpu.memory_space<vmem>>, vector<1x8x256xf32>
    %get3A_8 = vector.shape_cast %get3A_7 : vector<1x8x256xf32> to vector<8x256xf32>
    %mul3A = arith.mulf %get3A_3, %get3A_3 : vector<512x8xf32>
    %reduce_sum3A = arith.constant dense<0.000000e+00> : vector<512xf32>
    %reduce_sum3A_9 = vector.multi_reduction <add>, %mul3A, %reduce_sum3A [1] : vector<512x8xf32> to vector<512xf32>
    %broadcast_in_dim3A = vector.shape_cast %reduce_sum3A_9 : vector<512xf32> to vector<512x1xf32>
    %mul3A_10 = arith.mulf %get3A_8, %get3A_8 : vector<8x256xf32>
    %reduce_sum3A_11 = arith.constant dense<0.000000e+00> : vector<256xf32>
    %reduce_sum3A_12 = vector.multi_reduction <add>, %mul3A_10, %reduce_sum3A_11 [0] : vector<8x256xf32> to vector<256xf32>
    %dot_general3A = arith.constant dense<0.000000e+00> : vector<512x256xf32>
    %dot_general3A_13 = tpu.matmul %get3A_3, %get3A_8, %dot_general3A {dimension_numbers = #tpu.dot_dimension_numbers<[1], [0], [0], [1], [0, 0, 1, 1], [], []>, transpose_lhs_hint = false} : vector<512x8xf32>, vector<8x256xf32>, vector<512x256xf32> -> vector<512x256xf32>
    %broadcast_in_dim3A_14 = vector.shape_cast %reduce_sum3A_12 : vector<256xf32> to vector<1x256xf32>
    %add3A = vector.broadcast %broadcast_in_dim3A_14 : vector<1x256xf32> to vector<512x256xf32>
    %add3A_15 = vector.broadcast %broadcast_in_dim3A : vector<512x1xf32> to vector<512x256xf32>
    %add3A_16 = arith.addf %add3A, %add3A_15 : vector<512x256xf32>
    %mul3A_17 = arith.constant 2.000000e+00 : f32
    %mul3A_18 = vector.broadcast %mul3A_17 : f32 to vector<512x256xf32>
    %mul3A_19 = arith.mulf %mul3A_18, %dot_general3A_13 : vector<512x256xf32>
    %sub3A = arith.subf %add3A_16, %mul3A_19 : vector<512x256xf32>
    %max3A = arith.constant 9.99999996E-13 : f32
    %max3A_20 = vector.broadcast %max3A : f32 to vector<512x256xf32>
    %max3A_21 = arith.maximumf %sub3A, %max3A_20 : vector<512x256xf32>
    %mul3A_22 = arith.constant 512 : i32
    %mul3A_23 = arith.muli %arg2, %mul3A_22 : i32
    %reshape3A = vector.shape_cast %max3A_21 : vector<512x256xf32> to vector<64x8x256xf32>
    %iota3A = tpu.iota {dimensions = array<i32: 0>} : vector<64x8x256xi32>
    %mul3A_24 = arith.constant 8 : i32
    %mul3A_25 = vector.broadcast %mul3A_24 : i32 to vector<64x8x256xi32>
    %mul3A_26 = arith.muli %iota3A, %mul3A_25 : vector<64x8x256xi32>
    %iota3A_27 = tpu.iota {dimensions = array<i32: 1>} : vector<64x8x256xi32>
    %add3A_28 = arith.addi %mul3A_26, %iota3A_27 : vector<64x8x256xi32>
    %slice3A = vector.extract_strided_slice %reshape3A {offsets = [0, 0, 0], sizes = [32, 8, 256], strides = [1, 1, 1]} : vector<64x8x256xf32> to vector<32x8x256xf32>
    %slice3A_29 = vector.extract_strided_slice %reshape3A {offsets = [32, 0, 0], sizes = [32, 8, 256], strides = [1, 1, 1]} : vector<64x8x256xf32> to vector<32x8x256xf32>
    %min3A = arith.minimumf %slice3A, %slice3A_29 : vector<32x8x256xf32>
    %slice3A_30 = vector.extract_strided_slice %min3A {offsets = [0, 0, 0], sizes = [16, 8, 256], strides = [1, 1, 1]} : vector<32x8x256xf32> to vector<16x8x256xf32>
    %slice3A_31 = vector.extract_strided_slice %min3A {offsets = [16, 0, 0], sizes = [16, 8, 256], strides = [1, 1, 1]} : vector<32x8x256xf32> to vector<16x8x256xf32>
    %min3A_32 = arith.minimumf %slice3A_30, %slice3A_31 : vector<16x8x256xf32>
    %slice3A_33 = vector.extract_strided_slice %min3A_32 {offsets = [0, 0, 0], sizes = [8, 8, 256], strides = [1, 1, 1]} : vector<16x8x256xf32> to vector<8x8x256xf32>
    %slice3A_34 = vector.extract_strided_slice %min3A_32 {offsets = [8, 0, 0], sizes = [8, 8, 256], strides = [1, 1, 1]} : vector<16x8x256xf32> to vector<8x8x256xf32>
    %min3A_35 = arith.minimumf %slice3A_33, %slice3A_34 : vector<8x8x256xf32>
    %slice3A_36 = vector.extract_strided_slice %min3A_35 {offsets = [0, 0, 0], sizes = [4, 8, 256], strides = [1, 1, 1]} : vector<8x8x256xf32> to vector<4x8x256xf32>
    %slice3A_37 = vector.extract_strided_slice %min3A_35 {offsets = [4, 0, 0], sizes = [4, 8, 256], strides = [1, 1, 1]} : vector<8x8x256xf32> to vector<4x8x256xf32>
    %min3A_38 = arith.minimumf %slice3A_36, %slice3A_37 : vector<4x8x256xf32>
    %slice3A_39 = vector.extract_strided_slice %min3A_38 {offsets = [0, 0, 0], sizes = [2, 8, 256], strides = [1, 1, 1]} : vector<4x8x256xf32> to vector<2x8x256xf32>
    %slice3A_40 = vector.extract_strided_slice %min3A_38 {offsets = [2, 0, 0], sizes = [2, 8, 256], strides = [1, 1, 1]} : vector<4x8x256xf32> to vector<2x8x256xf32>
    %min3A_41 = arith.minimumf %slice3A_39, %slice3A_40 : vector<2x8x256xf32>
    %slice3A_42 = vector.extract_strided_slice %min3A_41 {offsets = [0, 0, 0], sizes = [1, 8, 256], strides = [1, 1, 1]} : vector<2x8x256xf32> to vector<1x8x256xf32>
    %slice3A_43 = vector.extract_strided_slice %min3A_41 {offsets = [1, 0, 0], sizes = [1, 8, 256], strides = [1, 1, 1]} : vector<2x8x256xf32> to vector<1x8x256xf32>
    %min3A_44 = arith.minimumf %slice3A_42, %slice3A_43 : vector<1x8x256xf32>
    %squeeze3A = vector.shape_cast %min3A_44 : vector<1x8x256xf32> to vector<8x256xf32>
    %roll3A = arith.constant 4 : i32
    %roll3A_45 = tpu.dynamic_rotate %squeeze3A by %roll3A dim 0 : vector<8x256xf32>, i32 -> vector<8x256xf32>
    %min3A_46 = arith.minimumf %squeeze3A, %roll3A_45 : vector<8x256xf32>
    %roll3A_47 = arith.constant 2 : i32
    %roll3A_48 = tpu.dynamic_rotate %min3A_46 by %roll3A_47 dim 0 : vector<8x256xf32>, i32 -> vector<8x256xf32>
    %min3A_49 = arith.minimumf %min3A_46, %roll3A_48 : vector<8x256xf32>
    %roll3A_50 = arith.constant 1 : i32
    %roll3A_51 = tpu.dynamic_rotate %min3A_49 by %roll3A_50 dim 0 : vector<8x256xf32>, i32 -> vector<8x256xf32>
    %min3A_52 = arith.minimumf %min3A_49, %roll3A_51 : vector<8x256xf32>
    %broadcast_in_dim3A_53 = vector.shape_cast %min3A_52 : vector<8x256xf32> to vector<1x8x256xf32>
    %eq3A = vector.broadcast %broadcast_in_dim3A_53 : vector<1x8x256xf32> to vector<64x8x256xf32>
    %eq3A_54 = arith.cmpf oeq, %reshape3A, %eq3A : vector<64x8x256xf32>
    %jit3A = arith.constant 512 : i32
    %broadcast_in_dim3A_55 = vector.broadcast %jit3A : i32 to vector<64x8x256xi32>
    %select_n3A = arith.select %eq3A_54, %add3A_28, %broadcast_in_dim3A_55 : vector<64x8x256xi1>, vector<64x8x256xi32>
    %slice3A_56 = vector.extract_strided_slice %select_n3A {offsets = [0, 0, 0], sizes = [32, 8, 256], strides = [1, 1, 1]} : vector<64x8x256xi32> to vector<32x8x256xi32>
    %slice3A_57 = vector.extract_strided_slice %select_n3A {offsets = [32, 0, 0], sizes = [32, 8, 256], strides = [1, 1, 1]} : vector<64x8x256xi32> to vector<32x8x256xi32>
    %min3A_58 = arith.minsi %slice3A_56, %slice3A_57 : vector<32x8x256xi32>
    %slice3A_59 = vector.extract_strided_slice %min3A_58 {offsets = [0, 0, 0], sizes = [16, 8, 256], strides = [1, 1, 1]} : vector<32x8x256xi32> to vector<16x8x256xi32>
    %slice3A_60 = vector.extract_strided_slice %min3A_58 {offsets = [16, 0, 0], sizes = [16, 8, 256], strides = [1, 1, 1]} : vector<32x8x256xi32> to vector<16x8x256xi32>
    %min3A_61 = arith.minsi %slice3A_59, %slice3A_60 : vector<16x8x256xi32>
    %slice3A_62 = vector.extract_strided_slice %min3A_61 {offsets = [0, 0, 0], sizes = [8, 8, 256], strides = [1, 1, 1]} : vector<16x8x256xi32> to vector<8x8x256xi32>
    %slice3A_63 = vector.extract_strided_slice %min3A_61 {offsets = [8, 0, 0], sizes = [8, 8, 256], strides = [1, 1, 1]} : vector<16x8x256xi32> to vector<8x8x256xi32>
    %min3A_64 = arith.minsi %slice3A_62, %slice3A_63 : vector<8x8x256xi32>
    %slice3A_65 = vector.extract_strided_slice %min3A_64 {offsets = [0, 0, 0], sizes = [4, 8, 256], strides = [1, 1, 1]} : vector<8x8x256xi32> to vector<4x8x256xi32>
    %slice3A_66 = vector.extract_strided_slice %min3A_64 {offsets = [4, 0, 0], sizes = [4, 8, 256], strides = [1, 1, 1]} : vector<8x8x256xi32> to vector<4x8x256xi32>
    %min3A_67 = arith.minsi %slice3A_65, %slice3A_66 : vector<4x8x256xi32>
    %slice3A_68 = vector.extract_strided_slice %min3A_67 {offsets = [0, 0, 0], sizes = [2, 8, 256], strides = [1, 1, 1]} : vector<4x8x256xi32> to vector<2x8x256xi32>
    %slice3A_69 = vector.extract_strided_slice %min3A_67 {offsets = [2, 0, 0], sizes = [2, 8, 256], strides = [1, 1, 1]} : vector<4x8x256xi32> to vector<2x8x256xi32>
    %min3A_70 = arith.minsi %slice3A_68, %slice3A_69 : vector<2x8x256xi32>
    %slice3A_71 = vector.extract_strided_slice %min3A_70 {offsets = [0, 0, 0], sizes = [1, 8, 256], strides = [1, 1, 1]} : vector<2x8x256xi32> to vector<1x8x256xi32>
    %slice3A_72 = vector.extract_strided_slice %min3A_70 {offsets = [1, 0, 0], sizes = [1, 8, 256], strides = [1, 1, 1]} : vector<2x8x256xi32> to vector<1x8x256xi32>
    %min3A_73 = arith.minsi %slice3A_71, %slice3A_72 : vector<1x8x256xi32>
    %squeeze3A_74 = vector.shape_cast %min3A_73 : vector<1x8x256xi32> to vector<8x256xi32>
    %roll3A_75 = arith.constant 4 : i32
    %roll3A_76 = tpu.dynamic_rotate %squeeze3A_74 by %roll3A_75 dim 0 : vector<8x256xi32>, i32 -> vector<8x256xi32>
    %min3A_77 = arith.minsi %squeeze3A_74, %roll3A_76 : vector<8x256xi32>
    %roll3A_78 = arith.constant 2 : i32
    %roll3A_79 = tpu.dynamic_rotate %min3A_77 by %roll3A_78 dim 0 : vector<8x256xi32>, i32 -> vector<8x256xi32>
    %min3A_80 = arith.minsi %min3A_77, %roll3A_79 : vector<8x256xi32>
    %roll3A_81 = arith.constant 1 : i32
    %roll3A_82 = tpu.dynamic_rotate %min3A_80 by %roll3A_81 dim 0 : vector<8x256xi32>, i32 -> vector<8x256xi32>
    %min3A_83 = arith.minsi %min3A_80, %roll3A_82 : vector<8x256xi32>
    %slice3A_84 = vector.extract_strided_slice %min3A_52 {offsets = [0, 0], sizes = [1, 256], strides = [1, 1]} : vector<8x256xf32> to vector<1x256xf32>
    %squeeze3A_85 = vector.shape_cast %slice3A_84 : vector<1x256xf32> to vector<256xf32>
    %slice3A_86 = vector.extract_strided_slice %min3A_83 {offsets = [0, 0], sizes = [1, 256], strides = [1, 1]} : vector<8x256xi32> to vector<1x256xi32>
    %squeeze3A_87 = vector.shape_cast %slice3A_86 : vector<1x256xi32> to vector<256xi32>
    %add3A_88 = vector.broadcast %mul3A_23 : i32 to vector<256xi32>
    %add3A_89 = arith.addi %squeeze3A_87, %add3A_88 : vector<256xi32>
    %broadcast_in_dim3A_90 = vector.shape_cast %min3A_83 : vector<8x256xi32> to vector<1x8x256xi32>
    %eq3A_91 = vector.broadcast %broadcast_in_dim3A_90 : vector<1x8x256xi32> to vector<64x8x256xi32>
    %eq3A_92 = arith.cmpi eq, %add3A_28, %eq3A_91 : vector<64x8x256xi32>
    %jit3A_93 = arith.constant 0x7F800000 : f32
    %broadcast_in_dim3A_94 = vector.broadcast %jit3A_93 : f32 to vector<64x8x256xf32>
    %select_n3A_95 = arith.select %eq3A_92, %broadcast_in_dim3A_94, %reshape3A : vector<64x8x256xi1>, vector<64x8x256xf32>
    %slice3A_96 = vector.extract_strided_slice %select_n3A_95 {offsets = [0, 0, 0], sizes = [32, 8, 256], strides = [1, 1, 1]} : vector<64x8x256xf32> to vector<32x8x256xf32>
    %slice3A_97 = vector.extract_strided_slice %select_n3A_95 {offsets = [32, 0, 0], sizes = [32, 8, 256], strides = [1, 1, 1]} : vector<64x8x256xf32> to vector<32x8x256xf32>
    %min3A_98 = arith.minimumf %slice3A_96, %slice3A_97 : vector<32x8x256xf32>
    %slice3A_99 = vector.extract_strided_slice %min3A_98 {offsets = [0, 0, 0], sizes = [16, 8, 256], strides = [1, 1, 1]} : vector<32x8x256xf32> to vector<16x8x256xf32>
    %slice3A_100 = vector.extract_strided_slice %min3A_98 {offsets = [16, 0, 0], sizes = [16, 8, 256], strides = [1, 1, 1]} : vector<32x8x256xf32> to vector<16x8x256xf32>
    %min3A_101 = arith.minimumf %slice3A_99, %slice3A_100 : vector<16x8x256xf32>
    %slice3A_102 = vector.extract_strided_slice %min3A_101 {offsets = [0, 0, 0], sizes = [8, 8, 256], strides = [1, 1, 1]} : vector<16x8x256xf32> to vector<8x8x256xf32>
    %slice3A_103 = vector.extract_strided_slice %min3A_101 {offsets = [8, 0, 0], sizes = [8, 8, 256], strides = [1, 1, 1]} : vector<16x8x256xf32> to vector<8x8x256xf32>
    %min3A_104 = arith.minimumf %slice3A_102, %slice3A_103 : vector<8x8x256xf32>
    %slice3A_105 = vector.extract_strided_slice %min3A_104 {offsets = [0, 0, 0], sizes = [4, 8, 256], strides = [1, 1, 1]} : vector<8x8x256xf32> to vector<4x8x256xf32>
    %slice3A_106 = vector.extract_strided_slice %min3A_104 {offsets = [4, 0, 0], sizes = [4, 8, 256], strides = [1, 1, 1]} : vector<8x8x256xf32> to vector<4x8x256xf32>
    %min3A_107 = arith.minimumf %slice3A_105, %slice3A_106 : vector<4x8x256xf32>
    %slice3A_108 = vector.extract_strided_slice %min3A_107 {offsets = [0, 0, 0], sizes = [2, 8, 256], strides = [1, 1, 1]} : vector<4x8x256xf32> to vector<2x8x256xf32>
    %slice3A_109 = vector.extract_strided_slice %min3A_107 {offsets = [2, 0, 0], sizes = [2, 8, 256], strides = [1, 1, 1]} : vector<4x8x256xf32> to vector<2x8x256xf32>
    %min3A_110 = arith.minimumf %slice3A_108, %slice3A_109 : vector<2x8x256xf32>
    %slice3A_111 = vector.extract_strided_slice %min3A_110 {offsets = [0, 0, 0], sizes = [1, 8, 256], strides = [1, 1, 1]} : vector<2x8x256xf32> to vector<1x8x256xf32>
    %slice3A_112 = vector.extract_strided_slice %min3A_110 {offsets = [1, 0, 0], sizes = [1, 8, 256], strides = [1, 1, 1]} : vector<2x8x256xf32> to vector<1x8x256xf32>
    %min3A_113 = arith.minimumf %slice3A_111, %slice3A_112 : vector<1x8x256xf32>
    %squeeze3A_114 = vector.shape_cast %min3A_113 : vector<1x8x256xf32> to vector<8x256xf32>
    %roll3A_115 = arith.constant 4 : i32
    %roll3A_116 = tpu.dynamic_rotate %squeeze3A_114 by %roll3A_115 dim 0 : vector<8x256xf32>, i32 -> vector<8x256xf32>
    %min3A_117 = arith.minimumf %squeeze3A_114, %roll3A_116 : vector<8x256xf32>
    %roll3A_118 = arith.constant 2 : i32
    %roll3A_119 = tpu.dynamic_rotate %min3A_117 by %roll3A_118 dim 0 : vector<8x256xf32>, i32 -> vector<8x256xf32>
    %min3A_120 = arith.minimumf %min3A_117, %roll3A_119 : vector<8x256xf32>
    %roll3A_121 = arith.constant 1 : i32
    %roll3A_122 = tpu.dynamic_rotate %min3A_120 by %roll3A_121 dim 0 : vector<8x256xf32>, i32 -> vector<8x256xf32>
    %min3A_123 = arith.minimumf %min3A_120, %roll3A_122 : vector<8x256xf32>
    %broadcast_in_dim3A_124 = vector.shape_cast %min3A_123 : vector<8x256xf32> to vector<1x8x256xf32>
    %eq3A_125 = vector.broadcast %broadcast_in_dim3A_124 : vector<1x8x256xf32> to vector<64x8x256xf32>
    %eq3A_126 = arith.cmpf oeq, %select_n3A_95, %eq3A_125 : vector<64x8x256xf32>
    %jit3A_127 = arith.constant 512 : i32
    %broadcast_in_dim3A_128 = vector.broadcast %jit3A_127 : i32 to vector<64x8x256xi32>
    %select_n3A_129 = arith.select %eq3A_126, %add3A_28, %broadcast_in_dim3A_128 : vector<64x8x256xi1>, vector<64x8x256xi32>
    %slice3A_130 = vector.extract_strided_slice %select_n3A_129 {offsets = [0, 0, 0], sizes = [32, 8, 256], strides = [1, 1, 1]} : vector<64x8x256xi32> to vector<32x8x256xi32>
    %slice3A_131 = vector.extract_strided_slice %select_n3A_129 {offsets = [32, 0, 0], sizes = [32, 8, 256], strides = [1, 1, 1]} : vector<64x8x256xi32> to vector<32x8x256xi32>
    %min3A_132 = arith.minsi %slice3A_130, %slice3A_131 : vector<32x8x256xi32>
    %slice3A_133 = vector.extract_strided_slice %min3A_132 {offsets = [0, 0, 0], sizes = [16, 8, 256], strides = [1, 1, 1]} : vector<32x8x256xi32> to vector<16x8x256xi32>
    %slice3A_134 = vector.extract_strided_slice %min3A_132 {offsets = [16, 0, 0], sizes = [16, 8, 256], strides = [1, 1, 1]} : vector<32x8x256xi32> to vector<16x8x256xi32>
    %min3A_135 = arith.minsi %slice3A_133, %slice3A_134 : vector<16x8x256xi32>
    %slice3A_136 = vector.extract_strided_slice %min3A_135 {offsets = [0, 0, 0], sizes = [8, 8, 256], strides = [1, 1, 1]} : vector<16x8x256xi32> to vector<8x8x256xi32>
    %slice3A_137 = vector.extract_strided_slice %min3A_135 {offsets = [8, 0, 0], sizes = [8, 8, 256], strides = [1, 1, 1]} : vector<16x8x256xi32> to vector<8x8x256xi32>
    %min3A_138 = arith.minsi %slice3A_136, %slice3A_137 : vector<8x8x256xi32>
    %slice3A_139 = vector.extract_strided_slice %min3A_138 {offsets = [0, 0, 0], sizes = [4, 8, 256], strides = [1, 1, 1]} : vector<8x8x256xi32> to vector<4x8x256xi32>
    %slice3A_140 = vector.extract_strided_slice %min3A_138 {offsets = [4, 0, 0], sizes = [4, 8, 256], strides = [1, 1, 1]} : vector<8x8x256xi32> to vector<4x8x256xi32>
    %min3A_141 = arith.minsi %slice3A_139, %slice3A_140 : vector<4x8x256xi32>
    %slice3A_142 = vector.extract_strided_slice %min3A_141 {offsets = [0, 0, 0], sizes = [2, 8, 256], strides = [1, 1, 1]} : vector<4x8x256xi32> to vector<2x8x256xi32>
    %slice3A_143 = vector.extract_strided_slice %min3A_141 {offsets = [2, 0, 0], sizes = [2, 8, 256], strides = [1, 1, 1]} : vector<4x8x256xi32> to vector<2x8x256xi32>
    %min3A_144 = arith.minsi %slice3A_142, %slice3A_143 : vector<2x8x256xi32>
    %slice3A_145 = vector.extract_strided_slice %min3A_144 {offsets = [0, 0, 0], sizes = [1, 8, 256], strides = [1, 1, 1]} : vector<2x8x256xi32> to vector<1x8x256xi32>
    %slice3A_146 = vector.extract_strided_slice %min3A_144 {offsets = [1, 0, 0], sizes = [1, 8, 256], strides = [1, 1, 1]} : vector<2x8x256xi32> to vector<1x8x256xi32>
    %min3A_147 = arith.minsi %slice3A_145, %slice3A_146 : vector<1x8x256xi32>
    %squeeze3A_148 = vector.shape_cast %min3A_147 : vector<1x8x256xi32> to vector<8x256xi32>
    %roll3A_149 = arith.constant 4 : i32
    %roll3A_150 = tpu.dynamic_rotate %squeeze3A_148 by %roll3A_149 dim 0 : vector<8x256xi32>, i32 -> vector<8x256xi32>
    %min3A_151 = arith.minsi %squeeze3A_148, %roll3A_150 : vector<8x256xi32>
    %roll3A_152 = arith.constant 2 : i32
    %roll3A_153 = tpu.dynamic_rotate %min3A_151 by %roll3A_152 dim 0 : vector<8x256xi32>, i32 -> vector<8x256xi32>
    %min3A_154 = arith.minsi %min3A_151, %roll3A_153 : vector<8x256xi32>
    %roll3A_155 = arith.constant 1 : i32
    %roll3A_156 = tpu.dynamic_rotate %min3A_154 by %roll3A_155 dim 0 : vector<8x256xi32>, i32 -> vector<8x256xi32>
    %min3A_157 = arith.minsi %min3A_154, %roll3A_156 : vector<8x256xi32>
    %slice3A_158 = vector.extract_strided_slice %min3A_123 {offsets = [0, 0], sizes = [1, 256], strides = [1, 1]} : vector<8x256xf32> to vector<1x256xf32>
    %squeeze3A_159 = vector.shape_cast %slice3A_158 : vector<1x256xf32> to vector<256xf32>
    %slice3A_160 = vector.extract_strided_slice %min3A_157 {offsets = [0, 0], sizes = [1, 256], strides = [1, 1]} : vector<8x256xi32> to vector<1x256xi32>
    %squeeze3A_161 = vector.shape_cast %slice3A_160 : vector<1x256xi32> to vector<256xi32>
    %add3A_162 = vector.broadcast %mul3A_23 : i32 to vector<256xi32>
    %add3A_163 = arith.addi %squeeze3A_161, %add3A_162 : vector<256xi32>
    %broadcast_in_dim3A_164 = vector.shape_cast %min3A_157 : vector<8x256xi32> to vector<1x8x256xi32>
    %eq3A_165 = vector.broadcast %broadcast_in_dim3A_164 : vector<1x8x256xi32> to vector<64x8x256xi32>
    %eq3A_166 = arith.cmpi eq, %add3A_28, %eq3A_165 : vector<64x8x256xi32>
    %jit3A_167 = arith.constant 0x7F800000 : f32
    %broadcast_in_dim3A_168 = vector.broadcast %jit3A_167 : f32 to vector<64x8x256xf32>
    %select_n3A_169 = arith.select %eq3A_166, %broadcast_in_dim3A_168, %select_n3A_95 : vector<64x8x256xi1>, vector<64x8x256xf32>
    %slice3A_170 = vector.extract_strided_slice %select_n3A_169 {offsets = [0, 0, 0], sizes = [32, 8, 256], strides = [1, 1, 1]} : vector<64x8x256xf32> to vector<32x8x256xf32>
    %slice3A_171 = vector.extract_strided_slice %select_n3A_169 {offsets = [32, 0, 0], sizes = [32, 8, 256], strides = [1, 1, 1]} : vector<64x8x256xf32> to vector<32x8x256xf32>
    %min3A_172 = arith.minimumf %slice3A_170, %slice3A_171 : vector<32x8x256xf32>
    %slice3A_173 = vector.extract_strided_slice %min3A_172 {offsets = [0, 0, 0], sizes = [16, 8, 256], strides = [1, 1, 1]} : vector<32x8x256xf32> to vector<16x8x256xf32>
    %slice3A_174 = vector.extract_strided_slice %min3A_172 {offsets = [16, 0, 0], sizes = [16, 8, 256], strides = [1, 1, 1]} : vector<32x8x256xf32> to vector<16x8x256xf32>
    %min3A_175 = arith.minimumf %slice3A_173, %slice3A_174 : vector<16x8x256xf32>
    %slice3A_176 = vector.extract_strided_slice %min3A_175 {offsets = [0, 0, 0], sizes = [8, 8, 256], strides = [1, 1, 1]} : vector<16x8x256xf32> to vector<8x8x256xf32>
    %slice3A_177 = vector.extract_strided_slice %min3A_175 {offsets = [8, 0, 0], sizes = [8, 8, 256], strides = [1, 1, 1]} : vector<16x8x256xf32> to vector<8x8x256xf32>
    %min3A_178 = arith.minimumf %slice3A_176, %slice3A_177 : vector<8x8x256xf32>
    %slice3A_179 = vector.extract_strided_slice %min3A_178 {offsets = [0, 0, 0], sizes = [4, 8, 256], strides = [1, 1, 1]} : vector<8x8x256xf32> to vector<4x8x256xf32>
    %slice3A_180 = vector.extract_strided_slice %min3A_178 {offsets = [4, 0, 0], sizes = [4, 8, 256], strides = [1, 1, 1]} : vector<8x8x256xf32> to vector<4x8x256xf32>
    %min3A_181 = arith.minimumf %slice3A_179, %slice3A_180 : vector<4x8x256xf32>
    %slice3A_182 = vector.extract_strided_slice %min3A_181 {offsets = [0, 0, 0], sizes = [2, 8, 256], strides = [1, 1, 1]} : vector<4x8x256xf32> to vector<2x8x256xf32>
    %slice3A_183 = vector.extract_strided_slice %min3A_181 {offsets = [2, 0, 0], sizes = [2, 8, 256], strides = [1, 1, 1]} : vector<4x8x256xf32> to vector<2x8x256xf32>
    %min3A_184 = arith.minimumf %slice3A_182, %slice3A_183 : vector<2x8x256xf32>
    %slice3A_185 = vector.extract_strided_slice %min3A_184 {offsets = [0, 0, 0], sizes = [1, 8, 256], strides = [1, 1, 1]} : vector<2x8x256xf32> to vector<1x8x256xf32>
    %slice3A_186 = vector.extract_strided_slice %min3A_184 {offsets = [1, 0, 0], sizes = [1, 8, 256], strides = [1, 1, 1]} : vector<2x8x256xf32> to vector<1x8x256xf32>
    %min3A_187 = arith.minimumf %slice3A_185, %slice3A_186 : vector<1x8x256xf32>
    %squeeze3A_188 = vector.shape_cast %min3A_187 : vector<1x8x256xf32> to vector<8x256xf32>
    %roll3A_189 = arith.constant 4 : i32
    %roll3A_190 = tpu.dynamic_rotate %squeeze3A_188 by %roll3A_189 dim 0 : vector<8x256xf32>, i32 -> vector<8x256xf32>
    %min3A_191 = arith.minimumf %squeeze3A_188, %roll3A_190 : vector<8x256xf32>
    %roll3A_192 = arith.constant 2 : i32
    %roll3A_193 = tpu.dynamic_rotate %min3A_191 by %roll3A_192 dim 0 : vector<8x256xf32>, i32 -> vector<8x256xf32>
    %min3A_194 = arith.minimumf %min3A_191, %roll3A_193 : vector<8x256xf32>
    %roll3A_195 = arith.constant 1 : i32
    %roll3A_196 = tpu.dynamic_rotate %min3A_194 by %roll3A_195 dim 0 : vector<8x256xf32>, i32 -> vector<8x256xf32>
    %min3A_197 = arith.minimumf %min3A_194, %roll3A_196 : vector<8x256xf32>
    %broadcast_in_dim3A_198 = vector.shape_cast %min3A_197 : vector<8x256xf32> to vector<1x8x256xf32>
    %eq3A_199 = vector.broadcast %broadcast_in_dim3A_198 : vector<1x8x256xf32> to vector<64x8x256xf32>
    %eq3A_200 = arith.cmpf oeq, %select_n3A_169, %eq3A_199 : vector<64x8x256xf32>
    %jit3A_201 = arith.constant 512 : i32
    %broadcast_in_dim3A_202 = vector.broadcast %jit3A_201 : i32 to vector<64x8x256xi32>
    %select_n3A_203 = arith.select %eq3A_200, %add3A_28, %broadcast_in_dim3A_202 : vector<64x8x256xi1>, vector<64x8x256xi32>
    %slice3A_204 = vector.extract_strided_slice %select_n3A_203 {offsets = [0, 0, 0], sizes = [32, 8, 256], strides = [1, 1, 1]} : vector<64x8x256xi32> to vector<32x8x256xi32>
    %slice3A_205 = vector.extract_strided_slice %select_n3A_203 {offsets = [32, 0, 0], sizes = [32, 8, 256], strides = [1, 1, 1]} : vector<64x8x256xi32> to vector<32x8x256xi32>
    %min3A_206 = arith.minsi %slice3A_204, %slice3A_205 : vector<32x8x256xi32>
    %slice3A_207 = vector.extract_strided_slice %min3A_206 {offsets = [0, 0, 0], sizes = [16, 8, 256], strides = [1, 1, 1]} : vector<32x8x256xi32> to vector<16x8x256xi32>
    %slice3A_208 = vector.extract_strided_slice %min3A_206 {offsets = [16, 0, 0], sizes = [16, 8, 256], strides = [1, 1, 1]} : vector<32x8x256xi32> to vector<16x8x256xi32>
    %min3A_209 = arith.minsi %slice3A_207, %slice3A_208 : vector<16x8x256xi32>
    %slice3A_210 = vector.extract_strided_slice %min3A_209 {offsets = [0, 0, 0], sizes = [8, 8, 256], strides = [1, 1, 1]} : vector<16x8x256xi32> to vector<8x8x256xi32>
    %slice3A_211 = vector.extract_strided_slice %min3A_209 {offsets = [8, 0, 0], sizes = [8, 8, 256], strides = [1, 1, 1]} : vector<16x8x256xi32> to vector<8x8x256xi32>
    %min3A_212 = arith.minsi %slice3A_210, %slice3A_211 : vector<8x8x256xi32>
    %slice3A_213 = vector.extract_strided_slice %min3A_212 {offsets = [0, 0, 0], sizes = [4, 8, 256], strides = [1, 1, 1]} : vector<8x8x256xi32> to vector<4x8x256xi32>
    %slice3A_214 = vector.extract_strided_slice %min3A_212 {offsets = [4, 0, 0], sizes = [4, 8, 256], strides = [1, 1, 1]} : vector<8x8x256xi32> to vector<4x8x256xi32>
    %min3A_215 = arith.minsi %slice3A_213, %slice3A_214 : vector<4x8x256xi32>
    %slice3A_216 = vector.extract_strided_slice %min3A_215 {offsets = [0, 0, 0], sizes = [2, 8, 256], strides = [1, 1, 1]} : vector<4x8x256xi32> to vector<2x8x256xi32>
    %slice3A_217 = vector.extract_strided_slice %min3A_215 {offsets = [2, 0, 0], sizes = [2, 8, 256], strides = [1, 1, 1]} : vector<4x8x256xi32> to vector<2x8x256xi32>
    %min3A_218 = arith.minsi %slice3A_216, %slice3A_217 : vector<2x8x256xi32>
    %slice3A_219 = vector.extract_strided_slice %min3A_218 {offsets = [0, 0, 0], sizes = [1, 8, 256], strides = [1, 1, 1]} : vector<2x8x256xi32> to vector<1x8x256xi32>
    %slice3A_220 = vector.extract_strided_slice %min3A_218 {offsets = [1, 0, 0], sizes = [1, 8, 256], strides = [1, 1, 1]} : vector<2x8x256xi32> to vector<1x8x256xi32>
    %min3A_221 = arith.minsi %slice3A_219, %slice3A_220 : vector<1x8x256xi32>
    %squeeze3A_222 = vector.shape_cast %min3A_221 : vector<1x8x256xi32> to vector<8x256xi32>
    %roll3A_223 = arith.constant 4 : i32
    %roll3A_224 = tpu.dynamic_rotate %squeeze3A_222 by %roll3A_223 dim 0 : vector<8x256xi32>, i32 -> vector<8x256xi32>
    %min3A_225 = arith.minsi %squeeze3A_222, %roll3A_224 : vector<8x256xi32>
    %roll3A_226 = arith.constant 2 : i32
    %roll3A_227 = tpu.dynamic_rotate %min3A_225 by %roll3A_226 dim 0 : vector<8x256xi32>, i32 -> vector<8x256xi32>
    %min3A_228 = arith.minsi %min3A_225, %roll3A_227 : vector<8x256xi32>
    %roll3A_229 = arith.constant 1 : i32
    %roll3A_230 = tpu.dynamic_rotate %min3A_228 by %roll3A_229 dim 0 : vector<8x256xi32>, i32 -> vector<8x256xi32>
    %min3A_231 = arith.minsi %min3A_228, %roll3A_230 : vector<8x256xi32>
    %slice3A_232 = vector.extract_strided_slice %min3A_197 {offsets = [0, 0], sizes = [1, 256], strides = [1, 1]} : vector<8x256xf32> to vector<1x256xf32>
    %squeeze3A_233 = vector.shape_cast %slice3A_232 : vector<1x256xf32> to vector<256xf32>
    %slice3A_234 = vector.extract_strided_slice %min3A_231 {offsets = [0, 0], sizes = [1, 256], strides = [1, 1]} : vector<8x256xi32> to vector<1x256xi32>
    %squeeze3A_235 = vector.shape_cast %slice3A_234 : vector<1x256xi32> to vector<256xi32>
    %add3A_236 = vector.broadcast %mul3A_23 : i32 to vector<256xi32>
    %add3A_237 = arith.addi %squeeze3A_235, %add3A_236 : vector<256xi32>
    %broadcast_in_dim3A_238 = vector.shape_cast %min3A_231 : vector<8x256xi32> to vector<1x8x256xi32>
    %eq3A_239 = vector.broadcast %broadcast_in_dim3A_238 : vector<1x8x256xi32> to vector<64x8x256xi32>
    %eq3A_240 = arith.cmpi eq, %add3A_28, %eq3A_239 : vector<64x8x256xi32>
    %jit3A_241 = arith.constant 0x7F800000 : f32
    %broadcast_in_dim3A_242 = vector.broadcast %jit3A_241 : f32 to vector<64x8x256xf32>
    %select_n3A_243 = arith.select %eq3A_240, %broadcast_in_dim3A_242, %select_n3A_169 : vector<64x8x256xi1>, vector<64x8x256xf32>
    %slice3A_244 = vector.extract_strided_slice %select_n3A_243 {offsets = [0, 0, 0], sizes = [32, 8, 256], strides = [1, 1, 1]} : vector<64x8x256xf32> to vector<32x8x256xf32>
    %slice3A_245 = vector.extract_strided_slice %select_n3A_243 {offsets = [32, 0, 0], sizes = [32, 8, 256], strides = [1, 1, 1]} : vector<64x8x256xf32> to vector<32x8x256xf32>
    %min3A_246 = arith.minimumf %slice3A_244, %slice3A_245 : vector<32x8x256xf32>
    %slice3A_247 = vector.extract_strided_slice %min3A_246 {offsets = [0, 0, 0], sizes = [16, 8, 256], strides = [1, 1, 1]} : vector<32x8x256xf32> to vector<16x8x256xf32>
    %slice3A_248 = vector.extract_strided_slice %min3A_246 {offsets = [16, 0, 0], sizes = [16, 8, 256], strides = [1, 1, 1]} : vector<32x8x256xf32> to vector<16x8x256xf32>
    %min3A_249 = arith.minimumf %slice3A_247, %slice3A_248 : vector<16x8x256xf32>
    %slice3A_250 = vector.extract_strided_slice %min3A_249 {offsets = [0, 0, 0], sizes = [8, 8, 256], strides = [1, 1, 1]} : vector<16x8x256xf32> to vector<8x8x256xf32>
    %slice3A_251 = vector.extract_strided_slice %min3A_249 {offsets = [8, 0, 0], sizes = [8, 8, 256], strides = [1, 1, 1]} : vector<16x8x256xf32> to vector<8x8x256xf32>
    %min3A_252 = arith.minimumf %slice3A_250, %slice3A_251 : vector<8x8x256xf32>
    %slice3A_253 = vector.extract_strided_slice %min3A_252 {offsets = [0, 0, 0], sizes = [4, 8, 256], strides = [1, 1, 1]} : vector<8x8x256xf32> to vector<4x8x256xf32>
    %slice3A_254 = vector.extract_strided_slice %min3A_252 {offsets = [4, 0, 0], sizes = [4, 8, 256], strides = [1, 1, 1]} : vector<8x8x256xf32> to vector<4x8x256xf32>
    %min3A_255 = arith.minimumf %slice3A_253, %slice3A_254 : vector<4x8x256xf32>
    %slice3A_256 = vector.extract_strided_slice %min3A_255 {offsets = [0, 0, 0], sizes = [2, 8, 256], strides = [1, 1, 1]} : vector<4x8x256xf32> to vector<2x8x256xf32>
    %slice3A_257 = vector.extract_strided_slice %min3A_255 {offsets = [2, 0, 0], sizes = [2, 8, 256], strides = [1, 1, 1]} : vector<4x8x256xf32> to vector<2x8x256xf32>
    %min3A_258 = arith.minimumf %slice3A_256, %slice3A_257 : vector<2x8x256xf32>
    %slice3A_259 = vector.extract_strided_slice %min3A_258 {offsets = [0, 0, 0], sizes = [1, 8, 256], strides = [1, 1, 1]} : vector<2x8x256xf32> to vector<1x8x256xf32>
    %slice3A_260 = vector.extract_strided_slice %min3A_258 {offsets = [1, 0, 0], sizes = [1, 8, 256], strides = [1, 1, 1]} : vector<2x8x256xf32> to vector<1x8x256xf32>
    %min3A_261 = arith.minimumf %slice3A_259, %slice3A_260 : vector<1x8x256xf32>
    %squeeze3A_262 = vector.shape_cast %min3A_261 : vector<1x8x256xf32> to vector<8x256xf32>
    %roll3A_263 = arith.constant 4 : i32
    %roll3A_264 = tpu.dynamic_rotate %squeeze3A_262 by %roll3A_263 dim 0 : vector<8x256xf32>, i32 -> vector<8x256xf32>
    %min3A_265 = arith.minimumf %squeeze3A_262, %roll3A_264 : vector<8x256xf32>
    %roll3A_266 = arith.constant 2 : i32
    %roll3A_267 = tpu.dynamic_rotate %min3A_265 by %roll3A_266 dim 0 : vector<8x256xf32>, i32 -> vector<8x256xf32>
    %min3A_268 = arith.minimumf %min3A_265, %roll3A_267 : vector<8x256xf32>
    %roll3A_269 = arith.constant 1 : i32
    %roll3A_270 = tpu.dynamic_rotate %min3A_268 by %roll3A_269 dim 0 : vector<8x256xf32>, i32 -> vector<8x256xf32>
    %min3A_271 = arith.minimumf %min3A_268, %roll3A_270 : vector<8x256xf32>
    %broadcast_in_dim3A_272 = vector.shape_cast %min3A_271 : vector<8x256xf32> to vector<1x8x256xf32>
    %eq3A_273 = vector.broadcast %broadcast_in_dim3A_272 : vector<1x8x256xf32> to vector<64x8x256xf32>
    %eq3A_274 = arith.cmpf oeq, %select_n3A_243, %eq3A_273 : vector<64x8x256xf32>
    %jit3A_275 = arith.constant 512 : i32
    %broadcast_in_dim3A_276 = vector.broadcast %jit3A_275 : i32 to vector<64x8x256xi32>
    %select_n3A_277 = arith.select %eq3A_274, %add3A_28, %broadcast_in_dim3A_276 : vector<64x8x256xi1>, vector<64x8x256xi32>
    %slice3A_278 = vector.extract_strided_slice %select_n3A_277 {offsets = [0, 0, 0], sizes = [32, 8, 256], strides = [1, 1, 1]} : vector<64x8x256xi32> to vector<32x8x256xi32>
    %slice3A_279 = vector.extract_strided_slice %select_n3A_277 {offsets = [32, 0, 0], sizes = [32, 8, 256], strides = [1, 1, 1]} : vector<64x8x256xi32> to vector<32x8x256xi32>
    %min3A_280 = arith.minsi %slice3A_278, %slice3A_279 : vector<32x8x256xi32>
    %slice3A_281 = vector.extract_strided_slice %min3A_280 {offsets = [0, 0, 0], sizes = [16, 8, 256], strides = [1, 1, 1]} : vector<32x8x256xi32> to vector<16x8x256xi32>
    %slice3A_282 = vector.extract_strided_slice %min3A_280 {offsets = [16, 0, 0], sizes = [16, 8, 256], strides = [1, 1, 1]} : vector<32x8x256xi32> to vector<16x8x256xi32>
    %min3A_283 = arith.minsi %slice3A_281, %slice3A_282 : vector<16x8x256xi32>
    %slice3A_284 = vector.extract_strided_slice %min3A_283 {offsets = [0, 0, 0], sizes = [8, 8, 256], strides = [1, 1, 1]} : vector<16x8x256xi32> to vector<8x8x256xi32>
    %slice3A_285 = vector.extract_strided_slice %min3A_283 {offsets = [8, 0, 0], sizes = [8, 8, 256], strides = [1, 1, 1]} : vector<16x8x256xi32> to vector<8x8x256xi32>
    %min3A_286 = arith.minsi %slice3A_284, %slice3A_285 : vector<8x8x256xi32>
    %slice3A_287 = vector.extract_strided_slice %min3A_286 {offsets = [0, 0, 0], sizes = [4, 8, 256], strides = [1, 1, 1]} : vector<8x8x256xi32> to vector<4x8x256xi32>
    %slice3A_288 = vector.extract_strided_slice %min3A_286 {offsets = [4, 0, 0], sizes = [4, 8, 256], strides = [1, 1, 1]} : vector<8x8x256xi32> to vector<4x8x256xi32>
    %min3A_289 = arith.minsi %slice3A_287, %slice3A_288 : vector<4x8x256xi32>
    %slice3A_290 = vector.extract_strided_slice %min3A_289 {offsets = [0, 0, 0], sizes = [2, 8, 256], strides = [1, 1, 1]} : vector<4x8x256xi32> to vector<2x8x256xi32>
    %slice3A_291 = vector.extract_strided_slice %min3A_289 {offsets = [2, 0, 0], sizes = [2, 8, 256], strides = [1, 1, 1]} : vector<4x8x256xi32> to vector<2x8x256xi32>
    %min3A_292 = arith.minsi %slice3A_290, %slice3A_291 : vector<2x8x256xi32>
    %slice3A_293 = vector.extract_strided_slice %min3A_292 {offsets = [0, 0, 0], sizes = [1, 8, 256], strides = [1, 1, 1]} : vector<2x8x256xi32> to vector<1x8x256xi32>
    %slice3A_294 = vector.extract_strided_slice %min3A_292 {offsets = [1, 0, 0], sizes = [1, 8, 256], strides = [1, 1, 1]} : vector<2x8x256xi32> to vector<1x8x256xi32>
    %min3A_295 = arith.minsi %slice3A_293, %slice3A_294 : vector<1x8x256xi32>
    %squeeze3A_296 = vector.shape_cast %min3A_295 : vector<1x8x256xi32> to vector<8x256xi32>
    %roll3A_297 = arith.constant 4 : i32
    %roll3A_298 = tpu.dynamic_rotate %squeeze3A_296 by %roll3A_297 dim 0 : vector<8x256xi32>, i32 -> vector<8x256xi32>
    %min3A_299 = arith.minsi %squeeze3A_296, %roll3A_298 : vector<8x256xi32>
    %roll3A_300 = arith.constant 2 : i32
    %roll3A_301 = tpu.dynamic_rotate %min3A_299 by %roll3A_300 dim 0 : vector<8x256xi32>, i32 -> vector<8x256xi32>
    %min3A_302 = arith.minsi %min3A_299, %roll3A_301 : vector<8x256xi32>
    %roll3A_303 = arith.constant 1 : i32
    %roll3A_304 = tpu.dynamic_rotate %min3A_302 by %roll3A_303 dim 0 : vector<8x256xi32>, i32 -> vector<8x256xi32>
    %min3A_305 = arith.minsi %min3A_302, %roll3A_304 : vector<8x256xi32>
    %slice3A_306 = vector.extract_strided_slice %min3A_271 {offsets = [0, 0], sizes = [1, 256], strides = [1, 1]} : vector<8x256xf32> to vector<1x256xf32>
    %squeeze3A_307 = vector.shape_cast %slice3A_306 : vector<1x256xf32> to vector<256xf32>
    %slice3A_308 = vector.extract_strided_slice %min3A_305 {offsets = [0, 0], sizes = [1, 256], strides = [1, 1]} : vector<8x256xi32> to vector<1x256xi32>
    %squeeze3A_309 = vector.shape_cast %slice3A_308 : vector<1x256xi32> to vector<256xi32>
    %add3A_310 = vector.broadcast %mul3A_23 : i32 to vector<256xi32>
    %add3A_311 = arith.addi %squeeze3A_309, %add3A_310 : vector<256xi32>
    %broadcast_in_dim3A_312 = vector.shape_cast %min3A_305 : vector<8x256xi32> to vector<1x8x256xi32>
    %eq3A_313 = vector.broadcast %broadcast_in_dim3A_312 : vector<1x8x256xi32> to vector<64x8x256xi32>
    %eq3A_314 = arith.cmpi eq, %add3A_28, %eq3A_313 : vector<64x8x256xi32>
    %jit3A_315 = arith.constant 0x7F800000 : f32
    %broadcast_in_dim3A_316 = vector.broadcast %jit3A_315 : f32 to vector<64x8x256xf32>
    %select_n3A_317 = arith.select %eq3A_314, %broadcast_in_dim3A_316, %select_n3A_243 : vector<64x8x256xi1>, vector<64x8x256xf32>
    %slice3A_318 = vector.extract_strided_slice %select_n3A_317 {offsets = [0, 0, 0], sizes = [32, 8, 256], strides = [1, 1, 1]} : vector<64x8x256xf32> to vector<32x8x256xf32>
    %slice3A_319 = vector.extract_strided_slice %select_n3A_317 {offsets = [32, 0, 0], sizes = [32, 8, 256], strides = [1, 1, 1]} : vector<64x8x256xf32> to vector<32x8x256xf32>
    %min3A_320 = arith.minimumf %slice3A_318, %slice3A_319 : vector<32x8x256xf32>
    %slice3A_321 = vector.extract_strided_slice %min3A_320 {offsets = [0, 0, 0], sizes = [16, 8, 256], strides = [1, 1, 1]} : vector<32x8x256xf32> to vector<16x8x256xf32>
    %slice3A_322 = vector.extract_strided_slice %min3A_320 {offsets = [16, 0, 0], sizes = [16, 8, 256], strides = [1, 1, 1]} : vector<32x8x256xf32> to vector<16x8x256xf32>
    %min3A_323 = arith.minimumf %slice3A_321, %slice3A_322 : vector<16x8x256xf32>
    %slice3A_324 = vector.extract_strided_slice %min3A_323 {offsets = [0, 0, 0], sizes = [8, 8, 256], strides = [1, 1, 1]} : vector<16x8x256xf32> to vector<8x8x256xf32>
    %slice3A_325 = vector.extract_strided_slice %min3A_323 {offsets = [8, 0, 0], sizes = [8, 8, 256], strides = [1, 1, 1]} : vector<16x8x256xf32> to vector<8x8x256xf32>
    %min3A_326 = arith.minimumf %slice3A_324, %slice3A_325 : vector<8x8x256xf32>
    %slice3A_327 = vector.extract_strided_slice %min3A_326 {offsets = [0, 0, 0], sizes = [4, 8, 256], strides = [1, 1, 1]} : vector<8x8x256xf32> to vector<4x8x256xf32>
    %slice3A_328 = vector.extract_strided_slice %min3A_326 {offsets = [4, 0, 0], sizes = [4, 8, 256], strides = [1, 1, 1]} : vector<8x8x256xf32> to vector<4x8x256xf32>
    %min3A_329 = arith.minimumf %slice3A_327, %slice3A_328 : vector<4x8x256xf32>
    %slice3A_330 = vector.extract_strided_slice %min3A_329 {offsets = [0, 0, 0], sizes = [2, 8, 256], strides = [1, 1, 1]} : vector<4x8x256xf32> to vector<2x8x256xf32>
    %slice3A_331 = vector.extract_strided_slice %min3A_329 {offsets = [2, 0, 0], sizes = [2, 8, 256], strides = [1, 1, 1]} : vector<4x8x256xf32> to vector<2x8x256xf32>
    %min3A_332 = arith.minimumf %slice3A_330, %slice3A_331 : vector<2x8x256xf32>
    %slice3A_333 = vector.extract_strided_slice %min3A_332 {offsets = [0, 0, 0], sizes = [1, 8, 256], strides = [1, 1, 1]} : vector<2x8x256xf32> to vector<1x8x256xf32>
    %slice3A_334 = vector.extract_strided_slice %min3A_332 {offsets = [1, 0, 0], sizes = [1, 8, 256], strides = [1, 1, 1]} : vector<2x8x256xf32> to vector<1x8x256xf32>
    %min3A_335 = arith.minimumf %slice3A_333, %slice3A_334 : vector<1x8x256xf32>
    %squeeze3A_336 = vector.shape_cast %min3A_335 : vector<1x8x256xf32> to vector<8x256xf32>
    %roll3A_337 = arith.constant 4 : i32
    %roll3A_338 = tpu.dynamic_rotate %squeeze3A_336 by %roll3A_337 dim 0 : vector<8x256xf32>, i32 -> vector<8x256xf32>
    %min3A_339 = arith.minimumf %squeeze3A_336, %roll3A_338 : vector<8x256xf32>
    %roll3A_340 = arith.constant 2 : i32
    %roll3A_341 = tpu.dynamic_rotate %min3A_339 by %roll3A_340 dim 0 : vector<8x256xf32>, i32 -> vector<8x256xf32>
    %min3A_342 = arith.minimumf %min3A_339, %roll3A_341 : vector<8x256xf32>
    %roll3A_343 = arith.constant 1 : i32
    %roll3A_344 = tpu.dynamic_rotate %min3A_342 by %roll3A_343 dim 0 : vector<8x256xf32>, i32 -> vector<8x256xf32>
    %min3A_345 = arith.minimumf %min3A_342, %roll3A_344 : vector<8x256xf32>
    %broadcast_in_dim3A_346 = vector.shape_cast %min3A_345 : vector<8x256xf32> to vector<1x8x256xf32>
    %eq3A_347 = vector.broadcast %broadcast_in_dim3A_346 : vector<1x8x256xf32> to vector<64x8x256xf32>
    %eq3A_348 = arith.cmpf oeq, %select_n3A_317, %eq3A_347 : vector<64x8x256xf32>
    %jit3A_349 = arith.constant 512 : i32
    %broadcast_in_dim3A_350 = vector.broadcast %jit3A_349 : i32 to vector<64x8x256xi32>
    %select_n3A_351 = arith.select %eq3A_348, %add3A_28, %broadcast_in_dim3A_350 : vector<64x8x256xi1>, vector<64x8x256xi32>
    %slice3A_352 = vector.extract_strided_slice %select_n3A_351 {offsets = [0, 0, 0], sizes = [32, 8, 256], strides = [1, 1, 1]} : vector<64x8x256xi32> to vector<32x8x256xi32>
    %slice3A_353 = vector.extract_strided_slice %select_n3A_351 {offsets = [32, 0, 0], sizes = [32, 8, 256], strides = [1, 1, 1]} : vector<64x8x256xi32> to vector<32x8x256xi32>
    %min3A_354 = arith.minsi %slice3A_352, %slice3A_353 : vector<32x8x256xi32>
    %slice3A_355 = vector.extract_strided_slice %min3A_354 {offsets = [0, 0, 0], sizes = [16, 8, 256], strides = [1, 1, 1]} : vector<32x8x256xi32> to vector<16x8x256xi32>
    %slice3A_356 = vector.extract_strided_slice %min3A_354 {offsets = [16, 0, 0], sizes = [16, 8, 256], strides = [1, 1, 1]} : vector<32x8x256xi32> to vector<16x8x256xi32>
    %min3A_357 = arith.minsi %slice3A_355, %slice3A_356 : vector<16x8x256xi32>
    %slice3A_358 = vector.extract_strided_slice %min3A_357 {offsets = [0, 0, 0], sizes = [8, 8, 256], strides = [1, 1, 1]} : vector<16x8x256xi32> to vector<8x8x256xi32>
    %slice3A_359 = vector.extract_strided_slice %min3A_357 {offsets = [8, 0, 0], sizes = [8, 8, 256], strides = [1, 1, 1]} : vector<16x8x256xi32> to vector<8x8x256xi32>
    %min3A_360 = arith.minsi %slice3A_358, %slice3A_359 : vector<8x8x256xi32>
    %slice3A_361 = vector.extract_strided_slice %min3A_360 {offsets = [0, 0, 0], sizes = [4, 8, 256], strides = [1, 1, 1]} : vector<8x8x256xi32> to vector<4x8x256xi32>
    %slice3A_362 = vector.extract_strided_slice %min3A_360 {offsets = [4, 0, 0], sizes = [4, 8, 256], strides = [1, 1, 1]} : vector<8x8x256xi32> to vector<4x8x256xi32>
    %min3A_363 = arith.minsi %slice3A_361, %slice3A_362 : vector<4x8x256xi32>
    %slice3A_364 = vector.extract_strided_slice %min3A_363 {offsets = [0, 0, 0], sizes = [2, 8, 256], strides = [1, 1, 1]} : vector<4x8x256xi32> to vector<2x8x256xi32>
    %slice3A_365 = vector.extract_strided_slice %min3A_363 {offsets = [2, 0, 0], sizes = [2, 8, 256], strides = [1, 1, 1]} : vector<4x8x256xi32> to vector<2x8x256xi32>
    %min3A_366 = arith.minsi %slice3A_364, %slice3A_365 : vector<2x8x256xi32>
    %slice3A_367 = vector.extract_strided_slice %min3A_366 {offsets = [0, 0, 0], sizes = [1, 8, 256], strides = [1, 1, 1]} : vector<2x8x256xi32> to vector<1x8x256xi32>
    %slice3A_368 = vector.extract_strided_slice %min3A_366 {offsets = [1, 0, 0], sizes = [1, 8, 256], strides = [1, 1, 1]} : vector<2x8x256xi32> to vector<1x8x256xi32>
    %min3A_369 = arith.minsi %slice3A_367, %slice3A_368 : vector<1x8x256xi32>
    %squeeze3A_370 = vector.shape_cast %min3A_369 : vector<1x8x256xi32> to vector<8x256xi32>
    %roll3A_371 = arith.constant 4 : i32
    %roll3A_372 = tpu.dynamic_rotate %squeeze3A_370 by %roll3A_371 dim 0 : vector<8x256xi32>, i32 -> vector<8x256xi32>
    %min3A_373 = arith.minsi %squeeze3A_370, %roll3A_372 : vector<8x256xi32>
    %roll3A_374 = arith.constant 2 : i32
    %roll3A_375 = tpu.dynamic_rotate %min3A_373 by %roll3A_374 dim 0 : vector<8x256xi32>, i32 -> vector<8x256xi32>
    %min3A_376 = arith.minsi %min3A_373, %roll3A_375 : vector<8x256xi32>
    %roll3A_377 = arith.constant 1 : i32
    %roll3A_378 = tpu.dynamic_rotate %min3A_376 by %roll3A_377 dim 0 : vector<8x256xi32>, i32 -> vector<8x256xi32>
    %min3A_379 = arith.minsi %min3A_376, %roll3A_378 : vector<8x256xi32>
    %slice3A_380 = vector.extract_strided_slice %min3A_345 {offsets = [0, 0], sizes = [1, 256], strides = [1, 1]} : vector<8x256xf32> to vector<1x256xf32>
    %squeeze3A_381 = vector.shape_cast %slice3A_380 : vector<1x256xf32> to vector<256xf32>
    %slice3A_382 = vector.extract_strided_slice %min3A_379 {offsets = [0, 0], sizes = [1, 256], strides = [1, 1]} : vector<8x256xi32> to vector<1x256xi32>
    %squeeze3A_383 = vector.shape_cast %slice3A_382 : vector<1x256xi32> to vector<256xi32>
    %add3A_384 = vector.broadcast %mul3A_23 : i32 to vector<256xi32>
    %add3A_385 = arith.addi %squeeze3A_383, %add3A_384 : vector<256xi32>
    %broadcast_in_dim3A_386 = vector.shape_cast %min3A_379 : vector<8x256xi32> to vector<1x8x256xi32>
    %eq3A_387 = vector.broadcast %broadcast_in_dim3A_386 : vector<1x8x256xi32> to vector<64x8x256xi32>
    %eq3A_388 = arith.cmpi eq, %add3A_28, %eq3A_387 : vector<64x8x256xi32>
    %jit3A_389 = arith.constant 0x7F800000 : f32
    %broadcast_in_dim3A_390 = vector.broadcast %jit3A_389 : f32 to vector<64x8x256xf32>
    %select_n3A_391 = arith.select %eq3A_388, %broadcast_in_dim3A_390, %select_n3A_317 : vector<64x8x256xi1>, vector<64x8x256xf32>
    %slice3A_392 = vector.extract_strided_slice %select_n3A_391 {offsets = [0, 0, 0], sizes = [32, 8, 256], strides = [1, 1, 1]} : vector<64x8x256xf32> to vector<32x8x256xf32>
    %slice3A_393 = vector.extract_strided_slice %select_n3A_391 {offsets = [32, 0, 0], sizes = [32, 8, 256], strides = [1, 1, 1]} : vector<64x8x256xf32> to vector<32x8x256xf32>
    %min3A_394 = arith.minimumf %slice3A_392, %slice3A_393 : vector<32x8x256xf32>
    %slice3A_395 = vector.extract_strided_slice %min3A_394 {offsets = [0, 0, 0], sizes = [16, 8, 256], strides = [1, 1, 1]} : vector<32x8x256xf32> to vector<16x8x256xf32>
    %slice3A_396 = vector.extract_strided_slice %min3A_394 {offsets = [16, 0, 0], sizes = [16, 8, 256], strides = [1, 1, 1]} : vector<32x8x256xf32> to vector<16x8x256xf32>
    %min3A_397 = arith.minimumf %slice3A_395, %slice3A_396 : vector<16x8x256xf32>
    %slice3A_398 = vector.extract_strided_slice %min3A_397 {offsets = [0, 0, 0], sizes = [8, 8, 256], strides = [1, 1, 1]} : vector<16x8x256xf32> to vector<8x8x256xf32>
    %slice3A_399 = vector.extract_strided_slice %min3A_397 {offsets = [8, 0, 0], sizes = [8, 8, 256], strides = [1, 1, 1]} : vector<16x8x256xf32> to vector<8x8x256xf32>
    %min3A_400 = arith.minimumf %slice3A_398, %slice3A_399 : vector<8x8x256xf32>
    %slice3A_401 = vector.extract_strided_slice %min3A_400 {offsets = [0, 0, 0], sizes = [4, 8, 256], strides = [1, 1, 1]} : vector<8x8x256xf32> to vector<4x8x256xf32>
    %slice3A_402 = vector.extract_strided_slice %min3A_400 {offsets = [4, 0, 0], sizes = [4, 8, 256], strides = [1, 1, 1]} : vector<8x8x256xf32> to vector<4x8x256xf32>
    %min3A_403 = arith.minimumf %slice3A_401, %slice3A_402 : vector<4x8x256xf32>
    %slice3A_404 = vector.extract_strided_slice %min3A_403 {offsets = [0, 0, 0], sizes = [2, 8, 256], strides = [1, 1, 1]} : vector<4x8x256xf32> to vector<2x8x256xf32>
    %slice3A_405 = vector.extract_strided_slice %min3A_403 {offsets = [2, 0, 0], sizes = [2, 8, 256], strides = [1, 1, 1]} : vector<4x8x256xf32> to vector<2x8x256xf32>
    %min3A_406 = arith.minimumf %slice3A_404, %slice3A_405 : vector<2x8x256xf32>
    %slice3A_407 = vector.extract_strided_slice %min3A_406 {offsets = [0, 0, 0], sizes = [1, 8, 256], strides = [1, 1, 1]} : vector<2x8x256xf32> to vector<1x8x256xf32>
    %slice3A_408 = vector.extract_strided_slice %min3A_406 {offsets = [1, 0, 0], sizes = [1, 8, 256], strides = [1, 1, 1]} : vector<2x8x256xf32> to vector<1x8x256xf32>
    %min3A_409 = arith.minimumf %slice3A_407, %slice3A_408 : vector<1x8x256xf32>
    %squeeze3A_410 = vector.shape_cast %min3A_409 : vector<1x8x256xf32> to vector<8x256xf32>
    %roll3A_411 = arith.constant 4 : i32
    %roll3A_412 = tpu.dynamic_rotate %squeeze3A_410 by %roll3A_411 dim 0 : vector<8x256xf32>, i32 -> vector<8x256xf32>
    %min3A_413 = arith.minimumf %squeeze3A_410, %roll3A_412 : vector<8x256xf32>
    %roll3A_414 = arith.constant 2 : i32
    %roll3A_415 = tpu.dynamic_rotate %min3A_413 by %roll3A_414 dim 0 : vector<8x256xf32>, i32 -> vector<8x256xf32>
    %min3A_416 = arith.minimumf %min3A_413, %roll3A_415 : vector<8x256xf32>
    %roll3A_417 = arith.constant 1 : i32
    %roll3A_418 = tpu.dynamic_rotate %min3A_416 by %roll3A_417 dim 0 : vector<8x256xf32>, i32 -> vector<8x256xf32>
    %min3A_419 = arith.minimumf %min3A_416, %roll3A_418 : vector<8x256xf32>
    %broadcast_in_dim3A_420 = vector.shape_cast %min3A_419 : vector<8x256xf32> to vector<1x8x256xf32>
    %eq3A_421 = vector.broadcast %broadcast_in_dim3A_420 : vector<1x8x256xf32> to vector<64x8x256xf32>
    %eq3A_422 = arith.cmpf oeq, %select_n3A_391, %eq3A_421 : vector<64x8x256xf32>
    %jit3A_423 = arith.constant 512 : i32
    %broadcast_in_dim3A_424 = vector.broadcast %jit3A_423 : i32 to vector<64x8x256xi32>
    %select_n3A_425 = arith.select %eq3A_422, %add3A_28, %broadcast_in_dim3A_424 : vector<64x8x256xi1>, vector<64x8x256xi32>
    %slice3A_426 = vector.extract_strided_slice %select_n3A_425 {offsets = [0, 0, 0], sizes = [32, 8, 256], strides = [1, 1, 1]} : vector<64x8x256xi32> to vector<32x8x256xi32>
    %slice3A_427 = vector.extract_strided_slice %select_n3A_425 {offsets = [32, 0, 0], sizes = [32, 8, 256], strides = [1, 1, 1]} : vector<64x8x256xi32> to vector<32x8x256xi32>
    %min3A_428 = arith.minsi %slice3A_426, %slice3A_427 : vector<32x8x256xi32>
    %slice3A_429 = vector.extract_strided_slice %min3A_428 {offsets = [0, 0, 0], sizes = [16, 8, 256], strides = [1, 1, 1]} : vector<32x8x256xi32> to vector<16x8x256xi32>
    %slice3A_430 = vector.extract_strided_slice %min3A_428 {offsets = [16, 0, 0], sizes = [16, 8, 256], strides = [1, 1, 1]} : vector<32x8x256xi32> to vector<16x8x256xi32>
    %min3A_431 = arith.minsi %slice3A_429, %slice3A_430 : vector<16x8x256xi32>
    %slice3A_432 = vector.extract_strided_slice %min3A_431 {offsets = [0, 0, 0], sizes = [8, 8, 256], strides = [1, 1, 1]} : vector<16x8x256xi32> to vector<8x8x256xi32>
    %slice3A_433 = vector.extract_strided_slice %min3A_431 {offsets = [8, 0, 0], sizes = [8, 8, 256], strides = [1, 1, 1]} : vector<16x8x256xi32> to vector<8x8x256xi32>
    %min3A_434 = arith.minsi %slice3A_432, %slice3A_433 : vector<8x8x256xi32>
    %slice3A_435 = vector.extract_strided_slice %min3A_434 {offsets = [0, 0, 0], sizes = [4, 8, 256], strides = [1, 1, 1]} : vector<8x8x256xi32> to vector<4x8x256xi32>
    %slice3A_436 = vector.extract_strided_slice %min3A_434 {offsets = [4, 0, 0], sizes = [4, 8, 256], strides = [1, 1, 1]} : vector<8x8x256xi32> to vector<4x8x256xi32>
    %min3A_437 = arith.minsi %slice3A_435, %slice3A_436 : vector<4x8x256xi32>
    %slice3A_438 = vector.extract_strided_slice %min3A_437 {offsets = [0, 0, 0], sizes = [2, 8, 256], strides = [1, 1, 1]} : vector<4x8x256xi32> to vector<2x8x256xi32>
    %slice3A_439 = vector.extract_strided_slice %min3A_437 {offsets = [2, 0, 0], sizes = [2, 8, 256], strides = [1, 1, 1]} : vector<4x8x256xi32> to vector<2x8x256xi32>
    %min3A_440 = arith.minsi %slice3A_438, %slice3A_439 : vector<2x8x256xi32>
    %slice3A_441 = vector.extract_strided_slice %min3A_440 {offsets = [0, 0, 0], sizes = [1, 8, 256], strides = [1, 1, 1]} : vector<2x8x256xi32> to vector<1x8x256xi32>
    %slice3A_442 = vector.extract_strided_slice %min3A_440 {offsets = [1, 0, 0], sizes = [1, 8, 256], strides = [1, 1, 1]} : vector<2x8x256xi32> to vector<1x8x256xi32>
    %min3A_443 = arith.minsi %slice3A_441, %slice3A_442 : vector<1x8x256xi32>
    %squeeze3A_444 = vector.shape_cast %min3A_443 : vector<1x8x256xi32> to vector<8x256xi32>
    %roll3A_445 = arith.constant 4 : i32
    %roll3A_446 = tpu.dynamic_rotate %squeeze3A_444 by %roll3A_445 dim 0 : vector<8x256xi32>, i32 -> vector<8x256xi32>
    %min3A_447 = arith.minsi %squeeze3A_444, %roll3A_446 : vector<8x256xi32>
    %roll3A_448 = arith.constant 2 : i32
    %roll3A_449 = tpu.dynamic_rotate %min3A_447 by %roll3A_448 dim 0 : vector<8x256xi32>, i32 -> vector<8x256xi32>
    %min3A_450 = arith.minsi %min3A_447, %roll3A_449 : vector<8x256xi32>
    %roll3A_451 = arith.constant 1 : i32
    %roll3A_452 = tpu.dynamic_rotate %min3A_450 by %roll3A_451 dim 0 : vector<8x256xi32>, i32 -> vector<8x256xi32>
    %min3A_453 = arith.minsi %min3A_450, %roll3A_452 : vector<8x256xi32>
    %slice3A_454 = vector.extract_strided_slice %min3A_419 {offsets = [0, 0], sizes = [1, 256], strides = [1, 1]} : vector<8x256xf32> to vector<1x256xf32>
    %squeeze3A_455 = vector.shape_cast %slice3A_454 : vector<1x256xf32> to vector<256xf32>
    %slice3A_456 = vector.extract_strided_slice %min3A_453 {offsets = [0, 0], sizes = [1, 256], strides = [1, 1]} : vector<8x256xi32> to vector<1x256xi32>
    %squeeze3A_457 = vector.shape_cast %slice3A_456 : vector<1x256xi32> to vector<256xi32>
    %add3A_458 = vector.broadcast %mul3A_23 : i32 to vector<256xi32>
    %add3A_459 = arith.addi %squeeze3A_457, %add3A_458 : vector<256xi32>
    %broadcast_in_dim3A_460 = vector.shape_cast %min3A_453 : vector<8x256xi32> to vector<1x8x256xi32>
    %eq3A_461 = vector.broadcast %broadcast_in_dim3A_460 : vector<1x8x256xi32> to vector<64x8x256xi32>
    %eq3A_462 = arith.cmpi eq, %add3A_28, %eq3A_461 : vector<64x8x256xi32>
    %jit3A_463 = arith.constant 0x7F800000 : f32
    %broadcast_in_dim3A_464 = vector.broadcast %jit3A_463 : f32 to vector<64x8x256xf32>
    %select_n3A_465 = arith.select %eq3A_462, %broadcast_in_dim3A_464, %select_n3A_391 : vector<64x8x256xi1>, vector<64x8x256xf32>
    %slice3A_466 = vector.extract_strided_slice %select_n3A_465 {offsets = [0, 0, 0], sizes = [32, 8, 256], strides = [1, 1, 1]} : vector<64x8x256xf32> to vector<32x8x256xf32>
    %slice3A_467 = vector.extract_strided_slice %select_n3A_465 {offsets = [32, 0, 0], sizes = [32, 8, 256], strides = [1, 1, 1]} : vector<64x8x256xf32> to vector<32x8x256xf32>
    %min3A_468 = arith.minimumf %slice3A_466, %slice3A_467 : vector<32x8x256xf32>
    %slice3A_469 = vector.extract_strided_slice %min3A_468 {offsets = [0, 0, 0], sizes = [16, 8, 256], strides = [1, 1, 1]} : vector<32x8x256xf32> to vector<16x8x256xf32>
    %slice3A_470 = vector.extract_strided_slice %min3A_468 {offsets = [16, 0, 0], sizes = [16, 8, 256], strides = [1, 1, 1]} : vector<32x8x256xf32> to vector<16x8x256xf32>
    %min3A_471 = arith.minimumf %slice3A_469, %slice3A_470 : vector<16x8x256xf32>
    %slice3A_472 = vector.extract_strided_slice %min3A_471 {offsets = [0, 0, 0], sizes = [8, 8, 256], strides = [1, 1, 1]} : vector<16x8x256xf32> to vector<8x8x256xf32>
    %slice3A_473 = vector.extract_strided_slice %min3A_471 {offsets = [8, 0, 0], sizes = [8, 8, 256], strides = [1, 1, 1]} : vector<16x8x256xf32> to vector<8x8x256xf32>
    %min3A_474 = arith.minimumf %slice3A_472, %slice3A_473 : vector<8x8x256xf32>
    %slice3A_475 = vector.extract_strided_slice %min3A_474 {offsets = [0, 0, 0], sizes = [4, 8, 256], strides = [1, 1, 1]} : vector<8x8x256xf32> to vector<4x8x256xf32>
    %slice3A_476 = vector.extract_strided_slice %min3A_474 {offsets = [4, 0, 0], sizes = [4, 8, 256], strides = [1, 1, 1]} : vector<8x8x256xf32> to vector<4x8x256xf32>
    %min3A_477 = arith.minimumf %slice3A_475, %slice3A_476 : vector<4x8x256xf32>
    %slice3A_478 = vector.extract_strided_slice %min3A_477 {offsets = [0, 0, 0], sizes = [2, 8, 256], strides = [1, 1, 1]} : vector<4x8x256xf32> to vector<2x8x256xf32>
    %slice3A_479 = vector.extract_strided_slice %min3A_477 {offsets = [2, 0, 0], sizes = [2, 8, 256], strides = [1, 1, 1]} : vector<4x8x256xf32> to vector<2x8x256xf32>
    %min3A_480 = arith.minimumf %slice3A_478, %slice3A_479 : vector<2x8x256xf32>
    %slice3A_481 = vector.extract_strided_slice %min3A_480 {offsets = [0, 0, 0], sizes = [1, 8, 256], strides = [1, 1, 1]} : vector<2x8x256xf32> to vector<1x8x256xf32>
    %slice3A_482 = vector.extract_strided_slice %min3A_480 {offsets = [1, 0, 0], sizes = [1, 8, 256], strides = [1, 1, 1]} : vector<2x8x256xf32> to vector<1x8x256xf32>
    %min3A_483 = arith.minimumf %slice3A_481, %slice3A_482 : vector<1x8x256xf32>
    %squeeze3A_484 = vector.shape_cast %min3A_483 : vector<1x8x256xf32> to vector<8x256xf32>
    %roll3A_485 = arith.constant 4 : i32
    %roll3A_486 = tpu.dynamic_rotate %squeeze3A_484 by %roll3A_485 dim 0 : vector<8x256xf32>, i32 -> vector<8x256xf32>
    %min3A_487 = arith.minimumf %squeeze3A_484, %roll3A_486 : vector<8x256xf32>
    %roll3A_488 = arith.constant 2 : i32
    %roll3A_489 = tpu.dynamic_rotate %min3A_487 by %roll3A_488 dim 0 : vector<8x256xf32>, i32 -> vector<8x256xf32>
    %min3A_490 = arith.minimumf %min3A_487, %roll3A_489 : vector<8x256xf32>
    %roll3A_491 = arith.constant 1 : i32
    %roll3A_492 = tpu.dynamic_rotate %min3A_490 by %roll3A_491 dim 0 : vector<8x256xf32>, i32 -> vector<8x256xf32>
    %min3A_493 = arith.minimumf %min3A_490, %roll3A_492 : vector<8x256xf32>
    %broadcast_in_dim3A_494 = vector.shape_cast %min3A_493 : vector<8x256xf32> to vector<1x8x256xf32>
    %eq3A_495 = vector.broadcast %broadcast_in_dim3A_494 : vector<1x8x256xf32> to vector<64x8x256xf32>
    %eq3A_496 = arith.cmpf oeq, %select_n3A_465, %eq3A_495 : vector<64x8x256xf32>
    %jit3A_497 = arith.constant 512 : i32
    %broadcast_in_dim3A_498 = vector.broadcast %jit3A_497 : i32 to vector<64x8x256xi32>
    %select_n3A_499 = arith.select %eq3A_496, %add3A_28, %broadcast_in_dim3A_498 : vector<64x8x256xi1>, vector<64x8x256xi32>
    %slice3A_500 = vector.extract_strided_slice %select_n3A_499 {offsets = [0, 0, 0], sizes = [32, 8, 256], strides = [1, 1, 1]} : vector<64x8x256xi32> to vector<32x8x256xi32>
    %slice3A_501 = vector.extract_strided_slice %select_n3A_499 {offsets = [32, 0, 0], sizes = [32, 8, 256], strides = [1, 1, 1]} : vector<64x8x256xi32> to vector<32x8x256xi32>
    %min3A_502 = arith.minsi %slice3A_500, %slice3A_501 : vector<32x8x256xi32>
    %slice3A_503 = vector.extract_strided_slice %min3A_502 {offsets = [0, 0, 0], sizes = [16, 8, 256], strides = [1, 1, 1]} : vector<32x8x256xi32> to vector<16x8x256xi32>
    %slice3A_504 = vector.extract_strided_slice %min3A_502 {offsets = [16, 0, 0], sizes = [16, 8, 256], strides = [1, 1, 1]} : vector<32x8x256xi32> to vector<16x8x256xi32>
    %min3A_505 = arith.minsi %slice3A_503, %slice3A_504 : vector<16x8x256xi32>
    %slice3A_506 = vector.extract_strided_slice %min3A_505 {offsets = [0, 0, 0], sizes = [8, 8, 256], strides = [1, 1, 1]} : vector<16x8x256xi32> to vector<8x8x256xi32>
    %slice3A_507 = vector.extract_strided_slice %min3A_505 {offsets = [8, 0, 0], sizes = [8, 8, 256], strides = [1, 1, 1]} : vector<16x8x256xi32> to vector<8x8x256xi32>
    %min3A_508 = arith.minsi %slice3A_506, %slice3A_507 : vector<8x8x256xi32>
    %slice3A_509 = vector.extract_strided_slice %min3A_508 {offsets = [0, 0, 0], sizes = [4, 8, 256], strides = [1, 1, 1]} : vector<8x8x256xi32> to vector<4x8x256xi32>
    %slice3A_510 = vector.extract_strided_slice %min3A_508 {offsets = [4, 0, 0], sizes = [4, 8, 256], strides = [1, 1, 1]} : vector<8x8x256xi32> to vector<4x8x256xi32>
    %min3A_511 = arith.minsi %slice3A_509, %slice3A_510 : vector<4x8x256xi32>
    %slice3A_512 = vector.extract_strided_slice %min3A_511 {offsets = [0, 0, 0], sizes = [2, 8, 256], strides = [1, 1, 1]} : vector<4x8x256xi32> to vector<2x8x256xi32>
    %slice3A_513 = vector.extract_strided_slice %min3A_511 {offsets = [2, 0, 0], sizes = [2, 8, 256], strides = [1, 1, 1]} : vector<4x8x256xi32> to vector<2x8x256xi32>
    %min3A_514 = arith.minsi %slice3A_512, %slice3A_513 : vector<2x8x256xi32>
    %slice3A_515 = vector.extract_strided_slice %min3A_514 {offsets = [0, 0, 0], sizes = [1, 8, 256], strides = [1, 1, 1]} : vector<2x8x256xi32> to vector<1x8x256xi32>
    %slice3A_516 = vector.extract_strided_slice %min3A_514 {offsets = [1, 0, 0], sizes = [1, 8, 256], strides = [1, 1, 1]} : vector<2x8x256xi32> to vector<1x8x256xi32>
    %min3A_517 = arith.minsi %slice3A_515, %slice3A_516 : vector<1x8x256xi32>
    %squeeze3A_518 = vector.shape_cast %min3A_517 : vector<1x8x256xi32> to vector<8x256xi32>
    %roll3A_519 = arith.constant 4 : i32
    %roll3A_520 = tpu.dynamic_rotate %squeeze3A_518 by %roll3A_519 dim 0 : vector<8x256xi32>, i32 -> vector<8x256xi32>
    %min3A_521 = arith.minsi %squeeze3A_518, %roll3A_520 : vector<8x256xi32>
    %roll3A_522 = arith.constant 2 : i32
    %roll3A_523 = tpu.dynamic_rotate %min3A_521 by %roll3A_522 dim 0 : vector<8x256xi32>, i32 -> vector<8x256xi32>
    %min3A_524 = arith.minsi %min3A_521, %roll3A_523 : vector<8x256xi32>
    %roll3A_525 = arith.constant 1 : i32
    %roll3A_526 = tpu.dynamic_rotate %min3A_524 by %roll3A_525 dim 0 : vector<8x256xi32>, i32 -> vector<8x256xi32>
    %min3A_527 = arith.minsi %min3A_524, %roll3A_526 : vector<8x256xi32>
    %slice3A_528 = vector.extract_strided_slice %min3A_493 {offsets = [0, 0], sizes = [1, 256], strides = [1, 1]} : vector<8x256xf32> to vector<1x256xf32>
    %squeeze3A_529 = vector.shape_cast %slice3A_528 : vector<1x256xf32> to vector<256xf32>
    %slice3A_530 = vector.extract_strided_slice %min3A_527 {offsets = [0, 0], sizes = [1, 256], strides = [1, 1]} : vector<8x256xi32> to vector<1x256xi32>
    %squeeze3A_531 = vector.shape_cast %slice3A_530 : vector<1x256xi32> to vector<256xi32>
    %add3A_532 = vector.broadcast %mul3A_23 : i32 to vector<256xi32>
    %add3A_533 = arith.addi %squeeze3A_531, %add3A_532 : vector<256xi32>
    %broadcast_in_dim3A_534 = vector.shape_cast %min3A_527 : vector<8x256xi32> to vector<1x8x256xi32>
    %eq3A_535 = vector.broadcast %broadcast_in_dim3A_534 : vector<1x8x256xi32> to vector<64x8x256xi32>
    %eq3A_536 = arith.cmpi eq, %add3A_28, %eq3A_535 : vector<64x8x256xi32>
    %jit3A_537 = arith.constant 0x7F800000 : f32
    %broadcast_in_dim3A_538 = vector.broadcast %jit3A_537 : f32 to vector<64x8x256xf32>
    %select_n3A_539 = arith.select %eq3A_536, %broadcast_in_dim3A_538, %select_n3A_465 : vector<64x8x256xi1>, vector<64x8x256xf32>
    %slice3A_540 = vector.extract_strided_slice %select_n3A_539 {offsets = [0, 0, 0], sizes = [32, 8, 256], strides = [1, 1, 1]} : vector<64x8x256xf32> to vector<32x8x256xf32>
    %slice3A_541 = vector.extract_strided_slice %select_n3A_539 {offsets = [32, 0, 0], sizes = [32, 8, 256], strides = [1, 1, 1]} : vector<64x8x256xf32> to vector<32x8x256xf32>
    %min3A_542 = arith.minimumf %slice3A_540, %slice3A_541 : vector<32x8x256xf32>
    %slice3A_543 = vector.extract_strided_slice %min3A_542 {offsets = [0, 0, 0], sizes = [16, 8, 256], strides = [1, 1, 1]} : vector<32x8x256xf32> to vector<16x8x256xf32>
    %slice3A_544 = vector.extract_strided_slice %min3A_542 {offsets = [16, 0, 0], sizes = [16, 8, 256], strides = [1, 1, 1]} : vector<32x8x256xf32> to vector<16x8x256xf32>
    %min3A_545 = arith.minimumf %slice3A_543, %slice3A_544 : vector<16x8x256xf32>
    %slice3A_546 = vector.extract_strided_slice %min3A_545 {offsets = [0, 0, 0], sizes = [8, 8, 256], strides = [1, 1, 1]} : vector<16x8x256xf32> to vector<8x8x256xf32>
    %slice3A_547 = vector.extract_strided_slice %min3A_545 {offsets = [8, 0, 0], sizes = [8, 8, 256], strides = [1, 1, 1]} : vector<16x8x256xf32> to vector<8x8x256xf32>
    %min3A_548 = arith.minimumf %slice3A_546, %slice3A_547 : vector<8x8x256xf32>
    %slice3A_549 = vector.extract_strided_slice %min3A_548 {offsets = [0, 0, 0], sizes = [4, 8, 256], strides = [1, 1, 1]} : vector<8x8x256xf32> to vector<4x8x256xf32>
    %slice3A_550 = vector.extract_strided_slice %min3A_548 {offsets = [4, 0, 0], sizes = [4, 8, 256], strides = [1, 1, 1]} : vector<8x8x256xf32> to vector<4x8x256xf32>
    %min3A_551 = arith.minimumf %slice3A_549, %slice3A_550 : vector<4x8x256xf32>
    %slice3A_552 = vector.extract_strided_slice %min3A_551 {offsets = [0, 0, 0], sizes = [2, 8, 256], strides = [1, 1, 1]} : vector<4x8x256xf32> to vector<2x8x256xf32>
    %slice3A_553 = vector.extract_strided_slice %min3A_551 {offsets = [2, 0, 0], sizes = [2, 8, 256], strides = [1, 1, 1]} : vector<4x8x256xf32> to vector<2x8x256xf32>
    %min3A_554 = arith.minimumf %slice3A_552, %slice3A_553 : vector<2x8x256xf32>
    %slice3A_555 = vector.extract_strided_slice %min3A_554 {offsets = [0, 0, 0], sizes = [1, 8, 256], strides = [1, 1, 1]} : vector<2x8x256xf32> to vector<1x8x256xf32>
    %slice3A_556 = vector.extract_strided_slice %min3A_554 {offsets = [1, 0, 0], sizes = [1, 8, 256], strides = [1, 1, 1]} : vector<2x8x256xf32> to vector<1x8x256xf32>
    %min3A_557 = arith.minimumf %slice3A_555, %slice3A_556 : vector<1x8x256xf32>
    %squeeze3A_558 = vector.shape_cast %min3A_557 : vector<1x8x256xf32> to vector<8x256xf32>
    %roll3A_559 = arith.constant 4 : i32
    %roll3A_560 = tpu.dynamic_rotate %squeeze3A_558 by %roll3A_559 dim 0 : vector<8x256xf32>, i32 -> vector<8x256xf32>
    %min3A_561 = arith.minimumf %squeeze3A_558, %roll3A_560 : vector<8x256xf32>
    %roll3A_562 = arith.constant 2 : i32
    %roll3A_563 = tpu.dynamic_rotate %min3A_561 by %roll3A_562 dim 0 : vector<8x256xf32>, i32 -> vector<8x256xf32>
    %min3A_564 = arith.minimumf %min3A_561, %roll3A_563 : vector<8x256xf32>
    %roll3A_565 = arith.constant 1 : i32
    %roll3A_566 = tpu.dynamic_rotate %min3A_564 by %roll3A_565 dim 0 : vector<8x256xf32>, i32 -> vector<8x256xf32>
    %min3A_567 = arith.minimumf %min3A_564, %roll3A_566 : vector<8x256xf32>
    %broadcast_in_dim3A_568 = vector.shape_cast %min3A_567 : vector<8x256xf32> to vector<1x8x256xf32>
    %eq3A_569 = vector.broadcast %broadcast_in_dim3A_568 : vector<1x8x256xf32> to vector<64x8x256xf32>
    %eq3A_570 = arith.cmpf oeq, %select_n3A_539, %eq3A_569 : vector<64x8x256xf32>
    %jit3A_571 = arith.constant 512 : i32
    %broadcast_in_dim3A_572 = vector.broadcast %jit3A_571 : i32 to vector<64x8x256xi32>
    %select_n3A_573 = arith.select %eq3A_570, %add3A_28, %broadcast_in_dim3A_572 : vector<64x8x256xi1>, vector<64x8x256xi32>
    %slice3A_574 = vector.extract_strided_slice %select_n3A_573 {offsets = [0, 0, 0], sizes = [32, 8, 256], strides = [1, 1, 1]} : vector<64x8x256xi32> to vector<32x8x256xi32>
    %slice3A_575 = vector.extract_strided_slice %select_n3A_573 {offsets = [32, 0, 0], sizes = [32, 8, 256], strides = [1, 1, 1]} : vector<64x8x256xi32> to vector<32x8x256xi32>
    %min3A_576 = arith.minsi %slice3A_574, %slice3A_575 : vector<32x8x256xi32>
    %slice3A_577 = vector.extract_strided_slice %min3A_576 {offsets = [0, 0, 0], sizes = [16, 8, 256], strides = [1, 1, 1]} : vector<32x8x256xi32> to vector<16x8x256xi32>
    %slice3A_578 = vector.extract_strided_slice %min3A_576 {offsets = [16, 0, 0], sizes = [16, 8, 256], strides = [1, 1, 1]} : vector<32x8x256xi32> to vector<16x8x256xi32>
    %min3A_579 = arith.minsi %slice3A_577, %slice3A_578 : vector<16x8x256xi32>
    %slice3A_580 = vector.extract_strided_slice %min3A_579 {offsets = [0, 0, 0], sizes = [8, 8, 256], strides = [1, 1, 1]} : vector<16x8x256xi32> to vector<8x8x256xi32>
    %slice3A_581 = vector.extract_strided_slice %min3A_579 {offsets = [8, 0, 0], sizes = [8, 8, 256], strides = [1, 1, 1]} : vector<16x8x256xi32> to vector<8x8x256xi32>
    %min3A_582 = arith.minsi %slice3A_580, %slice3A_581 : vector<8x8x256xi32>
    %slice3A_583 = vector.extract_strided_slice %min3A_582 {offsets = [0, 0, 0], sizes = [4, 8, 256], strides = [1, 1, 1]} : vector<8x8x256xi32> to vector<4x8x256xi32>
    %slice3A_584 = vector.extract_strided_slice %min3A_582 {offsets = [4, 0, 0], sizes = [4, 8, 256], strides = [1, 1, 1]} : vector<8x8x256xi32> to vector<4x8x256xi32>
    %min3A_585 = arith.minsi %slice3A_583, %slice3A_584 : vector<4x8x256xi32>
    %slice3A_586 = vector.extract_strided_slice %min3A_585 {offsets = [0, 0, 0], sizes = [2, 8, 256], strides = [1, 1, 1]} : vector<4x8x256xi32> to vector<2x8x256xi32>
    %slice3A_587 = vector.extract_strided_slice %min3A_585 {offsets = [2, 0, 0], sizes = [2, 8, 256], strides = [1, 1, 1]} : vector<4x8x256xi32> to vector<2x8x256xi32>
    %min3A_588 = arith.minsi %slice3A_586, %slice3A_587 : vector<2x8x256xi32>
    %slice3A_589 = vector.extract_strided_slice %min3A_588 {offsets = [0, 0, 0], sizes = [1, 8, 256], strides = [1, 1, 1]} : vector<2x8x256xi32> to vector<1x8x256xi32>
    %slice3A_590 = vector.extract_strided_slice %min3A_588 {offsets = [1, 0, 0], sizes = [1, 8, 256], strides = [1, 1, 1]} : vector<2x8x256xi32> to vector<1x8x256xi32>
    %min3A_591 = arith.minsi %slice3A_589, %slice3A_590 : vector<1x8x256xi32>
    %squeeze3A_592 = vector.shape_cast %min3A_591 : vector<1x8x256xi32> to vector<8x256xi32>
    %roll3A_593 = arith.constant 4 : i32
    %roll3A_594 = tpu.dynamic_rotate %squeeze3A_592 by %roll3A_593 dim 0 : vector<8x256xi32>, i32 -> vector<8x256xi32>
    %min3A_595 = arith.minsi %squeeze3A_592, %roll3A_594 : vector<8x256xi32>
    %roll3A_596 = arith.constant 2 : i32
    %roll3A_597 = tpu.dynamic_rotate %min3A_595 by %roll3A_596 dim 0 : vector<8x256xi32>, i32 -> vector<8x256xi32>
    %min3A_598 = arith.minsi %min3A_595, %roll3A_597 : vector<8x256xi32>
    %roll3A_599 = arith.constant 1 : i32
    %roll3A_600 = tpu.dynamic_rotate %min3A_598 by %roll3A_599 dim 0 : vector<8x256xi32>, i32 -> vector<8x256xi32>
    %min3A_601 = arith.minsi %min3A_598, %roll3A_600 : vector<8x256xi32>
    %slice3A_602 = vector.extract_strided_slice %min3A_567 {offsets = [0, 0], sizes = [1, 256], strides = [1, 1]} : vector<8x256xf32> to vector<1x256xf32>
    %squeeze3A_603 = vector.shape_cast %slice3A_602 : vector<1x256xf32> to vector<256xf32>
    %slice3A_604 = vector.extract_strided_slice %min3A_601 {offsets = [0, 0], sizes = [1, 256], strides = [1, 1]} : vector<8x256xi32> to vector<1x256xi32>
    %squeeze3A_605 = vector.shape_cast %slice3A_604 : vector<1x256xi32> to vector<256xi32>
    %add3A_606 = vector.broadcast %mul3A_23 : i32 to vector<256xi32>
    %add3A_607 = arith.addi %squeeze3A_605, %add3A_606 : vector<256xi32>
    %broadcast_in_dim3A_608 = vector.shape_cast %min3A_601 : vector<8x256xi32> to vector<1x8x256xi32>
    %eq3A_609 = vector.broadcast %broadcast_in_dim3A_608 : vector<1x8x256xi32> to vector<64x8x256xi32>
    %eq3A_610 = arith.cmpi eq, %add3A_28, %eq3A_609 : vector<64x8x256xi32>
    %jit3A_611 = arith.constant 0x7F800000 : f32
    %broadcast_in_dim3A_612 = vector.broadcast %jit3A_611 : f32 to vector<64x8x256xf32>
    %select_n3A_613 = arith.select %eq3A_610, %broadcast_in_dim3A_612, %select_n3A_539 : vector<64x8x256xi1>, vector<64x8x256xf32>
    %slice3A_614 = vector.extract_strided_slice %select_n3A_613 {offsets = [0, 0, 0], sizes = [32, 8, 256], strides = [1, 1, 1]} : vector<64x8x256xf32> to vector<32x8x256xf32>
    %slice3A_615 = vector.extract_strided_slice %select_n3A_613 {offsets = [32, 0, 0], sizes = [32, 8, 256], strides = [1, 1, 1]} : vector<64x8x256xf32> to vector<32x8x256xf32>
    %min3A_616 = arith.minimumf %slice3A_614, %slice3A_615 : vector<32x8x256xf32>
    %slice3A_617 = vector.extract_strided_slice %min3A_616 {offsets = [0, 0, 0], sizes = [16, 8, 256], strides = [1, 1, 1]} : vector<32x8x256xf32> to vector<16x8x256xf32>
    %slice3A_618 = vector.extract_strided_slice %min3A_616 {offsets = [16, 0, 0], sizes = [16, 8, 256], strides = [1, 1, 1]} : vector<32x8x256xf32> to vector<16x8x256xf32>
    %min3A_619 = arith.minimumf %slice3A_617, %slice3A_618 : vector<16x8x256xf32>
    %slice3A_620 = vector.extract_strided_slice %min3A_619 {offsets = [0, 0, 0], sizes = [8, 8, 256], strides = [1, 1, 1]} : vector<16x8x256xf32> to vector<8x8x256xf32>
    %slice3A_621 = vector.extract_strided_slice %min3A_619 {offsets = [8, 0, 0], sizes = [8, 8, 256], strides = [1, 1, 1]} : vector<16x8x256xf32> to vector<8x8x256xf32>
    %min3A_622 = arith.minimumf %slice3A_620, %slice3A_621 : vector<8x8x256xf32>
    %slice3A_623 = vector.extract_strided_slice %min3A_622 {offsets = [0, 0, 0], sizes = [4, 8, 256], strides = [1, 1, 1]} : vector<8x8x256xf32> to vector<4x8x256xf32>
    %slice3A_624 = vector.extract_strided_slice %min3A_622 {offsets = [4, 0, 0], sizes = [4, 8, 256], strides = [1, 1, 1]} : vector<8x8x256xf32> to vector<4x8x256xf32>
    %min3A_625 = arith.minimumf %slice3A_623, %slice3A_624 : vector<4x8x256xf32>
    %slice3A_626 = vector.extract_strided_slice %min3A_625 {offsets = [0, 0, 0], sizes = [2, 8, 256], strides = [1, 1, 1]} : vector<4x8x256xf32> to vector<2x8x256xf32>
    %slice3A_627 = vector.extract_strided_slice %min3A_625 {offsets = [2, 0, 0], sizes = [2, 8, 256], strides = [1, 1, 1]} : vector<4x8x256xf32> to vector<2x8x256xf32>
    %min3A_628 = arith.minimumf %slice3A_626, %slice3A_627 : vector<2x8x256xf32>
    %slice3A_629 = vector.extract_strided_slice %min3A_628 {offsets = [0, 0, 0], sizes = [1, 8, 256], strides = [1, 1, 1]} : vector<2x8x256xf32> to vector<1x8x256xf32>
    %slice3A_630 = vector.extract_strided_slice %min3A_628 {offsets = [1, 0, 0], sizes = [1, 8, 256], strides = [1, 1, 1]} : vector<2x8x256xf32> to vector<1x8x256xf32>
    %min3A_631 = arith.minimumf %slice3A_629, %slice3A_630 : vector<1x8x256xf32>
    %squeeze3A_632 = vector.shape_cast %min3A_631 : vector<1x8x256xf32> to vector<8x256xf32>
    %roll3A_633 = arith.constant 4 : i32
    %roll3A_634 = tpu.dynamic_rotate %squeeze3A_632 by %roll3A_633 dim 0 : vector<8x256xf32>, i32 -> vector<8x256xf32>
    %min3A_635 = arith.minimumf %squeeze3A_632, %roll3A_634 : vector<8x256xf32>
    %roll3A_636 = arith.constant 2 : i32
    %roll3A_637 = tpu.dynamic_rotate %min3A_635 by %roll3A_636 dim 0 : vector<8x256xf32>, i32 -> vector<8x256xf32>
    %min3A_638 = arith.minimumf %min3A_635, %roll3A_637 : vector<8x256xf32>
    %roll3A_639 = arith.constant 1 : i32
    %roll3A_640 = tpu.dynamic_rotate %min3A_638 by %roll3A_639 dim 0 : vector<8x256xf32>, i32 -> vector<8x256xf32>
    %min3A_641 = arith.minimumf %min3A_638, %roll3A_640 : vector<8x256xf32>
    %broadcast_in_dim3A_642 = vector.shape_cast %min3A_641 : vector<8x256xf32> to vector<1x8x256xf32>
    %eq3A_643 = vector.broadcast %broadcast_in_dim3A_642 : vector<1x8x256xf32> to vector<64x8x256xf32>
    %eq3A_644 = arith.cmpf oeq, %select_n3A_613, %eq3A_643 : vector<64x8x256xf32>
    %jit3A_645 = arith.constant 512 : i32
    %broadcast_in_dim3A_646 = vector.broadcast %jit3A_645 : i32 to vector<64x8x256xi32>
    %select_n3A_647 = arith.select %eq3A_644, %add3A_28, %broadcast_in_dim3A_646 : vector<64x8x256xi1>, vector<64x8x256xi32>
    %slice3A_648 = vector.extract_strided_slice %select_n3A_647 {offsets = [0, 0, 0], sizes = [32, 8, 256], strides = [1, 1, 1]} : vector<64x8x256xi32> to vector<32x8x256xi32>
    %slice3A_649 = vector.extract_strided_slice %select_n3A_647 {offsets = [32, 0, 0], sizes = [32, 8, 256], strides = [1, 1, 1]} : vector<64x8x256xi32> to vector<32x8x256xi32>
    %min3A_650 = arith.minsi %slice3A_648, %slice3A_649 : vector<32x8x256xi32>
    %slice3A_651 = vector.extract_strided_slice %min3A_650 {offsets = [0, 0, 0], sizes = [16, 8, 256], strides = [1, 1, 1]} : vector<32x8x256xi32> to vector<16x8x256xi32>
    %slice3A_652 = vector.extract_strided_slice %min3A_650 {offsets = [16, 0, 0], sizes = [16, 8, 256], strides = [1, 1, 1]} : vector<32x8x256xi32> to vector<16x8x256xi32>
    %min3A_653 = arith.minsi %slice3A_651, %slice3A_652 : vector<16x8x256xi32>
    %slice3A_654 = vector.extract_strided_slice %min3A_653 {offsets = [0, 0, 0], sizes = [8, 8, 256], strides = [1, 1, 1]} : vector<16x8x256xi32> to vector<8x8x256xi32>
    %slice3A_655 = vector.extract_strided_slice %min3A_653 {offsets = [8, 0, 0], sizes = [8, 8, 256], strides = [1, 1, 1]} : vector<16x8x256xi32> to vector<8x8x256xi32>
    %min3A_656 = arith.minsi %slice3A_654, %slice3A_655 : vector<8x8x256xi32>
    %slice3A_657 = vector.extract_strided_slice %min3A_656 {offsets = [0, 0, 0], sizes = [4, 8, 256], strides = [1, 1, 1]} : vector<8x8x256xi32> to vector<4x8x256xi32>
    %slice3A_658 = vector.extract_strided_slice %min3A_656 {offsets = [4, 0, 0], sizes = [4, 8, 256], strides = [1, 1, 1]} : vector<8x8x256xi32> to vector<4x8x256xi32>
    %min3A_659 = arith.minsi %slice3A_657, %slice3A_658 : vector<4x8x256xi32>
    %slice3A_660 = vector.extract_strided_slice %min3A_659 {offsets = [0, 0, 0], sizes = [2, 8, 256], strides = [1, 1, 1]} : vector<4x8x256xi32> to vector<2x8x256xi32>
    %slice3A_661 = vector.extract_strided_slice %min3A_659 {offsets = [2, 0, 0], sizes = [2, 8, 256], strides = [1, 1, 1]} : vector<4x8x256xi32> to vector<2x8x256xi32>
    %min3A_662 = arith.minsi %slice3A_660, %slice3A_661 : vector<2x8x256xi32>
    %slice3A_663 = vector.extract_strided_slice %min3A_662 {offsets = [0, 0, 0], sizes = [1, 8, 256], strides = [1, 1, 1]} : vector<2x8x256xi32> to vector<1x8x256xi32>
    %slice3A_664 = vector.extract_strided_slice %min3A_662 {offsets = [1, 0, 0], sizes = [1, 8, 256], strides = [1, 1, 1]} : vector<2x8x256xi32> to vector<1x8x256xi32>
    %min3A_665 = arith.minsi %slice3A_663, %slice3A_664 : vector<1x8x256xi32>
    %squeeze3A_666 = vector.shape_cast %min3A_665 : vector<1x8x256xi32> to vector<8x256xi32>
    %roll3A_667 = arith.constant 4 : i32
    %roll3A_668 = tpu.dynamic_rotate %squeeze3A_666 by %roll3A_667 dim 0 : vector<8x256xi32>, i32 -> vector<8x256xi32>
    %min3A_669 = arith.minsi %squeeze3A_666, %roll3A_668 : vector<8x256xi32>
    %roll3A_670 = arith.constant 2 : i32
    %roll3A_671 = tpu.dynamic_rotate %min3A_669 by %roll3A_670 dim 0 : vector<8x256xi32>, i32 -> vector<8x256xi32>
    %min3A_672 = arith.minsi %min3A_669, %roll3A_671 : vector<8x256xi32>
    %roll3A_673 = arith.constant 1 : i32
    %roll3A_674 = tpu.dynamic_rotate %min3A_672 by %roll3A_673 dim 0 : vector<8x256xi32>, i32 -> vector<8x256xi32>
    %min3A_675 = arith.minsi %min3A_672, %roll3A_674 : vector<8x256xi32>
    %slice3A_676 = vector.extract_strided_slice %min3A_641 {offsets = [0, 0], sizes = [1, 256], strides = [1, 1]} : vector<8x256xf32> to vector<1x256xf32>
    %squeeze3A_677 = vector.shape_cast %slice3A_676 : vector<1x256xf32> to vector<256xf32>
    %slice3A_678 = vector.extract_strided_slice %min3A_675 {offsets = [0, 0], sizes = [1, 256], strides = [1, 1]} : vector<8x256xi32> to vector<1x256xi32>
    %squeeze3A_679 = vector.shape_cast %slice3A_678 : vector<1x256xi32> to vector<256xi32>
    %add3A_680 = vector.broadcast %mul3A_23 : i32 to vector<256xi32>
    %add3A_681 = arith.addi %squeeze3A_679, %add3A_680 : vector<256xi32>
    %broadcast_in_dim3A_682 = vector.shape_cast %min3A_675 : vector<8x256xi32> to vector<1x8x256xi32>
    %eq3A_683 = vector.broadcast %broadcast_in_dim3A_682 : vector<1x8x256xi32> to vector<64x8x256xi32>
    %eq3A_684 = arith.cmpi eq, %add3A_28, %eq3A_683 : vector<64x8x256xi32>
    %jit3A_685 = arith.constant 0x7F800000 : f32
    %broadcast_in_dim3A_686 = vector.broadcast %jit3A_685 : f32 to vector<64x8x256xf32>
    %select_n3A_687 = arith.select %eq3A_684, %broadcast_in_dim3A_686, %select_n3A_613 : vector<64x8x256xi1>, vector<64x8x256xf32>
    %slice3A_688 = vector.extract_strided_slice %select_n3A_687 {offsets = [0, 0, 0], sizes = [32, 8, 256], strides = [1, 1, 1]} : vector<64x8x256xf32> to vector<32x8x256xf32>
    %slice3A_689 = vector.extract_strided_slice %select_n3A_687 {offsets = [32, 0, 0], sizes = [32, 8, 256], strides = [1, 1, 1]} : vector<64x8x256xf32> to vector<32x8x256xf32>
    %min3A_690 = arith.minimumf %slice3A_688, %slice3A_689 : vector<32x8x256xf32>
    %slice3A_691 = vector.extract_strided_slice %min3A_690 {offsets = [0, 0, 0], sizes = [16, 8, 256], strides = [1, 1, 1]} : vector<32x8x256xf32> to vector<16x8x256xf32>
    %slice3A_692 = vector.extract_strided_slice %min3A_690 {offsets = [16, 0, 0], sizes = [16, 8, 256], strides = [1, 1, 1]} : vector<32x8x256xf32> to vector<16x8x256xf32>
    %min3A_693 = arith.minimumf %slice3A_691, %slice3A_692 : vector<16x8x256xf32>
    %slice3A_694 = vector.extract_strided_slice %min3A_693 {offsets = [0, 0, 0], sizes = [8, 8, 256], strides = [1, 1, 1]} : vector<16x8x256xf32> to vector<8x8x256xf32>
    %slice3A_695 = vector.extract_strided_slice %min3A_693 {offsets = [8, 0, 0], sizes = [8, 8, 256], strides = [1, 1, 1]} : vector<16x8x256xf32> to vector<8x8x256xf32>
    %min3A_696 = arith.minimumf %slice3A_694, %slice3A_695 : vector<8x8x256xf32>
    %slice3A_697 = vector.extract_strided_slice %min3A_696 {offsets = [0, 0, 0], sizes = [4, 8, 256], strides = [1, 1, 1]} : vector<8x8x256xf32> to vector<4x8x256xf32>
    %slice3A_698 = vector.extract_strided_slice %min3A_696 {offsets = [4, 0, 0], sizes = [4, 8, 256], strides = [1, 1, 1]} : vector<8x8x256xf32> to vector<4x8x256xf32>
    %min3A_699 = arith.minimumf %slice3A_697, %slice3A_698 : vector<4x8x256xf32>
    %slice3A_700 = vector.extract_strided_slice %min3A_699 {offsets = [0, 0, 0], sizes = [2, 8, 256], strides = [1, 1, 1]} : vector<4x8x256xf32> to vector<2x8x256xf32>
    %slice3A_701 = vector.extract_strided_slice %min3A_699 {offsets = [2, 0, 0], sizes = [2, 8, 256], strides = [1, 1, 1]} : vector<4x8x256xf32> to vector<2x8x256xf32>
    %min3A_702 = arith.minimumf %slice3A_700, %slice3A_701 : vector<2x8x256xf32>
    %slice3A_703 = vector.extract_strided_slice %min3A_702 {offsets = [0, 0, 0], sizes = [1, 8, 256], strides = [1, 1, 1]} : vector<2x8x256xf32> to vector<1x8x256xf32>
    %slice3A_704 = vector.extract_strided_slice %min3A_702 {offsets = [1, 0, 0], sizes = [1, 8, 256], strides = [1, 1, 1]} : vector<2x8x256xf32> to vector<1x8x256xf32>
    %min3A_705 = arith.minimumf %slice3A_703, %slice3A_704 : vector<1x8x256xf32>
    %squeeze3A_706 = vector.shape_cast %min3A_705 : vector<1x8x256xf32> to vector<8x256xf32>
    %roll3A_707 = arith.constant 4 : i32
    %roll3A_708 = tpu.dynamic_rotate %squeeze3A_706 by %roll3A_707 dim 0 : vector<8x256xf32>, i32 -> vector<8x256xf32>
    %min3A_709 = arith.minimumf %squeeze3A_706, %roll3A_708 : vector<8x256xf32>
    %roll3A_710 = arith.constant 2 : i32
    %roll3A_711 = tpu.dynamic_rotate %min3A_709 by %roll3A_710 dim 0 : vector<8x256xf32>, i32 -> vector<8x256xf32>
    %min3A_712 = arith.minimumf %min3A_709, %roll3A_711 : vector<8x256xf32>
    %roll3A_713 = arith.constant 1 : i32
    %roll3A_714 = tpu.dynamic_rotate %min3A_712 by %roll3A_713 dim 0 : vector<8x256xf32>, i32 -> vector<8x256xf32>
    %min3A_715 = arith.minimumf %min3A_712, %roll3A_714 : vector<8x256xf32>
    %broadcast_in_dim3A_716 = vector.shape_cast %min3A_715 : vector<8x256xf32> to vector<1x8x256xf32>
    %eq3A_717 = vector.broadcast %broadcast_in_dim3A_716 : vector<1x8x256xf32> to vector<64x8x256xf32>
    %eq3A_718 = arith.cmpf oeq, %select_n3A_687, %eq3A_717 : vector<64x8x256xf32>
    %jit3A_719 = arith.constant 512 : i32
    %broadcast_in_dim3A_720 = vector.broadcast %jit3A_719 : i32 to vector<64x8x256xi32>
    %select_n3A_721 = arith.select %eq3A_718, %add3A_28, %broadcast_in_dim3A_720 : vector<64x8x256xi1>, vector<64x8x256xi32>
    %slice3A_722 = vector.extract_strided_slice %select_n3A_721 {offsets = [0, 0, 0], sizes = [32, 8, 256], strides = [1, 1, 1]} : vector<64x8x256xi32> to vector<32x8x256xi32>
    %slice3A_723 = vector.extract_strided_slice %select_n3A_721 {offsets = [32, 0, 0], sizes = [32, 8, 256], strides = [1, 1, 1]} : vector<64x8x256xi32> to vector<32x8x256xi32>
    %min3A_724 = arith.minsi %slice3A_722, %slice3A_723 : vector<32x8x256xi32>
    %slice3A_725 = vector.extract_strided_slice %min3A_724 {offsets = [0, 0, 0], sizes = [16, 8, 256], strides = [1, 1, 1]} : vector<32x8x256xi32> to vector<16x8x256xi32>
    %slice3A_726 = vector.extract_strided_slice %min3A_724 {offsets = [16, 0, 0], sizes = [16, 8, 256], strides = [1, 1, 1]} : vector<32x8x256xi32> to vector<16x8x256xi32>
    %min3A_727 = arith.minsi %slice3A_725, %slice3A_726 : vector<16x8x256xi32>
    %slice3A_728 = vector.extract_strided_slice %min3A_727 {offsets = [0, 0, 0], sizes = [8, 8, 256], strides = [1, 1, 1]} : vector<16x8x256xi32> to vector<8x8x256xi32>
    %slice3A_729 = vector.extract_strided_slice %min3A_727 {offsets = [8, 0, 0], sizes = [8, 8, 256], strides = [1, 1, 1]} : vector<16x8x256xi32> to vector<8x8x256xi32>
    %min3A_730 = arith.minsi %slice3A_728, %slice3A_729 : vector<8x8x256xi32>
    %slice3A_731 = vector.extract_strided_slice %min3A_730 {offsets = [0, 0, 0], sizes = [4, 8, 256], strides = [1, 1, 1]} : vector<8x8x256xi32> to vector<4x8x256xi32>
    %slice3A_732 = vector.extract_strided_slice %min3A_730 {offsets = [4, 0, 0], sizes = [4, 8, 256], strides = [1, 1, 1]} : vector<8x8x256xi32> to vector<4x8x256xi32>
    %min3A_733 = arith.minsi %slice3A_731, %slice3A_732 : vector<4x8x256xi32>
    %slice3A_734 = vector.extract_strided_slice %min3A_733 {offsets = [0, 0, 0], sizes = [2, 8, 256], strides = [1, 1, 1]} : vector<4x8x256xi32> to vector<2x8x256xi32>
    %slice3A_735 = vector.extract_strided_slice %min3A_733 {offsets = [2, 0, 0], sizes = [2, 8, 256], strides = [1, 1, 1]} : vector<4x8x256xi32> to vector<2x8x256xi32>
    %min3A_736 = arith.minsi %slice3A_734, %slice3A_735 : vector<2x8x256xi32>
    %slice3A_737 = vector.extract_strided_slice %min3A_736 {offsets = [0, 0, 0], sizes = [1, 8, 256], strides = [1, 1, 1]} : vector<2x8x256xi32> to vector<1x8x256xi32>
    %slice3A_738 = vector.extract_strided_slice %min3A_736 {offsets = [1, 0, 0], sizes = [1, 8, 256], strides = [1, 1, 1]} : vector<2x8x256xi32> to vector<1x8x256xi32>
    %min3A_739 = arith.minsi %slice3A_737, %slice3A_738 : vector<1x8x256xi32>
    %squeeze3A_740 = vector.shape_cast %min3A_739 : vector<1x8x256xi32> to vector<8x256xi32>
    %roll3A_741 = arith.constant 4 : i32
    %roll3A_742 = tpu.dynamic_rotate %squeeze3A_740 by %roll3A_741 dim 0 : vector<8x256xi32>, i32 -> vector<8x256xi32>
    %min3A_743 = arith.minsi %squeeze3A_740, %roll3A_742 : vector<8x256xi32>
    %roll3A_744 = arith.constant 2 : i32
    %roll3A_745 = tpu.dynamic_rotate %min3A_743 by %roll3A_744 dim 0 : vector<8x256xi32>, i32 -> vector<8x256xi32>
    %min3A_746 = arith.minsi %min3A_743, %roll3A_745 : vector<8x256xi32>
    %roll3A_747 = arith.constant 1 : i32
    %roll3A_748 = tpu.dynamic_rotate %min3A_746 by %roll3A_747 dim 0 : vector<8x256xi32>, i32 -> vector<8x256xi32>
    %min3A_749 = arith.minsi %min3A_746, %roll3A_748 : vector<8x256xi32>
    %slice3A_750 = vector.extract_strided_slice %min3A_715 {offsets = [0, 0], sizes = [1, 256], strides = [1, 1]} : vector<8x256xf32> to vector<1x256xf32>
    %squeeze3A_751 = vector.shape_cast %slice3A_750 : vector<1x256xf32> to vector<256xf32>
    %slice3A_752 = vector.extract_strided_slice %min3A_749 {offsets = [0, 0], sizes = [1, 256], strides = [1, 1]} : vector<8x256xi32> to vector<1x256xi32>
    %squeeze3A_753 = vector.shape_cast %slice3A_752 : vector<1x256xi32> to vector<256xi32>
    %add3A_754 = vector.broadcast %mul3A_23 : i32 to vector<256xi32>
    %add3A_755 = arith.addi %squeeze3A_753, %add3A_754 : vector<256xi32>
    %broadcast_in_dim3A_756 = vector.shape_cast %min3A_749 : vector<8x256xi32> to vector<1x8x256xi32>
    %eq3A_757 = vector.broadcast %broadcast_in_dim3A_756 : vector<1x8x256xi32> to vector<64x8x256xi32>
    %eq3A_758 = arith.cmpi eq, %add3A_28, %eq3A_757 : vector<64x8x256xi32>
    %jit3A_759 = arith.constant 0x7F800000 : f32
    %broadcast_in_dim3A_760 = vector.broadcast %jit3A_759 : f32 to vector<64x8x256xf32>
    %select_n3A_761 = arith.select %eq3A_758, %broadcast_in_dim3A_760, %select_n3A_687 : vector<64x8x256xi1>, vector<64x8x256xf32>
    %slice3A_762 = vector.extract_strided_slice %select_n3A_761 {offsets = [0, 0, 0], sizes = [32, 8, 256], strides = [1, 1, 1]} : vector<64x8x256xf32> to vector<32x8x256xf32>
    %slice3A_763 = vector.extract_strided_slice %select_n3A_761 {offsets = [32, 0, 0], sizes = [32, 8, 256], strides = [1, 1, 1]} : vector<64x8x256xf32> to vector<32x8x256xf32>
    %min3A_764 = arith.minimumf %slice3A_762, %slice3A_763 : vector<32x8x256xf32>
    %slice3A_765 = vector.extract_strided_slice %min3A_764 {offsets = [0, 0, 0], sizes = [16, 8, 256], strides = [1, 1, 1]} : vector<32x8x256xf32> to vector<16x8x256xf32>
    %slice3A_766 = vector.extract_strided_slice %min3A_764 {offsets = [16, 0, 0], sizes = [16, 8, 256], strides = [1, 1, 1]} : vector<32x8x256xf32> to vector<16x8x256xf32>
    %min3A_767 = arith.minimumf %slice3A_765, %slice3A_766 : vector<16x8x256xf32>
    %slice3A_768 = vector.extract_strided_slice %min3A_767 {offsets = [0, 0, 0], sizes = [8, 8, 256], strides = [1, 1, 1]} : vector<16x8x256xf32> to vector<8x8x256xf32>
    %slice3A_769 = vector.extract_strided_slice %min3A_767 {offsets = [8, 0, 0], sizes = [8, 8, 256], strides = [1, 1, 1]} : vector<16x8x256xf32> to vector<8x8x256xf32>
    %min3A_770 = arith.minimumf %slice3A_768, %slice3A_769 : vector<8x8x256xf32>
    %slice3A_771 = vector.extract_strided_slice %min3A_770 {offsets = [0, 0, 0], sizes = [4, 8, 256], strides = [1, 1, 1]} : vector<8x8x256xf32> to vector<4x8x256xf32>
    %slice3A_772 = vector.extract_strided_slice %min3A_770 {offsets = [4, 0, 0], sizes = [4, 8, 256], strides = [1, 1, 1]} : vector<8x8x256xf32> to vector<4x8x256xf32>
    %min3A_773 = arith.minimumf %slice3A_771, %slice3A_772 : vector<4x8x256xf32>
    %slice3A_774 = vector.extract_strided_slice %min3A_773 {offsets = [0, 0, 0], sizes = [2, 8, 256], strides = [1, 1, 1]} : vector<4x8x256xf32> to vector<2x8x256xf32>
    %slice3A_775 = vector.extract_strided_slice %min3A_773 {offsets = [2, 0, 0], sizes = [2, 8, 256], strides = [1, 1, 1]} : vector<4x8x256xf32> to vector<2x8x256xf32>
    %min3A_776 = arith.minimumf %slice3A_774, %slice3A_775 : vector<2x8x256xf32>
    %slice3A_777 = vector.extract_strided_slice %min3A_776 {offsets = [0, 0, 0], sizes = [1, 8, 256], strides = [1, 1, 1]} : vector<2x8x256xf32> to vector<1x8x256xf32>
    %slice3A_778 = vector.extract_strided_slice %min3A_776 {offsets = [1, 0, 0], sizes = [1, 8, 256], strides = [1, 1, 1]} : vector<2x8x256xf32> to vector<1x8x256xf32>
    %min3A_779 = arith.minimumf %slice3A_777, %slice3A_778 : vector<1x8x256xf32>
    %squeeze3A_780 = vector.shape_cast %min3A_779 : vector<1x8x256xf32> to vector<8x256xf32>
    %roll3A_781 = arith.constant 4 : i32
    %roll3A_782 = tpu.dynamic_rotate %squeeze3A_780 by %roll3A_781 dim 0 : vector<8x256xf32>, i32 -> vector<8x256xf32>
    %min3A_783 = arith.minimumf %squeeze3A_780, %roll3A_782 : vector<8x256xf32>
    %roll3A_784 = arith.constant 2 : i32
    %roll3A_785 = tpu.dynamic_rotate %min3A_783 by %roll3A_784 dim 0 : vector<8x256xf32>, i32 -> vector<8x256xf32>
    %min3A_786 = arith.minimumf %min3A_783, %roll3A_785 : vector<8x256xf32>
    %roll3A_787 = arith.constant 1 : i32
    %roll3A_788 = tpu.dynamic_rotate %min3A_786 by %roll3A_787 dim 0 : vector<8x256xf32>, i32 -> vector<8x256xf32>
    %min3A_789 = arith.minimumf %min3A_786, %roll3A_788 : vector<8x256xf32>
    %broadcast_in_dim3A_790 = vector.shape_cast %min3A_789 : vector<8x256xf32> to vector<1x8x256xf32>
    %eq3A_791 = vector.broadcast %broadcast_in_dim3A_790 : vector<1x8x256xf32> to vector<64x8x256xf32>
    %eq3A_792 = arith.cmpf oeq, %select_n3A_761, %eq3A_791 : vector<64x8x256xf32>
    %jit3A_793 = arith.constant 512 : i32
    %broadcast_in_dim3A_794 = vector.broadcast %jit3A_793 : i32 to vector<64x8x256xi32>
    %select_n3A_795 = arith.select %eq3A_792, %add3A_28, %broadcast_in_dim3A_794 : vector<64x8x256xi1>, vector<64x8x256xi32>
    %slice3A_796 = vector.extract_strided_slice %select_n3A_795 {offsets = [0, 0, 0], sizes = [32, 8, 256], strides = [1, 1, 1]} : vector<64x8x256xi32> to vector<32x8x256xi32>
    %slice3A_797 = vector.extract_strided_slice %select_n3A_795 {offsets = [32, 0, 0], sizes = [32, 8, 256], strides = [1, 1, 1]} : vector<64x8x256xi32> to vector<32x8x256xi32>
    %min3A_798 = arith.minsi %slice3A_796, %slice3A_797 : vector<32x8x256xi32>
    %slice3A_799 = vector.extract_strided_slice %min3A_798 {offsets = [0, 0, 0], sizes = [16, 8, 256], strides = [1, 1, 1]} : vector<32x8x256xi32> to vector<16x8x256xi32>
    %slice3A_800 = vector.extract_strided_slice %min3A_798 {offsets = [16, 0, 0], sizes = [16, 8, 256], strides = [1, 1, 1]} : vector<32x8x256xi32> to vector<16x8x256xi32>
    %min3A_801 = arith.minsi %slice3A_799, %slice3A_800 : vector<16x8x256xi32>
    %slice3A_802 = vector.extract_strided_slice %min3A_801 {offsets = [0, 0, 0], sizes = [8, 8, 256], strides = [1, 1, 1]} : vector<16x8x256xi32> to vector<8x8x256xi32>
    %slice3A_803 = vector.extract_strided_slice %min3A_801 {offsets = [8, 0, 0], sizes = [8, 8, 256], strides = [1, 1, 1]} : vector<16x8x256xi32> to vector<8x8x256xi32>
    %min3A_804 = arith.minsi %slice3A_802, %slice3A_803 : vector<8x8x256xi32>
    %slice3A_805 = vector.extract_strided_slice %min3A_804 {offsets = [0, 0, 0], sizes = [4, 8, 256], strides = [1, 1, 1]} : vector<8x8x256xi32> to vector<4x8x256xi32>
    %slice3A_806 = vector.extract_strided_slice %min3A_804 {offsets = [4, 0, 0], sizes = [4, 8, 256], strides = [1, 1, 1]} : vector<8x8x256xi32> to vector<4x8x256xi32>
    %min3A_807 = arith.minsi %slice3A_805, %slice3A_806 : vector<4x8x256xi32>
    %slice3A_808 = vector.extract_strided_slice %min3A_807 {offsets = [0, 0, 0], sizes = [2, 8, 256], strides = [1, 1, 1]} : vector<4x8x256xi32> to vector<2x8x256xi32>
    %slice3A_809 = vector.extract_strided_slice %min3A_807 {offsets = [2, 0, 0], sizes = [2, 8, 256], strides = [1, 1, 1]} : vector<4x8x256xi32> to vector<2x8x256xi32>
    %min3A_810 = arith.minsi %slice3A_808, %slice3A_809 : vector<2x8x256xi32>
    %slice3A_811 = vector.extract_strided_slice %min3A_810 {offsets = [0, 0, 0], sizes = [1, 8, 256], strides = [1, 1, 1]} : vector<2x8x256xi32> to vector<1x8x256xi32>
    %slice3A_812 = vector.extract_strided_slice %min3A_810 {offsets = [1, 0, 0], sizes = [1, 8, 256], strides = [1, 1, 1]} : vector<2x8x256xi32> to vector<1x8x256xi32>
    %min3A_813 = arith.minsi %slice3A_811, %slice3A_812 : vector<1x8x256xi32>
    %squeeze3A_814 = vector.shape_cast %min3A_813 : vector<1x8x256xi32> to vector<8x256xi32>
    %roll3A_815 = arith.constant 4 : i32
    %roll3A_816 = tpu.dynamic_rotate %squeeze3A_814 by %roll3A_815 dim 0 : vector<8x256xi32>, i32 -> vector<8x256xi32>
    %min3A_817 = arith.minsi %squeeze3A_814, %roll3A_816 : vector<8x256xi32>
    %roll3A_818 = arith.constant 2 : i32
    %roll3A_819 = tpu.dynamic_rotate %min3A_817 by %roll3A_818 dim 0 : vector<8x256xi32>, i32 -> vector<8x256xi32>
    %min3A_820 = arith.minsi %min3A_817, %roll3A_819 : vector<8x256xi32>
    %roll3A_821 = arith.constant 1 : i32
    %roll3A_822 = tpu.dynamic_rotate %min3A_820 by %roll3A_821 dim 0 : vector<8x256xi32>, i32 -> vector<8x256xi32>
    %min3A_823 = arith.minsi %min3A_820, %roll3A_822 : vector<8x256xi32>
    %slice3A_824 = vector.extract_strided_slice %min3A_789 {offsets = [0, 0], sizes = [1, 256], strides = [1, 1]} : vector<8x256xf32> to vector<1x256xf32>
    %squeeze3A_825 = vector.shape_cast %slice3A_824 : vector<1x256xf32> to vector<256xf32>
    %slice3A_826 = vector.extract_strided_slice %min3A_823 {offsets = [0, 0], sizes = [1, 256], strides = [1, 1]} : vector<8x256xi32> to vector<1x256xi32>
    %squeeze3A_827 = vector.shape_cast %slice3A_826 : vector<1x256xi32> to vector<256xi32>
    %add3A_828 = vector.broadcast %mul3A_23 : i32 to vector<256xi32>
    %add3A_829 = arith.addi %squeeze3A_827, %add3A_828 : vector<256xi32>
    %broadcast_in_dim3A_830 = vector.shape_cast %min3A_823 : vector<8x256xi32> to vector<1x8x256xi32>
    %eq3A_831 = vector.broadcast %broadcast_in_dim3A_830 : vector<1x8x256xi32> to vector<64x8x256xi32>
    %eq3A_832 = arith.cmpi eq, %add3A_28, %eq3A_831 : vector<64x8x256xi32>
    %jit3A_833 = arith.constant 0x7F800000 : f32
    %broadcast_in_dim3A_834 = vector.broadcast %jit3A_833 : f32 to vector<64x8x256xf32>
    %select_n3A_835 = arith.select %eq3A_832, %broadcast_in_dim3A_834, %select_n3A_761 : vector<64x8x256xi1>, vector<64x8x256xf32>
    %slice3A_836 = vector.extract_strided_slice %select_n3A_835 {offsets = [0, 0, 0], sizes = [32, 8, 256], strides = [1, 1, 1]} : vector<64x8x256xf32> to vector<32x8x256xf32>
    %slice3A_837 = vector.extract_strided_slice %select_n3A_835 {offsets = [32, 0, 0], sizes = [32, 8, 256], strides = [1, 1, 1]} : vector<64x8x256xf32> to vector<32x8x256xf32>
    %min3A_838 = arith.minimumf %slice3A_836, %slice3A_837 : vector<32x8x256xf32>
    %slice3A_839 = vector.extract_strided_slice %min3A_838 {offsets = [0, 0, 0], sizes = [16, 8, 256], strides = [1, 1, 1]} : vector<32x8x256xf32> to vector<16x8x256xf32>
    %slice3A_840 = vector.extract_strided_slice %min3A_838 {offsets = [16, 0, 0], sizes = [16, 8, 256], strides = [1, 1, 1]} : vector<32x8x256xf32> to vector<16x8x256xf32>
    %min3A_841 = arith.minimumf %slice3A_839, %slice3A_840 : vector<16x8x256xf32>
    %slice3A_842 = vector.extract_strided_slice %min3A_841 {offsets = [0, 0, 0], sizes = [8, 8, 256], strides = [1, 1, 1]} : vector<16x8x256xf32> to vector<8x8x256xf32>
    %slice3A_843 = vector.extract_strided_slice %min3A_841 {offsets = [8, 0, 0], sizes = [8, 8, 256], strides = [1, 1, 1]} : vector<16x8x256xf32> to vector<8x8x256xf32>
    %min3A_844 = arith.minimumf %slice3A_842, %slice3A_843 : vector<8x8x256xf32>
    %slice3A_845 = vector.extract_strided_slice %min3A_844 {offsets = [0, 0, 0], sizes = [4, 8, 256], strides = [1, 1, 1]} : vector<8x8x256xf32> to vector<4x8x256xf32>
    %slice3A_846 = vector.extract_strided_slice %min3A_844 {offsets = [4, 0, 0], sizes = [4, 8, 256], strides = [1, 1, 1]} : vector<8x8x256xf32> to vector<4x8x256xf32>
    %min3A_847 = arith.minimumf %slice3A_845, %slice3A_846 : vector<4x8x256xf32>
    %slice3A_848 = vector.extract_strided_slice %min3A_847 {offsets = [0, 0, 0], sizes = [2, 8, 256], strides = [1, 1, 1]} : vector<4x8x256xf32> to vector<2x8x256xf32>
    %slice3A_849 = vector.extract_strided_slice %min3A_847 {offsets = [2, 0, 0], sizes = [2, 8, 256], strides = [1, 1, 1]} : vector<4x8x256xf32> to vector<2x8x256xf32>
    %min3A_850 = arith.minimumf %slice3A_848, %slice3A_849 : vector<2x8x256xf32>
    %slice3A_851 = vector.extract_strided_slice %min3A_850 {offsets = [0, 0, 0], sizes = [1, 8, 256], strides = [1, 1, 1]} : vector<2x8x256xf32> to vector<1x8x256xf32>
    %slice3A_852 = vector.extract_strided_slice %min3A_850 {offsets = [1, 0, 0], sizes = [1, 8, 256], strides = [1, 1, 1]} : vector<2x8x256xf32> to vector<1x8x256xf32>
    %min3A_853 = arith.minimumf %slice3A_851, %slice3A_852 : vector<1x8x256xf32>
    %squeeze3A_854 = vector.shape_cast %min3A_853 : vector<1x8x256xf32> to vector<8x256xf32>
    %roll3A_855 = arith.constant 4 : i32
    %roll3A_856 = tpu.dynamic_rotate %squeeze3A_854 by %roll3A_855 dim 0 : vector<8x256xf32>, i32 -> vector<8x256xf32>
    %min3A_857 = arith.minimumf %squeeze3A_854, %roll3A_856 : vector<8x256xf32>
    %roll3A_858 = arith.constant 2 : i32
    %roll3A_859 = tpu.dynamic_rotate %min3A_857 by %roll3A_858 dim 0 : vector<8x256xf32>, i32 -> vector<8x256xf32>
    %min3A_860 = arith.minimumf %min3A_857, %roll3A_859 : vector<8x256xf32>
    %roll3A_861 = arith.constant 1 : i32
    %roll3A_862 = tpu.dynamic_rotate %min3A_860 by %roll3A_861 dim 0 : vector<8x256xf32>, i32 -> vector<8x256xf32>
    %min3A_863 = arith.minimumf %min3A_860, %roll3A_862 : vector<8x256xf32>
    %broadcast_in_dim3A_864 = vector.shape_cast %min3A_863 : vector<8x256xf32> to vector<1x8x256xf32>
    %eq3A_865 = vector.broadcast %broadcast_in_dim3A_864 : vector<1x8x256xf32> to vector<64x8x256xf32>
    %eq3A_866 = arith.cmpf oeq, %select_n3A_835, %eq3A_865 : vector<64x8x256xf32>
    %jit3A_867 = arith.constant 512 : i32
    %broadcast_in_dim3A_868 = vector.broadcast %jit3A_867 : i32 to vector<64x8x256xi32>
    %select_n3A_869 = arith.select %eq3A_866, %add3A_28, %broadcast_in_dim3A_868 : vector<64x8x256xi1>, vector<64x8x256xi32>
    %slice3A_870 = vector.extract_strided_slice %select_n3A_869 {offsets = [0, 0, 0], sizes = [32, 8, 256], strides = [1, 1, 1]} : vector<64x8x256xi32> to vector<32x8x256xi32>
    %slice3A_871 = vector.extract_strided_slice %select_n3A_869 {offsets = [32, 0, 0], sizes = [32, 8, 256], strides = [1, 1, 1]} : vector<64x8x256xi32> to vector<32x8x256xi32>
    %min3A_872 = arith.minsi %slice3A_870, %slice3A_871 : vector<32x8x256xi32>
    %slice3A_873 = vector.extract_strided_slice %min3A_872 {offsets = [0, 0, 0], sizes = [16, 8, 256], strides = [1, 1, 1]} : vector<32x8x256xi32> to vector<16x8x256xi32>
    %slice3A_874 = vector.extract_strided_slice %min3A_872 {offsets = [16, 0, 0], sizes = [16, 8, 256], strides = [1, 1, 1]} : vector<32x8x256xi32> to vector<16x8x256xi32>
    %min3A_875 = arith.minsi %slice3A_873, %slice3A_874 : vector<16x8x256xi32>
    %slice3A_876 = vector.extract_strided_slice %min3A_875 {offsets = [0, 0, 0], sizes = [8, 8, 256], strides = [1, 1, 1]} : vector<16x8x256xi32> to vector<8x8x256xi32>
    %slice3A_877 = vector.extract_strided_slice %min3A_875 {offsets = [8, 0, 0], sizes = [8, 8, 256], strides = [1, 1, 1]} : vector<16x8x256xi32> to vector<8x8x256xi32>
    %min3A_878 = arith.minsi %slice3A_876, %slice3A_877 : vector<8x8x256xi32>
    %slice3A_879 = vector.extract_strided_slice %min3A_878 {offsets = [0, 0, 0], sizes = [4, 8, 256], strides = [1, 1, 1]} : vector<8x8x256xi32> to vector<4x8x256xi32>
    %slice3A_880 = vector.extract_strided_slice %min3A_878 {offsets = [4, 0, 0], sizes = [4, 8, 256], strides = [1, 1, 1]} : vector<8x8x256xi32> to vector<4x8x256xi32>
    %min3A_881 = arith.minsi %slice3A_879, %slice3A_880 : vector<4x8x256xi32>
    %slice3A_882 = vector.extract_strided_slice %min3A_881 {offsets = [0, 0, 0], sizes = [2, 8, 256], strides = [1, 1, 1]} : vector<4x8x256xi32> to vector<2x8x256xi32>
    %slice3A_883 = vector.extract_strided_slice %min3A_881 {offsets = [2, 0, 0], sizes = [2, 8, 256], strides = [1, 1, 1]} : vector<4x8x256xi32> to vector<2x8x256xi32>
    %min3A_884 = arith.minsi %slice3A_882, %slice3A_883 : vector<2x8x256xi32>
    %slice3A_885 = vector.extract_strided_slice %min3A_884 {offsets = [0, 0, 0], sizes = [1, 8, 256], strides = [1, 1, 1]} : vector<2x8x256xi32> to vector<1x8x256xi32>
    %slice3A_886 = vector.extract_strided_slice %min3A_884 {offsets = [1, 0, 0], sizes = [1, 8, 256], strides = [1, 1, 1]} : vector<2x8x256xi32> to vector<1x8x256xi32>
    %min3A_887 = arith.minsi %slice3A_885, %slice3A_886 : vector<1x8x256xi32>
    %squeeze3A_888 = vector.shape_cast %min3A_887 : vector<1x8x256xi32> to vector<8x256xi32>
    %roll3A_889 = arith.constant 4 : i32
    %roll3A_890 = tpu.dynamic_rotate %squeeze3A_888 by %roll3A_889 dim 0 : vector<8x256xi32>, i32 -> vector<8x256xi32>
    %min3A_891 = arith.minsi %squeeze3A_888, %roll3A_890 : vector<8x256xi32>
    %roll3A_892 = arith.constant 2 : i32
    %roll3A_893 = tpu.dynamic_rotate %min3A_891 by %roll3A_892 dim 0 : vector<8x256xi32>, i32 -> vector<8x256xi32>
    %min3A_894 = arith.minsi %min3A_891, %roll3A_893 : vector<8x256xi32>
    %roll3A_895 = arith.constant 1 : i32
    %roll3A_896 = tpu.dynamic_rotate %min3A_894 by %roll3A_895 dim 0 : vector<8x256xi32>, i32 -> vector<8x256xi32>
    %min3A_897 = arith.minsi %min3A_894, %roll3A_896 : vector<8x256xi32>
    %slice3A_898 = vector.extract_strided_slice %min3A_863 {offsets = [0, 0], sizes = [1, 256], strides = [1, 1]} : vector<8x256xf32> to vector<1x256xf32>
    %squeeze3A_899 = vector.shape_cast %slice3A_898 : vector<1x256xf32> to vector<256xf32>
    %slice3A_900 = vector.extract_strided_slice %min3A_897 {offsets = [0, 0], sizes = [1, 256], strides = [1, 1]} : vector<8x256xi32> to vector<1x256xi32>
    %squeeze3A_901 = vector.shape_cast %slice3A_900 : vector<1x256xi32> to vector<256xi32>
    %add3A_902 = vector.broadcast %mul3A_23 : i32 to vector<256xi32>
    %add3A_903 = arith.addi %squeeze3A_901, %add3A_902 : vector<256xi32>
    %broadcast_in_dim3A_904 = vector.shape_cast %min3A_897 : vector<8x256xi32> to vector<1x8x256xi32>
    %eq3A_905 = vector.broadcast %broadcast_in_dim3A_904 : vector<1x8x256xi32> to vector<64x8x256xi32>
    %eq3A_906 = arith.cmpi eq, %add3A_28, %eq3A_905 : vector<64x8x256xi32>
    %jit3A_907 = arith.constant 0x7F800000 : f32
    %broadcast_in_dim3A_908 = vector.broadcast %jit3A_907 : f32 to vector<64x8x256xf32>
    %select_n3A_909 = arith.select %eq3A_906, %broadcast_in_dim3A_908, %select_n3A_835 : vector<64x8x256xi1>, vector<64x8x256xf32>
    %slice3A_910 = vector.extract_strided_slice %select_n3A_909 {offsets = [0, 0, 0], sizes = [32, 8, 256], strides = [1, 1, 1]} : vector<64x8x256xf32> to vector<32x8x256xf32>
    %slice3A_911 = vector.extract_strided_slice %select_n3A_909 {offsets = [32, 0, 0], sizes = [32, 8, 256], strides = [1, 1, 1]} : vector<64x8x256xf32> to vector<32x8x256xf32>
    %min3A_912 = arith.minimumf %slice3A_910, %slice3A_911 : vector<32x8x256xf32>
    %slice3A_913 = vector.extract_strided_slice %min3A_912 {offsets = [0, 0, 0], sizes = [16, 8, 256], strides = [1, 1, 1]} : vector<32x8x256xf32> to vector<16x8x256xf32>
    %slice3A_914 = vector.extract_strided_slice %min3A_912 {offsets = [16, 0, 0], sizes = [16, 8, 256], strides = [1, 1, 1]} : vector<32x8x256xf32> to vector<16x8x256xf32>
    %min3A_915 = arith.minimumf %slice3A_913, %slice3A_914 : vector<16x8x256xf32>
    %slice3A_916 = vector.extract_strided_slice %min3A_915 {offsets = [0, 0, 0], sizes = [8, 8, 256], strides = [1, 1, 1]} : vector<16x8x256xf32> to vector<8x8x256xf32>
    %slice3A_917 = vector.extract_strided_slice %min3A_915 {offsets = [8, 0, 0], sizes = [8, 8, 256], strides = [1, 1, 1]} : vector<16x8x256xf32> to vector<8x8x256xf32>
    %min3A_918 = arith.minimumf %slice3A_916, %slice3A_917 : vector<8x8x256xf32>
    %slice3A_919 = vector.extract_strided_slice %min3A_918 {offsets = [0, 0, 0], sizes = [4, 8, 256], strides = [1, 1, 1]} : vector<8x8x256xf32> to vector<4x8x256xf32>
    %slice3A_920 = vector.extract_strided_slice %min3A_918 {offsets = [4, 0, 0], sizes = [4, 8, 256], strides = [1, 1, 1]} : vector<8x8x256xf32> to vector<4x8x256xf32>
    %min3A_921 = arith.minimumf %slice3A_919, %slice3A_920 : vector<4x8x256xf32>
    %slice3A_922 = vector.extract_strided_slice %min3A_921 {offsets = [0, 0, 0], sizes = [2, 8, 256], strides = [1, 1, 1]} : vector<4x8x256xf32> to vector<2x8x256xf32>
    %slice3A_923 = vector.extract_strided_slice %min3A_921 {offsets = [2, 0, 0], sizes = [2, 8, 256], strides = [1, 1, 1]} : vector<4x8x256xf32> to vector<2x8x256xf32>
    %min3A_924 = arith.minimumf %slice3A_922, %slice3A_923 : vector<2x8x256xf32>
    %slice3A_925 = vector.extract_strided_slice %min3A_924 {offsets = [0, 0, 0], sizes = [1, 8, 256], strides = [1, 1, 1]} : vector<2x8x256xf32> to vector<1x8x256xf32>
    %slice3A_926 = vector.extract_strided_slice %min3A_924 {offsets = [1, 0, 0], sizes = [1, 8, 256], strides = [1, 1, 1]} : vector<2x8x256xf32> to vector<1x8x256xf32>
    %min3A_927 = arith.minimumf %slice3A_925, %slice3A_926 : vector<1x8x256xf32>
    %squeeze3A_928 = vector.shape_cast %min3A_927 : vector<1x8x256xf32> to vector<8x256xf32>
    %roll3A_929 = arith.constant 4 : i32
    %roll3A_930 = tpu.dynamic_rotate %squeeze3A_928 by %roll3A_929 dim 0 : vector<8x256xf32>, i32 -> vector<8x256xf32>
    %min3A_931 = arith.minimumf %squeeze3A_928, %roll3A_930 : vector<8x256xf32>
    %roll3A_932 = arith.constant 2 : i32
    %roll3A_933 = tpu.dynamic_rotate %min3A_931 by %roll3A_932 dim 0 : vector<8x256xf32>, i32 -> vector<8x256xf32>
    %min3A_934 = arith.minimumf %min3A_931, %roll3A_933 : vector<8x256xf32>
    %roll3A_935 = arith.constant 1 : i32
    %roll3A_936 = tpu.dynamic_rotate %min3A_934 by %roll3A_935 dim 0 : vector<8x256xf32>, i32 -> vector<8x256xf32>
    %min3A_937 = arith.minimumf %min3A_934, %roll3A_936 : vector<8x256xf32>
    %broadcast_in_dim3A_938 = vector.shape_cast %min3A_937 : vector<8x256xf32> to vector<1x8x256xf32>
    %eq3A_939 = vector.broadcast %broadcast_in_dim3A_938 : vector<1x8x256xf32> to vector<64x8x256xf32>
    %eq3A_940 = arith.cmpf oeq, %select_n3A_909, %eq3A_939 : vector<64x8x256xf32>
    %jit3A_941 = arith.constant 512 : i32
    %broadcast_in_dim3A_942 = vector.broadcast %jit3A_941 : i32 to vector<64x8x256xi32>
    %select_n3A_943 = arith.select %eq3A_940, %add3A_28, %broadcast_in_dim3A_942 : vector<64x8x256xi1>, vector<64x8x256xi32>
    %slice3A_944 = vector.extract_strided_slice %select_n3A_943 {offsets = [0, 0, 0], sizes = [32, 8, 256], strides = [1, 1, 1]} : vector<64x8x256xi32> to vector<32x8x256xi32>
    %slice3A_945 = vector.extract_strided_slice %select_n3A_943 {offsets = [32, 0, 0], sizes = [32, 8, 256], strides = [1, 1, 1]} : vector<64x8x256xi32> to vector<32x8x256xi32>
    %min3A_946 = arith.minsi %slice3A_944, %slice3A_945 : vector<32x8x256xi32>
    %slice3A_947 = vector.extract_strided_slice %min3A_946 {offsets = [0, 0, 0], sizes = [16, 8, 256], strides = [1, 1, 1]} : vector<32x8x256xi32> to vector<16x8x256xi32>
    %slice3A_948 = vector.extract_strided_slice %min3A_946 {offsets = [16, 0, 0], sizes = [16, 8, 256], strides = [1, 1, 1]} : vector<32x8x256xi32> to vector<16x8x256xi32>
    %min3A_949 = arith.minsi %slice3A_947, %slice3A_948 : vector<16x8x256xi32>
    %slice3A_950 = vector.extract_strided_slice %min3A_949 {offsets = [0, 0, 0], sizes = [8, 8, 256], strides = [1, 1, 1]} : vector<16x8x256xi32> to vector<8x8x256xi32>
    %slice3A_951 = vector.extract_strided_slice %min3A_949 {offsets = [8, 0, 0], sizes = [8, 8, 256], strides = [1, 1, 1]} : vector<16x8x256xi32> to vector<8x8x256xi32>
    %min3A_952 = arith.minsi %slice3A_950, %slice3A_951 : vector<8x8x256xi32>
    %slice3A_953 = vector.extract_strided_slice %min3A_952 {offsets = [0, 0, 0], sizes = [4, 8, 256], strides = [1, 1, 1]} : vector<8x8x256xi32> to vector<4x8x256xi32>
    %slice3A_954 = vector.extract_strided_slice %min3A_952 {offsets = [4, 0, 0], sizes = [4, 8, 256], strides = [1, 1, 1]} : vector<8x8x256xi32> to vector<4x8x256xi32>
    %min3A_955 = arith.minsi %slice3A_953, %slice3A_954 : vector<4x8x256xi32>
    %slice3A_956 = vector.extract_strided_slice %min3A_955 {offsets = [0, 0, 0], sizes = [2, 8, 256], strides = [1, 1, 1]} : vector<4x8x256xi32> to vector<2x8x256xi32>
    %slice3A_957 = vector.extract_strided_slice %min3A_955 {offsets = [2, 0, 0], sizes = [2, 8, 256], strides = [1, 1, 1]} : vector<4x8x256xi32> to vector<2x8x256xi32>
    %min3A_958 = arith.minsi %slice3A_956, %slice3A_957 : vector<2x8x256xi32>
    %slice3A_959 = vector.extract_strided_slice %min3A_958 {offsets = [0, 0, 0], sizes = [1, 8, 256], strides = [1, 1, 1]} : vector<2x8x256xi32> to vector<1x8x256xi32>
    %slice3A_960 = vector.extract_strided_slice %min3A_958 {offsets = [1, 0, 0], sizes = [1, 8, 256], strides = [1, 1, 1]} : vector<2x8x256xi32> to vector<1x8x256xi32>
    %min3A_961 = arith.minsi %slice3A_959, %slice3A_960 : vector<1x8x256xi32>
    %squeeze3A_962 = vector.shape_cast %min3A_961 : vector<1x8x256xi32> to vector<8x256xi32>
    %roll3A_963 = arith.constant 4 : i32
    %roll3A_964 = tpu.dynamic_rotate %squeeze3A_962 by %roll3A_963 dim 0 : vector<8x256xi32>, i32 -> vector<8x256xi32>
    %min3A_965 = arith.minsi %squeeze3A_962, %roll3A_964 : vector<8x256xi32>
    %roll3A_966 = arith.constant 2 : i32
    %roll3A_967 = tpu.dynamic_rotate %min3A_965 by %roll3A_966 dim 0 : vector<8x256xi32>, i32 -> vector<8x256xi32>
    %min3A_968 = arith.minsi %min3A_965, %roll3A_967 : vector<8x256xi32>
    %roll3A_969 = arith.constant 1 : i32
    %roll3A_970 = tpu.dynamic_rotate %min3A_968 by %roll3A_969 dim 0 : vector<8x256xi32>, i32 -> vector<8x256xi32>
    %min3A_971 = arith.minsi %min3A_968, %roll3A_970 : vector<8x256xi32>
    %slice3A_972 = vector.extract_strided_slice %min3A_937 {offsets = [0, 0], sizes = [1, 256], strides = [1, 1]} : vector<8x256xf32> to vector<1x256xf32>
    %squeeze3A_973 = vector.shape_cast %slice3A_972 : vector<1x256xf32> to vector<256xf32>
    %slice3A_974 = vector.extract_strided_slice %min3A_971 {offsets = [0, 0], sizes = [1, 256], strides = [1, 1]} : vector<8x256xi32> to vector<1x256xi32>
    %squeeze3A_975 = vector.shape_cast %slice3A_974 : vector<1x256xi32> to vector<256xi32>
    %add3A_976 = vector.broadcast %mul3A_23 : i32 to vector<256xi32>
    %add3A_977 = arith.addi %squeeze3A_975, %add3A_976 : vector<256xi32>
    %broadcast_in_dim3A_978 = vector.shape_cast %min3A_971 : vector<8x256xi32> to vector<1x8x256xi32>
    %eq3A_979 = vector.broadcast %broadcast_in_dim3A_978 : vector<1x8x256xi32> to vector<64x8x256xi32>
    %eq3A_980 = arith.cmpi eq, %add3A_28, %eq3A_979 : vector<64x8x256xi32>
    %jit3A_981 = arith.constant 0x7F800000 : f32
    %broadcast_in_dim3A_982 = vector.broadcast %jit3A_981 : f32 to vector<64x8x256xf32>
    %select_n3A_983 = arith.select %eq3A_980, %broadcast_in_dim3A_982, %select_n3A_909 : vector<64x8x256xi1>, vector<64x8x256xf32>
    %slice3A_984 = vector.extract_strided_slice %select_n3A_983 {offsets = [0, 0, 0], sizes = [32, 8, 256], strides = [1, 1, 1]} : vector<64x8x256xf32> to vector<32x8x256xf32>
    %slice3A_985 = vector.extract_strided_slice %select_n3A_983 {offsets = [32, 0, 0], sizes = [32, 8, 256], strides = [1, 1, 1]} : vector<64x8x256xf32> to vector<32x8x256xf32>
    %min3A_986 = arith.minimumf %slice3A_984, %slice3A_985 : vector<32x8x256xf32>
    %slice3A_987 = vector.extract_strided_slice %min3A_986 {offsets = [0, 0, 0], sizes = [16, 8, 256], strides = [1, 1, 1]} : vector<32x8x256xf32> to vector<16x8x256xf32>
    %slice3A_988 = vector.extract_strided_slice %min3A_986 {offsets = [16, 0, 0], sizes = [16, 8, 256], strides = [1, 1, 1]} : vector<32x8x256xf32> to vector<16x8x256xf32>
    %min3A_989 = arith.minimumf %slice3A_987, %slice3A_988 : vector<16x8x256xf32>
    %slice3A_990 = vector.extract_strided_slice %min3A_989 {offsets = [0, 0, 0], sizes = [8, 8, 256], strides = [1, 1, 1]} : vector<16x8x256xf32> to vector<8x8x256xf32>
    %slice3A_991 = vector.extract_strided_slice %min3A_989 {offsets = [8, 0, 0], sizes = [8, 8, 256], strides = [1, 1, 1]} : vector<16x8x256xf32> to vector<8x8x256xf32>
    %min3A_992 = arith.minimumf %slice3A_990, %slice3A_991 : vector<8x8x256xf32>
    %slice3A_993 = vector.extract_strided_slice %min3A_992 {offsets = [0, 0, 0], sizes = [4, 8, 256], strides = [1, 1, 1]} : vector<8x8x256xf32> to vector<4x8x256xf32>
    %slice3A_994 = vector.extract_strided_slice %min3A_992 {offsets = [4, 0, 0], sizes = [4, 8, 256], strides = [1, 1, 1]} : vector<8x8x256xf32> to vector<4x8x256xf32>
    %min3A_995 = arith.minimumf %slice3A_993, %slice3A_994 : vector<4x8x256xf32>
    %slice3A_996 = vector.extract_strided_slice %min3A_995 {offsets = [0, 0, 0], sizes = [2, 8, 256], strides = [1, 1, 1]} : vector<4x8x256xf32> to vector<2x8x256xf32>
    %slice3A_997 = vector.extract_strided_slice %min3A_995 {offsets = [2, 0, 0], sizes = [2, 8, 256], strides = [1, 1, 1]} : vector<4x8x256xf32> to vector<2x8x256xf32>
    %min3A_998 = arith.minimumf %slice3A_996, %slice3A_997 : vector<2x8x256xf32>
    %slice3A_999 = vector.extract_strided_slice %min3A_998 {offsets = [0, 0, 0], sizes = [1, 8, 256], strides = [1, 1, 1]} : vector<2x8x256xf32> to vector<1x8x256xf32>
    %slice3A_1000 = vector.extract_strided_slice %min3A_998 {offsets = [1, 0, 0], sizes = [1, 8, 256], strides = [1, 1, 1]} : vector<2x8x256xf32> to vector<1x8x256xf32>
    %min3A_1001 = arith.minimumf %slice3A_999, %slice3A_1000 : vector<1x8x256xf32>
    %squeeze3A_1002 = vector.shape_cast %min3A_1001 : vector<1x8x256xf32> to vector<8x256xf32>
    %roll3A_1003 = arith.constant 4 : i32
    %roll3A_1004 = tpu.dynamic_rotate %squeeze3A_1002 by %roll3A_1003 dim 0 : vector<8x256xf32>, i32 -> vector<8x256xf32>
    %min3A_1005 = arith.minimumf %squeeze3A_1002, %roll3A_1004 : vector<8x256xf32>
    %roll3A_1006 = arith.constant 2 : i32
    %roll3A_1007 = tpu.dynamic_rotate %min3A_1005 by %roll3A_1006 dim 0 : vector<8x256xf32>, i32 -> vector<8x256xf32>
    %min3A_1008 = arith.minimumf %min3A_1005, %roll3A_1007 : vector<8x256xf32>
    %roll3A_1009 = arith.constant 1 : i32
    %roll3A_1010 = tpu.dynamic_rotate %min3A_1008 by %roll3A_1009 dim 0 : vector<8x256xf32>, i32 -> vector<8x256xf32>
    %min3A_1011 = arith.minimumf %min3A_1008, %roll3A_1010 : vector<8x256xf32>
    %broadcast_in_dim3A_1012 = vector.shape_cast %min3A_1011 : vector<8x256xf32> to vector<1x8x256xf32>
    %eq3A_1013 = vector.broadcast %broadcast_in_dim3A_1012 : vector<1x8x256xf32> to vector<64x8x256xf32>
    %eq3A_1014 = arith.cmpf oeq, %select_n3A_983, %eq3A_1013 : vector<64x8x256xf32>
    %jit3A_1015 = arith.constant 512 : i32
    %broadcast_in_dim3A_1016 = vector.broadcast %jit3A_1015 : i32 to vector<64x8x256xi32>
    %select_n3A_1017 = arith.select %eq3A_1014, %add3A_28, %broadcast_in_dim3A_1016 : vector<64x8x256xi1>, vector<64x8x256xi32>
    %slice3A_1018 = vector.extract_strided_slice %select_n3A_1017 {offsets = [0, 0, 0], sizes = [32, 8, 256], strides = [1, 1, 1]} : vector<64x8x256xi32> to vector<32x8x256xi32>
    %slice3A_1019 = vector.extract_strided_slice %select_n3A_1017 {offsets = [32, 0, 0], sizes = [32, 8, 256], strides = [1, 1, 1]} : vector<64x8x256xi32> to vector<32x8x256xi32>
    %min3A_1020 = arith.minsi %slice3A_1018, %slice3A_1019 : vector<32x8x256xi32>
    %slice3A_1021 = vector.extract_strided_slice %min3A_1020 {offsets = [0, 0, 0], sizes = [16, 8, 256], strides = [1, 1, 1]} : vector<32x8x256xi32> to vector<16x8x256xi32>
    %slice3A_1022 = vector.extract_strided_slice %min3A_1020 {offsets = [16, 0, 0], sizes = [16, 8, 256], strides = [1, 1, 1]} : vector<32x8x256xi32> to vector<16x8x256xi32>
    %min3A_1023 = arith.minsi %slice3A_1021, %slice3A_1022 : vector<16x8x256xi32>
    %slice3A_1024 = vector.extract_strided_slice %min3A_1023 {offsets = [0, 0, 0], sizes = [8, 8, 256], strides = [1, 1, 1]} : vector<16x8x256xi32> to vector<8x8x256xi32>
    %slice3A_1025 = vector.extract_strided_slice %min3A_1023 {offsets = [8, 0, 0], sizes = [8, 8, 256], strides = [1, 1, 1]} : vector<16x8x256xi32> to vector<8x8x256xi32>
    %min3A_1026 = arith.minsi %slice3A_1024, %slice3A_1025 : vector<8x8x256xi32>
    %slice3A_1027 = vector.extract_strided_slice %min3A_1026 {offsets = [0, 0, 0], sizes = [4, 8, 256], strides = [1, 1, 1]} : vector<8x8x256xi32> to vector<4x8x256xi32>
    %slice3A_1028 = vector.extract_strided_slice %min3A_1026 {offsets = [4, 0, 0], sizes = [4, 8, 256], strides = [1, 1, 1]} : vector<8x8x256xi32> to vector<4x8x256xi32>
    %min3A_1029 = arith.minsi %slice3A_1027, %slice3A_1028 : vector<4x8x256xi32>
    %slice3A_1030 = vector.extract_strided_slice %min3A_1029 {offsets = [0, 0, 0], sizes = [2, 8, 256], strides = [1, 1, 1]} : vector<4x8x256xi32> to vector<2x8x256xi32>
    %slice3A_1031 = vector.extract_strided_slice %min3A_1029 {offsets = [2, 0, 0], sizes = [2, 8, 256], strides = [1, 1, 1]} : vector<4x8x256xi32> to vector<2x8x256xi32>
    %min3A_1032 = arith.minsi %slice3A_1030, %slice3A_1031 : vector<2x8x256xi32>
    %slice3A_1033 = vector.extract_strided_slice %min3A_1032 {offsets = [0, 0, 0], sizes = [1, 8, 256], strides = [1, 1, 1]} : vector<2x8x256xi32> to vector<1x8x256xi32>
    %slice3A_1034 = vector.extract_strided_slice %min3A_1032 {offsets = [1, 0, 0], sizes = [1, 8, 256], strides = [1, 1, 1]} : vector<2x8x256xi32> to vector<1x8x256xi32>
    %min3A_1035 = arith.minsi %slice3A_1033, %slice3A_1034 : vector<1x8x256xi32>
    %squeeze3A_1036 = vector.shape_cast %min3A_1035 : vector<1x8x256xi32> to vector<8x256xi32>
    %roll3A_1037 = arith.constant 4 : i32
    %roll3A_1038 = tpu.dynamic_rotate %squeeze3A_1036 by %roll3A_1037 dim 0 : vector<8x256xi32>, i32 -> vector<8x256xi32>
    %min3A_1039 = arith.minsi %squeeze3A_1036, %roll3A_1038 : vector<8x256xi32>
    %roll3A_1040 = arith.constant 2 : i32
    %roll3A_1041 = tpu.dynamic_rotate %min3A_1039 by %roll3A_1040 dim 0 : vector<8x256xi32>, i32 -> vector<8x256xi32>
    %min3A_1042 = arith.minsi %min3A_1039, %roll3A_1041 : vector<8x256xi32>
    %roll3A_1043 = arith.constant 1 : i32
    %roll3A_1044 = tpu.dynamic_rotate %min3A_1042 by %roll3A_1043 dim 0 : vector<8x256xi32>, i32 -> vector<8x256xi32>
    %min3A_1045 = arith.minsi %min3A_1042, %roll3A_1044 : vector<8x256xi32>
    %slice3A_1046 = vector.extract_strided_slice %min3A_1011 {offsets = [0, 0], sizes = [1, 256], strides = [1, 1]} : vector<8x256xf32> to vector<1x256xf32>
    %squeeze3A_1047 = vector.shape_cast %slice3A_1046 : vector<1x256xf32> to vector<256xf32>
    %slice3A_1048 = vector.extract_strided_slice %min3A_1045 {offsets = [0, 0], sizes = [1, 256], strides = [1, 1]} : vector<8x256xi32> to vector<1x256xi32>
    %squeeze3A_1049 = vector.shape_cast %slice3A_1048 : vector<1x256xi32> to vector<256xi32>
    %add3A_1050 = vector.broadcast %mul3A_23 : i32 to vector<256xi32>
    %add3A_1051 = arith.addi %squeeze3A_1049, %add3A_1050 : vector<256xi32>
    %broadcast_in_dim3A_1052 = vector.shape_cast %min3A_1045 : vector<8x256xi32> to vector<1x8x256xi32>
    %eq3A_1053 = vector.broadcast %broadcast_in_dim3A_1052 : vector<1x8x256xi32> to vector<64x8x256xi32>
    %eq3A_1054 = arith.cmpi eq, %add3A_28, %eq3A_1053 : vector<64x8x256xi32>
    %jit3A_1055 = arith.constant 0x7F800000 : f32
    %broadcast_in_dim3A_1056 = vector.broadcast %jit3A_1055 : f32 to vector<64x8x256xf32>
    %select_n3A_1057 = arith.select %eq3A_1054, %broadcast_in_dim3A_1056, %select_n3A_983 : vector<64x8x256xi1>, vector<64x8x256xf32>
    %slice3A_1058 = vector.extract_strided_slice %select_n3A_1057 {offsets = [0, 0, 0], sizes = [32, 8, 256], strides = [1, 1, 1]} : vector<64x8x256xf32> to vector<32x8x256xf32>
    %slice3A_1059 = vector.extract_strided_slice %select_n3A_1057 {offsets = [32, 0, 0], sizes = [32, 8, 256], strides = [1, 1, 1]} : vector<64x8x256xf32> to vector<32x8x256xf32>
    %min3A_1060 = arith.minimumf %slice3A_1058, %slice3A_1059 : vector<32x8x256xf32>
    %slice3A_1061 = vector.extract_strided_slice %min3A_1060 {offsets = [0, 0, 0], sizes = [16, 8, 256], strides = [1, 1, 1]} : vector<32x8x256xf32> to vector<16x8x256xf32>
    %slice3A_1062 = vector.extract_strided_slice %min3A_1060 {offsets = [16, 0, 0], sizes = [16, 8, 256], strides = [1, 1, 1]} : vector<32x8x256xf32> to vector<16x8x256xf32>
    %min3A_1063 = arith.minimumf %slice3A_1061, %slice3A_1062 : vector<16x8x256xf32>
    %slice3A_1064 = vector.extract_strided_slice %min3A_1063 {offsets = [0, 0, 0], sizes = [8, 8, 256], strides = [1, 1, 1]} : vector<16x8x256xf32> to vector<8x8x256xf32>
    %slice3A_1065 = vector.extract_strided_slice %min3A_1063 {offsets = [8, 0, 0], sizes = [8, 8, 256], strides = [1, 1, 1]} : vector<16x8x256xf32> to vector<8x8x256xf32>
    %min3A_1066 = arith.minimumf %slice3A_1064, %slice3A_1065 : vector<8x8x256xf32>
    %slice3A_1067 = vector.extract_strided_slice %min3A_1066 {offsets = [0, 0, 0], sizes = [4, 8, 256], strides = [1, 1, 1]} : vector<8x8x256xf32> to vector<4x8x256xf32>
    %slice3A_1068 = vector.extract_strided_slice %min3A_1066 {offsets = [4, 0, 0], sizes = [4, 8, 256], strides = [1, 1, 1]} : vector<8x8x256xf32> to vector<4x8x256xf32>
    %min3A_1069 = arith.minimumf %slice3A_1067, %slice3A_1068 : vector<4x8x256xf32>
    %slice3A_1070 = vector.extract_strided_slice %min3A_1069 {offsets = [0, 0, 0], sizes = [2, 8, 256], strides = [1, 1, 1]} : vector<4x8x256xf32> to vector<2x8x256xf32>
    %slice3A_1071 = vector.extract_strided_slice %min3A_1069 {offsets = [2, 0, 0], sizes = [2, 8, 256], strides = [1, 1, 1]} : vector<4x8x256xf32> to vector<2x8x256xf32>
    %min3A_1072 = arith.minimumf %slice3A_1070, %slice3A_1071 : vector<2x8x256xf32>
    %slice3A_1073 = vector.extract_strided_slice %min3A_1072 {offsets = [0, 0, 0], sizes = [1, 8, 256], strides = [1, 1, 1]} : vector<2x8x256xf32> to vector<1x8x256xf32>
    %slice3A_1074 = vector.extract_strided_slice %min3A_1072 {offsets = [1, 0, 0], sizes = [1, 8, 256], strides = [1, 1, 1]} : vector<2x8x256xf32> to vector<1x8x256xf32>
    %min3A_1075 = arith.minimumf %slice3A_1073, %slice3A_1074 : vector<1x8x256xf32>
    %squeeze3A_1076 = vector.shape_cast %min3A_1075 : vector<1x8x256xf32> to vector<8x256xf32>
    %roll3A_1077 = arith.constant 4 : i32
    %roll3A_1078 = tpu.dynamic_rotate %squeeze3A_1076 by %roll3A_1077 dim 0 : vector<8x256xf32>, i32 -> vector<8x256xf32>
    %min3A_1079 = arith.minimumf %squeeze3A_1076, %roll3A_1078 : vector<8x256xf32>
    %roll3A_1080 = arith.constant 2 : i32
    %roll3A_1081 = tpu.dynamic_rotate %min3A_1079 by %roll3A_1080 dim 0 : vector<8x256xf32>, i32 -> vector<8x256xf32>
    %min3A_1082 = arith.minimumf %min3A_1079, %roll3A_1081 : vector<8x256xf32>
    %roll3A_1083 = arith.constant 1 : i32
    %roll3A_1084 = tpu.dynamic_rotate %min3A_1082 by %roll3A_1083 dim 0 : vector<8x256xf32>, i32 -> vector<8x256xf32>
    %min3A_1085 = arith.minimumf %min3A_1082, %roll3A_1084 : vector<8x256xf32>
    %broadcast_in_dim3A_1086 = vector.shape_cast %min3A_1085 : vector<8x256xf32> to vector<1x8x256xf32>
    %eq3A_1087 = vector.broadcast %broadcast_in_dim3A_1086 : vector<1x8x256xf32> to vector<64x8x256xf32>
    %eq3A_1088 = arith.cmpf oeq, %select_n3A_1057, %eq3A_1087 : vector<64x8x256xf32>
    %jit3A_1089 = arith.constant 512 : i32
    %broadcast_in_dim3A_1090 = vector.broadcast %jit3A_1089 : i32 to vector<64x8x256xi32>
    %select_n3A_1091 = arith.select %eq3A_1088, %add3A_28, %broadcast_in_dim3A_1090 : vector<64x8x256xi1>, vector<64x8x256xi32>
    %slice3A_1092 = vector.extract_strided_slice %select_n3A_1091 {offsets = [0, 0, 0], sizes = [32, 8, 256], strides = [1, 1, 1]} : vector<64x8x256xi32> to vector<32x8x256xi32>
    %slice3A_1093 = vector.extract_strided_slice %select_n3A_1091 {offsets = [32, 0, 0], sizes = [32, 8, 256], strides = [1, 1, 1]} : vector<64x8x256xi32> to vector<32x8x256xi32>
    %min3A_1094 = arith.minsi %slice3A_1092, %slice3A_1093 : vector<32x8x256xi32>
    %slice3A_1095 = vector.extract_strided_slice %min3A_1094 {offsets = [0, 0, 0], sizes = [16, 8, 256], strides = [1, 1, 1]} : vector<32x8x256xi32> to vector<16x8x256xi32>
    %slice3A_1096 = vector.extract_strided_slice %min3A_1094 {offsets = [16, 0, 0], sizes = [16, 8, 256], strides = [1, 1, 1]} : vector<32x8x256xi32> to vector<16x8x256xi32>
    %min3A_1097 = arith.minsi %slice3A_1095, %slice3A_1096 : vector<16x8x256xi32>
    %slice3A_1098 = vector.extract_strided_slice %min3A_1097 {offsets = [0, 0, 0], sizes = [8, 8, 256], strides = [1, 1, 1]} : vector<16x8x256xi32> to vector<8x8x256xi32>
    %slice3A_1099 = vector.extract_strided_slice %min3A_1097 {offsets = [8, 0, 0], sizes = [8, 8, 256], strides = [1, 1, 1]} : vector<16x8x256xi32> to vector<8x8x256xi32>
    %min3A_1100 = arith.minsi %slice3A_1098, %slice3A_1099 : vector<8x8x256xi32>
    %slice3A_1101 = vector.extract_strided_slice %min3A_1100 {offsets = [0, 0, 0], sizes = [4, 8, 256], strides = [1, 1, 1]} : vector<8x8x256xi32> to vector<4x8x256xi32>
    %slice3A_1102 = vector.extract_strided_slice %min3A_1100 {offsets = [4, 0, 0], sizes = [4, 8, 256], strides = [1, 1, 1]} : vector<8x8x256xi32> to vector<4x8x256xi32>
    %min3A_1103 = arith.minsi %slice3A_1101, %slice3A_1102 : vector<4x8x256xi32>
    %slice3A_1104 = vector.extract_strided_slice %min3A_1103 {offsets = [0, 0, 0], sizes = [2, 8, 256], strides = [1, 1, 1]} : vector<4x8x256xi32> to vector<2x8x256xi32>
    %slice3A_1105 = vector.extract_strided_slice %min3A_1103 {offsets = [2, 0, 0], sizes = [2, 8, 256], strides = [1, 1, 1]} : vector<4x8x256xi32> to vector<2x8x256xi32>
    %min3A_1106 = arith.minsi %slice3A_1104, %slice3A_1105 : vector<2x8x256xi32>
    %slice3A_1107 = vector.extract_strided_slice %min3A_1106 {offsets = [0, 0, 0], sizes = [1, 8, 256], strides = [1, 1, 1]} : vector<2x8x256xi32> to vector<1x8x256xi32>
    %slice3A_1108 = vector.extract_strided_slice %min3A_1106 {offsets = [1, 0, 0], sizes = [1, 8, 256], strides = [1, 1, 1]} : vector<2x8x256xi32> to vector<1x8x256xi32>
    %min3A_1109 = arith.minsi %slice3A_1107, %slice3A_1108 : vector<1x8x256xi32>
    %squeeze3A_1110 = vector.shape_cast %min3A_1109 : vector<1x8x256xi32> to vector<8x256xi32>
    %roll3A_1111 = arith.constant 4 : i32
    %roll3A_1112 = tpu.dynamic_rotate %squeeze3A_1110 by %roll3A_1111 dim 0 : vector<8x256xi32>, i32 -> vector<8x256xi32>
    %min3A_1113 = arith.minsi %squeeze3A_1110, %roll3A_1112 : vector<8x256xi32>
    %roll3A_1114 = arith.constant 2 : i32
    %roll3A_1115 = tpu.dynamic_rotate %min3A_1113 by %roll3A_1114 dim 0 : vector<8x256xi32>, i32 -> vector<8x256xi32>
    %min3A_1116 = arith.minsi %min3A_1113, %roll3A_1115 : vector<8x256xi32>
    %roll3A_1117 = arith.constant 1 : i32
    %roll3A_1118 = tpu.dynamic_rotate %min3A_1116 by %roll3A_1117 dim 0 : vector<8x256xi32>, i32 -> vector<8x256xi32>
    %min3A_1119 = arith.minsi %min3A_1116, %roll3A_1118 : vector<8x256xi32>
    %slice3A_1120 = vector.extract_strided_slice %min3A_1085 {offsets = [0, 0], sizes = [1, 256], strides = [1, 1]} : vector<8x256xf32> to vector<1x256xf32>
    %squeeze3A_1121 = vector.shape_cast %slice3A_1120 : vector<1x256xf32> to vector<256xf32>
    %slice3A_1122 = vector.extract_strided_slice %min3A_1119 {offsets = [0, 0], sizes = [1, 256], strides = [1, 1]} : vector<8x256xi32> to vector<1x256xi32>
    %squeeze3A_1123 = vector.shape_cast %slice3A_1122 : vector<1x256xi32> to vector<256xi32>
    %add3A_1124 = vector.broadcast %mul3A_23 : i32 to vector<256xi32>
    %add3A_1125 = arith.addi %squeeze3A_1123, %add3A_1124 : vector<256xi32>
    %broadcast_in_dim3A_1126 = vector.shape_cast %min3A_1119 : vector<8x256xi32> to vector<1x8x256xi32>
    %eq3A_1127 = vector.broadcast %broadcast_in_dim3A_1126 : vector<1x8x256xi32> to vector<64x8x256xi32>
    %eq3A_1128 = arith.cmpi eq, %add3A_28, %eq3A_1127 : vector<64x8x256xi32>
    %jit3A_1129 = arith.constant 0x7F800000 : f32
    %broadcast_in_dim3A_1130 = vector.broadcast %jit3A_1129 : f32 to vector<64x8x256xf32>
    %select_n3A_1131 = arith.select %eq3A_1128, %broadcast_in_dim3A_1130, %select_n3A_1057 : vector<64x8x256xi1>, vector<64x8x256xf32>
    %slice3A_1132 = vector.extract_strided_slice %select_n3A_1131 {offsets = [0, 0, 0], sizes = [32, 8, 256], strides = [1, 1, 1]} : vector<64x8x256xf32> to vector<32x8x256xf32>
    %slice3A_1133 = vector.extract_strided_slice %select_n3A_1131 {offsets = [32, 0, 0], sizes = [32, 8, 256], strides = [1, 1, 1]} : vector<64x8x256xf32> to vector<32x8x256xf32>
    %min3A_1134 = arith.minimumf %slice3A_1132, %slice3A_1133 : vector<32x8x256xf32>
    %slice3A_1135 = vector.extract_strided_slice %min3A_1134 {offsets = [0, 0, 0], sizes = [16, 8, 256], strides = [1, 1, 1]} : vector<32x8x256xf32> to vector<16x8x256xf32>
    %slice3A_1136 = vector.extract_strided_slice %min3A_1134 {offsets = [16, 0, 0], sizes = [16, 8, 256], strides = [1, 1, 1]} : vector<32x8x256xf32> to vector<16x8x256xf32>
    %min3A_1137 = arith.minimumf %slice3A_1135, %slice3A_1136 : vector<16x8x256xf32>
    %slice3A_1138 = vector.extract_strided_slice %min3A_1137 {offsets = [0, 0, 0], sizes = [8, 8, 256], strides = [1, 1, 1]} : vector<16x8x256xf32> to vector<8x8x256xf32>
    %slice3A_1139 = vector.extract_strided_slice %min3A_1137 {offsets = [8, 0, 0], sizes = [8, 8, 256], strides = [1, 1, 1]} : vector<16x8x256xf32> to vector<8x8x256xf32>
    %min3A_1140 = arith.minimumf %slice3A_1138, %slice3A_1139 : vector<8x8x256xf32>
    %slice3A_1141 = vector.extract_strided_slice %min3A_1140 {offsets = [0, 0, 0], sizes = [4, 8, 256], strides = [1, 1, 1]} : vector<8x8x256xf32> to vector<4x8x256xf32>
    %slice3A_1142 = vector.extract_strided_slice %min3A_1140 {offsets = [4, 0, 0], sizes = [4, 8, 256], strides = [1, 1, 1]} : vector<8x8x256xf32> to vector<4x8x256xf32>
    %min3A_1143 = arith.minimumf %slice3A_1141, %slice3A_1142 : vector<4x8x256xf32>
    %slice3A_1144 = vector.extract_strided_slice %min3A_1143 {offsets = [0, 0, 0], sizes = [2, 8, 256], strides = [1, 1, 1]} : vector<4x8x256xf32> to vector<2x8x256xf32>
    %slice3A_1145 = vector.extract_strided_slice %min3A_1143 {offsets = [2, 0, 0], sizes = [2, 8, 256], strides = [1, 1, 1]} : vector<4x8x256xf32> to vector<2x8x256xf32>
    %min3A_1146 = arith.minimumf %slice3A_1144, %slice3A_1145 : vector<2x8x256xf32>
    %slice3A_1147 = vector.extract_strided_slice %min3A_1146 {offsets = [0, 0, 0], sizes = [1, 8, 256], strides = [1, 1, 1]} : vector<2x8x256xf32> to vector<1x8x256xf32>
    %slice3A_1148 = vector.extract_strided_slice %min3A_1146 {offsets = [1, 0, 0], sizes = [1, 8, 256], strides = [1, 1, 1]} : vector<2x8x256xf32> to vector<1x8x256xf32>
    %min3A_1149 = arith.minimumf %slice3A_1147, %slice3A_1148 : vector<1x8x256xf32>
    %squeeze3A_1150 = vector.shape_cast %min3A_1149 : vector<1x8x256xf32> to vector<8x256xf32>
    %roll3A_1151 = arith.constant 4 : i32
    %roll3A_1152 = tpu.dynamic_rotate %squeeze3A_1150 by %roll3A_1151 dim 0 : vector<8x256xf32>, i32 -> vector<8x256xf32>
    %min3A_1153 = arith.minimumf %squeeze3A_1150, %roll3A_1152 : vector<8x256xf32>
    %roll3A_1154 = arith.constant 2 : i32
    %roll3A_1155 = tpu.dynamic_rotate %min3A_1153 by %roll3A_1154 dim 0 : vector<8x256xf32>, i32 -> vector<8x256xf32>
    %min3A_1156 = arith.minimumf %min3A_1153, %roll3A_1155 : vector<8x256xf32>
    %roll3A_1157 = arith.constant 1 : i32
    %roll3A_1158 = tpu.dynamic_rotate %min3A_1156 by %roll3A_1157 dim 0 : vector<8x256xf32>, i32 -> vector<8x256xf32>
    %min3A_1159 = arith.minimumf %min3A_1156, %roll3A_1158 : vector<8x256xf32>
    %broadcast_in_dim3A_1160 = vector.shape_cast %min3A_1159 : vector<8x256xf32> to vector<1x8x256xf32>
    %eq3A_1161 = vector.broadcast %broadcast_in_dim3A_1160 : vector<1x8x256xf32> to vector<64x8x256xf32>
    %eq3A_1162 = arith.cmpf oeq, %select_n3A_1131, %eq3A_1161 : vector<64x8x256xf32>
    %jit3A_1163 = arith.constant 512 : i32
    %broadcast_in_dim3A_1164 = vector.broadcast %jit3A_1163 : i32 to vector<64x8x256xi32>
    %select_n3A_1165 = arith.select %eq3A_1162, %add3A_28, %broadcast_in_dim3A_1164 : vector<64x8x256xi1>, vector<64x8x256xi32>
    %slice3A_1166 = vector.extract_strided_slice %select_n3A_1165 {offsets = [0, 0, 0], sizes = [32, 8, 256], strides = [1, 1, 1]} : vector<64x8x256xi32> to vector<32x8x256xi32>
    %slice3A_1167 = vector.extract_strided_slice %select_n3A_1165 {offsets = [32, 0, 0], sizes = [32, 8, 256], strides = [1, 1, 1]} : vector<64x8x256xi32> to vector<32x8x256xi32>
    %min3A_1168 = arith.minsi %slice3A_1166, %slice3A_1167 : vector<32x8x256xi32>
    %slice3A_1169 = vector.extract_strided_slice %min3A_1168 {offsets = [0, 0, 0], sizes = [16, 8, 256], strides = [1, 1, 1]} : vector<32x8x256xi32> to vector<16x8x256xi32>
    %slice3A_1170 = vector.extract_strided_slice %min3A_1168 {offsets = [16, 0, 0], sizes = [16, 8, 256], strides = [1, 1, 1]} : vector<32x8x256xi32> to vector<16x8x256xi32>
    %min3A_1171 = arith.minsi %slice3A_1169, %slice3A_1170 : vector<16x8x256xi32>
    %slice3A_1172 = vector.extract_strided_slice %min3A_1171 {offsets = [0, 0, 0], sizes = [8, 8, 256], strides = [1, 1, 1]} : vector<16x8x256xi32> to vector<8x8x256xi32>
    %slice3A_1173 = vector.extract_strided_slice %min3A_1171 {offsets = [8, 0, 0], sizes = [8, 8, 256], strides = [1, 1, 1]} : vector<16x8x256xi32> to vector<8x8x256xi32>
    %min3A_1174 = arith.minsi %slice3A_1172, %slice3A_1173 : vector<8x8x256xi32>
    %slice3A_1175 = vector.extract_strided_slice %min3A_1174 {offsets = [0, 0, 0], sizes = [4, 8, 256], strides = [1, 1, 1]} : vector<8x8x256xi32> to vector<4x8x256xi32>
    %slice3A_1176 = vector.extract_strided_slice %min3A_1174 {offsets = [4, 0, 0], sizes = [4, 8, 256], strides = [1, 1, 1]} : vector<8x8x256xi32> to vector<4x8x256xi32>
    %min3A_1177 = arith.minsi %slice3A_1175, %slice3A_1176 : vector<4x8x256xi32>
    %slice3A_1178 = vector.extract_strided_slice %min3A_1177 {offsets = [0, 0, 0], sizes = [2, 8, 256], strides = [1, 1, 1]} : vector<4x8x256xi32> to vector<2x8x256xi32>
    %slice3A_1179 = vector.extract_strided_slice %min3A_1177 {offsets = [2, 0, 0], sizes = [2, 8, 256], strides = [1, 1, 1]} : vector<4x8x256xi32> to vector<2x8x256xi32>
    %min3A_1180 = arith.minsi %slice3A_1178, %slice3A_1179 : vector<2x8x256xi32>
    %slice3A_1181 = vector.extract_strided_slice %min3A_1180 {offsets = [0, 0, 0], sizes = [1, 8, 256], strides = [1, 1, 1]} : vector<2x8x256xi32> to vector<1x8x256xi32>
    %slice3A_1182 = vector.extract_strided_slice %min3A_1180 {offsets = [1, 0, 0], sizes = [1, 8, 256], strides = [1, 1, 1]} : vector<2x8x256xi32> to vector<1x8x256xi32>
    %min3A_1183 = arith.minsi %slice3A_1181, %slice3A_1182 : vector<1x8x256xi32>
    %squeeze3A_1184 = vector.shape_cast %min3A_1183 : vector<1x8x256xi32> to vector<8x256xi32>
    %roll3A_1185 = arith.constant 4 : i32
    %roll3A_1186 = tpu.dynamic_rotate %squeeze3A_1184 by %roll3A_1185 dim 0 : vector<8x256xi32>, i32 -> vector<8x256xi32>
    %min3A_1187 = arith.minsi %squeeze3A_1184, %roll3A_1186 : vector<8x256xi32>
    %roll3A_1188 = arith.constant 2 : i32
    %roll3A_1189 = tpu.dynamic_rotate %min3A_1187 by %roll3A_1188 dim 0 : vector<8x256xi32>, i32 -> vector<8x256xi32>
    %min3A_1190 = arith.minsi %min3A_1187, %roll3A_1189 : vector<8x256xi32>
    %roll3A_1191 = arith.constant 1 : i32
    %roll3A_1192 = tpu.dynamic_rotate %min3A_1190 by %roll3A_1191 dim 0 : vector<8x256xi32>, i32 -> vector<8x256xi32>
    %min3A_1193 = arith.minsi %min3A_1190, %roll3A_1192 : vector<8x256xi32>
    %slice3A_1194 = vector.extract_strided_slice %min3A_1159 {offsets = [0, 0], sizes = [1, 256], strides = [1, 1]} : vector<8x256xf32> to vector<1x256xf32>
    %squeeze3A_1195 = vector.shape_cast %slice3A_1194 : vector<1x256xf32> to vector<256xf32>
    %slice3A_1196 = vector.extract_strided_slice %min3A_1193 {offsets = [0, 0], sizes = [1, 256], strides = [1, 1]} : vector<8x256xi32> to vector<1x256xi32>
    %squeeze3A_1197 = vector.shape_cast %slice3A_1196 : vector<1x256xi32> to vector<256xi32>
    %add3A_1198 = vector.broadcast %mul3A_23 : i32 to vector<256xi32>
    %add3A_1199 = arith.addi %squeeze3A_1197, %add3A_1198 : vector<256xi32>
    %stack3A = vector.shape_cast %squeeze3A_85 : vector<256xf32> to vector<1x256xf32>
    %stack3A_1200 = vector.shape_cast %squeeze3A_159 : vector<256xf32> to vector<1x256xf32>
    %stack3A_1201 = vector.shape_cast %squeeze3A_233 : vector<256xf32> to vector<1x256xf32>
    %stack3A_1202 = vector.shape_cast %squeeze3A_307 : vector<256xf32> to vector<1x256xf32>
    %stack3A_1203 = vector.shape_cast %squeeze3A_381 : vector<256xf32> to vector<1x256xf32>
    %stack3A_1204 = vector.shape_cast %squeeze3A_455 : vector<256xf32> to vector<1x256xf32>
    %stack3A_1205 = vector.shape_cast %squeeze3A_529 : vector<256xf32> to vector<1x256xf32>
    %stack3A_1206 = vector.shape_cast %squeeze3A_603 : vector<256xf32> to vector<1x256xf32>
    %stack3A_1207 = vector.shape_cast %squeeze3A_677 : vector<256xf32> to vector<1x256xf32>
    %stack3A_1208 = vector.shape_cast %squeeze3A_751 : vector<256xf32> to vector<1x256xf32>
    %stack3A_1209 = vector.shape_cast %squeeze3A_825 : vector<256xf32> to vector<1x256xf32>
    %stack3A_1210 = vector.shape_cast %squeeze3A_899 : vector<256xf32> to vector<1x256xf32>
    %stack3A_1211 = vector.shape_cast %squeeze3A_973 : vector<256xf32> to vector<1x256xf32>
    %stack3A_1212 = vector.shape_cast %squeeze3A_1047 : vector<256xf32> to vector<1x256xf32>
    %stack3A_1213 = vector.shape_cast %squeeze3A_1121 : vector<256xf32> to vector<1x256xf32>
    %stack3A_1214 = vector.shape_cast %squeeze3A_1195 : vector<256xf32> to vector<1x256xf32>
    %stack3A_1215 = tpu.concatenate %stack3A, %stack3A_1200, %stack3A_1201, %stack3A_1202, %stack3A_1203, %stack3A_1204, %stack3A_1205, %stack3A_1206, %stack3A_1207, %stack3A_1208, %stack3A_1209, %stack3A_1210, %stack3A_1211, %stack3A_1212, %stack3A_1213, %stack3A_1214 in 0 : vector<1x256xf32>, vector<1x256xf32>, vector<1x256xf32>, vector<1x256xf32>, vector<1x256xf32>, vector<1x256xf32>, vector<1x256xf32>, vector<1x256xf32>, vector<1x256xf32>, vector<1x256xf32>, vector<1x256xf32>, vector<1x256xf32>, vector<1x256xf32>, vector<1x256xf32>, vector<1x256xf32>, vector<1x256xf32> -> vector<16x256xf32>
    %mul3A_1216 = arith.constant 16 : i32
    %mul3A_1217 = arith.muli %arg2, %mul3A_1216 : i32
    %swap3A = arith.index_cast %mul3A_1217 : i32 to index
    %swap3A_1218 = arith.constant 0 : index
    %swap3A_1219 = vector.load %arg6[%swap3A, %swap3A_1218] : memref<128x256xf32, #tpu.memory_space<vmem>>, vector<16x256xf32>
    tpu.vector_store %arg6[%swap3A, %swap3A_1218], %stack3A_1215 {strides = array<i32>} : memref<128x256xf32, #tpu.memory_space<vmem>>, vector<16x256xf32>,
    %stack3A_1220 = vector.shape_cast %add3A_89 : vector<256xi32> to vector<1x256xi32>
    %stack3A_1221 = vector.shape_cast %add3A_163 : vector<256xi32> to vector<1x256xi32>
    %stack3A_1222 = vector.shape_cast %add3A_237 : vector<256xi32> to vector<1x256xi32>
    %stack3A_1223 = vector.shape_cast %add3A_311 : vector<256xi32> to vector<1x256xi32>
    %stack3A_1224 = vector.shape_cast %add3A_385 : vector<256xi32> to vector<1x256xi32>
    %stack3A_1225 = vector.shape_cast %add3A_459 : vector<256xi32> to vector<1x256xi32>
    %stack3A_1226 = vector.shape_cast %add3A_533 : vector<256xi32> to vector<1x256xi32>
    %stack3A_1227 = vector.shape_cast %add3A_607 : vector<256xi32> to vector<1x256xi32>
    %stack3A_1228 = vector.shape_cast %add3A_681 : vector<256xi32> to vector<1x256xi32>
    %stack3A_1229 = vector.shape_cast %add3A_755 : vector<256xi32> to vector<1x256xi32>
    %stack3A_1230 = vector.shape_cast %add3A_829 : vector<256xi32> to vector<1x256xi32>
    %stack3A_1231 = vector.shape_cast %add3A_903 : vector<256xi32> to vector<1x256xi32>
    %stack3A_1232 = vector.shape_cast %add3A_977 : vector<256xi32> to vector<1x256xi32>
    %stack3A_1233 = vector.shape_cast %add3A_1051 : vector<256xi32> to vector<1x256xi32>
    %stack3A_1234 = vector.shape_cast %add3A_1125 : vector<256xi32> to vector<1x256xi32>
    %stack3A_1235 = vector.shape_cast %add3A_1199 : vector<256xi32> to vector<1x256xi32>
    %stack3A_1236 = tpu.concatenate %stack3A_1220, %stack3A_1221, %stack3A_1222, %stack3A_1223, %stack3A_1224, %stack3A_1225, %stack3A_1226, %stack3A_1227, %stack3A_1228, %stack3A_1229, %stack3A_1230, %stack3A_1231, %stack3A_1232, %stack3A_1233, %stack3A_1234, %stack3A_1235 in 0 : vector<1x256xi32>, vector<1x256xi32>, vector<1x256xi32>, vector<1x256xi32>, vector<1x256xi32>, vector<1x256xi32>, vector<1x256xi32>, vector<1x256xi32>, vector<1x256xi32>, vector<1x256xi32>, vector<1x256xi32>, vector<1x256xi32>, vector<1x256xi32>, vector<1x256xi32>, vector<1x256xi32>, vector<1x256xi32> -> vector<16x256xi32>
    %mul3A_1237 = arith.constant 16 : i32
    %mul3A_1238 = arith.muli %arg2, %mul3A_1237 : i32
    %swap3A_1239 = arith.index_cast %mul3A_1238 : i32 to index
    %swap3A_1240 = arith.constant 0 : index
    %swap3A_1241 = vector.load %arg7[%swap3A_1239, %swap3A_1240] : memref<128x256xi32, #tpu.memory_space<vmem>>, vector<16x256xi32>
    tpu.vector_store %arg7[%swap3A_1239, %swap3A_1240], %stack3A_1236 {strides = array<i32>} : memref<128x256xi32, #tpu.memory_space<vmem>>, vector<16x256xi32>,
    %eq3A_1242 = arith.constant 7 : i32
    %eq3A_1243 = arith.cmpi eq, %arg2, %eq3A_1242 : i32
    %convert_element_type3A = arith.extui %eq3A_1243 : i1 to i32
    %cond3A = arith.constant 0x7F800000 : f32
    %cond3A_1244 = arith.constant 0 : i32
    %cond3A_1245 = arith.cmpi ne, %convert_element_type3A, %cond3A_1244 : i32
    scf.if %cond3A_1245 {
      %mul3A_1246 = arith.constant 4096 : i32
      %mul3A_1247 = arith.muli %arg0, %mul3A_1246 : i32
      %get3A_1248 = arith.constant 0 : index
      %get3A_1249 = arith.constant 0 : index
      %get3A_1250 = vector.load %arg6[%get3A_1248, %get3A_1249] : memref<128x256xf32, #tpu.memory_space<vmem>>, vector<128x256xf32>
      %get3A_1251 = arith.constant 0 : index
      %get3A_1252 = arith.constant 0 : index
      %get3A_1253 = vector.load %arg7[%get3A_1251, %get3A_1252] : memref<128x256xi32, #tpu.memory_space<vmem>>, vector<128x256xi32>
      %slice3A_1254 = vector.extract_strided_slice %get3A_1250 {offsets = [0, 0], sizes = [64, 256], strides = [1, 1]} : vector<128x256xf32> to vector<64x256xf32>
      %slice3A_1255 = vector.extract_strided_slice %get3A_1250 {offsets = [64, 0], sizes = [64, 256], strides = [1, 1]} : vector<128x256xf32> to vector<64x256xf32>
      %min3A_1256 = arith.minimumf %slice3A_1254, %slice3A_1255 : vector<64x256xf32>
      %slice3A_1257 = vector.extract_strided_slice %min3A_1256 {offsets = [0, 0], sizes = [32, 256], strides = [1, 1]} : vector<64x256xf32> to vector<32x256xf32>
      %slice3A_1258 = vector.extract_strided_slice %min3A_1256 {offsets = [32, 0], sizes = [32, 256], strides = [1, 1]} : vector<64x256xf32> to vector<32x256xf32>
      %min3A_1259 = arith.minimumf %slice3A_1257, %slice3A_1258 : vector<32x256xf32>
      %slice3A_1260 = vector.extract_strided_slice %min3A_1259 {offsets = [0, 0], sizes = [16, 256], strides = [1, 1]} : vector<32x256xf32> to vector<16x256xf32>
      %slice3A_1261 = vector.extract_strided_slice %min3A_1259 {offsets = [16, 0], sizes = [16, 256], strides = [1, 1]} : vector<32x256xf32> to vector<16x256xf32>
      %min3A_1262 = arith.minimumf %slice3A_1260, %slice3A_1261 : vector<16x256xf32>
      %slice3A_1263 = vector.extract_strided_slice %min3A_1262 {offsets = [0, 0], sizes = [8, 256], strides = [1, 1]} : vector<16x256xf32> to vector<8x256xf32>
      %slice3A_1264 = vector.extract_strided_slice %min3A_1262 {offsets = [8, 0], sizes = [8, 256], strides = [1, 1]} : vector<16x256xf32> to vector<8x256xf32>
      %min3A_1265 = arith.minimumf %slice3A_1263, %slice3A_1264 : vector<8x256xf32>
      %reduce_min3A = arith.constant dense<0x7F800000> : vector<256xf32>
      %reduce_min3A_1266 = vector.multi_reduction <minimumf>, %min3A_1265, %reduce_min3A [0] : vector<8x256xf32> to vector<256xf32>
      %broadcast_in_dim3A_1267 = vector.shape_cast %reduce_min3A_1266 : vector<256xf32> to vector<1x256xf32>
      %eq3A_1268 = vector.broadcast %broadcast_in_dim3A_1267 : vector<1x256xf32> to vector<128x256xf32>
      %eq3A_1269 = arith.cmpf oeq, %get3A_1250, %eq3A_1268 : vector<128x256xf32>
      %jit3A_1270 = arith.constant 4096 : i32
      %broadcast_in_dim3A_1271 = vector.broadcast %jit3A_1270 : i32 to vector<128x256xi32>
      %select_n3A_1272 = arith.select %eq3A_1269, %get3A_1253, %broadcast_in_dim3A_1271 : vector<128x256xi1>, vector<128x256xi32>
      %slice3A_1273 = vector.extract_strided_slice %select_n3A_1272 {offsets = [0, 0], sizes = [64, 256], strides = [1, 1]} : vector<128x256xi32> to vector<64x256xi32>
      %slice3A_1274 = vector.extract_strided_slice %select_n3A_1272 {offsets = [64, 0], sizes = [64, 256], strides = [1, 1]} : vector<128x256xi32> to vector<64x256xi32>
      %min3A_1275 = arith.minsi %slice3A_1273, %slice3A_1274 : vector<64x256xi32>
      %slice3A_1276 = vector.extract_strided_slice %min3A_1275 {offsets = [0, 0], sizes = [32, 256], strides = [1, 1]} : vector<64x256xi32> to vector<32x256xi32>
      %slice3A_1277 = vector.extract_strided_slice %min3A_1275 {offsets = [32, 0], sizes = [32, 256], strides = [1, 1]} : vector<64x256xi32> to vector<32x256xi32>
      %min3A_1278 = arith.minsi %slice3A_1276, %slice3A_1277 : vector<32x256xi32>
      %slice3A_1279 = vector.extract_strided_slice %min3A_1278 {offsets = [0, 0], sizes = [16, 256], strides = [1, 1]} : vector<32x256xi32> to vector<16x256xi32>
      %slice3A_1280 = vector.extract_strided_slice %min3A_1278 {offsets = [16, 0], sizes = [16, 256], strides = [1, 1]} : vector<32x256xi32> to vector<16x256xi32>
      %min3A_1281 = arith.minsi %slice3A_1279, %slice3A_1280 : vector<16x256xi32>
      %slice3A_1282 = vector.extract_strided_slice %min3A_1281 {offsets = [0, 0], sizes = [8, 256], strides = [1, 1]} : vector<16x256xi32> to vector<8x256xi32>
      %slice3A_1283 = vector.extract_strided_slice %min3A_1281 {offsets = [8, 0], sizes = [8, 256], strides = [1, 1]} : vector<16x256xi32> to vector<8x256xi32>
      %min3A_1284 = arith.minsi %slice3A_1282, %slice3A_1283 : vector<8x256xi32>
      %reduce_min3A_1285 = arith.constant dense<2147483647> : vector<256xi32>
      %reduce_min3A_1286 = vector.multi_reduction <minsi>, %min3A_1284, %reduce_min3A_1285 [0] : vector<8x256xi32> to vector<256xi32>
      %add3A_1287 = vector.broadcast %mul3A_1247 : i32 to vector<256xi32>
      %add3A_1288 = arith.addi %reduce_min3A_1286, %add3A_1287 : vector<256xi32>
      %swap3A_1289 = arith.constant 0 : index
      %swap3A_1290 = arith.constant 0 : index
      %swap3A_1291 = arith.constant 0 : index
      %swap3A_1292 = vector.load %arg5[%swap3A_1289, %swap3A_1290, %swap3A_1291] : memref<1x16x256xi32, #tpu.memory_space<vmem>>, vector<1x1x256xi32>
      %swap3A_1293 = vector.shape_cast %swap3A_1292 : vector<1x1x256xi32> to vector<256xi32>
      %swap3A_1294 = vector.shape_cast %add3A_1288 : vector<256xi32> to vector<1x1x256xi32>
      tpu.vector_store %arg5[%swap3A_1289, %swap3A_1290, %swap3A_1291], %swap3A_1294 {strides = array<i32>} : memref<1x16x256xi32, #tpu.memory_space<vmem>>, vector<1x1x256xi32>,
      %broadcast_in_dim3A_1295 = vector.shape_cast %reduce_min3A_1286 : vector<256xi32> to vector<1x256xi32>
      %eq3A_1296 = vector.broadcast %broadcast_in_dim3A_1295 : vector<1x256xi32> to vector<128x256xi32>
      %eq3A_1297 = arith.cmpi eq, %get3A_1253, %eq3A_1296 : vector<128x256xi32>
      %broadcast_in_dim3A_1298 = vector.broadcast %cond3A : f32 to vector<128x256xf32>
      %select_n3A_1299 = arith.select %eq3A_1297, %broadcast_in_dim3A_1298, %get3A_1250 : vector<128x256xi1>, vector<128x256xf32>
      %slice3A_1300 = vector.extract_strided_slice %select_n3A_1299 {offsets = [0, 0], sizes = [64, 256], strides = [1, 1]} : vector<128x256xf32> to vector<64x256xf32>
      %slice3A_1301 = vector.extract_strided_slice %select_n3A_1299 {offsets = [64, 0], sizes = [64, 256], strides = [1, 1]} : vector<128x256xf32> to vector<64x256xf32>
      %min3A_1302 = arith.minimumf %slice3A_1300, %slice3A_1301 : vector<64x256xf32>
      %slice3A_1303 = vector.extract_strided_slice %min3A_1302 {offsets = [0, 0], sizes = [32, 256], strides = [1, 1]} : vector<64x256xf32> to vector<32x256xf32>
      %slice3A_1304 = vector.extract_strided_slice %min3A_1302 {offsets = [32, 0], sizes = [32, 256], strides = [1, 1]} : vector<64x256xf32> to vector<32x256xf32>
      %min3A_1305 = arith.minimumf %slice3A_1303, %slice3A_1304 : vector<32x256xf32>
      %slice3A_1306 = vector.extract_strided_slice %min3A_1305 {offsets = [0, 0], sizes = [16, 256], strides = [1, 1]} : vector<32x256xf32> to vector<16x256xf32>
      %slice3A_1307 = vector.extract_strided_slice %min3A_1305 {offsets = [16, 0], sizes = [16, 256], strides = [1, 1]} : vector<32x256xf32> to vector<16x256xf32>
      %min3A_1308 = arith.minimumf %slice3A_1306, %slice3A_1307 : vector<16x256xf32>
      %slice3A_1309 = vector.extract_strided_slice %min3A_1308 {offsets = [0, 0], sizes = [8, 256], strides = [1, 1]} : vector<16x256xf32> to vector<8x256xf32>
      %slice3A_1310 = vector.extract_strided_slice %min3A_1308 {offsets = [8, 0], sizes = [8, 256], strides = [1, 1]} : vector<16x256xf32> to vector<8x256xf32>
      %min3A_1311 = arith.minimumf %slice3A_1309, %slice3A_1310 : vector<8x256xf32>
      %reduce_min3A_1312 = arith.constant dense<0x7F800000> : vector<256xf32>
      %reduce_min3A_1313 = vector.multi_reduction <minimumf>, %min3A_1311, %reduce_min3A_1312 [0] : vector<8x256xf32> to vector<256xf32>
      %broadcast_in_dim3A_1314 = vector.shape_cast %reduce_min3A_1313 : vector<256xf32> to vector<1x256xf32>
      %eq3A_1315 = vector.broadcast %broadcast_in_dim3A_1314 : vector<1x256xf32> to vector<128x256xf32>
      %eq3A_1316 = arith.cmpf oeq, %select_n3A_1299, %eq3A_1315 : vector<128x256xf32>
      %jit3A_1317 = arith.constant 4096 : i32
      %broadcast_in_dim3A_1318 = vector.broadcast %jit3A_1317 : i32 to vector<128x256xi32>
      %select_n3A_1319 = arith.select %eq3A_1316, %get3A_1253, %broadcast_in_dim3A_1318 : vector<128x256xi1>, vector<128x256xi32>
      %slice3A_1320 = vector.extract_strided_slice %select_n3A_1319 {offsets = [0, 0], sizes = [64, 256], strides = [1, 1]} : vector<128x256xi32> to vector<64x256xi32>
      %slice3A_1321 = vector.extract_strided_slice %select_n3A_1319 {offsets = [64, 0], sizes = [64, 256], strides = [1, 1]} : vector<128x256xi32> to vector<64x256xi32>
      %min3A_1322 = arith.minsi %slice3A_1320, %slice3A_1321 : vector<64x256xi32>
      %slice3A_1323 = vector.extract_strided_slice %min3A_1322 {offsets = [0, 0], sizes = [32, 256], strides = [1, 1]} : vector<64x256xi32> to vector<32x256xi32>
      %slice3A_1324 = vector.extract_strided_slice %min3A_1322 {offsets = [32, 0], sizes = [32, 256], strides = [1, 1]} : vector<64x256xi32> to vector<32x256xi32>
      %min3A_1325 = arith.minsi %slice3A_1323, %slice3A_1324 : vector<32x256xi32>
      %slice3A_1326 = vector.extract_strided_slice %min3A_1325 {offsets = [0, 0], sizes = [16, 256], strides = [1, 1]} : vector<32x256xi32> to vector<16x256xi32>
      %slice3A_1327 = vector.extract_strided_slice %min3A_1325 {offsets = [16, 0], sizes = [16, 256], strides = [1, 1]} : vector<32x256xi32> to vector<16x256xi32>
      %min3A_1328 = arith.minsi %slice3A_1326, %slice3A_1327 : vector<16x256xi32>
      %slice3A_1329 = vector.extract_strided_slice %min3A_1328 {offsets = [0, 0], sizes = [8, 256], strides = [1, 1]} : vector<16x256xi32> to vector<8x256xi32>
      %slice3A_1330 = vector.extract_strided_slice %min3A_1328 {offsets = [8, 0], sizes = [8, 256], strides = [1, 1]} : vector<16x256xi32> to vector<8x256xi32>
      %min3A_1331 = arith.minsi %slice3A_1329, %slice3A_1330 : vector<8x256xi32>
      %reduce_min3A_1332 = arith.constant dense<2147483647> : vector<256xi32>
      %reduce_min3A_1333 = vector.multi_reduction <minsi>, %min3A_1331, %reduce_min3A_1332 [0] : vector<8x256xi32> to vector<256xi32>
      %add3A_1334 = vector.broadcast %mul3A_1247 : i32 to vector<256xi32>
      %add3A_1335 = arith.addi %reduce_min3A_1333, %add3A_1334 : vector<256xi32>
      %swap3A_1336 = arith.constant 0 : index
      %swap3A_1337 = arith.constant 1 : index
      %swap3A_1338 = arith.constant 0 : index
      %swap3A_1339 = vector.load %arg5[%swap3A_1336, %swap3A_1337, %swap3A_1338] : memref<1x16x256xi32, #tpu.memory_space<vmem>>, vector<1x1x256xi32>
      %swap3A_1340 = vector.shape_cast %swap3A_1339 : vector<1x1x256xi32> to vector<256xi32>
      %swap3A_1341 = vector.shape_cast %add3A_1335 : vector<256xi32> to vector<1x1x256xi32>
      tpu.vector_store %arg5[%swap3A_1336, %swap3A_1337, %swap3A_1338], %swap3A_1341 {strides = array<i32>} : memref<1x16x256xi32, #tpu.memory_space<vmem>>, vector<1x1x256xi32>,
      %broadcast_in_dim3A_1342 = vector.shape_cast %reduce_min3A_1333 : vector<256xi32> to vector<1x256xi32>
      %eq3A_1343 = vector.broadcast %broadcast_in_dim3A_1342 : vector<1x256xi32> to vector<128x256xi32>
      %eq3A_1344 = arith.cmpi eq, %get3A_1253, %eq3A_1343 : vector<128x256xi32>
      %broadcast_in_dim3A_1345 = vector.broadcast %cond3A : f32 to vector<128x256xf32>
      %select_n3A_1346 = arith.select %eq3A_1344, %broadcast_in_dim3A_1345, %select_n3A_1299 : vector<128x256xi1>, vector<128x256xf32>
      %slice3A_1347 = vector.extract_strided_slice %select_n3A_1346 {offsets = [0, 0], sizes = [64, 256], strides = [1, 1]} : vector<128x256xf32> to vector<64x256xf32>
      %slice3A_1348 = vector.extract_strided_slice %select_n3A_1346 {offsets = [64, 0], sizes = [64, 256], strides = [1, 1]} : vector<128x256xf32> to vector<64x256xf32>
      %min3A_1349 = arith.minimumf %slice3A_1347, %slice3A_1348 : vector<64x256xf32>
      %slice3A_1350 = vector.extract_strided_slice %min3A_1349 {offsets = [0, 0], sizes = [32, 256], strides = [1, 1]} : vector<64x256xf32> to vector<32x256xf32>
      %slice3A_1351 = vector.extract_strided_slice %min3A_1349 {offsets = [32, 0], sizes = [32, 256], strides = [1, 1]} : vector<64x256xf32> to vector<32x256xf32>
      %min3A_1352 = arith.minimumf %slice3A_1350, %slice3A_1351 : vector<32x256xf32>
      %slice3A_1353 = vector.extract_strided_slice %min3A_1352 {offsets = [0, 0], sizes = [16, 256], strides = [1, 1]} : vector<32x256xf32> to vector<16x256xf32>
      %slice3A_1354 = vector.extract_strided_slice %min3A_1352 {offsets = [16, 0], sizes = [16, 256], strides = [1, 1]} : vector<32x256xf32> to vector<16x256xf32>
      %min3A_1355 = arith.minimumf %slice3A_1353, %slice3A_1354 : vector<16x256xf32>
      %slice3A_1356 = vector.extract_strided_slice %min3A_1355 {offsets = [0, 0], sizes = [8, 256], strides = [1, 1]} : vector<16x256xf32> to vector<8x256xf32>
      %slice3A_1357 = vector.extract_strided_slice %min3A_1355 {offsets = [8, 0], sizes = [8, 256], strides = [1, 1]} : vector<16x256xf32> to vector<8x256xf32>
      %min3A_1358 = arith.minimumf %slice3A_1356, %slice3A_1357 : vector<8x256xf32>
      %reduce_min3A_1359 = arith.constant dense<0x7F800000> : vector<256xf32>
      %reduce_min3A_1360 = vector.multi_reduction <minimumf>, %min3A_1358, %reduce_min3A_1359 [0] : vector<8x256xf32> to vector<256xf32>
      %broadcast_in_dim3A_1361 = vector.shape_cast %reduce_min3A_1360 : vector<256xf32> to vector<1x256xf32>
      %eq3A_1362 = vector.broadcast %broadcast_in_dim3A_1361 : vector<1x256xf32> to vector<128x256xf32>
      %eq3A_1363 = arith.cmpf oeq, %select_n3A_1346, %eq3A_1362 : vector<128x256xf32>
      %jit3A_1364 = arith.constant 4096 : i32
      %broadcast_in_dim3A_1365 = vector.broadcast %jit3A_1364 : i32 to vector<128x256xi32>
      %select_n3A_1366 = arith.select %eq3A_1363, %get3A_1253, %broadcast_in_dim3A_1365 : vector<128x256xi1>, vector<128x256xi32>
      %slice3A_1367 = vector.extract_strided_slice %select_n3A_1366 {offsets = [0, 0], sizes = [64, 256], strides = [1, 1]} : vector<128x256xi32> to vector<64x256xi32>
      %slice3A_1368 = vector.extract_strided_slice %select_n3A_1366 {offsets = [64, 0], sizes = [64, 256], strides = [1, 1]} : vector<128x256xi32> to vector<64x256xi32>
      %min3A_1369 = arith.minsi %slice3A_1367, %slice3A_1368 : vector<64x256xi32>
      %slice3A_1370 = vector.extract_strided_slice %min3A_1369 {offsets = [0, 0], sizes = [32, 256], strides = [1, 1]} : vector<64x256xi32> to vector<32x256xi32>
      %slice3A_1371 = vector.extract_strided_slice %min3A_1369 {offsets = [32, 0], sizes = [32, 256], strides = [1, 1]} : vector<64x256xi32> to vector<32x256xi32>
      %min3A_1372 = arith.minsi %slice3A_1370, %slice3A_1371 : vector<32x256xi32>
      %slice3A_1373 = vector.extract_strided_slice %min3A_1372 {offsets = [0, 0], sizes = [16, 256], strides = [1, 1]} : vector<32x256xi32> to vector<16x256xi32>
      %slice3A_1374 = vector.extract_strided_slice %min3A_1372 {offsets = [16, 0], sizes = [16, 256], strides = [1, 1]} : vector<32x256xi32> to vector<16x256xi32>
      %min3A_1375 = arith.minsi %slice3A_1373, %slice3A_1374 : vector<16x256xi32>
      %slice3A_1376 = vector.extract_strided_slice %min3A_1375 {offsets = [0, 0], sizes = [8, 256], strides = [1, 1]} : vector<16x256xi32> to vector<8x256xi32>
      %slice3A_1377 = vector.extract_strided_slice %min3A_1375 {offsets = [8, 0], sizes = [8, 256], strides = [1, 1]} : vector<16x256xi32> to vector<8x256xi32>
      %min3A_1378 = arith.minsi %slice3A_1376, %slice3A_1377 : vector<8x256xi32>
      %reduce_min3A_1379 = arith.constant dense<2147483647> : vector<256xi32>
      %reduce_min3A_1380 = vector.multi_reduction <minsi>, %min3A_1378, %reduce_min3A_1379 [0] : vector<8x256xi32> to vector<256xi32>
      %add3A_1381 = vector.broadcast %mul3A_1247 : i32 to vector<256xi32>
      %add3A_1382 = arith.addi %reduce_min3A_1380, %add3A_1381 : vector<256xi32>
      %swap3A_1383 = arith.constant 0 : index
      %swap3A_1384 = arith.constant 2 : index
      %swap3A_1385 = arith.constant 0 : index
      %swap3A_1386 = vector.load %arg5[%swap3A_1383, %swap3A_1384, %swap3A_1385] : memref<1x16x256xi32, #tpu.memory_space<vmem>>, vector<1x1x256xi32>
      %swap3A_1387 = vector.shape_cast %swap3A_1386 : vector<1x1x256xi32> to vector<256xi32>
      %swap3A_1388 = vector.shape_cast %add3A_1382 : vector<256xi32> to vector<1x1x256xi32>
      tpu.vector_store %arg5[%swap3A_1383, %swap3A_1384, %swap3A_1385], %swap3A_1388 {strides = array<i32>} : memref<1x16x256xi32, #tpu.memory_space<vmem>>, vector<1x1x256xi32>,
      %broadcast_in_dim3A_1389 = vector.shape_cast %reduce_min3A_1380 : vector<256xi32> to vector<1x256xi32>
      %eq3A_1390 = vector.broadcast %broadcast_in_dim3A_1389 : vector<1x256xi32> to vector<128x256xi32>
      %eq3A_1391 = arith.cmpi eq, %get3A_1253, %eq3A_1390 : vector<128x256xi32>
      %broadcast_in_dim3A_1392 = vector.broadcast %cond3A : f32 to vector<128x256xf32>
      %select_n3A_1393 = arith.select %eq3A_1391, %broadcast_in_dim3A_1392, %select_n3A_1346 : vector<128x256xi1>, vector<128x256xf32>
      %slice3A_1394 = vector.extract_strided_slice %select_n3A_1393 {offsets = [0, 0], sizes = [64, 256], strides = [1, 1]} : vector<128x256xf32> to vector<64x256xf32>
      %slice3A_1395 = vector.extract_strided_slice %select_n3A_1393 {offsets = [64, 0], sizes = [64, 256], strides = [1, 1]} : vector<128x256xf32> to vector<64x256xf32>
      %min3A_1396 = arith.minimumf %slice3A_1394, %slice3A_1395 : vector<64x256xf32>
      %slice3A_1397 = vector.extract_strided_slice %min3A_1396 {offsets = [0, 0], sizes = [32, 256], strides = [1, 1]} : vector<64x256xf32> to vector<32x256xf32>
      %slice3A_1398 = vector.extract_strided_slice %min3A_1396 {offsets = [32, 0], sizes = [32, 256], strides = [1, 1]} : vector<64x256xf32> to vector<32x256xf32>
      %min3A_1399 = arith.minimumf %slice3A_1397, %slice3A_1398 : vector<32x256xf32>
      %slice3A_1400 = vector.extract_strided_slice %min3A_1399 {offsets = [0, 0], sizes = [16, 256], strides = [1, 1]} : vector<32x256xf32> to vector<16x256xf32>
      %slice3A_1401 = vector.extract_strided_slice %min3A_1399 {offsets = [16, 0], sizes = [16, 256], strides = [1, 1]} : vector<32x256xf32> to vector<16x256xf32>
      %min3A_1402 = arith.minimumf %slice3A_1400, %slice3A_1401 : vector<16x256xf32>
      %slice3A_1403 = vector.extract_strided_slice %min3A_1402 {offsets = [0, 0], sizes = [8, 256], strides = [1, 1]} : vector<16x256xf32> to vector<8x256xf32>
      %slice3A_1404 = vector.extract_strided_slice %min3A_1402 {offsets = [8, 0], sizes = [8, 256], strides = [1, 1]} : vector<16x256xf32> to vector<8x256xf32>
      %min3A_1405 = arith.minimumf %slice3A_1403, %slice3A_1404 : vector<8x256xf32>
      %reduce_min3A_1406 = arith.constant dense<0x7F800000> : vector<256xf32>
      %reduce_min3A_1407 = vector.multi_reduction <minimumf>, %min3A_1405, %reduce_min3A_1406 [0] : vector<8x256xf32> to vector<256xf32>
      %broadcast_in_dim3A_1408 = vector.shape_cast %reduce_min3A_1407 : vector<256xf32> to vector<1x256xf32>
      %eq3A_1409 = vector.broadcast %broadcast_in_dim3A_1408 : vector<1x256xf32> to vector<128x256xf32>
      %eq3A_1410 = arith.cmpf oeq, %select_n3A_1393, %eq3A_1409 : vector<128x256xf32>
      %jit3A_1411 = arith.constant 4096 : i32
      %broadcast_in_dim3A_1412 = vector.broadcast %jit3A_1411 : i32 to vector<128x256xi32>
      %select_n3A_1413 = arith.select %eq3A_1410, %get3A_1253, %broadcast_in_dim3A_1412 : vector<128x256xi1>, vector<128x256xi32>
      %slice3A_1414 = vector.extract_strided_slice %select_n3A_1413 {offsets = [0, 0], sizes = [64, 256], strides = [1, 1]} : vector<128x256xi32> to vector<64x256xi32>
      %slice3A_1415 = vector.extract_strided_slice %select_n3A_1413 {offsets = [64, 0], sizes = [64, 256], strides = [1, 1]} : vector<128x256xi32> to vector<64x256xi32>
      %min3A_1416 = arith.minsi %slice3A_1414, %slice3A_1415 : vector<64x256xi32>
      %slice3A_1417 = vector.extract_strided_slice %min3A_1416 {offsets = [0, 0], sizes = [32, 256], strides = [1, 1]} : vector<64x256xi32> to vector<32x256xi32>
      %slice3A_1418 = vector.extract_strided_slice %min3A_1416 {offsets = [32, 0], sizes = [32, 256], strides = [1, 1]} : vector<64x256xi32> to vector<32x256xi32>
      %min3A_1419 = arith.minsi %slice3A_1417, %slice3A_1418 : vector<32x256xi32>
      %slice3A_1420 = vector.extract_strided_slice %min3A_1419 {offsets = [0, 0], sizes = [16, 256], strides = [1, 1]} : vector<32x256xi32> to vector<16x256xi32>
      %slice3A_1421 = vector.extract_strided_slice %min3A_1419 {offsets = [16, 0], sizes = [16, 256], strides = [1, 1]} : vector<32x256xi32> to vector<16x256xi32>
      %min3A_1422 = arith.minsi %slice3A_1420, %slice3A_1421 : vector<16x256xi32>
      %slice3A_1423 = vector.extract_strided_slice %min3A_1422 {offsets = [0, 0], sizes = [8, 256], strides = [1, 1]} : vector<16x256xi32> to vector<8x256xi32>
      %slice3A_1424 = vector.extract_strided_slice %min3A_1422 {offsets = [8, 0], sizes = [8, 256], strides = [1, 1]} : vector<16x256xi32> to vector<8x256xi32>
      %min3A_1425 = arith.minsi %slice3A_1423, %slice3A_1424 : vector<8x256xi32>
      %reduce_min3A_1426 = arith.constant dense<2147483647> : vector<256xi32>
      %reduce_min3A_1427 = vector.multi_reduction <minsi>, %min3A_1425, %reduce_min3A_1426 [0] : vector<8x256xi32> to vector<256xi32>
      %add3A_1428 = vector.broadcast %mul3A_1247 : i32 to vector<256xi32>
      %add3A_1429 = arith.addi %reduce_min3A_1427, %add3A_1428 : vector<256xi32>
      %swap3A_1430 = arith.constant 0 : index
      %swap3A_1431 = arith.constant 3 : index
      %swap3A_1432 = arith.constant 0 : index
      %swap3A_1433 = vector.load %arg5[%swap3A_1430, %swap3A_1431, %swap3A_1432] : memref<1x16x256xi32, #tpu.memory_space<vmem>>, vector<1x1x256xi32>
      %swap3A_1434 = vector.shape_cast %swap3A_1433 : vector<1x1x256xi32> to vector<256xi32>
      %swap3A_1435 = vector.shape_cast %add3A_1429 : vector<256xi32> to vector<1x1x256xi32>
      tpu.vector_store %arg5[%swap3A_1430, %swap3A_1431, %swap3A_1432], %swap3A_1435 {strides = array<i32>} : memref<1x16x256xi32, #tpu.memory_space<vmem>>, vector<1x1x256xi32>,
      %broadcast_in_dim3A_1436 = vector.shape_cast %reduce_min3A_1427 : vector<256xi32> to vector<1x256xi32>
      %eq3A_1437 = vector.broadcast %broadcast_in_dim3A_1436 : vector<1x256xi32> to vector<128x256xi32>
      %eq3A_1438 = arith.cmpi eq, %get3A_1253, %eq3A_1437 : vector<128x256xi32>
      %broadcast_in_dim3A_1439 = vector.broadcast %cond3A : f32 to vector<128x256xf32>
      %select_n3A_1440 = arith.select %eq3A_1438, %broadcast_in_dim3A_1439, %select_n3A_1393 : vector<128x256xi1>, vector<128x256xf32>
      %slice3A_1441 = vector.extract_strided_slice %select_n3A_1440 {offsets = [0, 0], sizes = [64, 256], strides = [1, 1]} : vector<128x256xf32> to vector<64x256xf32>
      %slice3A_1442 = vector.extract_strided_slice %select_n3A_1440 {offsets = [64, 0], sizes = [64, 256], strides = [1, 1]} : vector<128x256xf32> to vector<64x256xf32>
      %min3A_1443 = arith.minimumf %slice3A_1441, %slice3A_1442 : vector<64x256xf32>
      %slice3A_1444 = vector.extract_strided_slice %min3A_1443 {offsets = [0, 0], sizes = [32, 256], strides = [1, 1]} : vector<64x256xf32> to vector<32x256xf32>
      %slice3A_1445 = vector.extract_strided_slice %min3A_1443 {offsets = [32, 0], sizes = [32, 256], strides = [1, 1]} : vector<64x256xf32> to vector<32x256xf32>
      %min3A_1446 = arith.minimumf %slice3A_1444, %slice3A_1445 : vector<32x256xf32>
      %slice3A_1447 = vector.extract_strided_slice %min3A_1446 {offsets = [0, 0], sizes = [16, 256], strides = [1, 1]} : vector<32x256xf32> to vector<16x256xf32>
      %slice3A_1448 = vector.extract_strided_slice %min3A_1446 {offsets = [16, 0], sizes = [16, 256], strides = [1, 1]} : vector<32x256xf32> to vector<16x256xf32>
      %min3A_1449 = arith.minimumf %slice3A_1447, %slice3A_1448 : vector<16x256xf32>
      %slice3A_1450 = vector.extract_strided_slice %min3A_1449 {offsets = [0, 0], sizes = [8, 256], strides = [1, 1]} : vector<16x256xf32> to vector<8x256xf32>
      %slice3A_1451 = vector.extract_strided_slice %min3A_1449 {offsets = [8, 0], sizes = [8, 256], strides = [1, 1]} : vector<16x256xf32> to vector<8x256xf32>
      %min3A_1452 = arith.minimumf %slice3A_1450, %slice3A_1451 : vector<8x256xf32>
      %reduce_min3A_1453 = arith.constant dense<0x7F800000> : vector<256xf32>
      %reduce_min3A_1454 = vector.multi_reduction <minimumf>, %min3A_1452, %reduce_min3A_1453 [0] : vector<8x256xf32> to vector<256xf32>
      %broadcast_in_dim3A_1455 = vector.shape_cast %reduce_min3A_1454 : vector<256xf32> to vector<1x256xf32>
      %eq3A_1456 = vector.broadcast %broadcast_in_dim3A_1455 : vector<1x256xf32> to vector<128x256xf32>
      %eq3A_1457 = arith.cmpf oeq, %select_n3A_1440, %eq3A_1456 : vector<128x256xf32>
      %jit3A_1458 = arith.constant 4096 : i32
      %broadcast_in_dim3A_1459 = vector.broadcast %jit3A_1458 : i32 to vector<128x256xi32>
      %select_n3A_1460 = arith.select %eq3A_1457, %get3A_1253, %broadcast_in_dim3A_1459 : vector<128x256xi1>, vector<128x256xi32>
      %slice3A_1461 = vector.extract_strided_slice %select_n3A_1460 {offsets = [0, 0], sizes = [64, 256], strides = [1, 1]} : vector<128x256xi32> to vector<64x256xi32>
      %slice3A_1462 = vector.extract_strided_slice %select_n3A_1460 {offsets = [64, 0], sizes = [64, 256], strides = [1, 1]} : vector<128x256xi32> to vector<64x256xi32>
      %min3A_1463 = arith.minsi %slice3A_1461, %slice3A_1462 : vector<64x256xi32>
      %slice3A_1464 = vector.extract_strided_slice %min3A_1463 {offsets = [0, 0], sizes = [32, 256], strides = [1, 1]} : vector<64x256xi32> to vector<32x256xi32>
      %slice3A_1465 = vector.extract_strided_slice %min3A_1463 {offsets = [32, 0], sizes = [32, 256], strides = [1, 1]} : vector<64x256xi32> to vector<32x256xi32>
      %min3A_1466 = arith.minsi %slice3A_1464, %slice3A_1465 : vector<32x256xi32>
      %slice3A_1467 = vector.extract_strided_slice %min3A_1466 {offsets = [0, 0], sizes = [16, 256], strides = [1, 1]} : vector<32x256xi32> to vector<16x256xi32>
      %slice3A_1468 = vector.extract_strided_slice %min3A_1466 {offsets = [16, 0], sizes = [16, 256], strides = [1, 1]} : vector<32x256xi32> to vector<16x256xi32>
      %min3A_1469 = arith.minsi %slice3A_1467, %slice3A_1468 : vector<16x256xi32>
      %slice3A_1470 = vector.extract_strided_slice %min3A_1469 {offsets = [0, 0], sizes = [8, 256], strides = [1, 1]} : vector<16x256xi32> to vector<8x256xi32>
      %slice3A_1471 = vector.extract_strided_slice %min3A_1469 {offsets = [8, 0], sizes = [8, 256], strides = [1, 1]} : vector<16x256xi32> to vector<8x256xi32>
      %min3A_1472 = arith.minsi %slice3A_1470, %slice3A_1471 : vector<8x256xi32>
      %reduce_min3A_1473 = arith.constant dense<2147483647> : vector<256xi32>
      %reduce_min3A_1474 = vector.multi_reduction <minsi>, %min3A_1472, %reduce_min3A_1473 [0] : vector<8x256xi32> to vector<256xi32>
      %add3A_1475 = vector.broadcast %mul3A_1247 : i32 to vector<256xi32>
      %add3A_1476 = arith.addi %reduce_min3A_1474, %add3A_1475 : vector<256xi32>
      %swap3A_1477 = arith.constant 0 : index
      %swap3A_1478 = arith.constant 4 : index
      %swap3A_1479 = arith.constant 0 : index
      %swap3A_1480 = vector.load %arg5[%swap3A_1477, %swap3A_1478, %swap3A_1479] : memref<1x16x256xi32, #tpu.memory_space<vmem>>, vector<1x1x256xi32>
      %swap3A_1481 = vector.shape_cast %swap3A_1480 : vector<1x1x256xi32> to vector<256xi32>
      %swap3A_1482 = vector.shape_cast %add3A_1476 : vector<256xi32> to vector<1x1x256xi32>
      tpu.vector_store %arg5[%swap3A_1477, %swap3A_1478, %swap3A_1479], %swap3A_1482 {strides = array<i32>} : memref<1x16x256xi32, #tpu.memory_space<vmem>>, vector<1x1x256xi32>,
      %broadcast_in_dim3A_1483 = vector.shape_cast %reduce_min3A_1474 : vector<256xi32> to vector<1x256xi32>
      %eq3A_1484 = vector.broadcast %broadcast_in_dim3A_1483 : vector<1x256xi32> to vector<128x256xi32>
      %eq3A_1485 = arith.cmpi eq, %get3A_1253, %eq3A_1484 : vector<128x256xi32>
      %broadcast_in_dim3A_1486 = vector.broadcast %cond3A : f32 to vector<128x256xf32>
      %select_n3A_1487 = arith.select %eq3A_1485, %broadcast_in_dim3A_1486, %select_n3A_1440 : vector<128x256xi1>, vector<128x256xf32>
      %slice3A_1488 = vector.extract_strided_slice %select_n3A_1487 {offsets = [0, 0], sizes = [64, 256], strides = [1, 1]} : vector<128x256xf32> to vector<64x256xf32>
      %slice3A_1489 = vector.extract_strided_slice %select_n3A_1487 {offsets = [64, 0], sizes = [64, 256], strides = [1, 1]} : vector<128x256xf32> to vector<64x256xf32>
      %min3A_1490 = arith.minimumf %slice3A_1488, %slice3A_1489 : vector<64x256xf32>
      %slice3A_1491 = vector.extract_strided_slice %min3A_1490 {offsets = [0, 0], sizes = [32, 256], strides = [1, 1]} : vector<64x256xf32> to vector<32x256xf32>
      %slice3A_1492 = vector.extract_strided_slice %min3A_1490 {offsets = [32, 0], sizes = [32, 256], strides = [1, 1]} : vector<64x256xf32> to vector<32x256xf32>
      %min3A_1493 = arith.minimumf %slice3A_1491, %slice3A_1492 : vector<32x256xf32>
      %slice3A_1494 = vector.extract_strided_slice %min3A_1493 {offsets = [0, 0], sizes = [16, 256], strides = [1, 1]} : vector<32x256xf32> to vector<16x256xf32>
      %slice3A_1495 = vector.extract_strided_slice %min3A_1493 {offsets = [16, 0], sizes = [16, 256], strides = [1, 1]} : vector<32x256xf32> to vector<16x256xf32>
      %min3A_1496 = arith.minimumf %slice3A_1494, %slice3A_1495 : vector<16x256xf32>
      %slice3A_1497 = vector.extract_strided_slice %min3A_1496 {offsets = [0, 0], sizes = [8, 256], strides = [1, 1]} : vector<16x256xf32> to vector<8x256xf32>
      %slice3A_1498 = vector.extract_strided_slice %min3A_1496 {offsets = [8, 0], sizes = [8, 256], strides = [1, 1]} : vector<16x256xf32> to vector<8x256xf32>
      %min3A_1499 = arith.minimumf %slice3A_1497, %slice3A_1498 : vector<8x256xf32>
      %reduce_min3A_1500 = arith.constant dense<0x7F800000> : vector<256xf32>
      %reduce_min3A_1501 = vector.multi_reduction <minimumf>, %min3A_1499, %reduce_min3A_1500 [0] : vector<8x256xf32> to vector<256xf32>
      %broadcast_in_dim3A_1502 = vector.shape_cast %reduce_min3A_1501 : vector<256xf32> to vector<1x256xf32>
      %eq3A_1503 = vector.broadcast %broadcast_in_dim3A_1502 : vector<1x256xf32> to vector<128x256xf32>
      %eq3A_1504 = arith.cmpf oeq, %select_n3A_1487, %eq3A_1503 : vector<128x256xf32>
      %jit3A_1505 = arith.constant 4096 : i32
      %broadcast_in_dim3A_1506 = vector.broadcast %jit3A_1505 : i32 to vector<128x256xi32>
      %select_n3A_1507 = arith.select %eq3A_1504, %get3A_1253, %broadcast_in_dim3A_1506 : vector<128x256xi1>, vector<128x256xi32>
      %slice3A_1508 = vector.extract_strided_slice %select_n3A_1507 {offsets = [0, 0], sizes = [64, 256], strides = [1, 1]} : vector<128x256xi32> to vector<64x256xi32>
      %slice3A_1509 = vector.extract_strided_slice %select_n3A_1507 {offsets = [64, 0], sizes = [64, 256], strides = [1, 1]} : vector<128x256xi32> to vector<64x256xi32>
      %min3A_1510 = arith.minsi %slice3A_1508, %slice3A_1509 : vector<64x256xi32>
      %slice3A_1511 = vector.extract_strided_slice %min3A_1510 {offsets = [0, 0], sizes = [32, 256], strides = [1, 1]} : vector<64x256xi32> to vector<32x256xi32>
      %slice3A_1512 = vector.extract_strided_slice %min3A_1510 {offsets = [32, 0], sizes = [32, 256], strides = [1, 1]} : vector<64x256xi32> to vector<32x256xi32>
      %min3A_1513 = arith.minsi %slice3A_1511, %slice3A_1512 : vector<32x256xi32>
      %slice3A_1514 = vector.extract_strided_slice %min3A_1513 {offsets = [0, 0], sizes = [16, 256], strides = [1, 1]} : vector<32x256xi32> to vector<16x256xi32>
      %slice3A_1515 = vector.extract_strided_slice %min3A_1513 {offsets = [16, 0], sizes = [16, 256], strides = [1, 1]} : vector<32x256xi32> to vector<16x256xi32>
      %min3A_1516 = arith.minsi %slice3A_1514, %slice3A_1515 : vector<16x256xi32>
      %slice3A_1517 = vector.extract_strided_slice %min3A_1516 {offsets = [0, 0], sizes = [8, 256], strides = [1, 1]} : vector<16x256xi32> to vector<8x256xi32>
      %slice3A_1518 = vector.extract_strided_slice %min3A_1516 {offsets = [8, 0], sizes = [8, 256], strides = [1, 1]} : vector<16x256xi32> to vector<8x256xi32>
      %min3A_1519 = arith.minsi %slice3A_1517, %slice3A_1518 : vector<8x256xi32>
      %reduce_min3A_1520 = arith.constant dense<2147483647> : vector<256xi32>
      %reduce_min3A_1521 = vector.multi_reduction <minsi>, %min3A_1519, %reduce_min3A_1520 [0] : vector<8x256xi32> to vector<256xi32>
      %add3A_1522 = vector.broadcast %mul3A_1247 : i32 to vector<256xi32>
      %add3A_1523 = arith.addi %reduce_min3A_1521, %add3A_1522 : vector<256xi32>
      %swap3A_1524 = arith.constant 0 : index
      %swap3A_1525 = arith.constant 5 : index
      %swap3A_1526 = arith.constant 0 : index
      %swap3A_1527 = vector.load %arg5[%swap3A_1524, %swap3A_1525, %swap3A_1526] : memref<1x16x256xi32, #tpu.memory_space<vmem>>, vector<1x1x256xi32>
      %swap3A_1528 = vector.shape_cast %swap3A_1527 : vector<1x1x256xi32> to vector<256xi32>
      %swap3A_1529 = vector.shape_cast %add3A_1523 : vector<256xi32> to vector<1x1x256xi32>
      tpu.vector_store %arg5[%swap3A_1524, %swap3A_1525, %swap3A_1526], %swap3A_1529 {strides = array<i32>} : memref<1x16x256xi32, #tpu.memory_space<vmem>>, vector<1x1x256xi32>,
      %broadcast_in_dim3A_1530 = vector.shape_cast %reduce_min3A_1521 : vector<256xi32> to vector<1x256xi32>
      %eq3A_1531 = vector.broadcast %broadcast_in_dim3A_1530 : vector<1x256xi32> to vector<128x256xi32>
      %eq3A_1532 = arith.cmpi eq, %get3A_1253, %eq3A_1531 : vector<128x256xi32>
      %broadcast_in_dim3A_1533 = vector.broadcast %cond3A : f32 to vector<128x256xf32>
      %select_n3A_1534 = arith.select %eq3A_1532, %broadcast_in_dim3A_1533, %select_n3A_1487 : vector<128x256xi1>, vector<128x256xf32>
      %slice3A_1535 = vector.extract_strided_slice %select_n3A_1534 {offsets = [0, 0], sizes = [64, 256], strides = [1, 1]} : vector<128x256xf32> to vector<64x256xf32>
      %slice3A_1536 = vector.extract_strided_slice %select_n3A_1534 {offsets = [64, 0], sizes = [64, 256], strides = [1, 1]} : vector<128x256xf32> to vector<64x256xf32>
      %min3A_1537 = arith.minimumf %slice3A_1535, %slice3A_1536 : vector<64x256xf32>
      %slice3A_1538 = vector.extract_strided_slice %min3A_1537 {offsets = [0, 0], sizes = [32, 256], strides = [1, 1]} : vector<64x256xf32> to vector<32x256xf32>
      %slice3A_1539 = vector.extract_strided_slice %min3A_1537 {offsets = [32, 0], sizes = [32, 256], strides = [1, 1]} : vector<64x256xf32> to vector<32x256xf32>
      %min3A_1540 = arith.minimumf %slice3A_1538, %slice3A_1539 : vector<32x256xf32>
      %slice3A_1541 = vector.extract_strided_slice %min3A_1540 {offsets = [0, 0], sizes = [16, 256], strides = [1, 1]} : vector<32x256xf32> to vector<16x256xf32>
      %slice3A_1542 = vector.extract_strided_slice %min3A_1540 {offsets = [16, 0], sizes = [16, 256], strides = [1, 1]} : vector<32x256xf32> to vector<16x256xf32>
      %min3A_1543 = arith.minimumf %slice3A_1541, %slice3A_1542 : vector<16x256xf32>
      %slice3A_1544 = vector.extract_strided_slice %min3A_1543 {offsets = [0, 0], sizes = [8, 256], strides = [1, 1]} : vector<16x256xf32> to vector<8x256xf32>
      %slice3A_1545 = vector.extract_strided_slice %min3A_1543 {offsets = [8, 0], sizes = [8, 256], strides = [1, 1]} : vector<16x256xf32> to vector<8x256xf32>
      %min3A_1546 = arith.minimumf %slice3A_1544, %slice3A_1545 : vector<8x256xf32>
      %reduce_min3A_1547 = arith.constant dense<0x7F800000> : vector<256xf32>
      %reduce_min3A_1548 = vector.multi_reduction <minimumf>, %min3A_1546, %reduce_min3A_1547 [0] : vector<8x256xf32> to vector<256xf32>
      %broadcast_in_dim3A_1549 = vector.shape_cast %reduce_min3A_1548 : vector<256xf32> to vector<1x256xf32>
      %eq3A_1550 = vector.broadcast %broadcast_in_dim3A_1549 : vector<1x256xf32> to vector<128x256xf32>
      %eq3A_1551 = arith.cmpf oeq, %select_n3A_1534, %eq3A_1550 : vector<128x256xf32>
      %jit3A_1552 = arith.constant 4096 : i32
      %broadcast_in_dim3A_1553 = vector.broadcast %jit3A_1552 : i32 to vector<128x256xi32>
      %select_n3A_1554 = arith.select %eq3A_1551, %get3A_1253, %broadcast_in_dim3A_1553 : vector<128x256xi1>, vector<128x256xi32>
      %slice3A_1555 = vector.extract_strided_slice %select_n3A_1554 {offsets = [0, 0], sizes = [64, 256], strides = [1, 1]} : vector<128x256xi32> to vector<64x256xi32>
      %slice3A_1556 = vector.extract_strided_slice %select_n3A_1554 {offsets = [64, 0], sizes = [64, 256], strides = [1, 1]} : vector<128x256xi32> to vector<64x256xi32>
      %min3A_1557 = arith.minsi %slice3A_1555, %slice3A_1556 : vector<64x256xi32>
      %slice3A_1558 = vector.extract_strided_slice %min3A_1557 {offsets = [0, 0], sizes = [32, 256], strides = [1, 1]} : vector<64x256xi32> to vector<32x256xi32>
      %slice3A_1559 = vector.extract_strided_slice %min3A_1557 {offsets = [32, 0], sizes = [32, 256], strides = [1, 1]} : vector<64x256xi32> to vector<32x256xi32>
      %min3A_1560 = arith.minsi %slice3A_1558, %slice3A_1559 : vector<32x256xi32>
      %slice3A_1561 = vector.extract_strided_slice %min3A_1560 {offsets = [0, 0], sizes = [16, 256], strides = [1, 1]} : vector<32x256xi32> to vector<16x256xi32>
      %slice3A_1562 = vector.extract_strided_slice %min3A_1560 {offsets = [16, 0], sizes = [16, 256], strides = [1, 1]} : vector<32x256xi32> to vector<16x256xi32>
      %min3A_1563 = arith.minsi %slice3A_1561, %slice3A_1562 : vector<16x256xi32>
      %slice3A_1564 = vector.extract_strided_slice %min3A_1563 {offsets = [0, 0], sizes = [8, 256], strides = [1, 1]} : vector<16x256xi32> to vector<8x256xi32>
      %slice3A_1565 = vector.extract_strided_slice %min3A_1563 {offsets = [8, 0], sizes = [8, 256], strides = [1, 1]} : vector<16x256xi32> to vector<8x256xi32>
      %min3A_1566 = arith.minsi %slice3A_1564, %slice3A_1565 : vector<8x256xi32>
      %reduce_min3A_1567 = arith.constant dense<2147483647> : vector<256xi32>
      %reduce_min3A_1568 = vector.multi_reduction <minsi>, %min3A_1566, %reduce_min3A_1567 [0] : vector<8x256xi32> to vector<256xi32>
      %add3A_1569 = vector.broadcast %mul3A_1247 : i32 to vector<256xi32>
      %add3A_1570 = arith.addi %reduce_min3A_1568, %add3A_1569 : vector<256xi32>
      %swap3A_1571 = arith.constant 0 : index
      %swap3A_1572 = arith.constant 6 : index
      %swap3A_1573 = arith.constant 0 : index
      %swap3A_1574 = vector.load %arg5[%swap3A_1571, %swap3A_1572, %swap3A_1573] : memref<1x16x256xi32, #tpu.memory_space<vmem>>, vector<1x1x256xi32>
      %swap3A_1575 = vector.shape_cast %swap3A_1574 : vector<1x1x256xi32> to vector<256xi32>
      %swap3A_1576 = vector.shape_cast %add3A_1570 : vector<256xi32> to vector<1x1x256xi32>
      tpu.vector_store %arg5[%swap3A_1571, %swap3A_1572, %swap3A_1573], %swap3A_1576 {strides = array<i32>} : memref<1x16x256xi32, #tpu.memory_space<vmem>>, vector<1x1x256xi32>,
      %broadcast_in_dim3A_1577 = vector.shape_cast %reduce_min3A_1568 : vector<256xi32> to vector<1x256xi32>
      %eq3A_1578 = vector.broadcast %broadcast_in_dim3A_1577 : vector<1x256xi32> to vector<128x256xi32>
      %eq3A_1579 = arith.cmpi eq, %get3A_1253, %eq3A_1578 : vector<128x256xi32>
      %broadcast_in_dim3A_1580 = vector.broadcast %cond3A : f32 to vector<128x256xf32>
      %select_n3A_1581 = arith.select %eq3A_1579, %broadcast_in_dim3A_1580, %select_n3A_1534 : vector<128x256xi1>, vector<128x256xf32>
      %slice3A_1582 = vector.extract_strided_slice %select_n3A_1581 {offsets = [0, 0], sizes = [64, 256], strides = [1, 1]} : vector<128x256xf32> to vector<64x256xf32>
      %slice3A_1583 = vector.extract_strided_slice %select_n3A_1581 {offsets = [64, 0], sizes = [64, 256], strides = [1, 1]} : vector<128x256xf32> to vector<64x256xf32>
      %min3A_1584 = arith.minimumf %slice3A_1582, %slice3A_1583 : vector<64x256xf32>
      %slice3A_1585 = vector.extract_strided_slice %min3A_1584 {offsets = [0, 0], sizes = [32, 256], strides = [1, 1]} : vector<64x256xf32> to vector<32x256xf32>
      %slice3A_1586 = vector.extract_strided_slice %min3A_1584 {offsets = [32, 0], sizes = [32, 256], strides = [1, 1]} : vector<64x256xf32> to vector<32x256xf32>
      %min3A_1587 = arith.minimumf %slice3A_1585, %slice3A_1586 : vector<32x256xf32>
      %slice3A_1588 = vector.extract_strided_slice %min3A_1587 {offsets = [0, 0], sizes = [16, 256], strides = [1, 1]} : vector<32x256xf32> to vector<16x256xf32>
      %slice3A_1589 = vector.extract_strided_slice %min3A_1587 {offsets = [16, 0], sizes = [16, 256], strides = [1, 1]} : vector<32x256xf32> to vector<16x256xf32>
      %min3A_1590 = arith.minimumf %slice3A_1588, %slice3A_1589 : vector<16x256xf32>
      %slice3A_1591 = vector.extract_strided_slice %min3A_1590 {offsets = [0, 0], sizes = [8, 256], strides = [1, 1]} : vector<16x256xf32> to vector<8x256xf32>
      %slice3A_1592 = vector.extract_strided_slice %min3A_1590 {offsets = [8, 0], sizes = [8, 256], strides = [1, 1]} : vector<16x256xf32> to vector<8x256xf32>
      %min3A_1593 = arith.minimumf %slice3A_1591, %slice3A_1592 : vector<8x256xf32>
      %reduce_min3A_1594 = arith.constant dense<0x7F800000> : vector<256xf32>
      %reduce_min3A_1595 = vector.multi_reduction <minimumf>, %min3A_1593, %reduce_min3A_1594 [0] : vector<8x256xf32> to vector<256xf32>
      %broadcast_in_dim3A_1596 = vector.shape_cast %reduce_min3A_1595 : vector<256xf32> to vector<1x256xf32>
      %eq3A_1597 = vector.broadcast %broadcast_in_dim3A_1596 : vector<1x256xf32> to vector<128x256xf32>
      %eq3A_1598 = arith.cmpf oeq, %select_n3A_1581, %eq3A_1597 : vector<128x256xf32>
      %jit3A_1599 = arith.constant 4096 : i32
      %broadcast_in_dim3A_1600 = vector.broadcast %jit3A_1599 : i32 to vector<128x256xi32>
      %select_n3A_1601 = arith.select %eq3A_1598, %get3A_1253, %broadcast_in_dim3A_1600 : vector<128x256xi1>, vector<128x256xi32>
      %slice3A_1602 = vector.extract_strided_slice %select_n3A_1601 {offsets = [0, 0], sizes = [64, 256], strides = [1, 1]} : vector<128x256xi32> to vector<64x256xi32>
      %slice3A_1603 = vector.extract_strided_slice %select_n3A_1601 {offsets = [64, 0], sizes = [64, 256], strides = [1, 1]} : vector<128x256xi32> to vector<64x256xi32>
      %min3A_1604 = arith.minsi %slice3A_1602, %slice3A_1603 : vector<64x256xi32>
      %slice3A_1605 = vector.extract_strided_slice %min3A_1604 {offsets = [0, 0], sizes = [32, 256], strides = [1, 1]} : vector<64x256xi32> to vector<32x256xi32>
      %slice3A_1606 = vector.extract_strided_slice %min3A_1604 {offsets = [32, 0], sizes = [32, 256], strides = [1, 1]} : vector<64x256xi32> to vector<32x256xi32>
      %min3A_1607 = arith.minsi %slice3A_1605, %slice3A_1606 : vector<32x256xi32>
      %slice3A_1608 = vector.extract_strided_slice %min3A_1607 {offsets = [0, 0], sizes = [16, 256], strides = [1, 1]} : vector<32x256xi32> to vector<16x256xi32>
      %slice3A_1609 = vector.extract_strided_slice %min3A_1607 {offsets = [16, 0], sizes = [16, 256], strides = [1, 1]} : vector<32x256xi32> to vector<16x256xi32>
      %min3A_1610 = arith.minsi %slice3A_1608, %slice3A_1609 : vector<16x256xi32>
      %slice3A_1611 = vector.extract_strided_slice %min3A_1610 {offsets = [0, 0], sizes = [8, 256], strides = [1, 1]} : vector<16x256xi32> to vector<8x256xi32>
      %slice3A_1612 = vector.extract_strided_slice %min3A_1610 {offsets = [8, 0], sizes = [8, 256], strides = [1, 1]} : vector<16x256xi32> to vector<8x256xi32>
      %min3A_1613 = arith.minsi %slice3A_1611, %slice3A_1612 : vector<8x256xi32>
      %reduce_min3A_1614 = arith.constant dense<2147483647> : vector<256xi32>
      %reduce_min3A_1615 = vector.multi_reduction <minsi>, %min3A_1613, %reduce_min3A_1614 [0] : vector<8x256xi32> to vector<256xi32>
      %add3A_1616 = vector.broadcast %mul3A_1247 : i32 to vector<256xi32>
      %add3A_1617 = arith.addi %reduce_min3A_1615, %add3A_1616 : vector<256xi32>
      %swap3A_1618 = arith.constant 0 : index
      %swap3A_1619 = arith.constant 7 : index
      %swap3A_1620 = arith.constant 0 : index
      %swap3A_1621 = vector.load %arg5[%swap3A_1618, %swap3A_1619, %swap3A_1620] : memref<1x16x256xi32, #tpu.memory_space<vmem>>, vector<1x1x256xi32>
      %swap3A_1622 = vector.shape_cast %swap3A_1621 : vector<1x1x256xi32> to vector<256xi32>
      %swap3A_1623 = vector.shape_cast %add3A_1617 : vector<256xi32> to vector<1x1x256xi32>
      tpu.vector_store %arg5[%swap3A_1618, %swap3A_1619, %swap3A_1620], %swap3A_1623 {strides = array<i32>} : memref<1x16x256xi32, #tpu.memory_space<vmem>>, vector<1x1x256xi32>,
      %broadcast_in_dim3A_1624 = vector.shape_cast %reduce_min3A_1615 : vector<256xi32> to vector<1x256xi32>
      %eq3A_1625 = vector.broadcast %broadcast_in_dim3A_1624 : vector<1x256xi32> to vector<128x256xi32>
      %eq3A_1626 = arith.cmpi eq, %get3A_1253, %eq3A_1625 : vector<128x256xi32>
      %broadcast_in_dim3A_1627 = vector.broadcast %cond3A : f32 to vector<128x256xf32>
      %select_n3A_1628 = arith.select %eq3A_1626, %broadcast_in_dim3A_1627, %select_n3A_1581 : vector<128x256xi1>, vector<128x256xf32>
      %slice3A_1629 = vector.extract_strided_slice %select_n3A_1628 {offsets = [0, 0], sizes = [64, 256], strides = [1, 1]} : vector<128x256xf32> to vector<64x256xf32>
      %slice3A_1630 = vector.extract_strided_slice %select_n3A_1628 {offsets = [64, 0], sizes = [64, 256], strides = [1, 1]} : vector<128x256xf32> to vector<64x256xf32>
      %min3A_1631 = arith.minimumf %slice3A_1629, %slice3A_1630 : vector<64x256xf32>
      %slice3A_1632 = vector.extract_strided_slice %min3A_1631 {offsets = [0, 0], sizes = [32, 256], strides = [1, 1]} : vector<64x256xf32> to vector<32x256xf32>
      %slice3A_1633 = vector.extract_strided_slice %min3A_1631 {offsets = [32, 0], sizes = [32, 256], strides = [1, 1]} : vector<64x256xf32> to vector<32x256xf32>
      %min3A_1634 = arith.minimumf %slice3A_1632, %slice3A_1633 : vector<32x256xf32>
      %slice3A_1635 = vector.extract_strided_slice %min3A_1634 {offsets = [0, 0], sizes = [16, 256], strides = [1, 1]} : vector<32x256xf32> to vector<16x256xf32>
      %slice3A_1636 = vector.extract_strided_slice %min3A_1634 {offsets = [16, 0], sizes = [16, 256], strides = [1, 1]} : vector<32x256xf32> to vector<16x256xf32>
      %min3A_1637 = arith.minimumf %slice3A_1635, %slice3A_1636 : vector<16x256xf32>
      %slice3A_1638 = vector.extract_strided_slice %min3A_1637 {offsets = [0, 0], sizes = [8, 256], strides = [1, 1]} : vector<16x256xf32> to vector<8x256xf32>
      %slice3A_1639 = vector.extract_strided_slice %min3A_1637 {offsets = [8, 0], sizes = [8, 256], strides = [1, 1]} : vector<16x256xf32> to vector<8x256xf32>
      %min3A_1640 = arith.minimumf %slice3A_1638, %slice3A_1639 : vector<8x256xf32>
      %reduce_min3A_1641 = arith.constant dense<0x7F800000> : vector<256xf32>
      %reduce_min3A_1642 = vector.multi_reduction <minimumf>, %min3A_1640, %reduce_min3A_1641 [0] : vector<8x256xf32> to vector<256xf32>
      %broadcast_in_dim3A_1643 = vector.shape_cast %reduce_min3A_1642 : vector<256xf32> to vector<1x256xf32>
      %eq3A_1644 = vector.broadcast %broadcast_in_dim3A_1643 : vector<1x256xf32> to vector<128x256xf32>
      %eq3A_1645 = arith.cmpf oeq, %select_n3A_1628, %eq3A_1644 : vector<128x256xf32>
      %jit3A_1646 = arith.constant 4096 : i32
      %broadcast_in_dim3A_1647 = vector.broadcast %jit3A_1646 : i32 to vector<128x256xi32>
      %select_n3A_1648 = arith.select %eq3A_1645, %get3A_1253, %broadcast_in_dim3A_1647 : vector<128x256xi1>, vector<128x256xi32>
      %slice3A_1649 = vector.extract_strided_slice %select_n3A_1648 {offsets = [0, 0], sizes = [64, 256], strides = [1, 1]} : vector<128x256xi32> to vector<64x256xi32>
      %slice3A_1650 = vector.extract_strided_slice %select_n3A_1648 {offsets = [64, 0], sizes = [64, 256], strides = [1, 1]} : vector<128x256xi32> to vector<64x256xi32>
      %min3A_1651 = arith.minsi %slice3A_1649, %slice3A_1650 : vector<64x256xi32>
      %slice3A_1652 = vector.extract_strided_slice %min3A_1651 {offsets = [0, 0], sizes = [32, 256], strides = [1, 1]} : vector<64x256xi32> to vector<32x256xi32>
      %slice3A_1653 = vector.extract_strided_slice %min3A_1651 {offsets = [32, 0], sizes = [32, 256], strides = [1, 1]} : vector<64x256xi32> to vector<32x256xi32>
      %min3A_1654 = arith.minsi %slice3A_1652, %slice3A_1653 : vector<32x256xi32>
      %slice3A_1655 = vector.extract_strided_slice %min3A_1654 {offsets = [0, 0], sizes = [16, 256], strides = [1, 1]} : vector<32x256xi32> to vector<16x256xi32>
      %slice3A_1656 = vector.extract_strided_slice %min3A_1654 {offsets = [16, 0], sizes = [16, 256], strides = [1, 1]} : vector<32x256xi32> to vector<16x256xi32>
      %min3A_1657 = arith.minsi %slice3A_1655, %slice3A_1656 : vector<16x256xi32>
      %slice3A_1658 = vector.extract_strided_slice %min3A_1657 {offsets = [0, 0], sizes = [8, 256], strides = [1, 1]} : vector<16x256xi32> to vector<8x256xi32>
      %slice3A_1659 = vector.extract_strided_slice %min3A_1657 {offsets = [8, 0], sizes = [8, 256], strides = [1, 1]} : vector<16x256xi32> to vector<8x256xi32>
      %min3A_1660 = arith.minsi %slice3A_1658, %slice3A_1659 : vector<8x256xi32>
      %reduce_min3A_1661 = arith.constant dense<2147483647> : vector<256xi32>
      %reduce_min3A_1662 = vector.multi_reduction <minsi>, %min3A_1660, %reduce_min3A_1661 [0] : vector<8x256xi32> to vector<256xi32>
      %add3A_1663 = vector.broadcast %mul3A_1247 : i32 to vector<256xi32>
      %add3A_1664 = arith.addi %reduce_min3A_1662, %add3A_1663 : vector<256xi32>
      %swap3A_1665 = arith.constant 0 : index
      %swap3A_1666 = arith.constant 8 : index
      %swap3A_1667 = arith.constant 0 : index
      %swap3A_1668 = vector.load %arg5[%swap3A_1665, %swap3A_1666, %swap3A_1667] : memref<1x16x256xi32, #tpu.memory_space<vmem>>, vector<1x1x256xi32>
      %swap3A_1669 = vector.shape_cast %swap3A_1668 : vector<1x1x256xi32> to vector<256xi32>
      %swap3A_1670 = vector.shape_cast %add3A_1664 : vector<256xi32> to vector<1x1x256xi32>
      tpu.vector_store %arg5[%swap3A_1665, %swap3A_1666, %swap3A_1667], %swap3A_1670 {strides = array<i32>} : memref<1x16x256xi32, #tpu.memory_space<vmem>>, vector<1x1x256xi32>,
      %broadcast_in_dim3A_1671 = vector.shape_cast %reduce_min3A_1662 : vector<256xi32> to vector<1x256xi32>
      %eq3A_1672 = vector.broadcast %broadcast_in_dim3A_1671 : vector<1x256xi32> to vector<128x256xi32>
      %eq3A_1673 = arith.cmpi eq, %get3A_1253, %eq3A_1672 : vector<128x256xi32>
      %broadcast_in_dim3A_1674 = vector.broadcast %cond3A : f32 to vector<128x256xf32>
      %select_n3A_1675 = arith.select %eq3A_1673, %broadcast_in_dim3A_1674, %select_n3A_1628 : vector<128x256xi1>, vector<128x256xf32>
      %slice3A_1676 = vector.extract_strided_slice %select_n3A_1675 {offsets = [0, 0], sizes = [64, 256], strides = [1, 1]} : vector<128x256xf32> to vector<64x256xf32>
      %slice3A_1677 = vector.extract_strided_slice %select_n3A_1675 {offsets = [64, 0], sizes = [64, 256], strides = [1, 1]} : vector<128x256xf32> to vector<64x256xf32>
      %min3A_1678 = arith.minimumf %slice3A_1676, %slice3A_1677 : vector<64x256xf32>
      %slice3A_1679 = vector.extract_strided_slice %min3A_1678 {offsets = [0, 0], sizes = [32, 256], strides = [1, 1]} : vector<64x256xf32> to vector<32x256xf32>
      %slice3A_1680 = vector.extract_strided_slice %min3A_1678 {offsets = [32, 0], sizes = [32, 256], strides = [1, 1]} : vector<64x256xf32> to vector<32x256xf32>
      %min3A_1681 = arith.minimumf %slice3A_1679, %slice3A_1680 : vector<32x256xf32>
      %slice3A_1682 = vector.extract_strided_slice %min3A_1681 {offsets = [0, 0], sizes = [16, 256], strides = [1, 1]} : vector<32x256xf32> to vector<16x256xf32>
      %slice3A_1683 = vector.extract_strided_slice %min3A_1681 {offsets = [16, 0], sizes = [16, 256], strides = [1, 1]} : vector<32x256xf32> to vector<16x256xf32>
      %min3A_1684 = arith.minimumf %slice3A_1682, %slice3A_1683 : vector<16x256xf32>
      %slice3A_1685 = vector.extract_strided_slice %min3A_1684 {offsets = [0, 0], sizes = [8, 256], strides = [1, 1]} : vector<16x256xf32> to vector<8x256xf32>
      %slice3A_1686 = vector.extract_strided_slice %min3A_1684 {offsets = [8, 0], sizes = [8, 256], strides = [1, 1]} : vector<16x256xf32> to vector<8x256xf32>
      %min3A_1687 = arith.minimumf %slice3A_1685, %slice3A_1686 : vector<8x256xf32>
      %reduce_min3A_1688 = arith.constant dense<0x7F800000> : vector<256xf32>
      %reduce_min3A_1689 = vector.multi_reduction <minimumf>, %min3A_1687, %reduce_min3A_1688 [0] : vector<8x256xf32> to vector<256xf32>
      %broadcast_in_dim3A_1690 = vector.shape_cast %reduce_min3A_1689 : vector<256xf32> to vector<1x256xf32>
      %eq3A_1691 = vector.broadcast %broadcast_in_dim3A_1690 : vector<1x256xf32> to vector<128x256xf32>
      %eq3A_1692 = arith.cmpf oeq, %select_n3A_1675, %eq3A_1691 : vector<128x256xf32>
      %jit3A_1693 = arith.constant 4096 : i32
      %broadcast_in_dim3A_1694 = vector.broadcast %jit3A_1693 : i32 to vector<128x256xi32>
      %select_n3A_1695 = arith.select %eq3A_1692, %get3A_1253, %broadcast_in_dim3A_1694 : vector<128x256xi1>, vector<128x256xi32>
      %slice3A_1696 = vector.extract_strided_slice %select_n3A_1695 {offsets = [0, 0], sizes = [64, 256], strides = [1, 1]} : vector<128x256xi32> to vector<64x256xi32>
      %slice3A_1697 = vector.extract_strided_slice %select_n3A_1695 {offsets = [64, 0], sizes = [64, 256], strides = [1, 1]} : vector<128x256xi32> to vector<64x256xi32>
      %min3A_1698 = arith.minsi %slice3A_1696, %slice3A_1697 : vector<64x256xi32>
      %slice3A_1699 = vector.extract_strided_slice %min3A_1698 {offsets = [0, 0], sizes = [32, 256], strides = [1, 1]} : vector<64x256xi32> to vector<32x256xi32>
      %slice3A_1700 = vector.extract_strided_slice %min3A_1698 {offsets = [32, 0], sizes = [32, 256], strides = [1, 1]} : vector<64x256xi32> to vector<32x256xi32>
      %min3A_1701 = arith.minsi %slice3A_1699, %slice3A_1700 : vector<32x256xi32>
      %slice3A_1702 = vector.extract_strided_slice %min3A_1701 {offsets = [0, 0], sizes = [16, 256], strides = [1, 1]} : vector<32x256xi32> to vector<16x256xi32>
      %slice3A_1703 = vector.extract_strided_slice %min3A_1701 {offsets = [16, 0], sizes = [16, 256], strides = [1, 1]} : vector<32x256xi32> to vector<16x256xi32>
      %min3A_1704 = arith.minsi %slice3A_1702, %slice3A_1703 : vector<16x256xi32>
      %slice3A_1705 = vector.extract_strided_slice %min3A_1704 {offsets = [0, 0], sizes = [8, 256], strides = [1, 1]} : vector<16x256xi32> to vector<8x256xi32>
      %slice3A_1706 = vector.extract_strided_slice %min3A_1704 {offsets = [8, 0], sizes = [8, 256], strides = [1, 1]} : vector<16x256xi32> to vector<8x256xi32>
      %min3A_1707 = arith.minsi %slice3A_1705, %slice3A_1706 : vector<8x256xi32>
      %reduce_min3A_1708 = arith.constant dense<2147483647> : vector<256xi32>
      %reduce_min3A_1709 = vector.multi_reduction <minsi>, %min3A_1707, %reduce_min3A_1708 [0] : vector<8x256xi32> to vector<256xi32>
      %add3A_1710 = vector.broadcast %mul3A_1247 : i32 to vector<256xi32>
      %add3A_1711 = arith.addi %reduce_min3A_1709, %add3A_1710 : vector<256xi32>
      %swap3A_1712 = arith.constant 0 : index
      %swap3A_1713 = arith.constant 9 : index
      %swap3A_1714 = arith.constant 0 : index
      %swap3A_1715 = vector.load %arg5[%swap3A_1712, %swap3A_1713, %swap3A_1714] : memref<1x16x256xi32, #tpu.memory_space<vmem>>, vector<1x1x256xi32>
      %swap3A_1716 = vector.shape_cast %swap3A_1715 : vector<1x1x256xi32> to vector<256xi32>
      %swap3A_1717 = vector.shape_cast %add3A_1711 : vector<256xi32> to vector<1x1x256xi32>
      tpu.vector_store %arg5[%swap3A_1712, %swap3A_1713, %swap3A_1714], %swap3A_1717 {strides = array<i32>} : memref<1x16x256xi32, #tpu.memory_space<vmem>>, vector<1x1x256xi32>,
      %broadcast_in_dim3A_1718 = vector.shape_cast %reduce_min3A_1709 : vector<256xi32> to vector<1x256xi32>
      %eq3A_1719 = vector.broadcast %broadcast_in_dim3A_1718 : vector<1x256xi32> to vector<128x256xi32>
      %eq3A_1720 = arith.cmpi eq, %get3A_1253, %eq3A_1719 : vector<128x256xi32>
      %broadcast_in_dim3A_1721 = vector.broadcast %cond3A : f32 to vector<128x256xf32>
      %select_n3A_1722 = arith.select %eq3A_1720, %broadcast_in_dim3A_1721, %select_n3A_1675 : vector<128x256xi1>, vector<128x256xf32>
      %slice3A_1723 = vector.extract_strided_slice %select_n3A_1722 {offsets = [0, 0], sizes = [64, 256], strides = [1, 1]} : vector<128x256xf32> to vector<64x256xf32>
      %slice3A_1724 = vector.extract_strided_slice %select_n3A_1722 {offsets = [64, 0], sizes = [64, 256], strides = [1, 1]} : vector<128x256xf32> to vector<64x256xf32>
      %min3A_1725 = arith.minimumf %slice3A_1723, %slice3A_1724 : vector<64x256xf32>
      %slice3A_1726 = vector.extract_strided_slice %min3A_1725 {offsets = [0, 0], sizes = [32, 256], strides = [1, 1]} : vector<64x256xf32> to vector<32x256xf32>
      %slice3A_1727 = vector.extract_strided_slice %min3A_1725 {offsets = [32, 0], sizes = [32, 256], strides = [1, 1]} : vector<64x256xf32> to vector<32x256xf32>
      %min3A_1728 = arith.minimumf %slice3A_1726, %slice3A_1727 : vector<32x256xf32>
      %slice3A_1729 = vector.extract_strided_slice %min3A_1728 {offsets = [0, 0], sizes = [16, 256], strides = [1, 1]} : vector<32x256xf32> to vector<16x256xf32>
      %slice3A_1730 = vector.extract_strided_slice %min3A_1728 {offsets = [16, 0], sizes = [16, 256], strides = [1, 1]} : vector<32x256xf32> to vector<16x256xf32>
      %min3A_1731 = arith.minimumf %slice3A_1729, %slice3A_1730 : vector<16x256xf32>
      %slice3A_1732 = vector.extract_strided_slice %min3A_1731 {offsets = [0, 0], sizes = [8, 256], strides = [1, 1]} : vector<16x256xf32> to vector<8x256xf32>
      %slice3A_1733 = vector.extract_strided_slice %min3A_1731 {offsets = [8, 0], sizes = [8, 256], strides = [1, 1]} : vector<16x256xf32> to vector<8x256xf32>
      %min3A_1734 = arith.minimumf %slice3A_1732, %slice3A_1733 : vector<8x256xf32>
      %reduce_min3A_1735 = arith.constant dense<0x7F800000> : vector<256xf32>
      %reduce_min3A_1736 = vector.multi_reduction <minimumf>, %min3A_1734, %reduce_min3A_1735 [0] : vector<8x256xf32> to vector<256xf32>
      %broadcast_in_dim3A_1737 = vector.shape_cast %reduce_min3A_1736 : vector<256xf32> to vector<1x256xf32>
      %eq3A_1738 = vector.broadcast %broadcast_in_dim3A_1737 : vector<1x256xf32> to vector<128x256xf32>
      %eq3A_1739 = arith.cmpf oeq, %select_n3A_1722, %eq3A_1738 : vector<128x256xf32>
      %jit3A_1740 = arith.constant 4096 : i32
      %broadcast_in_dim3A_1741 = vector.broadcast %jit3A_1740 : i32 to vector<128x256xi32>
      %select_n3A_1742 = arith.select %eq3A_1739, %get3A_1253, %broadcast_in_dim3A_1741 : vector<128x256xi1>, vector<128x256xi32>
      %slice3A_1743 = vector.extract_strided_slice %select_n3A_1742 {offsets = [0, 0], sizes = [64, 256], strides = [1, 1]} : vector<128x256xi32> to vector<64x256xi32>
      %slice3A_1744 = vector.extract_strided_slice %select_n3A_1742 {offsets = [64, 0], sizes = [64, 256], strides = [1, 1]} : vector<128x256xi32> to vector<64x256xi32>
      %min3A_1745 = arith.minsi %slice3A_1743, %slice3A_1744 : vector<64x256xi32>
      %slice3A_1746 = vector.extract_strided_slice %min3A_1745 {offsets = [0, 0], sizes = [32, 256], strides = [1, 1]} : vector<64x256xi32> to vector<32x256xi32>
      %slice3A_1747 = vector.extract_strided_slice %min3A_1745 {offsets = [32, 0], sizes = [32, 256], strides = [1, 1]} : vector<64x256xi32> to vector<32x256xi32>
      %min3A_1748 = arith.minsi %slice3A_1746, %slice3A_1747 : vector<32x256xi32>
      %slice3A_1749 = vector.extract_strided_slice %min3A_1748 {offsets = [0, 0], sizes = [16, 256], strides = [1, 1]} : vector<32x256xi32> to vector<16x256xi32>
      %slice3A_1750 = vector.extract_strided_slice %min3A_1748 {offsets = [16, 0], sizes = [16, 256], strides = [1, 1]} : vector<32x256xi32> to vector<16x256xi32>
      %min3A_1751 = arith.minsi %slice3A_1749, %slice3A_1750 : vector<16x256xi32>
      %slice3A_1752 = vector.extract_strided_slice %min3A_1751 {offsets = [0, 0], sizes = [8, 256], strides = [1, 1]} : vector<16x256xi32> to vector<8x256xi32>
      %slice3A_1753 = vector.extract_strided_slice %min3A_1751 {offsets = [8, 0], sizes = [8, 256], strides = [1, 1]} : vector<16x256xi32> to vector<8x256xi32>
      %min3A_1754 = arith.minsi %slice3A_1752, %slice3A_1753 : vector<8x256xi32>
      %reduce_min3A_1755 = arith.constant dense<2147483647> : vector<256xi32>
      %reduce_min3A_1756 = vector.multi_reduction <minsi>, %min3A_1754, %reduce_min3A_1755 [0] : vector<8x256xi32> to vector<256xi32>
      %add3A_1757 = vector.broadcast %mul3A_1247 : i32 to vector<256xi32>
      %add3A_1758 = arith.addi %reduce_min3A_1756, %add3A_1757 : vector<256xi32>
      %swap3A_1759 = arith.constant 0 : index
      %swap3A_1760 = arith.constant 10 : index
      %swap3A_1761 = arith.constant 0 : index
      %swap3A_1762 = vector.load %arg5[%swap3A_1759, %swap3A_1760, %swap3A_1761] : memref<1x16x256xi32, #tpu.memory_space<vmem>>, vector<1x1x256xi32>
      %swap3A_1763 = vector.shape_cast %swap3A_1762 : vector<1x1x256xi32> to vector<256xi32>
      %swap3A_1764 = vector.shape_cast %add3A_1758 : vector<256xi32> to vector<1x1x256xi32>
      tpu.vector_store %arg5[%swap3A_1759, %swap3A_1760, %swap3A_1761], %swap3A_1764 {strides = array<i32>} : memref<1x16x256xi32, #tpu.memory_space<vmem>>, vector<1x1x256xi32>,
      %broadcast_in_dim3A_1765 = vector.shape_cast %reduce_min3A_1756 : vector<256xi32> to vector<1x256xi32>
      %eq3A_1766 = vector.broadcast %broadcast_in_dim3A_1765 : vector<1x256xi32> to vector<128x256xi32>
      %eq3A_1767 = arith.cmpi eq, %get3A_1253, %eq3A_1766 : vector<128x256xi32>
      %broadcast_in_dim3A_1768 = vector.broadcast %cond3A : f32 to vector<128x256xf32>
      %select_n3A_1769 = arith.select %eq3A_1767, %broadcast_in_dim3A_1768, %select_n3A_1722 : vector<128x256xi1>, vector<128x256xf32>
      %slice3A_1770 = vector.extract_strided_slice %select_n3A_1769 {offsets = [0, 0], sizes = [64, 256], strides = [1, 1]} : vector<128x256xf32> to vector<64x256xf32>
      %slice3A_1771 = vector.extract_strided_slice %select_n3A_1769 {offsets = [64, 0], sizes = [64, 256], strides = [1, 1]} : vector<128x256xf32> to vector<64x256xf32>
      %min3A_1772 = arith.minimumf %slice3A_1770, %slice3A_1771 : vector<64x256xf32>
      %slice3A_1773 = vector.extract_strided_slice %min3A_1772 {offsets = [0, 0], sizes = [32, 256], strides = [1, 1]} : vector<64x256xf32> to vector<32x256xf32>
      %slice3A_1774 = vector.extract_strided_slice %min3A_1772 {offsets = [32, 0], sizes = [32, 256], strides = [1, 1]} : vector<64x256xf32> to vector<32x256xf32>
      %min3A_1775 = arith.minimumf %slice3A_1773, %slice3A_1774 : vector<32x256xf32>
      %slice3A_1776 = vector.extract_strided_slice %min3A_1775 {offsets = [0, 0], sizes = [16, 256], strides = [1, 1]} : vector<32x256xf32> to vector<16x256xf32>
      %slice3A_1777 = vector.extract_strided_slice %min3A_1775 {offsets = [16, 0], sizes = [16, 256], strides = [1, 1]} : vector<32x256xf32> to vector<16x256xf32>
      %min3A_1778 = arith.minimumf %slice3A_1776, %slice3A_1777 : vector<16x256xf32>
      %slice3A_1779 = vector.extract_strided_slice %min3A_1778 {offsets = [0, 0], sizes = [8, 256], strides = [1, 1]} : vector<16x256xf32> to vector<8x256xf32>
      %slice3A_1780 = vector.extract_strided_slice %min3A_1778 {offsets = [8, 0], sizes = [8, 256], strides = [1, 1]} : vector<16x256xf32> to vector<8x256xf32>
      %min3A_1781 = arith.minimumf %slice3A_1779, %slice3A_1780 : vector<8x256xf32>
      %reduce_min3A_1782 = arith.constant dense<0x7F800000> : vector<256xf32>
      %reduce_min3A_1783 = vector.multi_reduction <minimumf>, %min3A_1781, %reduce_min3A_1782 [0] : vector<8x256xf32> to vector<256xf32>
      %broadcast_in_dim3A_1784 = vector.shape_cast %reduce_min3A_1783 : vector<256xf32> to vector<1x256xf32>
      %eq3A_1785 = vector.broadcast %broadcast_in_dim3A_1784 : vector<1x256xf32> to vector<128x256xf32>
      %eq3A_1786 = arith.cmpf oeq, %select_n3A_1769, %eq3A_1785 : vector<128x256xf32>
      %jit3A_1787 = arith.constant 4096 : i32
      %broadcast_in_dim3A_1788 = vector.broadcast %jit3A_1787 : i32 to vector<128x256xi32>
      %select_n3A_1789 = arith.select %eq3A_1786, %get3A_1253, %broadcast_in_dim3A_1788 : vector<128x256xi1>, vector<128x256xi32>
      %slice3A_1790 = vector.extract_strided_slice %select_n3A_1789 {offsets = [0, 0], sizes = [64, 256], strides = [1, 1]} : vector<128x256xi32> to vector<64x256xi32>
      %slice3A_1791 = vector.extract_strided_slice %select_n3A_1789 {offsets = [64, 0], sizes = [64, 256], strides = [1, 1]} : vector<128x256xi32> to vector<64x256xi32>
      %min3A_1792 = arith.minsi %slice3A_1790, %slice3A_1791 : vector<64x256xi32>
      %slice3A_1793 = vector.extract_strided_slice %min3A_1792 {offsets = [0, 0], sizes = [32, 256], strides = [1, 1]} : vector<64x256xi32> to vector<32x256xi32>
      %slice3A_1794 = vector.extract_strided_slice %min3A_1792 {offsets = [32, 0], sizes = [32, 256], strides = [1, 1]} : vector<64x256xi32> to vector<32x256xi32>
      %min3A_1795 = arith.minsi %slice3A_1793, %slice3A_1794 : vector<32x256xi32>
      %slice3A_1796 = vector.extract_strided_slice %min3A_1795 {offsets = [0, 0], sizes = [16, 256], strides = [1, 1]} : vector<32x256xi32> to vector<16x256xi32>
      %slice3A_1797 = vector.extract_strided_slice %min3A_1795 {offsets = [16, 0], sizes = [16, 256], strides = [1, 1]} : vector<32x256xi32> to vector<16x256xi32>
      %min3A_1798 = arith.minsi %slice3A_1796, %slice3A_1797 : vector<16x256xi32>
      %slice3A_1799 = vector.extract_strided_slice %min3A_1798 {offsets = [0, 0], sizes = [8, 256], strides = [1, 1]} : vector<16x256xi32> to vector<8x256xi32>
      %slice3A_1800 = vector.extract_strided_slice %min3A_1798 {offsets = [8, 0], sizes = [8, 256], strides = [1, 1]} : vector<16x256xi32> to vector<8x256xi32>
      %min3A_1801 = arith.minsi %slice3A_1799, %slice3A_1800 : vector<8x256xi32>
      %reduce_min3A_1802 = arith.constant dense<2147483647> : vector<256xi32>
      %reduce_min3A_1803 = vector.multi_reduction <minsi>, %min3A_1801, %reduce_min3A_1802 [0] : vector<8x256xi32> to vector<256xi32>
      %add3A_1804 = vector.broadcast %mul3A_1247 : i32 to vector<256xi32>
      %add3A_1805 = arith.addi %reduce_min3A_1803, %add3A_1804 : vector<256xi32>
      %swap3A_1806 = arith.constant 0 : index
      %swap3A_1807 = arith.constant 11 : index
      %swap3A_1808 = arith.constant 0 : index
      %swap3A_1809 = vector.load %arg5[%swap3A_1806, %swap3A_1807, %swap3A_1808] : memref<1x16x256xi32, #tpu.memory_space<vmem>>, vector<1x1x256xi32>
      %swap3A_1810 = vector.shape_cast %swap3A_1809 : vector<1x1x256xi32> to vector<256xi32>
      %swap3A_1811 = vector.shape_cast %add3A_1805 : vector<256xi32> to vector<1x1x256xi32>
      tpu.vector_store %arg5[%swap3A_1806, %swap3A_1807, %swap3A_1808], %swap3A_1811 {strides = array<i32>} : memref<1x16x256xi32, #tpu.memory_space<vmem>>, vector<1x1x256xi32>,
      %broadcast_in_dim3A_1812 = vector.shape_cast %reduce_min3A_1803 : vector<256xi32> to vector<1x256xi32>
      %eq3A_1813 = vector.broadcast %broadcast_in_dim3A_1812 : vector<1x256xi32> to vector<128x256xi32>
      %eq3A_1814 = arith.cmpi eq, %get3A_1253, %eq3A_1813 : vector<128x256xi32>
      %broadcast_in_dim3A_1815 = vector.broadcast %cond3A : f32 to vector<128x256xf32>
      %select_n3A_1816 = arith.select %eq3A_1814, %broadcast_in_dim3A_1815, %select_n3A_1769 : vector<128x256xi1>, vector<128x256xf32>
      %slice3A_1817 = vector.extract_strided_slice %select_n3A_1816 {offsets = [0, 0], sizes = [64, 256], strides = [1, 1]} : vector<128x256xf32> to vector<64x256xf32>
      %slice3A_1818 = vector.extract_strided_slice %select_n3A_1816 {offsets = [64, 0], sizes = [64, 256], strides = [1, 1]} : vector<128x256xf32> to vector<64x256xf32>
      %min3A_1819 = arith.minimumf %slice3A_1817, %slice3A_1818 : vector<64x256xf32>
      %slice3A_1820 = vector.extract_strided_slice %min3A_1819 {offsets = [0, 0], sizes = [32, 256], strides = [1, 1]} : vector<64x256xf32> to vector<32x256xf32>
      %slice3A_1821 = vector.extract_strided_slice %min3A_1819 {offsets = [32, 0], sizes = [32, 256], strides = [1, 1]} : vector<64x256xf32> to vector<32x256xf32>
      %min3A_1822 = arith.minimumf %slice3A_1820, %slice3A_1821 : vector<32x256xf32>
      %slice3A_1823 = vector.extract_strided_slice %min3A_1822 {offsets = [0, 0], sizes = [16, 256], strides = [1, 1]} : vector<32x256xf32> to vector<16x256xf32>
      %slice3A_1824 = vector.extract_strided_slice %min3A_1822 {offsets = [16, 0], sizes = [16, 256], strides = [1, 1]} : vector<32x256xf32> to vector<16x256xf32>
      %min3A_1825 = arith.minimumf %slice3A_1823, %slice3A_1824 : vector<16x256xf32>
      %slice3A_1826 = vector.extract_strided_slice %min3A_1825 {offsets = [0, 0], sizes = [8, 256], strides = [1, 1]} : vector<16x256xf32> to vector<8x256xf32>
      %slice3A_1827 = vector.extract_strided_slice %min3A_1825 {offsets = [8, 0], sizes = [8, 256], strides = [1, 1]} : vector<16x256xf32> to vector<8x256xf32>
      %min3A_1828 = arith.minimumf %slice3A_1826, %slice3A_1827 : vector<8x256xf32>
      %reduce_min3A_1829 = arith.constant dense<0x7F800000> : vector<256xf32>
      %reduce_min3A_1830 = vector.multi_reduction <minimumf>, %min3A_1828, %reduce_min3A_1829 [0] : vector<8x256xf32> to vector<256xf32>
      %broadcast_in_dim3A_1831 = vector.shape_cast %reduce_min3A_1830 : vector<256xf32> to vector<1x256xf32>
      %eq3A_1832 = vector.broadcast %broadcast_in_dim3A_1831 : vector<1x256xf32> to vector<128x256xf32>
      %eq3A_1833 = arith.cmpf oeq, %select_n3A_1816, %eq3A_1832 : vector<128x256xf32>
      %jit3A_1834 = arith.constant 4096 : i32
      %broadcast_in_dim3A_1835 = vector.broadcast %jit3A_1834 : i32 to vector<128x256xi32>
      %select_n3A_1836 = arith.select %eq3A_1833, %get3A_1253, %broadcast_in_dim3A_1835 : vector<128x256xi1>, vector<128x256xi32>
      %slice3A_1837 = vector.extract_strided_slice %select_n3A_1836 {offsets = [0, 0], sizes = [64, 256], strides = [1, 1]} : vector<128x256xi32> to vector<64x256xi32>
      %slice3A_1838 = vector.extract_strided_slice %select_n3A_1836 {offsets = [64, 0], sizes = [64, 256], strides = [1, 1]} : vector<128x256xi32> to vector<64x256xi32>
      %min3A_1839 = arith.minsi %slice3A_1837, %slice3A_1838 : vector<64x256xi32>
      %slice3A_1840 = vector.extract_strided_slice %min3A_1839 {offsets = [0, 0], sizes = [32, 256], strides = [1, 1]} : vector<64x256xi32> to vector<32x256xi32>
      %slice3A_1841 = vector.extract_strided_slice %min3A_1839 {offsets = [32, 0], sizes = [32, 256], strides = [1, 1]} : vector<64x256xi32> to vector<32x256xi32>
      %min3A_1842 = arith.minsi %slice3A_1840, %slice3A_1841 : vector<32x256xi32>
      %slice3A_1843 = vector.extract_strided_slice %min3A_1842 {offsets = [0, 0], sizes = [16, 256], strides = [1, 1]} : vector<32x256xi32> to vector<16x256xi32>
      %slice3A_1844 = vector.extract_strided_slice %min3A_1842 {offsets = [16, 0], sizes = [16, 256], strides = [1, 1]} : vector<32x256xi32> to vector<16x256xi32>
      %min3A_1845 = arith.minsi %slice3A_1843, %slice3A_1844 : vector<16x256xi32>
      %slice3A_1846 = vector.extract_strided_slice %min3A_1845 {offsets = [0, 0], sizes = [8, 256], strides = [1, 1]} : vector<16x256xi32> to vector<8x256xi32>
      %slice3A_1847 = vector.extract_strided_slice %min3A_1845 {offsets = [8, 0], sizes = [8, 256], strides = [1, 1]} : vector<16x256xi32> to vector<8x256xi32>
      %min3A_1848 = arith.minsi %slice3A_1846, %slice3A_1847 : vector<8x256xi32>
      %reduce_min3A_1849 = arith.constant dense<2147483647> : vector<256xi32>
      %reduce_min3A_1850 = vector.multi_reduction <minsi>, %min3A_1848, %reduce_min3A_1849 [0] : vector<8x256xi32> to vector<256xi32>
      %add3A_1851 = vector.broadcast %mul3A_1247 : i32 to vector<256xi32>
      %add3A_1852 = arith.addi %reduce_min3A_1850, %add3A_1851 : vector<256xi32>
      %swap3A_1853 = arith.constant 0 : index
      %swap3A_1854 = arith.constant 12 : index
      %swap3A_1855 = arith.constant 0 : index
      %swap3A_1856 = vector.load %arg5[%swap3A_1853, %swap3A_1854, %swap3A_1855] : memref<1x16x256xi32, #tpu.memory_space<vmem>>, vector<1x1x256xi32>
      %swap3A_1857 = vector.shape_cast %swap3A_1856 : vector<1x1x256xi32> to vector<256xi32>
      %swap3A_1858 = vector.shape_cast %add3A_1852 : vector<256xi32> to vector<1x1x256xi32>
      tpu.vector_store %arg5[%swap3A_1853, %swap3A_1854, %swap3A_1855], %swap3A_1858 {strides = array<i32>} : memref<1x16x256xi32, #tpu.memory_space<vmem>>, vector<1x1x256xi32>,
      %broadcast_in_dim3A_1859 = vector.shape_cast %reduce_min3A_1850 : vector<256xi32> to vector<1x256xi32>
      %eq3A_1860 = vector.broadcast %broadcast_in_dim3A_1859 : vector<1x256xi32> to vector<128x256xi32>
      %eq3A_1861 = arith.cmpi eq, %get3A_1253, %eq3A_1860 : vector<128x256xi32>
      %broadcast_in_dim3A_1862 = vector.broadcast %cond3A : f32 to vector<128x256xf32>
      %select_n3A_1863 = arith.select %eq3A_1861, %broadcast_in_dim3A_1862, %select_n3A_1816 : vector<128x256xi1>, vector<128x256xf32>
      %slice3A_1864 = vector.extract_strided_slice %select_n3A_1863 {offsets = [0, 0], sizes = [64, 256], strides = [1, 1]} : vector<128x256xf32> to vector<64x256xf32>
      %slice3A_1865 = vector.extract_strided_slice %select_n3A_1863 {offsets = [64, 0], sizes = [64, 256], strides = [1, 1]} : vector<128x256xf32> to vector<64x256xf32>
      %min3A_1866 = arith.minimumf %slice3A_1864, %slice3A_1865 : vector<64x256xf32>
      %slice3A_1867 = vector.extract_strided_slice %min3A_1866 {offsets = [0, 0], sizes = [32, 256], strides = [1, 1]} : vector<64x256xf32> to vector<32x256xf32>
      %slice3A_1868 = vector.extract_strided_slice %min3A_1866 {offsets = [32, 0], sizes = [32, 256], strides = [1, 1]} : vector<64x256xf32> to vector<32x256xf32>
      %min3A_1869 = arith.minimumf %slice3A_1867, %slice3A_1868 : vector<32x256xf32>
      %slice3A_1870 = vector.extract_strided_slice %min3A_1869 {offsets = [0, 0], sizes = [16, 256], strides = [1, 1]} : vector<32x256xf32> to vector<16x256xf32>
      %slice3A_1871 = vector.extract_strided_slice %min3A_1869 {offsets = [16, 0], sizes = [16, 256], strides = [1, 1]} : vector<32x256xf32> to vector<16x256xf32>
      %min3A_1872 = arith.minimumf %slice3A_1870, %slice3A_1871 : vector<16x256xf32>
      %slice3A_1873 = vector.extract_strided_slice %min3A_1872 {offsets = [0, 0], sizes = [8, 256], strides = [1, 1]} : vector<16x256xf32> to vector<8x256xf32>
      %slice3A_1874 = vector.extract_strided_slice %min3A_1872 {offsets = [8, 0], sizes = [8, 256], strides = [1, 1]} : vector<16x256xf32> to vector<8x256xf32>
      %min3A_1875 = arith.minimumf %slice3A_1873, %slice3A_1874 : vector<8x256xf32>
      %reduce_min3A_1876 = arith.constant dense<0x7F800000> : vector<256xf32>
      %reduce_min3A_1877 = vector.multi_reduction <minimumf>, %min3A_1875, %reduce_min3A_1876 [0] : vector<8x256xf32> to vector<256xf32>
      %broadcast_in_dim3A_1878 = vector.shape_cast %reduce_min3A_1877 : vector<256xf32> to vector<1x256xf32>
      %eq3A_1879 = vector.broadcast %broadcast_in_dim3A_1878 : vector<1x256xf32> to vector<128x256xf32>
      %eq3A_1880 = arith.cmpf oeq, %select_n3A_1863, %eq3A_1879 : vector<128x256xf32>
      %jit3A_1881 = arith.constant 4096 : i32
      %broadcast_in_dim3A_1882 = vector.broadcast %jit3A_1881 : i32 to vector<128x256xi32>
      %select_n3A_1883 = arith.select %eq3A_1880, %get3A_1253, %broadcast_in_dim3A_1882 : vector<128x256xi1>, vector<128x256xi32>
      %slice3A_1884 = vector.extract_strided_slice %select_n3A_1883 {offsets = [0, 0], sizes = [64, 256], strides = [1, 1]} : vector<128x256xi32> to vector<64x256xi32>
      %slice3A_1885 = vector.extract_strided_slice %select_n3A_1883 {offsets = [64, 0], sizes = [64, 256], strides = [1, 1]} : vector<128x256xi32> to vector<64x256xi32>
      %min3A_1886 = arith.minsi %slice3A_1884, %slice3A_1885 : vector<64x256xi32>
      %slice3A_1887 = vector.extract_strided_slice %min3A_1886 {offsets = [0, 0], sizes = [32, 256], strides = [1, 1]} : vector<64x256xi32> to vector<32x256xi32>
      %slice3A_1888 = vector.extract_strided_slice %min3A_1886 {offsets = [32, 0], sizes = [32, 256], strides = [1, 1]} : vector<64x256xi32> to vector<32x256xi32>
      %min3A_1889 = arith.minsi %slice3A_1887, %slice3A_1888 : vector<32x256xi32>
      %slice3A_1890 = vector.extract_strided_slice %min3A_1889 {offsets = [0, 0], sizes = [16, 256], strides = [1, 1]} : vector<32x256xi32> to vector<16x256xi32>
      %slice3A_1891 = vector.extract_strided_slice %min3A_1889 {offsets = [16, 0], sizes = [16, 256], strides = [1, 1]} : vector<32x256xi32> to vector<16x256xi32>
      %min3A_1892 = arith.minsi %slice3A_1890, %slice3A_1891 : vector<16x256xi32>
      %slice3A_1893 = vector.extract_strided_slice %min3A_1892 {offsets = [0, 0], sizes = [8, 256], strides = [1, 1]} : vector<16x256xi32> to vector<8x256xi32>
      %slice3A_1894 = vector.extract_strided_slice %min3A_1892 {offsets = [8, 0], sizes = [8, 256], strides = [1, 1]} : vector<16x256xi32> to vector<8x256xi32>
      %min3A_1895 = arith.minsi %slice3A_1893, %slice3A_1894 : vector<8x256xi32>
      %reduce_min3A_1896 = arith.constant dense<2147483647> : vector<256xi32>
      %reduce_min3A_1897 = vector.multi_reduction <minsi>, %min3A_1895, %reduce_min3A_1896 [0] : vector<8x256xi32> to vector<256xi32>
      %add3A_1898 = vector.broadcast %mul3A_1247 : i32 to vector<256xi32>
      %add3A_1899 = arith.addi %reduce_min3A_1897, %add3A_1898 : vector<256xi32>
      %swap3A_1900 = arith.constant 0 : index
      %swap3A_1901 = arith.constant 13 : index
      %swap3A_1902 = arith.constant 0 : index
      %swap3A_1903 = vector.load %arg5[%swap3A_1900, %swap3A_1901, %swap3A_1902] : memref<1x16x256xi32, #tpu.memory_space<vmem>>, vector<1x1x256xi32>
      %swap3A_1904 = vector.shape_cast %swap3A_1903 : vector<1x1x256xi32> to vector<256xi32>
      %swap3A_1905 = vector.shape_cast %add3A_1899 : vector<256xi32> to vector<1x1x256xi32>
      tpu.vector_store %arg5[%swap3A_1900, %swap3A_1901, %swap3A_1902], %swap3A_1905 {strides = array<i32>} : memref<1x16x256xi32, #tpu.memory_space<vmem>>, vector<1x1x256xi32>,
      %broadcast_in_dim3A_1906 = vector.shape_cast %reduce_min3A_1897 : vector<256xi32> to vector<1x256xi32>
      %eq3A_1907 = vector.broadcast %broadcast_in_dim3A_1906 : vector<1x256xi32> to vector<128x256xi32>
      %eq3A_1908 = arith.cmpi eq, %get3A_1253, %eq3A_1907 : vector<128x256xi32>
      %broadcast_in_dim3A_1909 = vector.broadcast %cond3A : f32 to vector<128x256xf32>
      %select_n3A_1910 = arith.select %eq3A_1908, %broadcast_in_dim3A_1909, %select_n3A_1863 : vector<128x256xi1>, vector<128x256xf32>
      %slice3A_1911 = vector.extract_strided_slice %select_n3A_1910 {offsets = [0, 0], sizes = [64, 256], strides = [1, 1]} : vector<128x256xf32> to vector<64x256xf32>
      %slice3A_1912 = vector.extract_strided_slice %select_n3A_1910 {offsets = [64, 0], sizes = [64, 256], strides = [1, 1]} : vector<128x256xf32> to vector<64x256xf32>
      %min3A_1913 = arith.minimumf %slice3A_1911, %slice3A_1912 : vector<64x256xf32>
      %slice3A_1914 = vector.extract_strided_slice %min3A_1913 {offsets = [0, 0], sizes = [32, 256], strides = [1, 1]} : vector<64x256xf32> to vector<32x256xf32>
      %slice3A_1915 = vector.extract_strided_slice %min3A_1913 {offsets = [32, 0], sizes = [32, 256], strides = [1, 1]} : vector<64x256xf32> to vector<32x256xf32>
      %min3A_1916 = arith.minimumf %slice3A_1914, %slice3A_1915 : vector<32x256xf32>
      %slice3A_1917 = vector.extract_strided_slice %min3A_1916 {offsets = [0, 0], sizes = [16, 256], strides = [1, 1]} : vector<32x256xf32> to vector<16x256xf32>
      %slice3A_1918 = vector.extract_strided_slice %min3A_1916 {offsets = [16, 0], sizes = [16, 256], strides = [1, 1]} : vector<32x256xf32> to vector<16x256xf32>
      %min3A_1919 = arith.minimumf %slice3A_1917, %slice3A_1918 : vector<16x256xf32>
      %slice3A_1920 = vector.extract_strided_slice %min3A_1919 {offsets = [0, 0], sizes = [8, 256], strides = [1, 1]} : vector<16x256xf32> to vector<8x256xf32>
      %slice3A_1921 = vector.extract_strided_slice %min3A_1919 {offsets = [8, 0], sizes = [8, 256], strides = [1, 1]} : vector<16x256xf32> to vector<8x256xf32>
      %min3A_1922 = arith.minimumf %slice3A_1920, %slice3A_1921 : vector<8x256xf32>
      %reduce_min3A_1923 = arith.constant dense<0x7F800000> : vector<256xf32>
      %reduce_min3A_1924 = vector.multi_reduction <minimumf>, %min3A_1922, %reduce_min3A_1923 [0] : vector<8x256xf32> to vector<256xf32>
      %broadcast_in_dim3A_1925 = vector.shape_cast %reduce_min3A_1924 : vector<256xf32> to vector<1x256xf32>
      %eq3A_1926 = vector.broadcast %broadcast_in_dim3A_1925 : vector<1x256xf32> to vector<128x256xf32>
      %eq3A_1927 = arith.cmpf oeq, %select_n3A_1910, %eq3A_1926 : vector<128x256xf32>
      %jit3A_1928 = arith.constant 4096 : i32
      %broadcast_in_dim3A_1929 = vector.broadcast %jit3A_1928 : i32 to vector<128x256xi32>
      %select_n3A_1930 = arith.select %eq3A_1927, %get3A_1253, %broadcast_in_dim3A_1929 : vector<128x256xi1>, vector<128x256xi32>
      %slice3A_1931 = vector.extract_strided_slice %select_n3A_1930 {offsets = [0, 0], sizes = [64, 256], strides = [1, 1]} : vector<128x256xi32> to vector<64x256xi32>
      %slice3A_1932 = vector.extract_strided_slice %select_n3A_1930 {offsets = [64, 0], sizes = [64, 256], strides = [1, 1]} : vector<128x256xi32> to vector<64x256xi32>
      %min3A_1933 = arith.minsi %slice3A_1931, %slice3A_1932 : vector<64x256xi32>
      %slice3A_1934 = vector.extract_strided_slice %min3A_1933 {offsets = [0, 0], sizes = [32, 256], strides = [1, 1]} : vector<64x256xi32> to vector<32x256xi32>
      %slice3A_1935 = vector.extract_strided_slice %min3A_1933 {offsets = [32, 0], sizes = [32, 256], strides = [1, 1]} : vector<64x256xi32> to vector<32x256xi32>
      %min3A_1936 = arith.minsi %slice3A_1934, %slice3A_1935 : vector<32x256xi32>
      %slice3A_1937 = vector.extract_strided_slice %min3A_1936 {offsets = [0, 0], sizes = [16, 256], strides = [1, 1]} : vector<32x256xi32> to vector<16x256xi32>
      %slice3A_1938 = vector.extract_strided_slice %min3A_1936 {offsets = [16, 0], sizes = [16, 256], strides = [1, 1]} : vector<32x256xi32> to vector<16x256xi32>
      %min3A_1939 = arith.minsi %slice3A_1937, %slice3A_1938 : vector<16x256xi32>
      %slice3A_1940 = vector.extract_strided_slice %min3A_1939 {offsets = [0, 0], sizes = [8, 256], strides = [1, 1]} : vector<16x256xi32> to vector<8x256xi32>
      %slice3A_1941 = vector.extract_strided_slice %min3A_1939 {offsets = [8, 0], sizes = [8, 256], strides = [1, 1]} : vector<16x256xi32> to vector<8x256xi32>
      %min3A_1942 = arith.minsi %slice3A_1940, %slice3A_1941 : vector<8x256xi32>
      %reduce_min3A_1943 = arith.constant dense<2147483647> : vector<256xi32>
      %reduce_min3A_1944 = vector.multi_reduction <minsi>, %min3A_1942, %reduce_min3A_1943 [0] : vector<8x256xi32> to vector<256xi32>
      %add3A_1945 = vector.broadcast %mul3A_1247 : i32 to vector<256xi32>
      %add3A_1946 = arith.addi %reduce_min3A_1944, %add3A_1945 : vector<256xi32>
      %swap3A_1947 = arith.constant 0 : index
      %swap3A_1948 = arith.constant 14 : index
      %swap3A_1949 = arith.constant 0 : index
      %swap3A_1950 = vector.load %arg5[%swap3A_1947, %swap3A_1948, %swap3A_1949] : memref<1x16x256xi32, #tpu.memory_space<vmem>>, vector<1x1x256xi32>
      %swap3A_1951 = vector.shape_cast %swap3A_1950 : vector<1x1x256xi32> to vector<256xi32>
      %swap3A_1952 = vector.shape_cast %add3A_1946 : vector<256xi32> to vector<1x1x256xi32>
      tpu.vector_store %arg5[%swap3A_1947, %swap3A_1948, %swap3A_1949], %swap3A_1952 {strides = array<i32>} : memref<1x16x256xi32, #tpu.memory_space<vmem>>, vector<1x1x256xi32>,
      %broadcast_in_dim3A_1953 = vector.shape_cast %reduce_min3A_1944 : vector<256xi32> to vector<1x256xi32>
      %eq3A_1954 = vector.broadcast %broadcast_in_dim3A_1953 : vector<1x256xi32> to vector<128x256xi32>
      %eq3A_1955 = arith.cmpi eq, %get3A_1253, %eq3A_1954 : vector<128x256xi32>
      %broadcast_in_dim3A_1956 = vector.broadcast %cond3A : f32 to vector<128x256xf32>
      %select_n3A_1957 = arith.select %eq3A_1955, %broadcast_in_dim3A_1956, %select_n3A_1910 : vector<128x256xi1>, vector<128x256xf32>
      %slice3A_1958 = vector.extract_strided_slice %select_n3A_1957 {offsets = [0, 0], sizes = [64, 256], strides = [1, 1]} : vector<128x256xf32> to vector<64x256xf32>
      %slice3A_1959 = vector.extract_strided_slice %select_n3A_1957 {offsets = [64, 0], sizes = [64, 256], strides = [1, 1]} : vector<128x256xf32> to vector<64x256xf32>
      %min3A_1960 = arith.minimumf %slice3A_1958, %slice3A_1959 : vector<64x256xf32>
      %slice3A_1961 = vector.extract_strided_slice %min3A_1960 {offsets = [0, 0], sizes = [32, 256], strides = [1, 1]} : vector<64x256xf32> to vector<32x256xf32>
      %slice3A_1962 = vector.extract_strided_slice %min3A_1960 {offsets = [32, 0], sizes = [32, 256], strides = [1, 1]} : vector<64x256xf32> to vector<32x256xf32>
      %min3A_1963 = arith.minimumf %slice3A_1961, %slice3A_1962 : vector<32x256xf32>
      %slice3A_1964 = vector.extract_strided_slice %min3A_1963 {offsets = [0, 0], sizes = [16, 256], strides = [1, 1]} : vector<32x256xf32> to vector<16x256xf32>
      %slice3A_1965 = vector.extract_strided_slice %min3A_1963 {offsets = [16, 0], sizes = [16, 256], strides = [1, 1]} : vector<32x256xf32> to vector<16x256xf32>
      %min3A_1966 = arith.minimumf %slice3A_1964, %slice3A_1965 : vector<16x256xf32>
      %slice3A_1967 = vector.extract_strided_slice %min3A_1966 {offsets = [0, 0], sizes = [8, 256], strides = [1, 1]} : vector<16x256xf32> to vector<8x256xf32>
      %slice3A_1968 = vector.extract_strided_slice %min3A_1966 {offsets = [8, 0], sizes = [8, 256], strides = [1, 1]} : vector<16x256xf32> to vector<8x256xf32>
      %min3A_1969 = arith.minimumf %slice3A_1967, %slice3A_1968 : vector<8x256xf32>
      %reduce_min3A_1970 = arith.constant dense<0x7F800000> : vector<256xf32>
      %reduce_min3A_1971 = vector.multi_reduction <minimumf>, %min3A_1969, %reduce_min3A_1970 [0] : vector<8x256xf32> to vector<256xf32>
      %broadcast_in_dim3A_1972 = vector.shape_cast %reduce_min3A_1971 : vector<256xf32> to vector<1x256xf32>
      %eq3A_1973 = vector.broadcast %broadcast_in_dim3A_1972 : vector<1x256xf32> to vector<128x256xf32>
      %eq3A_1974 = arith.cmpf oeq, %select_n3A_1957, %eq3A_1973 : vector<128x256xf32>
      %jit3A_1975 = arith.constant 4096 : i32
      %broadcast_in_dim3A_1976 = vector.broadcast %jit3A_1975 : i32 to vector<128x256xi32>
      %select_n3A_1977 = arith.select %eq3A_1974, %get3A_1253, %broadcast_in_dim3A_1976 : vector<128x256xi1>, vector<128x256xi32>
      %slice3A_1978 = vector.extract_strided_slice %select_n3A_1977 {offsets = [0, 0], sizes = [64, 256], strides = [1, 1]} : vector<128x256xi32> to vector<64x256xi32>
      %slice3A_1979 = vector.extract_strided_slice %select_n3A_1977 {offsets = [64, 0], sizes = [64, 256], strides = [1, 1]} : vector<128x256xi32> to vector<64x256xi32>
      %min3A_1980 = arith.minsi %slice3A_1978, %slice3A_1979 : vector<64x256xi32>
      %slice3A_1981 = vector.extract_strided_slice %min3A_1980 {offsets = [0, 0], sizes = [32, 256], strides = [1, 1]} : vector<64x256xi32> to vector<32x256xi32>
      %slice3A_1982 = vector.extract_strided_slice %min3A_1980 {offsets = [32, 0], sizes = [32, 256], strides = [1, 1]} : vector<64x256xi32> to vector<32x256xi32>
      %min3A_1983 = arith.minsi %slice3A_1981, %slice3A_1982 : vector<32x256xi32>
      %slice3A_1984 = vector.extract_strided_slice %min3A_1983 {offsets = [0, 0], sizes = [16, 256], strides = [1, 1]} : vector<32x256xi32> to vector<16x256xi32>
      %slice3A_1985 = vector.extract_strided_slice %min3A_1983 {offsets = [16, 0], sizes = [16, 256], strides = [1, 1]} : vector<32x256xi32> to vector<16x256xi32>
      %min3A_1986 = arith.minsi %slice3A_1984, %slice3A_1985 : vector<16x256xi32>
      %slice3A_1987 = vector.extract_strided_slice %min3A_1986 {offsets = [0, 0], sizes = [8, 256], strides = [1, 1]} : vector<16x256xi32> to vector<8x256xi32>
      %slice3A_1988 = vector.extract_strided_slice %min3A_1986 {offsets = [8, 0], sizes = [8, 256], strides = [1, 1]} : vector<16x256xi32> to vector<8x256xi32>
      %min3A_1989 = arith.minsi %slice3A_1987, %slice3A_1988 : vector<8x256xi32>
      %reduce_min3A_1990 = arith.constant dense<2147483647> : vector<256xi32>
      %reduce_min3A_1991 = vector.multi_reduction <minsi>, %min3A_1989, %reduce_min3A_1990 [0] : vector<8x256xi32> to vector<256xi32>
      %add3A_1992 = vector.broadcast %mul3A_1247 : i32 to vector<256xi32>
      %add3A_1993 = arith.addi %reduce_min3A_1991, %add3A_1992 : vector<256xi32>
      %swap3A_1994 = arith.constant 0 : index
      %swap3A_1995 = arith.constant 15 : index
      %swap3A_1996 = arith.constant 0 : index
      %swap3A_1997 = vector.load %arg5[%swap3A_1994, %swap3A_1995, %swap3A_1996] : memref<1x16x256xi32, #tpu.memory_space<vmem>>, vector<1x1x256xi32>
      %swap3A_1998 = vector.shape_cast %swap3A_1997 : vector<1x1x256xi32> to vector<256xi32>
      %swap3A_1999 = vector.shape_cast %add3A_1993 : vector<256xi32> to vector<1x1x256xi32>
      tpu.vector_store %arg5[%swap3A_1994, %swap3A_1995, %swap3A_1996], %swap3A_1999 {strides = array<i32>} : memref<1x16x256xi32, #tpu.memory_space<vmem>>, vector<1x1x256xi32>,
    } else {
    }
    return
  }
  func.func @transform_0(%arg0: i32, %arg1: i32, %arg2: i32) -> (i32, i32, i32) {
    %c0_i32 = arith.constant 0 : i32
    %c0_i32_0 = arith.constant 0 : i32
    return %arg0, %arg2, %c0_i32 : i32, i32, i32
  }
  func.func @transform_1(%arg0: i32, %arg1: i32, %arg2: i32) -> (i32, i32, i32) {
    %c0_i32 = arith.constant 0 : i32
    %c0_i32_0 = arith.constant 0 : i32
    return %arg0, %c0_i32, %arg1 : i32, i32, i32
  }
  func.func @transform_2(%arg0: i32, %arg1: i32, %arg2: i32) -> (i32, i32, i32) {
    %c0_i32 = arith.constant 0 : i32
    %c0_i32_0 = arith.constant 0 : i32
    return %arg0, %c0_i32, %arg1 : i32, i32, i32
  }
}

module attributes {stable_mosaic.version = 14 : i64} {
  func.func @_mlp_body(%arg0: i32, %arg1: i32, %arg2: memref<1x16x512x128xf32, #tpu.memory_space<vmem>>, %arg3: memref<1x512x128xf32, #tpu.memory_space<vmem>>, %arg4: memref<128x128xf32, #tpu.memory_space<vmem>>, %arg5: memref<1x128xf32, #tpu.memory_space<vmem>>, %arg6: memref<128x128xf32, #tpu.memory_space<vmem>>, %arg7: memref<1x128xf32, #tpu.memory_space<vmem>>, %arg8: memref<1x128xf32, #tpu.memory_space<vmem>>, %arg9: memref<1x512x128xf32, #tpu.memory_space<vmem>>) attributes {dimension_semantics = [#tpu.dimension_semantics<arbitrary>, #tpu.dimension_semantics<arbitrary>], iteration_bounds = array<i64: 1, 8>, scalar_prefetch = 0 : i64, scratch_operands = 0 : i64, tpu.core_type = #tpu.core_type<tc>, window_params = [{transform_indices = @transform_0, window_bounds = array<i64: 1, 16, 512, 128>}, {transform_indices = @transform_1, window_bounds = array<i64: 1, 512, 128>}, {pipeline_mode = #tpu.pipeline_mode<synchronous>, transform_indices = @transform_2, window_bounds = array<i64: 128, 128>}, {pipeline_mode = #tpu.pipeline_mode<synchronous>, transform_indices = @transform_3, window_bounds = array<i64: 1, 128>}, {pipeline_mode = #tpu.pipeline_mode<synchronous>, transform_indices = @transform_4, window_bounds = array<i64: 128, 128>}, {pipeline_mode = #tpu.pipeline_mode<synchronous>, transform_indices = @transform_5, window_bounds = array<i64: 1, 128>}, {pipeline_mode = #tpu.pipeline_mode<synchronous>, transform_indices = @transform_6, window_bounds = array<i64: 1, 128>}, {transform_indices = @transform_7, window_bounds = array<i64: 1, 512, 128>}]} {
    %get3A = arith.constant 0 : index
    %get3A_0 = arith.constant 0 : index
    %get3A_1 = arith.constant 0 : index
    %get3A_2 = arith.constant 0 : index
    %get3A_3 = vector.load %arg2[%get3A, %get3A_0, %get3A_1, %get3A_2] : memref<1x16x512x128xf32, #tpu.memory_space<vmem>>, vector<1x16x512x128xf32>
    %get3A_4 = vector.shape_cast %get3A_3 : vector<1x16x512x128xf32> to vector<16x512x128xf32>
    %get3A_5 = arith.constant 0 : index
    %get3A_6 = arith.constant 0 : index
    %get3A_7 = arith.constant 0 : index
    %get3A_8 = vector.load %arg3[%get3A_5, %get3A_6, %get3A_7] : memref<1x512x128xf32, #tpu.memory_space<vmem>>, vector<1x512x128xf32>
    %get3A_9 = vector.shape_cast %get3A_8 : vector<1x512x128xf32> to vector<512x128xf32>
    %broadcast_in_dim3A = vector.shape_cast %get3A_9 : vector<512x128xf32> to vector<1x512x128xf32>
    %sub3A = vector.broadcast %broadcast_in_dim3A : vector<1x512x128xf32> to vector<16x512x128xf32>
    %sub3A_10 = arith.subf %get3A_4, %sub3A : vector<16x512x128xf32>
    %mul3A = arith.constant 5.000000e-01 : f32
    %mul3A_11 = vector.broadcast %mul3A : f32 to vector<16x512x128xf32>
    %mul3A_12 = arith.mulf %sub3A_10, %mul3A_11 : vector<16x512x128xf32>
    %mul3A_13 = arith.constant 0.707106769 : f32
    %mul3A_14 = vector.broadcast %mul3A_13 : f32 to vector<16x512x128xf32>
    %mul3A_15 = arith.mulf %sub3A_10, %mul3A_14 : vector<16x512x128xf32>
    %erf3A = math.erf %mul3A_15 : vector<16x512x128xf32>
    %add3A = arith.constant 1.000000e+00 : f32
    %add3A_16 = vector.broadcast %add3A : f32 to vector<16x512x128xf32>
    %add3A_17 = arith.addf %add3A_16, %erf3A : vector<16x512x128xf32>
    %mul3A_18 = arith.mulf %mul3A_12, %add3A_17 : vector<16x512x128xf32>
    %reshape3A = vector.shape_cast %mul3A_18 : vector<16x512x128xf32> to vector<8192x128xf32>
    %get3A_19 = arith.constant 0 : index
    %get3A_20 = arith.constant 0 : index
    %get3A_21 = vector.load %arg4[%get3A_19, %get3A_20] : memref<128x128xf32, #tpu.memory_space<vmem>>, vector<128x128xf32>
    %dot_general3A = arith.constant dense<0.000000e+00> : vector<8192x128xf32>
    %dot_general3A_22 = tpu.matmul %reshape3A, %get3A_21, %dot_general3A {dimension_numbers = #tpu.dot_dimension_numbers<[1], [0], [0], [1], [0, 0, 1, 1], [], []>, transpose_lhs_hint = false} : vector<8192x128xf32>, vector<128x128xf32>, vector<8192x128xf32> -> vector<8192x128xf32>
    %get3A_23 = arith.constant 0 : index
    %get3A_24 = arith.constant 0 : index
    %get3A_25 = vector.load %arg5[%get3A_23, %get3A_24] : memref<1x128xf32, #tpu.memory_space<vmem>>, vector<1x128xf32>
    %add3A_26 = vector.broadcast %get3A_25 : vector<1x128xf32> to vector<8192x128xf32>
    %add3A_27 = arith.addf %dot_general3A_22, %add3A_26 : vector<8192x128xf32>
    %mul3A_28 = arith.constant 5.000000e-01 : f32
    %mul3A_29 = vector.broadcast %mul3A_28 : f32 to vector<8192x128xf32>
    %mul3A_30 = arith.mulf %add3A_27, %mul3A_29 : vector<8192x128xf32>
    %mul3A_31 = arith.constant 0.707106769 : f32
    %mul3A_32 = vector.broadcast %mul3A_31 : f32 to vector<8192x128xf32>
    %mul3A_33 = arith.mulf %add3A_27, %mul3A_32 : vector<8192x128xf32>
    %erf3A_34 = math.erf %mul3A_33 : vector<8192x128xf32>
    %add3A_35 = arith.constant 1.000000e+00 : f32
    %add3A_36 = vector.broadcast %add3A_35 : f32 to vector<8192x128xf32>
    %add3A_37 = arith.addf %add3A_36, %erf3A_34 : vector<8192x128xf32>
    %mul3A_38 = arith.mulf %mul3A_30, %add3A_37 : vector<8192x128xf32>
    %reshape3A_39 = vector.shape_cast %mul3A_38 : vector<8192x128xf32> to vector<16x512x128xf32>
    %reduce_sum3A = arith.constant dense<0.000000e+00> : vector<512x128xf32>
    %reduce_sum3A_40 = vector.multi_reduction <add>, %reshape3A_39, %reduce_sum3A [0] : vector<16x512x128xf32> to vector<512x128xf32>
    %div3A = arith.constant 1.600000e+01 : f32
    %div3A_41 = vector.broadcast %div3A : f32 to vector<512x128xf32>
    %div3A_42 = arith.divf %reduce_sum3A_40, %div3A_41 : vector<512x128xf32>
    %get3A_43 = arith.constant 0 : index
    %get3A_44 = arith.constant 0 : index
    %get3A_45 = vector.load %arg6[%get3A_43, %get3A_44] : memref<128x128xf32, #tpu.memory_space<vmem>>, vector<128x128xf32>
    %dot_general3A_46 = arith.constant dense<0.000000e+00> : vector<512x128xf32>
    %dot_general3A_47 = tpu.matmul %div3A_42, %get3A_45, %dot_general3A_46 {dimension_numbers = #tpu.dot_dimension_numbers<[1], [0], [0], [1], [0, 0, 1, 1], [], []>, transpose_lhs_hint = false} : vector<512x128xf32>, vector<128x128xf32>, vector<512x128xf32> -> vector<512x128xf32>
    %get3A_48 = arith.constant 0 : index
    %get3A_49 = arith.constant 0 : index
    %get3A_50 = vector.load %arg7[%get3A_48, %get3A_49] : memref<1x128xf32, #tpu.memory_space<vmem>>, vector<1x128xf32>
    %add3A_51 = vector.broadcast %get3A_50 : vector<1x128xf32> to vector<512x128xf32>
    %add3A_52 = arith.addf %dot_general3A_47, %add3A_51 : vector<512x128xf32>
    %get3A_53 = arith.constant 0 : index
    %get3A_54 = arith.constant 0 : index
    %get3A_55 = vector.load %arg8[%get3A_53, %get3A_54] : memref<1x128xf32, #tpu.memory_space<vmem>>, vector<1x128xf32>
    %add3A_56 = vector.broadcast %get3A_55 : vector<1x128xf32> to vector<512x128xf32>
    %add3A_57 = arith.addf %add3A_52, %add3A_56 : vector<512x128xf32>
    %swap3A = arith.constant 0 : index
    %swap3A_58 = arith.constant 0 : index
    %swap3A_59 = arith.constant 0 : index
    %swap3A_60 = vector.load %arg9[%swap3A, %swap3A_58, %swap3A_59] : memref<1x512x128xf32, #tpu.memory_space<vmem>>, vector<1x512x128xf32>
    %swap3A_61 = vector.shape_cast %swap3A_60 : vector<1x512x128xf32> to vector<512x128xf32>
    %swap3A_62 = vector.shape_cast %add3A_57 : vector<512x128xf32> to vector<1x512x128xf32>
    tpu.vector_store %arg9[%swap3A, %swap3A_58, %swap3A_59], %swap3A_62 {strides = array<i32>} : memref<1x512x128xf32, #tpu.memory_space<vmem>>, vector<1x512x128xf32>,
    return
  }
  func.func @transform_0(%arg0: i32, %arg1: i32) -> (i32, i32, i32, i32) {
    %c0_i32 = arith.constant 0 : i32
    %c0_i32_0 = arith.constant 0 : i32
    %c0_i32_1 = arith.constant 0 : i32
    return %arg0, %c0_i32, %arg1, %c0_i32_0 : i32, i32, i32, i32
  }
  func.func @transform_1(%arg0: i32, %arg1: i32) -> (i32, i32, i32) {
    %c0_i32 = arith.constant 0 : i32
    %c0_i32_0 = arith.constant 0 : i32
    return %arg0, %arg1, %c0_i32 : i32, i32, i32
  }
  func.func @transform_2(%arg0: i32, %arg1: i32) -> (i32, i32) {
    %c0_i32 = arith.constant 0 : i32
    %c0_i32_0 = arith.constant 0 : i32
    %c0_i32_1 = arith.constant 0 : i32
    return %c0_i32, %c0_i32_0 : i32, i32
  }
  func.func @transform_3(%arg0: i32, %arg1: i32) -> (i32, i32) {
    %c0_i32 = arith.constant 0 : i32
    %c0_i32_0 = arith.constant 0 : i32
    %c0_i32_1 = arith.constant 0 : i32
    return %c0_i32, %c0_i32_0 : i32, i32
  }
  func.func @transform_4(%arg0: i32, %arg1: i32) -> (i32, i32) {
    %c0_i32 = arith.constant 0 : i32
    %c0_i32_0 = arith.constant 0 : i32
    %c0_i32_1 = arith.constant 0 : i32
    return %c0_i32, %c0_i32_0 : i32, i32
  }
  func.func @transform_5(%arg0: i32, %arg1: i32) -> (i32, i32) {
    %c0_i32 = arith.constant 0 : i32
    %c0_i32_0 = arith.constant 0 : i32
    %c0_i32_1 = arith.constant 0 : i32
    return %c0_i32, %c0_i32_0 : i32, i32
  }
  func.func @transform_6(%arg0: i32, %arg1: i32) -> (i32, i32) {
    %c0_i32 = arith.constant 0 : i32
    %c0_i32_0 = arith.constant 0 : i32
    %c0_i32_1 = arith.constant 0 : i32
    return %c0_i32, %c0_i32_0 : i32, i32
  }
  func.func @transform_7(%arg0: i32, %arg1: i32) -> (i32, i32, i32) {
    %c0_i32 = arith.constant 0 : i32
    %c0_i32_0 = arith.constant 0 : i32
    return %arg0, %arg1, %c0_i32 : i32, i32, i32
  }
}

</mosaic_0001>

<sc_bundles>
// kernel: kernel.15.cloned.1.call-start
scs
__scs_entry_jumppad:
0x0: {  	(pc) =	sbr.rel $0x88, $3  }
0x1: {  	(tag) =	ssettag $0x0;
	lr =	simm.s32 $0x1  }
0x2: {  	[smem:$0x3F98] =	sst lr;
	_ =	strace $0xD0000000  }
0x3: {  	_ = 	snop  }
0x4: {  	_ = 	snop  }
0x5: {  	_ = 	snop  }
0x6: {  	_ = 	snop  }
0x7: {  	_ = 	snop  }
__scs_overlays_trampoline_lowered:
0x8: {  	[smem:$0x3FA7] =	sst s0  }
0x9: {  	[smem:$0x3FA8] =	sst s1  }
0xa: {  	[smem:$0x3FA9] =	sst s2  }
0xb: {  	[smem:$0x3FAA] =	sst s3  }
0xc: {  	[smem:$0x3FAB] =	sst s4  }
0xd: {  	[smem:$0x3FAC] =	sst s5  }
0xe: {  	[smem:$0x3FAD] =	sst s6  }
0xf: {  	[smem:$0x3FAE] =	sst s7  }
0x10: {  	[smem:$0x3FAF] =	sst s8  }
0x11: {  	[smem:$0x3FB0] =	sst s9;
	s0 =	simm.s32 @!p0 $0x0  }
0x12: {  	s1 =	sld [smem:$0x3F96];
	s0 =	simm.s32 @p0 $0x1  }
0x13: {  	[smem:$0x3FB1] =	sst s0;
	s0 =	simm.s32 @!p1 $0x0  }
0x14: {  	s2 =	sld [smem:$0x3F95];
	s0 =	simm.s32 @p1 $0x1  }
0x15: {  	[smem:$0x3FB2] =	sst s0;
	s0 =	simm.s32 @!p2 $0x0  }
0x16: {  	s3 =	sld [smem:$0x3FDB];
	s0 =	simm.s32 @p2 $0x1  }
0x17: {  	s4 =	simm.s32 $0x1BF5;
	[smem:$0x3FB4] =	sst s0  }
0x18: {  	s0 =	sld [smem:$0x3F97];
	_ =	swait.ge [sflag:s4], $0x0  }
0x19: {  	s7 =	sld [smem:$0x3F98]  }
0x1a: {  	s8 =	sadd.s32 $0xFFFFE003, lr  }
0x1b: {  	s9 =	sadd.s32 $0xFFFFFEF7, lr;
	s5 =	simm.s32 $0xFFFFFFFF;
	p2 =	slt.u32 s8, $0xFFFFF086  }
0x1c: {  	p1 =	slt.u32 s9, $0xF7A;
	s5 =	simm.s32 @!p2 $0x0  }
0x1d: {  	s5 =	simm.s32 @p1 $0x1;
	p0 =	seq.s32 s7, s2  }
0x1e: {  	s7 =	smul.u32 @!p0 $0xF7A, s2;
	p2 =	seq.s32 @!p0 s5, $0x0  }
0x1f: {  	s9 =	smul.u32 $0xF7A, s1;
	s8 =	simm.s32 @!p0 $0x1BF5;
	p2 =	por !p2, p0  }
0x20: {  	[sflag:s8] =	ssyncset.s32 @!p0 $0xFFFFF086;
	s6 =	sadd.s32 @!p0 s3, s7;
	s7 =	simm.s32 @!p0 $0x108  }
0x21: {  	s3 =	sadd.s32 s3, s9;
	s6 =	sadd.s32 @!p0 $0x88, s6;
	s7 =	simm.s32 @p2 $0x1082  }
0x22: {  	[simem:s7], [sflag:s8] =	dma.local @!p0 [hbm:s6], $0xF7A  }
0x23: {  	s9 =	sor.u32 $0xD0000000, s2;
	s6 =	simm.s32 $0x108;
	_ =	swait.ge @!p0 [sflag:s8], $0x0  }
0x24: {  	s3 =	sadd.s32 $0x88, s3;
	s6 =	simm.s32 @!p1 $0x1082;
	[sflag:s4] =	ssyncset.s32 $0xFFFFF086  }
0x25: {  	[simem:s6], [sflag:s4] =	dma.local [hbm:s3], $0xF7A  }
0x26: {  	[smem:$0x3F98] =	sst s1;
	(tag) =	ssettag s2;
	_ =	strace s9  }
0x27: {  	s1 =	sld [smem:$0x3FA8]  }
0x28: {  	s2 =	sld [smem:$0x3FA9]  }
0x29: {  	s4 =	sld [smem:$0x3FAB]  }
0x2a: {  	p0 =	seq.s32 s5, $0x0;
	s5 =	sld [smem:$0x3FAC]  }
0x2b: {  	s6 =	sld [smem:$0x3FAD]  }
0x2c: {  	s7 =	sld [smem:$0x3FAE]  }
0x2d: {  	s3 =	simm.s32 $0x108;
	s8 =	sld [smem:$0x3FAF]  }
0x2e: {  	s3 =	simm.s32 @!p0 $0x1082;
	s9 =	sld [smem:$0x3FB0]  }
0x2f: {  	lr =	sadd.s32 s0, s3;
	s0 =	sld [smem:$0x3FA7]  }
0x30: {  	s3 =	sld [smem:$0x3FAA]  }
0x31: {  	[smem:$0x3FB3] =	sst s10  }
0x32: {  	s10 =	sld [smem:$0x3FB1];
	_ =	sdelay $0x3  }
0x33: {  	p0 =	seq.s32 s10, $0x1;
	s10 =	sld [smem:$0x3FB3];
	_ =	sdelay $0x3  }
0x34: {  	[smem:$0x3FB3] =	sst s10  }
0x35: {  	s10 =	sld [smem:$0x3FB2];
	_ =	sdelay $0x3  }
0x36: {  	p1 =	seq.s32 s10, $0x1;
	s10 =	sld [smem:$0x3FB3];
	_ =	sdelay $0x3  }
0x37: {  	[smem:$0x3FB3] =	sst s10  }
0x38: {  	s10 =	sld [smem:$0x3FB4]  }
0x39: {  	_ = 	snop;
	(pc) =	sbr.ind lr, $3  }
0x3a: {  	_ = 	snop  }
0x3b: {  	_ = 	snop  }
0x3c: {  	p2 =	seq.s32 s10, $0x1;
	s10 =	sld [smem:$0x3FB3]  }
0x3d: {  	_ =	shalt  }
0x3e: {  	_ =	shalt  }
0x3f: {  	_ =	shalt  }
0x40: {  	_ =	shalt  }
0x41: {  	_ =	shalt  }
0x42: {  	_ =	shalt  }
0x43: {  	_ =	shalt  }
0x44: {  	_ =	shalt  }
0x45: {  	_ =	shalt  }
0x46: {  	_ =	shalt  }
0x47: {  	_ =	shalt  }
0x48: {  	_ =	shalt  }
0x49: {  	_ =	shalt  }
0x4a: {  	_ =	shalt  }
0x4b: {  	_ =	shalt  }
0x4c: {  	_ =	shalt  }
0x4d: {  	_ =	shalt  }
0x4e: {  	_ =	shalt  }
0x4f: {  	_ =	shalt  }
0x50: {  	_ =	shalt  }
0x51: {  	_ =	shalt  }
0x52: {  	_ =	shalt  }
0x53: {  	_ =	shalt  }
0x54: {  	_ =	shalt  }
0x55: {  	_ =	shalt  }
0x56: {  	_ =	shalt  }
0x57: {  	_ =	shalt  }
0x58: {  	_ =	shalt  }
0x59: {  	_ =	shalt  }
0x5a: {  	_ =	shalt  }
0x5b: {  	_ =	shalt  }
0x5c: {  	_ =	shalt  }
0x5d: {  	_ =	shalt  }
0x5e: {  	_ =	shalt  }
0x5f: {  	_ =	shalt  }
0x60: {  	_ =	shalt  }
0x61: {  	_ =	shalt  }
0x62: {  	_ =	shalt  }
0x63: {  	_ =	shalt  }
0x64: {  	_ =	shalt  }
0x65: {  	_ =	shalt  }
0x66: {  	_ =	shalt  }
0x67: {  	_ =	shalt  }
0x68: {  	_ =	shalt  }
0x69: {  	_ =	shalt  }
0x6a: {  	_ =	shalt  }
0x6b: {  	_ =	shalt  }
0x6c: {  	_ =	shalt  }
0x6d: {  	_ =	shalt  }
0x6e: {  	_ =	shalt  }
0x6f: {  	_ =	shalt  }
0x70: {  	_ =	shalt  }
0x71: {  	_ =	shalt  }
0x72: {  	_ =	shalt  }
0x73: {  	_ =	shalt  }
0x74: {  	_ =	shalt  }
0x75: {  	_ =	shalt  }
0x76: {  	_ =	shalt  }
0x77: {  	_ =	shalt  }
0x78: {  	_ =	shalt  }
0x79: {  	_ =	shalt  }
0x7a: {  	_ =	shalt  }
0x7b: {  	_ =	shalt  }
0x7c: {  	_ =	shalt  }
0x7d: {  	_ =	shalt  }
0x7e: {  	_ =	shalt  }
0x7f: {  	_ =	shalt  }
0x80: {  	_ =	shalt  }
0x81: {  	_ =	shalt  }
0x82: {  	_ =	shalt  }
0x83: {  	_ =	shalt  }
0x84: {  	_ =	shalt  }
0x85: {  	_ =	shalt  }
0x86: {  	_ =	shalt  }
0x87: {  	_ =	shalt  }
.Lfunc_end0:
.L_simem_size_0:
called_computation_lowered:
.L_overlay_start_0:
0x88: {  	s2 =	sld [smem:$0x3FD9]  }
0x89: {  	s3 =	sld [smem:$0x3FFE];
	_ =	sdelay $0x1  }
0x8a: {  	s1 =	srdreg.scid  }
0x8b: {  	s0 =	sand.u32 $0x1, s1  }
0x8c: {  	s16 =	sshll.u32 s0, $0xA;
	s2 =	sadd.s32 s3, s2  }
0x8d: {  	s2 =	sadd.s32 s2, s16  }
0x8e: {  	[smem:$0x3FBF] =	sst s2  }
0x8f: {  	_ = 	snop  }
0x90: {  	(tm) =	ssettm $0x1  }
0x91: {  	s17 =	sld [smem:$0x3FFB];
	_ =	sdelay $0x3  }
0x92: {  	_ =	strace s17  }
0x93: {  	s2 =	sld [smem:$0x3FFC];
	_ =	sdelay $0x3  }
0x94: {  	_ =	strace s2  }
0x95: {  	s2 =	sld [smem:$0x3FFD];
	_ =	sdelay $0x3  }
0x96: {  	_ =	strace s2  }
0x97: {  	_ =	strace $0x8FFFFFFF  }
0x98: {  	s18 =	sld [smem:$0x3FDB];
	_ =	sdelay $0x1  }
0x99: {  	s19 =	simm.s32 $_scs_section_size  }
0x9a: {  	s4 =	simm.s32 $_size__tile_overlayer_lowered;
	s5 =	simm.s32 $_tile_overlayer_lowered  }
0x9b: {  	s22 =	simm.s32 $0x1BFF;
	s21 =	sshll.u32 s5, $0x1;
	s2 =	sadd.s32 s19, s18  }
0x9c: {  	s6 =	simm.s32 $0x0;
	s20 =	sshll.u32 s4, $0x1;
	s4 =	sadd.s32 s21, s2  }
0x9d: {  	[timem:s6], [sflag:s22] =	dma.local [hbm:s4], s20  }
0x9e: {  	_ =	swait.ge [sflag:s22], s20  }
0x9f: {  	s3 =	ssub.s32 $0x0, s20;
	[sflag:s22] =	ssyncset.done $0x0  }
0xa0: {  	[sflag:s22] =	ssyncadd.s32 s3;
	_ =	sdelay $0x1  }
0xa1: {  	s23 =	simm.s32 $0x1B8B  }
0xa2: {  	_ =	swait.ge [sflag:s23], $0x1  }
0xa3: {  	[sflag:s23] =	ssyncset.done $0x0  }
0xa4: {  	s25 =	simm.s32 $0x1B8E;
	s24 =	sld [smem:$0x3FFE];
	[sflag:s23] =	ssyncadd.s32 $0xFFFFFFFF  }
0xa5: {  	s26 =	simm.s32 $execute0_lowered;
	[smem:$0x3FD2] =	sst s25  }
0xa6: {  	s4 =	sshll.u32 s26, $0x1;
	_ =	strace $0x80000046;
	[dreg:$0x1] =	wrdreg $0xFFFFFFFF  }
0xa7: {  	s28 =	simm.s32 $_size_execute0_lowered;
	s2 =	sadd.s32 s2, s4;
	[dreg:$0x0] =	wrdreg $0x0  }
0xa8: {  	s4 =	sshll.u32 s28, $0x1;
	[dreg:$0x2] =	wrdreg s2  }
0xa9: {  	[dreg:$0x3] =	wrdreg s4  }
0xaa: {  	[dreg:$0x4] =	wrdreg $0xC0  }
0xab: {  	_ =	task [dreg:s6], $0x5FFFF  }
0xac: {  	[dreg:$0x1] =	wrdreg $0xFFFFFFFF  }
0xad: {  	[dreg:$0x0] =	wrdreg $0x60  }
0xae: {  	[dreg:$0x2] =	wrdreg s24  }
0xaf: {  	[dreg:$0x3] =	wrdreg $0x9  }
0xb0: {  	_ =	task.clear_ibuf [dreg:s6], $0x4FFFF;
	_ =	strace $0x90000046  }
0xb1: {  	s29 =	simm.s32 $0x9;
	_ =	strace $0x80000048  }
0xb2: {  	_ =	swait.ge [sflag:s29], $0x1  }
0xb3: {  	[sflag:s29] =	ssyncadd.s32 $0xFFFFFFFF  }
0xb4: {  	_ =	strace $0x90000048  }
0xb5: {  	_ =	sfence  }
0xb6: {  	s30 =	sld [smem:$0x0];
	_ =	sdelay $0x2  }
0xb7: {  	s31 =	sshll.u32 s1, $0xD;
	s1 =	sshrl.u32 s1, $0x2  }
0xb8: {  	s3 =	sand.u32 $0x4000, s31;
	s1 =	sadd.s32 s1, s30  }
0xb9: {  	s0 =	sor.u32 s3, s0;
	s1 =	sshll.u32 s1, $0x11  }
0xba: {  	s0 =	sor.u32 s1, s0  }
0xbb: {  	s0 =	sadd.s32 $0x8F2B, s0  }
0xbc: {  	[sflag:s0] =	ssyncadd.remote.s32 $0x1  }
0xbd: {  	_ =	sfence.sel $0xFFFF  }
0xbe: {  	[dreg:$0x0] =	wrdreg $0xFFFFFFFF;
	(pc) =	sbr.abs _section_cstart, $3  }
0xbf: {  	[dreg:$0x1] =	wrdreg $0xFFFFFFFF  }
0xc0: {  	_ =	task.clear_ibuf [dreg:s6], $0x2FFFF;
	_ =	strace $0x9FFFFFFF  }
0xc1: {  	(tm) =	ssettm $0x7FFFFFFF  }
tec
execute0_lowered:
.L_overlay_start_1:
0x0: {  	(tag) =	ssettag $0x1  }
0x1: {  	s4 =	rddreg [dreg:$0x0];
	s1 =	simm.s32 $0x0  }
0x2: {  	s5 =	srdreg.scid;
	s0 =	stileid.u32;
	s11 =	simm.s32 $0x200  }
0x3: {  	s12 =	simm.s32 $0x4200;
	s13 =	simm.s32 $0x100;
	s14 =	simm.s32 $0x8200  }
0x4: {  	s15 =	simm.s32 $0x180;
	s16 =	simm.s32 $0xC200;
	s17 =	simm.s32 $0x1  }
0x5: {  	s18 =	simm.s32 $0x2;
	s19 =	simm.s32 $0x3;
	s20 =	simm.s32 $0x4  }
0x6: {  	s21 =	simm.s32 $0x5;
	s22 =	simm.s32 $0x6;
	s23 =	simm.s32 $0x7  }
0x7: {  	s24 =	simm.s32 $0x8;
	s25 =	simm.s32 $0x0;
	[smem:$0x7FF] =	sst s1  }
0x8: {  	s3 =	sadd.s32 $0x5400, s4;
	s5 =	sand.u32 $0x1, s5;
	s8 =	sadd.s32 $0x3400, s4  }
0x9: {  	s6 =	sshll.u32 s0, $0x10;
	s10 =	sshll.u32 s0, $0xC;
	_ =	strace $0x80000047  }
0xa: {  	s7 =	ssub.s32 $0x2, s5;
	s4 =	sadd.s32 s6, s4;
	s9 =	sshll.u32 s5, $0xF  }
0xb: {  	s5 =	sshll.u32 s5, $0xB;
	s26 =	sshrl.u32 s7, $0x1;
	s4 =	sadd.s32 s9, s4  }
0xc: {  	s29 =	sor.u32 s5, s10;
	s10 =	simm.s32 $0x80;
	s6 =	ssub.s32 s7, s26  }
0xd: {  	s28 =	sadd.s32 $0x45400, s4;
	s5 =	sor.u32 $0x180, s29;
	s30 =	sor.u32 $0x100, s29  }
0xe: {  	s31 =	sor.u32 $0x80, s29;
	s9 =	sshrl.u32 s29, $0x3;
	s4 =	smax.u32 s6, $0x1  }
0xf: {  	[dreg:$0x2] =	wrdreg s28;
	s5 =	sshrl.u32 s5, $0x3;
	s6 =	sshrl.u32 s30, $0x3  }
0x10: {  	s7 =	sshrl.u32 s31, $0x3;
	s5 =	sadd.s32 s5, s8;
	s6 =	sadd.s32 s6, s8  }
0x11: {  	s7 =	sadd.s32 s7, s8;
	s8 =	sadd.s32 s9, s8;
	s9 =	simm.s32 $0x9  }
.LBB2_1:
0x12: {  	[tilespmem:s1], [sflag:$0x9] =	stream.linear.gather [hbm4b:s8+s1], $0x80, $0x38;
	[tilespmem:$0x10200] =	vst v63  }
0x13: {  	_ =	swait.ge [sflag:s9], $0x80  }
0x14: {  	[sflag:s9] =	ssyncset.done $0x0  }
0x15: {  	[sflag:s9] =	ssyncadd.s32 $0xFFFFFF80  }
0x16: {  	[tilespmem:s11], [sflag:$0x1] =	stream.indirect.gather [hbm4b:s3+s10], $0x80, s1, s10, $0xb8;
	[tilespmem:$0x10200] =	vst v63  }
0x17: {  	_ = 	snop  }
0x18: {  	[tilespmem:s10], [sflag:$0x9] =	stream.linear.gather [hbm4b:s7+s1], $0x80, $0x38;
	[tilespmem:$0x10200] =	vst v63  }
0x19: {  	_ =	swait.ge [sflag:s9], $0x80  }
0x1a: {  	[sflag:s9] =	ssyncset.done $0x0  }
0x1b: {  	[sflag:s9] =	ssyncadd.s32 $0xFFFFFF80  }
0x1c: {  	[tilespmem:s12], [sflag:$0x2] =	stream.indirect.gather [hbm4b:s3+s10], $0x80, s10, s10, $0xb8;
	[tilespmem:$0x10200] =	vst v63  }
0x1d: {  	_ = 	snop  }
0x1e: {  	[tilespmem:s13], [sflag:$0x9] =	stream.linear.gather [hbm4b:s6+s1], $0x80, $0x38;
	[tilespmem:$0x10200] =	vst v63  }
0x1f: {  	_ =	swait.ge [sflag:s9], $0x80  }
0x20: {  	[sflag:s9] =	ssyncset.done $0x0  }
0x21: {  	[sflag:s9] =	ssyncadd.s32 $0xFFFFFF80  }
0x22: {  	[tilespmem:s14], [sflag:$0x3] =	stream.indirect.gather [hbm4b:s3+s10], $0x80, s13, s10, $0xb8;
	[tilespmem:$0x10200] =	vst v63  }
0x23: {  	_ = 	snop  }
0x24: {  	[tilespmem:s15], [sflag:$0x9] =	stream.linear.gather [hbm4b:s5+s1], $0x80, $0x38;
	[tilespmem:$0x10200] =	vst v63  }
0x25: {  	_ =	swait.ge [sflag:s9], $0x80  }
0x26: {  	[sflag:s9] =	ssyncset.done $0x0  }
0x27: {  	[sflag:s9] =	ssyncadd.s32 $0xFFFFFF80  }
0x28: {  	[tilespmem:s16], [sflag:$0x4] =	stream.indirect.gather [hbm4b:s3+s10], $0x80, s15, s10, $0xb8;
	[tilespmem:$0x10200] =	vst v63  }
0x29: {  	_ =	swait.ge [sflag:s17], $0x4000  }
0x2a: {  	s26 =	rddreg [dreg:$0x2];
	[sflag:s17] =	ssyncset.done $0x0  }
0x2b: {  	[sflag:s17] =	ssyncadd.s32 $0xFFFFC000;
	s26 =	sadd.s32 $0x0, s26  }
0x2c: {  	[hbm4b:s26+s1] =	stream.linear.scatter [tilespmem:s11], [sflag:$0x5], $0x4000, $0x38;
	[tilespmem:$0x10200] =	vst v63  }
0x2d: {  	_ =	swait.ge [sflag:s18], $0x4000  }
0x2e: {  	[sflag:s18] =	ssyncset.done $0x0  }
0x2f: {  	s28 =	sadd.s32 $0x800, s26;
	[sflag:s18] =	ssyncadd.s32 $0xFFFFC000  }
0x30: {  	[hbm4b:s28+s1] =	stream.linear.scatter [tilespmem:s12], [sflag:$0x6], $0x4000, $0x38;
	[tilespmem:$0x10200] =	vst v63  }
0x31: {  	_ =	swait.ge [sflag:s19], $0x4000  }
0x32: {  	[sflag:s19] =	ssyncset.done $0x0  }
0x33: {  	s28 =	sadd.s32 $0x1000, s26;
	[sflag:s19] =	ssyncadd.s32 $0xFFFFC000  }
0x34: {  	[hbm4b:s28+s1] =	stream.linear.scatter [tilespmem:s14], [sflag:$0x7], $0x4000, $0x38;
	[tilespmem:$0x10200] =	vst v63  }
0x35: {  	_ =	swait.ge [sflag:s20], $0x4000  }
0x36: {  	[sflag:s20] =	ssyncset.done $0x0  }
0x37: {  	s26 =	sadd.s32 $0x1800, s26;
	[sflag:s20] =	ssyncadd.s32 $0xFFFFC000  }
0x38: {  	[hbm4b:s26+s1] =	stream.linear.scatter [tilespmem:s16], [sflag:$0x8], $0x4000, $0x38;
	[tilespmem:$0x10200] =	vst v63  }
0x39: {  	_ =	swait.ge [sflag:s21], $0x4000  }
0x3a: {  	[sflag:s21] =	ssyncset.done $0x0  }
0x3b: {  	[sflag:s21] =	ssyncadd.s32 $0xFFFFC000  }
0x3c: {  	_ =	swait.ge [sflag:s22], $0x4000  }
0x3d: {  	[sflag:s22] =	ssyncset.done $0x0  }
0x3e: {  	[sflag:s22] =	ssyncadd.s32 $0xFFFFC000  }
0x3f: {  	_ =	swait.ge [sflag:s23], $0x4000  }
0x40: {  	[sflag:s23] =	ssyncset.done $0x0  }
0x41: {  	s29 =	sadd.s32 $0x40, s8;
	[sflag:s23] =	ssyncadd.s32 $0xFFFFC000  }
0x42: {  	s30 =	smov.u32 s5;
	s31 =	smov.u32 s6;
	_ =	swait.ge [sflag:s24], $0x4000  }
0x43: {  	s28 =	sadd.s32 $0x40, s7;
	s26 =	simm.s32 $0x2000;
	[sflag:s24] =	ssyncset.done $0x0  }
.LBB2_2:
0x44: {  	[sflag:s24] =	ssyncadd.s32 $0xFFFFC000  }
0x45: {  	[tilespmem:s1], [sflag:$0x9] =	stream.linear.gather [hbm4b:s29+s1], $0x80, $0x38;
	[tilespmem:$0x10200] =	vst v63  }
0x46: {  	_ =	swait.ge [sflag:s9], $0x80  }
0x47: {  	[sflag:s9] =	ssyncset.done $0x0  }
0x48: {  	[sflag:s9] =	ssyncadd.s32 $0xFFFFFF80  }
0x49: {  	[tilespmem:s11], [sflag:$0x1] =	stream.indirect.gather [hbm4b:s3+s10], $0x80, s1, s10, $0xb8;
	[tilespmem:$0x10200] =	vst v63  }
0x4a: {  	_ = 	snop  }
0x4b: {  	[tilespmem:s10], [sflag:$0x9] =	stream.linear.gather [hbm4b:s28+s1], $0x80, $0x38;
	[tilespmem:$0x10200] =	vst v63  }
0x4c: {  	_ =	swait.ge [sflag:s9], $0x80  }
0x4d: {  	[sflag:s9] =	ssyncset.done $0x0  }
0x4e: {  	[sflag:s9] =	ssyncadd.s32 $0xFFFFFF80  }
0x4f: {  	[tilespmem:s12], [sflag:$0x2] =	stream.indirect.gather [hbm4b:s3+s10], $0x80, s10, s10, $0xb8;
	[tilespmem:$0x10200] =	vst v63  }
0x50: {  	s31 =	sadd.s32 $0x40, s31  }
0x51: {  	[tilespmem:s13], [sflag:$0x9] =	stream.linear.gather [hbm4b:s31+s1], $0x80, $0x38;
	[tilespmem:$0x10200] =	vst v63  }
0x52: {  	_ =	swait.ge [sflag:s9], $0x80  }
0x53: {  	[sflag:s9] =	ssyncset.done $0x0  }
0x54: {  	[sflag:s9] =	ssyncadd.s32 $0xFFFFFF80  }
0x55: {  	[tilespmem:s14], [sflag:$0x3] =	stream.indirect.gather [hbm4b:s3+s10], $0x80, s13, s10, $0xb8;
	[tilespmem:$0x10200] =	vst v63  }
0x56: {  	s30 =	sadd.s32 $0x40, s30  }
0x57: {  	[tilespmem:s15], [sflag:$0x9] =	stream.linear.gather [hbm4b:s30+s1], $0x80, $0x38;
	[tilespmem:$0x10200] =	vst v63  }
0x58: {  	_ =	swait.ge [sflag:s9], $0x80  }
0x59: {  	[sflag:s9] =	ssyncset.done $0x0  }
0x5a: {  	[sflag:s9] =	ssyncadd.s32 $0xFFFFFF80  }
0x5b: {  	[tilespmem:s16], [sflag:$0x4] =	stream.indirect.gather [hbm4b:s3+s10], $0x80, s15, s10, $0xb8;
	[tilespmem:$0x10200] =	vst v63  }
0x5c: {  	_ =	swait.ge [sflag:s17], $0x4000  }
0x5d: {  	s0 =	smov.u32 s26;
	s2 =	rddreg [dreg:$0x2];
	[sflag:s17] =	ssyncset.done $0x0  }
0x5e: {  	[sflag:s17] =	ssyncadd.s32 $0xFFFFC000;
	s0 =	sadd.s32 s0, s2  }
0x5f: {  	[hbm4b:s0+s1] =	stream.linear.scatter [tilespmem:s11], [sflag:$0x5], $0x4000, $0x38;
	[tilespmem:$0x10200] =	vst v63  }
0x60: {  	_ =	swait.ge [sflag:s18], $0x4000  }
0x61: {  	[sflag:s18] =	ssyncset.done $0x0  }
0x62: {  	s2 =	sadd.s32 $0x800, s0;
	[sflag:s18] =	ssyncadd.s32 $0xFFFFC000  }
0x63: {  	[hbm4b:s2+s1] =	stream.linear.scatter [tilespmem:s12], [sflag:$0x6], $0x4000, $0x38;
	[tilespmem:$0x10200] =	vst v63  }
0x64: {  	_ =	swait.ge [sflag:s19], $0x4000  }
0x65: {  	[sflag:s19] =	ssyncset.done $0x0  }
0x66: {  	s2 =	sadd.s32 $0x1000, s0;
	[sflag:s19] =	ssyncadd.s32 $0xFFFFC000  }
0x67: {  	[hbm4b:s2+s1] =	stream.linear.scatter [tilespmem:s14], [sflag:$0x7], $0x4000, $0x38;
	[tilespmem:$0x10200] =	vst v63  }
0x68: {  	_ =	swait.ge [sflag:s20], $0x4000  }
0x69: {  	[sflag:s20] =	ssyncset.done $0x0  }
0x6a: {  	s0 =	sadd.s32 $0x1800, s0;
	[sflag:s20] =	ssyncadd.s32 $0xFFFFC000  }
0x6b: {  	[hbm4b:s0+s1] =	stream.linear.scatter [tilespmem:s16], [sflag:$0x8], $0x4000, $0x38;
	[tilespmem:$0x10200] =	vst v63  }
0x6c: {  	_ =	swait.ge [sflag:s21], $0x4000  }
0x6d: {  	[sflag:s21] =	ssyncset.done $0x0  }
0x6e: {  	[sflag:s21] =	ssyncadd.s32 $0xFFFFC000  }
0x6f: {  	_ =	swait.ge [sflag:s22], $0x4000  }
0x70: {  	[sflag:s22] =	ssyncset.done $0x0  }
0x71: {  	p0 =	sne.s32 s26, $0x6000;
	[sflag:s22] =	ssyncadd.s32 $0xFFFFC000  }
.Ltmp0:
0x72: {  	_ =	swait.ge [sflag:s23], $0x4000;
	(pc) =	sbr.rel @p0 .LBB2_2-.Ltmp0, $4  }
0x73: {  	[sflag:s23] =	ssyncset.done $0x0  }
0x74: {  	[sflag:s23] =	ssyncadd.s32 $0xFFFFC000  }
0x75: {  	s26 =	sadd.s32 $0x2000, s26;
	_ =	swait.ge [sflag:s24], $0x4000  }
0x76: {  	s29 =	sadd.s32 $0x40, s29;
	s28 =	sadd.s32 $0x40, s28;
	[sflag:s24] =	ssyncset.done $0x0  }
0x77: {  	s25 =	sadd.s32 $0x1, s25  }
0x78: {  	p0 =	sne.s32 s25, s4  }
.Ltmp1:
0x79: {  	_ = 	snop;
	(pc) =	sbr.rel @p0 .LBB2_1-.Ltmp1, $2  }
0x7a: {  	_ =	sdelay $0x2  }
0x7b: {  	[sflag:s24] =	ssyncadd.s32 $0xFFFFC000  }
0x7c: {  	_ =	sfence.sel $0x180000  }
0x7d: {  	[bflag:$0x0] =	sbarrier.arrive $0xFFFF  }
0x7e: {  	_ =	strace $0x90000047  }
0x7f: {  	s0 =	stileid.u32;
	[bflag:$0x2] =	sbarrier.arrive $0xFFFF  }
0x80: {  	p0 =	sne.s32 s0, $0x0;
	s0 =	rddreg [dreg:$0x1]  }
0x81: {  	s0 =	sadd.s32 @!p0 $0x100000, s0  }
0x82: {  	[sflag:s0] =	ssyncadd.tile.s32 @!p0 $0x1;
	_ =	shalt  }
.Lfunc_end2:
_tile_overlayer_lowered:
.L_overlay_start_2:
0x83: {  	(tag) =	ssettag $0x2  }
0x84: {  	s0 =	rddreg [dreg:$0x0];
	s2 =	stileid.u32  }
0x85: {  	s1 =	rddreg [dreg:$0x1];
	p0 =	sne.s32 s2, $0x0  }
0x86: {  	s3 =	rddreg [dreg:$0x2];
	[bflag:$0x3] =	sbarrier.arrive $0xFFFF;
	s2 =	simm.s32 @!p0 $0x1C09  }
0x87: {  	[timem:s3], [sflag:s2] =	dma.local @!p0 [hbm:s0], s1  }
0x88: {  	s0 =	simm.s32 @!p0 $0x9  }
0x89: {  	_ =	swait.ge @!p0 [sflag:s0], s1  }
0x8a: {  	s1 =	ssub.s32 @!p0 $0x0, s1;
	[sflag:s0] =	ssyncset.done @!p0 $0x0  }
0x8b: {  	[sflag:s0] =	ssyncadd.s32 @!p0 s1  }
0x8c: {  	[bflag:$0x3] =	sbarrier.arrive $0xFFFF  }
0x8d: {  	_ =	shalt  }

// kernel: kernel.18.cloned.1.call-start
scs
__scs_entry_jumppad:
0x0: {  	(pc) =	sbr.rel $0x88, $3  }
0x1: {  	(tag) =	ssettag $0x0;
	lr =	simm.s32 $0x1  }
0x2: {  	[smem:$0x3F98] =	sst lr;
	_ =	strace $0xD0000000  }
0x3: {  	_ = 	snop  }
0x4: {  	_ = 	snop  }
0x5: {  	_ = 	snop  }
0x6: {  	_ = 	snop  }
0x7: {  	_ = 	snop  }
__scs_overlays_trampoline_lowered:
0x8: {  	[smem:$0x3FA7] =	sst s0  }
0x9: {  	[smem:$0x3FA8] =	sst s1  }
0xa: {  	[smem:$0x3FA9] =	sst s2  }
0xb: {  	[smem:$0x3FAA] =	sst s3  }
0xc: {  	[smem:$0x3FAB] =	sst s4  }
0xd: {  	[smem:$0x3FAC] =	sst s5  }
0xe: {  	[smem:$0x3FAD] =	sst s6  }
0xf: {  	[smem:$0x3FAE] =	sst s7  }
0x10: {  	[smem:$0x3FAF] =	sst s8  }
0x11: {  	[smem:$0x3FB0] =	sst s9;
	s0 =	simm.s32 @!p0 $0x0  }
0x12: {  	s1 =	sld [smem:$0x3F96];
	s0 =	simm.s32 @p0 $0x1  }
0x13: {  	[smem:$0x3FB1] =	sst s0;
	s0 =	simm.s32 @!p1 $0x0  }
0x14: {  	s2 =	sld [smem:$0x3F95];
	s0 =	simm.s32 @p1 $0x1  }
0x15: {  	[smem:$0x3FB2] =	sst s0;
	s0 =	simm.s32 @!p2 $0x0  }
0x16: {  	s3 =	sld [smem:$0x3FDB];
	s0 =	simm.s32 @p2 $0x1  }
0x17: {  	s4 =	simm.s32 $0x1BF5;
	[smem:$0x3FB4] =	sst s0  }
0x18: {  	s0 =	sld [smem:$0x3F97];
	_ =	swait.ge [sflag:s4], $0x0  }
0x19: {  	s7 =	sld [smem:$0x3F98]  }
0x1a: {  	s8 =	sadd.s32 $0xFFFFE003, lr  }
0x1b: {  	s9 =	sadd.s32 $0xFFFFFEF7, lr;
	s5 =	simm.s32 $0xFFFFFFFF;
	p2 =	slt.u32 s8, $0xFFFFF086  }
0x1c: {  	p1 =	slt.u32 s9, $0xF7A;
	s5 =	simm.s32 @!p2 $0x0  }
0x1d: {  	s5 =	simm.s32 @p1 $0x1;
	p0 =	seq.s32 s7, s2  }
0x1e: {  	s7 =	smul.u32 @!p0 $0xF7A, s2;
	p2 =	seq.s32 @!p0 s5, $0x0  }
0x1f: {  	s9 =	smul.u32 $0xF7A, s1;
	s8 =	simm.s32 @!p0 $0x1BF5;
	p2 =	por !p2, p0  }
0x20: {  	[sflag:s8] =	ssyncset.s32 @!p0 $0xFFFFF086;
	s6 =	sadd.s32 @!p0 s3, s7;
	s7 =	simm.s32 @!p0 $0x108  }
0x21: {  	s3 =	sadd.s32 s3, s9;
	s6 =	sadd.s32 @!p0 $0x88, s6;
	s7 =	simm.s32 @p2 $0x1082  }
0x22: {  	[simem:s7], [sflag:s8] =	dma.local @!p0 [hbm:s6], $0xF7A  }
0x23: {  	s9 =	sor.u32 $0xD0000000, s2;
	s6 =	simm.s32 $0x108;
	_ =	swait.ge @!p0 [sflag:s8], $0x0  }
0x24: {  	s3 =	sadd.s32 $0x88, s3;
	s6 =	simm.s32 @!p1 $0x1082;
	[sflag:s4] =	ssyncset.s32 $0xFFFFF086  }
0x25: {  	[simem:s6], [sflag:s4] =	dma.local [hbm:s3], $0xF7A  }
0x26: {  	[smem:$0x3F98] =	sst s1;
	(tag) =	ssettag s2;
	_ =	strace s9  }
0x27: {  	s1 =	sld [smem:$0x3FA8]  }
0x28: {  	s2 =	sld [smem:$0x3FA9]  }
0x29: {  	s4 =	sld [smem:$0x3FAB]  }
0x2a: {  	p0 =	seq.s32 s5, $0x0;
	s5 =	sld [smem:$0x3FAC]  }
0x2b: {  	s6 =	sld [smem:$0x3FAD]  }
0x2c: {  	s7 =	sld [smem:$0x3FAE]  }
0x2d: {  	s3 =	simm.s32 $0x108;
	s8 =	sld [smem:$0x3FAF]  }
0x2e: {  	s3 =	simm.s32 @!p0 $0x1082;
	s9 =	sld [smem:$0x3FB0]  }
0x2f: {  	lr =	sadd.s32 s0, s3;
	s0 =	sld [smem:$0x3FA7]  }
0x30: {  	s3 =	sld [smem:$0x3FAA]  }
0x31: {  	[smem:$0x3FB3] =	sst s10  }
0x32: {  	s10 =	sld [smem:$0x3FB1];
	_ =	sdelay $0x3  }
0x33: {  	p0 =	seq.s32 s10, $0x1;
	s10 =	sld [smem:$0x3FB3];
	_ =	sdelay $0x3  }
0x34: {  	[smem:$0x3FB3] =	sst s10  }
0x35: {  	s10 =	sld [smem:$0x3FB2];
	_ =	sdelay $0x3  }
0x36: {  	p1 =	seq.s32 s10, $0x1;
	s10 =	sld [smem:$0x3FB3];
	_ =	sdelay $0x3  }
0x37: {  	[smem:$0x3FB3] =	sst s10  }
0x38: {  	s10 =	sld [smem:$0x3FB4]  }
0x39: {  	_ = 	snop;
	(pc) =	sbr.ind lr, $3  }
0x3a: {  	_ = 	snop  }
0x3b: {  	_ = 	snop  }
0x3c: {  	p2 =	seq.s32 s10, $0x1;
	s10 =	sld [smem:$0x3FB3]  }
0x3d: {  	_ =	shalt  }
0x3e: {  	_ =	shalt  }
0x3f: {  	_ =	shalt  }
0x40: {  	_ =	shalt  }
0x41: {  	_ =	shalt  }
0x42: {  	_ =	shalt  }
0x43: {  	_ =	shalt  }
0x44: {  	_ =	shalt  }
0x45: {  	_ =	shalt  }
0x46: {  	_ =	shalt  }
0x47: {  	_ =	shalt  }
0x48: {  	_ =	shalt  }
0x49: {  	_ =	shalt  }
0x4a: {  	_ =	shalt  }
0x4b: {  	_ =	shalt  }
0x4c: {  	_ =	shalt  }
0x4d: {  	_ =	shalt  }
0x4e: {  	_ =	shalt  }
0x4f: {  	_ =	shalt  }
0x50: {  	_ =	shalt  }
0x51: {  	_ =	shalt  }
0x52: {  	_ =	shalt  }
0x53: {  	_ =	shalt  }
0x54: {  	_ =	shalt  }
0x55: {  	_ =	shalt  }
0x56: {  	_ =	shalt  }
0x57: {  	_ =	shalt  }
0x58: {  	_ =	shalt  }
0x59: {  	_ =	shalt  }
0x5a: {  	_ =	shalt  }
0x5b: {  	_ =	shalt  }
0x5c: {  	_ =	shalt  }
0x5d: {  	_ =	shalt  }
0x5e: {  	_ =	shalt  }
0x5f: {  	_ =	shalt  }
0x60: {  	_ =	shalt  }
0x61: {  	_ =	shalt  }
0x62: {  	_ =	shalt  }
0x63: {  	_ =	shalt  }
0x64: {  	_ =	shalt  }
0x65: {  	_ =	shalt  }
0x66: {  	_ =	shalt  }
0x67: {  	_ =	shalt  }
0x68: {  	_ =	shalt  }
0x69: {  	_ =	shalt  }
0x6a: {  	_ =	shalt  }
0x6b: {  	_ =	shalt  }
0x6c: {  	_ =	shalt  }
0x6d: {  	_ =	shalt  }
0x6e: {  	_ =	shalt  }
0x6f: {  	_ =	shalt  }
0x70: {  	_ =	shalt  }
0x71: {  	_ =	shalt  }
0x72: {  	_ =	shalt  }
0x73: {  	_ =	shalt  }
0x74: {  	_ =	shalt  }
0x75: {  	_ =	shalt  }
0x76: {  	_ =	shalt  }
0x77: {  	_ =	shalt  }
0x78: {  	_ =	shalt  }
0x79: {  	_ =	shalt  }
0x7a: {  	_ =	shalt  }
0x7b: {  	_ =	shalt  }
0x7c: {  	_ =	shalt  }
0x7d: {  	_ =	shalt  }
0x7e: {  	_ =	shalt  }
0x7f: {  	_ =	shalt  }
0x80: {  	_ =	shalt  }
0x81: {  	_ =	shalt  }
0x82: {  	_ =	shalt  }
0x83: {  	_ =	shalt  }
0x84: {  	_ =	shalt  }
0x85: {  	_ =	shalt  }
0x86: {  	_ =	shalt  }
0x87: {  	_ =	shalt  }
.Lfunc_end0:
.L_simem_size_0:
called_computation.1_lowered:
.L_overlay_start_0:
0x88: {  	s2 =	sld [smem:$0x3FD9]  }
0x89: {  	s3 =	sld [smem:$0x3FFE];
	_ =	sdelay $0x1  }
0x8a: {  	s1 =	srdreg.scid  }
0x8b: {  	s0 =	sand.u32 $0x1, s1  }
0x8c: {  	s17 =	sshll.u32 s0, $0xA;
	s2 =	sadd.s32 s3, s2  }
0x8d: {  	s2 =	sadd.s32 s2, s17  }
0x8e: {  	[smem:$0x3FBF] =	sst s2  }
0x8f: {  	_ = 	snop  }
0x90: {  	(tm) =	ssettm $0x1  }
0x91: {  	s18 =	sld [smem:$0x3FFB];
	_ =	sdelay $0x3  }
0x92: {  	_ =	strace s18  }
0x93: {  	s2 =	sld [smem:$0x3FFC];
	_ =	sdelay $0x3  }
0x94: {  	_ =	strace s2  }
0x95: {  	s2 =	sld [smem:$0x3FFD];
	_ =	sdelay $0x3  }
0x96: {  	_ =	strace s2  }
0x97: {  	_ =	strace $0x8FFFFFFF  }
0x98: {  	s19 =	sld [smem:$0x3FDB];
	_ =	sdelay $0x1  }
0x99: {  	s20 =	simm.s32 $_scs_section_size  }
0x9a: {  	s4 =	simm.s32 $_size__tile_overlayer_lowered;
	s5 =	simm.s32 $_tile_overlayer_lowered  }
0x9b: {  	s6 =	simm.s32 $0x1BFF;
	s21 =	sshll.u32 s5, $0x1;
	s3 =	sadd.s32 s20, s19  }
0x9c: {  	s22 =	simm.s32 $0x0;
	s4 =	sshll.u32 s4, $0x1;
	s5 =	sadd.s32 s21, s3  }
0x9d: {  	[timem:s22], [sflag:s6] =	dma.local [hbm:s5], s4  }
0x9e: {  	_ =	swait.ge [sflag:s6], s4  }
0x9f: {  	s4 =	ssub.s32 $0x0, s4;
	[sflag:s6] =	ssyncset.done $0x0  }
0xa0: {  	[sflag:s6] =	ssyncadd.s32 s4;
	_ =	sdelay $0x1  }
0xa1: {  	s23 =	simm.s32 $0x1B8B  }
0xa2: {  	_ =	swait.ge [sflag:s23], $0x1  }
0xa3: {  	[sflag:s23] =	ssyncset.done $0x0  }
0xa4: {  	[sflag:s23] =	ssyncadd.s32 $0xFFFFFFFF  }
0xa5: {  	s4 =	sld [smem:$0x0]  }
0xa6: {  	s5 =	sand.u32 $0xFFFFFFFE, s1  }
0xa7: {  	p0 =	sne.s32 s1, s5  }
0xa8: {  	s5 =	sshll.u32 @p0 s5, $0xE  }
0xa9: {  	s5 =	sadd.s32 @p0 $0x11B8D, s5;
	s6 =	sshll.u32 @p0 s4, $0x11  }
0xaa: {  	s5 =	sor.u32 @p0 s6, s5  }
0xab: {  	[sflag:s5] =	ssyncadd.remote.s32 @p0 $0x1;
	_ =	sdelay $0x1  }
0xac: {  	s5 =	simm.s32 @p0 $0x1B8D  }
0xad: {  	_ =	swait.eq @p0 [sflag:s5], $0x1  }
0xae: {  	[sflag:s5] =	ssyncadd.s32 @p0 $0xFFFFFFFF  }
0xaf: {  	s6 =	sshll.u32 @!p0 s1, $0xE  }
0xb0: {  	s6 =	sor.u32 @!p0 $0x4000, s6;
	s5 =	simm.s32 @!p0 $0x1B8D  }
0xb1: {  	s4 =	sshll.u32 @!p0 s4, $0x11;
	s6 =	sadd.s32 @!p0 $0x11B8D, s6;
	_ =	swait.eq @!p0 [sflag:s5], $0x1  }
0xb2: {  	s4 =	sor.u32 @!p0 s4, s6;
	[sflag:s5] =	ssyncadd.s32 @!p0 $0xFFFFFFFF  }
0xb3: {  	s25 =	simm.s32 $0x1B8E;
	s24 =	sld [smem:$0x3FFE];
	[sflag:s4] =	ssyncadd.remote.s32 @!p0 $0x1  }
0xb4: {  	s26 =	simm.s32 $execute0_lowered;
	[smem:$0x3FD2] =	sst s25  }
0xb5: {  	s5 =	sshll.u32 s26, $0x1;
	_ =	strace $0x8000004F;
	[dreg:$0x1] =	wrdreg $0xFFFFFFFF  }
0xb6: {  	s28 =	simm.s32 $_size_execute0_lowered;
	s3 =	sadd.s32 s3, s5;
	[dreg:$0x0] =	wrdreg $0x0  }
0xb7: {  	s5 =	sshll.u32 s28, $0x1;
	[dreg:$0x2] =	wrdreg s3  }
0xb8: {  	[dreg:$0x3] =	wrdreg s5  }
0xb9: {  	[dreg:$0x4] =	wrdreg $0xC0  }
0xba: {  	_ =	task [dreg:s22], $0x5FFFF  }
0xbb: {  	[dreg:$0x1] =	wrdreg $0xFFFFFFFF  }
0xbc: {  	[dreg:$0x0] =	wrdreg $0x60  }
0xbd: {  	[dreg:$0x2] =	wrdreg s24  }
0xbe: {  	[dreg:$0x3] =	wrdreg $0xA  }
0xbf: {  	_ =	task.clear_ibuf [dreg:s22], $0x4FFFF;
	_ =	strace $0x9000004F  }
0xc0: {  	s29 =	simm.s32 $0xA;
	_ =	strace $0x80000051  }
0xc1: {  	_ =	swait.ge [sflag:s29], $0x1  }
0xc2: {  	[sflag:s29] =	ssyncadd.s32 $0xFFFFFFFF  }
0xc3: {  	_ =	strace $0x90000051  }
0xc4: {  	_ =	sfence  }
0xc5: {  	s30 =	sld [smem:$0x0];
	_ =	sdelay $0x2  }
0xc6: {  	s31 =	sshll.u32 s1, $0xD;
	s1 =	sshrl.u32 s1, $0x2  }
0xc7: {  	s4 =	sand.u32 $0x4000, s31;
	s1 =	sadd.s32 s1, s30  }
0xc8: {  	s0 =	sor.u32 s4, s0;
	s1 =	sshll.u32 s1, $0x11  }
0xc9: {  	s0 =	sor.u32 s1, s0  }
0xca: {  	s0 =	sadd.s32 $0x8F2B, s0  }
0xcb: {  	[sflag:s0] =	ssyncadd.remote.s32 $0x1  }
0xcc: {  	_ =	sfence.sel $0xFFFF  }
0xcd: {  	[dreg:$0x0] =	wrdreg $0xFFFFFFFF;
	(pc) =	sbr.abs _section_cstart, $3  }
0xce: {  	[dreg:$0x1] =	wrdreg $0xFFFFFFFF  }
0xcf: {  	_ =	task.clear_ibuf [dreg:s22], $0x2FFFF;
	_ =	strace $0x9FFFFFFF  }
0xd0: {  	(tm) =	ssettm $0x7FFFFFFF  }
0xd1: {  	_ =	shalt  }
tec
execute0_lowered:
.L_overlay_start_1:
0x0: {  	(tag) =	ssettag $0x1  }
0x1: {  	s4 =	rddreg [dreg:$0x0];
	s1 =	simm.s32 $0x0  }
0x2: {  	s5 =	srdreg.scid;
	s0 =	stileid.u32;
	s11 =	simm.s32 $0x200  }
0x3: {  	s12 =	simm.s32 $0x4200;
	s13 =	simm.s32 $0x100;
	s14 =	simm.s32 $0x8200  }
0x4: {  	s15 =	simm.s32 $0x180;
	s16 =	simm.s32 $0xC200;
	s17 =	simm.s32 $0x1  }
0x5: {  	s18 =	simm.s32 $0x2;
	s19 =	simm.s32 $0x3;
	s20 =	simm.s32 $0x4  }
0x6: {  	s21 =	simm.s32 $0x5;
	s22 =	simm.s32 $0x6;
	s23 =	simm.s32 $0x7  }
0x7: {  	s24 =	simm.s32 $0x8;
	s25 =	simm.s32 $0x0;
	[smem:$0x7FF] =	sst s1  }
0x8: {  	s3 =	sadd.s32 $0x35400, s4;
	s5 =	sand.u32 $0x1, s5;
	s8 =	sadd.s32 $0x349400, s4  }
0x9: {  	s6 =	sshll.u32 s0, $0x10;
	s10 =	sshll.u32 s0, $0xC;
	_ =	strace $0x80000050  }
0xa: {  	s7 =	ssub.s32 $0x2, s5;
	s4 =	sadd.s32 s6, s4;
	s9 =	sshll.u32 s5, $0xF  }
0xb: {  	s5 =	sshll.u32 s5, $0xB;
	s26 =	sshrl.u32 s7, $0x1;
	s4 =	sadd.s32 s9, s4  }
0xc: {  	s29 =	sor.u32 s5, s10;
	s10 =	simm.s32 $0x80;
	s6 =	ssub.s32 s7, s26  }
0xd: {  	s28 =	sadd.s32 $0x34B400, s4;
	s5 =	sor.u32 $0x180, s29;
	s30 =	sor.u32 $0x100, s29  }
0xe: {  	s31 =	sor.u32 $0x80, s29;
	s9 =	sshrl.u32 s29, $0x3;
	s4 =	smax.u32 s6, $0x1  }
0xf: {  	[dreg:$0x2] =	wrdreg s28;
	s5 =	sshrl.u32 s5, $0x3;
	s6 =	sshrl.u32 s30, $0x3  }
0x10: {  	s7 =	sshrl.u32 s31, $0x3;
	s5 =	sadd.s32 s5, s8;
	s6 =	sadd.s32 s6, s8  }
0x11: {  	s7 =	sadd.s32 s7, s8;
	s8 =	sadd.s32 s9, s8;
	s9 =	simm.s32 $0x9  }
.LBB2_1:
0x12: {  	[tilespmem:s1], [sflag:$0x9] =	stream.linear.gather [hbm4b:s8+s1], $0x80, $0x38;
	[tilespmem:$0x10200] =	vst v63  }
0x13: {  	_ =	swait.ge [sflag:s9], $0x80  }
0x14: {  	[sflag:s9] =	ssyncset.done $0x0  }
0x15: {  	[sflag:s9] =	ssyncadd.s32 $0xFFFFFF80  }
0x16: {  	[tilespmem:s11], [sflag:$0x1] =	stream.indirect.gather [hbm4b:s3+s10], $0x80, s1, s10, $0xb8;
	[tilespmem:$0x10200] =	vst v63  }
0x17: {  	_ = 	snop  }
0x18: {  	[tilespmem:s10], [sflag:$0x9] =	stream.linear.gather [hbm4b:s7+s1], $0x80, $0x38;
	[tilespmem:$0x10200] =	vst v63  }
0x19: {  	_ =	swait.ge [sflag:s9], $0x80  }
0x1a: {  	[sflag:s9] =	ssyncset.done $0x0  }
0x1b: {  	[sflag:s9] =	ssyncadd.s32 $0xFFFFFF80  }
0x1c: {  	[tilespmem:s12], [sflag:$0x2] =	stream.indirect.gather [hbm4b:s3+s10], $0x80, s10, s10, $0xb8;
	[tilespmem:$0x10200] =	vst v63  }
0x1d: {  	_ = 	snop  }
0x1e: {  	[tilespmem:s13], [sflag:$0x9] =	stream.linear.gather [hbm4b:s6+s1], $0x80, $0x38;
	[tilespmem:$0x10200] =	vst v63  }
0x1f: {  	_ =	swait.ge [sflag:s9], $0x80  }
0x20: {  	[sflag:s9] =	ssyncset.done $0x0  }
0x21: {  	[sflag:s9] =	ssyncadd.s32 $0xFFFFFF80  }
0x22: {  	[tilespmem:s14], [sflag:$0x3] =	stream.indirect.gather [hbm4b:s3+s10], $0x80, s13, s10, $0xb8;
	[tilespmem:$0x10200] =	vst v63  }
0x23: {  	_ = 	snop  }
0x24: {  	[tilespmem:s15], [sflag:$0x9] =	stream.linear.gather [hbm4b:s5+s1], $0x80, $0x38;
	[tilespmem:$0x10200] =	vst v63  }
0x25: {  	_ =	swait.ge [sflag:s9], $0x80  }
0x26: {  	[sflag:s9] =	ssyncset.done $0x0  }
0x27: {  	[sflag:s9] =	ssyncadd.s32 $0xFFFFFF80  }
0x28: {  	[tilespmem:s16], [sflag:$0x4] =	stream.indirect.gather [hbm4b:s3+s10], $0x80, s15, s10, $0xb8;
	[tilespmem:$0x10200] =	vst v63  }
0x29: {  	_ =	swait.ge [sflag:s17], $0x4000  }
0x2a: {  	s26 =	rddreg [dreg:$0x2];
	[sflag:s17] =	ssyncset.done $0x0  }
0x2b: {  	[sflag:s17] =	ssyncadd.s32 $0xFFFFC000;
	s26 =	sadd.s32 $0x0, s26  }
0x2c: {  	[hbm4b:s26+s1] =	stream.linear.scatter [tilespmem:s11], [sflag:$0x5], $0x4000, $0x38;
	[tilespmem:$0x10200] =	vst v63  }
0x2d: {  	_ =	swait.ge [sflag:s18], $0x4000  }
0x2e: {  	[sflag:s18] =	ssyncset.done $0x0  }
0x2f: {  	s28 =	sadd.s32 $0x800, s26;
	[sflag:s18] =	ssyncadd.s32 $0xFFFFC000  }
0x30: {  	[hbm4b:s28+s1] =	stream.linear.scatter [tilespmem:s12], [sflag:$0x6], $0x4000, $0x38;
	[tilespmem:$0x10200] =	vst v63  }
0x31: {  	_ =	swait.ge [sflag:s19], $0x4000  }
0x32: {  	[sflag:s19] =	ssyncset.done $0x0  }
0x33: {  	s28 =	sadd.s32 $0x1000, s26;
	[sflag:s19] =	ssyncadd.s32 $0xFFFFC000  }
0x34: {  	[hbm4b:s28+s1] =	stream.linear.scatter [tilespmem:s14], [sflag:$0x7], $0x4000, $0x38;
	[tilespmem:$0x10200] =	vst v63  }
0x35: {  	_ =	swait.ge [sflag:s20], $0x4000  }
0x36: {  	[sflag:s20] =	ssyncset.done $0x0  }
0x37: {  	s26 =	sadd.s32 $0x1800, s26;
	[sflag:s20] =	ssyncadd.s32 $0xFFFFC000  }
0x38: {  	[hbm4b:s26+s1] =	stream.linear.scatter [tilespmem:s16], [sflag:$0x8], $0x4000, $0x38;
	[tilespmem:$0x10200] =	vst v63  }
0x39: {  	_ =	swait.ge [sflag:s21], $0x4000  }
0x3a: {  	[sflag:s21] =	ssyncset.done $0x0  }
0x3b: {  	[sflag:s21] =	ssyncadd.s32 $0xFFFFC000  }
0x3c: {  	_ =	swait.ge [sflag:s22], $0x4000  }
0x3d: {  	[sflag:s22] =	ssyncset.done $0x0  }
0x3e: {  	[sflag:s22] =	ssyncadd.s32 $0xFFFFC000  }
0x3f: {  	_ =	swait.ge [sflag:s23], $0x4000  }
0x40: {  	[sflag:s23] =	ssyncset.done $0x0  }
0x41: {  	s29 =	sadd.s32 $0x40, s8;
	[sflag:s23] =	ssyncadd.s32 $0xFFFFC000  }
0x42: {  	s30 =	smov.u32 s5;
	s31 =	smov.u32 s6;
	_ =	swait.ge [sflag:s24], $0x4000  }
0x43: {  	s28 =	sadd.s32 $0x40, s7;
	s26 =	simm.s32 $0x2000;
	[sflag:s24] =	ssyncset.done $0x0  }
.LBB2_2:
0x44: {  	[sflag:s24] =	ssyncadd.s32 $0xFFFFC000  }
0x45: {  	[tilespmem:s1], [sflag:$0x9] =	stream.linear.gather [hbm4b:s29+s1], $0x80, $0x38;
	[tilespmem:$0x10200] =	vst v63  }
0x46: {  	_ =	swait.ge [sflag:s9], $0x80  }
0x47: {  	[sflag:s9] =	ssyncset.done $0x0  }
0x48: {  	[sflag:s9] =	ssyncadd.s32 $0xFFFFFF80  }
0x49: {  	[tilespmem:s11], [sflag:$0x1] =	stream.indirect.gather [hbm4b:s3+s10], $0x80, s1, s10, $0xb8;
	[tilespmem:$0x10200] =	vst v63  }
0x4a: {  	_ = 	snop  }
0x4b: {  	[tilespmem:s10], [sflag:$0x9] =	stream.linear.gather [hbm4b:s28+s1], $0x80, $0x38;
	[tilespmem:$0x10200] =	vst v63  }
0x4c: {  	_ =	swait.ge [sflag:s9], $0x80  }
0x4d: {  	[sflag:s9] =	ssyncset.done $0x0  }
0x4e: {  	[sflag:s9] =	ssyncadd.s32 $0xFFFFFF80  }
0x4f: {  	[tilespmem:s12], [sflag:$0x2] =	stream.indirect.gather [hbm4b:s3+s10], $0x80, s10, s10, $0xb8;
	[tilespmem:$0x10200] =	vst v63  }
0x50: {  	s31 =	sadd.s32 $0x40, s31  }
0x51: {  	[tilespmem:s13], [sflag:$0x9] =	stream.linear.gather [hbm4b:s31+s1], $0x80, $0x38;
	[tilespmem:$0x10200] =	vst v63  }
0x52: {  	_ =	swait.ge [sflag:s9], $0x80  }
0x53: {  	[sflag:s9] =	ssyncset.done $0x0  }
0x54: {  	[sflag:s9] =	ssyncadd.s32 $0xFFFFFF80  }
0x55: {  	[tilespmem:s14], [sflag:$0x3] =	stream.indirect.gather [hbm4b:s3+s10], $0x80, s13, s10, $0xb8;
	[tilespmem:$0x10200] =	vst v63  }
0x56: {  	s30 =	sadd.s32 $0x40, s30  }
0x57: {  	[tilespmem:s15], [sflag:$0x9] =	stream.linear.gather [hbm4b:s30+s1], $0x80, $0x38;
	[tilespmem:$0x10200] =	vst v63  }
0x58: {  	_ =	swait.ge [sflag:s9], $0x80  }
0x59: {  	[sflag:s9] =	ssyncset.done $0x0  }
0x5a: {  	[sflag:s9] =	ssyncadd.s32 $0xFFFFFF80  }
0x5b: {  	[tilespmem:s16], [sflag:$0x4] =	stream.indirect.gather [hbm4b:s3+s10], $0x80, s15, s10, $0xb8;
	[tilespmem:$0x10200] =	vst v63  }
0x5c: {  	_ =	swait.ge [sflag:s17], $0x4000  }
0x5d: {  	s0 =	smov.u32 s26;
	s2 =	rddreg [dreg:$0x2];
	[sflag:s17] =	ssyncset.done $0x0  }
0x5e: {  	[sflag:s17] =	ssyncadd.s32 $0xFFFFC000;
	s0 =	sadd.s32 s0, s2  }
0x5f: {  	[hbm4b:s0+s1] =	stream.linear.scatter [tilespmem:s11], [sflag:$0x5], $0x4000, $0x38;
	[tilespmem:$0x10200] =	vst v63  }
0x60: {  	_ =	swait.ge [sflag:s18], $0x4000  }
0x61: {  	[sflag:s18] =	ssyncset.done $0x0  }
0x62: {  	s2 =	sadd.s32 $0x800, s0;
	[sflag:s18] =	ssyncadd.s32 $0xFFFFC000  }
0x63: {  	[hbm4b:s2+s1] =	stream.linear.scatter [tilespmem:s12], [sflag:$0x6], $0x4000, $0x38;
	[tilespmem:$0x10200] =	vst v63  }
0x64: {  	_ =	swait.ge [sflag:s19], $0x4000  }
0x65: {  	[sflag:s19] =	ssyncset.done $0x0  }
0x66: {  	s2 =	sadd.s32 $0x1000, s0;
	[sflag:s19] =	ssyncadd.s32 $0xFFFFC000  }
0x67: {  	[hbm4b:s2+s1] =	stream.linear.scatter [tilespmem:s14], [sflag:$0x7], $0x4000, $0x38;
	[tilespmem:$0x10200] =	vst v63  }
0x68: {  	_ =	swait.ge [sflag:s20], $0x4000  }
0x69: {  	[sflag:s20] =	ssyncset.done $0x0  }
0x6a: {  	s0 =	sadd.s32 $0x1800, s0;
	[sflag:s20] =	ssyncadd.s32 $0xFFFFC000  }
0x6b: {  	[hbm4b:s0+s1] =	stream.linear.scatter [tilespmem:s16], [sflag:$0x8], $0x4000, $0x38;
	[tilespmem:$0x10200] =	vst v63  }
0x6c: {  	_ =	swait.ge [sflag:s21], $0x4000  }
0x6d: {  	[sflag:s21] =	ssyncset.done $0x0  }
0x6e: {  	[sflag:s21] =	ssyncadd.s32 $0xFFFFC000  }
0x6f: {  	_ =	swait.ge [sflag:s22], $0x4000  }
0x70: {  	[sflag:s22] =	ssyncset.done $0x0  }
0x71: {  	p0 =	sne.s32 s26, $0x6000;
	[sflag:s22] =	ssyncadd.s32 $0xFFFFC000  }
.Ltmp0:
0x72: {  	_ =	swait.ge [sflag:s23], $0x4000;
	(pc) =	sbr.rel @p0 .LBB2_2-.Ltmp0, $4  }
0x73: {  	[sflag:s23] =	ssyncset.done $0x0  }
0x74: {  	[sflag:s23] =	ssyncadd.s32 $0xFFFFC000  }
0x75: {  	s26 =	sadd.s32 $0x2000, s26;
	_ =	swait.ge [sflag:s24], $0x4000  }
0x76: {  	s29 =	sadd.s32 $0x40, s29;
	s28 =	sadd.s32 $0x40, s28;
	[sflag:s24] =	ssyncset.done $0x0  }
0x77: {  	s25 =	sadd.s32 $0x1, s25  }
0x78: {  	p0 =	sne.s32 s25, s4  }
.Ltmp1:
0x79: {  	_ = 	snop;
	(pc) =	sbr.rel @p0 .LBB2_1-.Ltmp1, $2  }
0x7a: {  	_ =	sdelay $0x2  }
0x7b: {  	[sflag:s24] =	ssyncadd.s32 $0xFFFFC000  }
0x7c: {  	_ =	sfence.sel $0x180000  }
0x7d: {  	[bflag:$0x0] =	sbarrier.arrive $0xFFFF  }
0x7e: {  	_ =	strace $0x90000050  }
0x7f: {  	s0 =	stileid.u32;
	[bflag:$0x2] =	sbarrier.arrive $0xFFFF  }
0x80: {  	p0 =	sne.s32 s0, $0x0;
	s0 =	rddreg [dreg:$0x1]  }
0x81: {  	s0 =	sadd.s32 @!p0 $0x100000, s0  }
0x82: {  	[sflag:s0] =	ssyncadd.tile.s32 @!p0 $0x1;
	_ =	shalt  }
.Lfunc_end2:
_tile_overlayer_lowered:
.L_overlay_start_2:
0x83: {  	(tag) =	ssettag $0x2  }
0x84: {  	s0 =	rddreg [dreg:$0x0];
	s2 =	stileid.u32  }
0x85: {  	s1 =	rddreg [dreg:$0x1];
	p0 =	sne.s32 s2, $0x0  }
0x86: {  	s3 =	rddreg [dreg:$0x2];
	[bflag:$0x3] =	sbarrier.arrive $0xFFFF;
	s2 =	simm.s32 @!p0 $0x1C09  }
0x87: {  	[timem:s3], [sflag:s2] =	dma.local @!p0 [hbm:s0], s1  }
0x88: {  	s0 =	simm.s32 @!p0 $0x9  }
0x89: {  	_ =	swait.ge @!p0 [sflag:s0], s1  }
0x8a: {  	s1 =	ssub.s32 @!p0 $0x0, s1;
	[sflag:s0] =	ssyncset.done @!p0 $0x0  }
0x8b: {  	[sflag:s0] =	ssyncadd.s32 @!p0 s1  }
0x8c: {  	[bflag:$0x3] =	sbarrier.arrive $0xFFFF  }
0x8d: {  	_ =	shalt  }

// kernel: kernel.21.cloned.1.call-start
scs
__scs_entry_jumppad:
0x0: {  	(pc) =	sbr.rel $0x88, $3  }
0x1: {  	(tag) =	ssettag $0x0;
	lr =	simm.s32 $0x1  }
0x2: {  	[smem:$0x3F98] =	sst lr;
	_ =	strace $0xD0000000  }
0x3: {  	_ = 	snop  }
0x4: {  	_ = 	snop  }
0x5: {  	_ = 	snop  }
0x6: {  	_ = 	snop  }
0x7: {  	_ = 	snop  }
__scs_overlays_trampoline_lowered:
0x8: {  	[smem:$0x3FA7] =	sst s0  }
0x9: {  	[smem:$0x3FA8] =	sst s1  }
0xa: {  	[smem:$0x3FA9] =	sst s2  }
0xb: {  	[smem:$0x3FAA] =	sst s3  }
0xc: {  	[smem:$0x3FAB] =	sst s4  }
0xd: {  	[smem:$0x3FAC] =	sst s5  }
0xe: {  	[smem:$0x3FAD] =	sst s6  }
0xf: {  	[smem:$0x3FAE] =	sst s7  }
0x10: {  	[smem:$0x3FAF] =	sst s8  }
0x11: {  	[smem:$0x3FB0] =	sst s9;
	s0 =	simm.s32 @!p0 $0x0  }
0x12: {  	s1 =	sld [smem:$0x3F96];
	s0 =	simm.s32 @p0 $0x1  }
0x13: {  	[smem:$0x3FB1] =	sst s0;
	s0 =	simm.s32 @!p1 $0x0  }
0x14: {  	s2 =	sld [smem:$0x3F95];
	s0 =	simm.s32 @p1 $0x1  }
0x15: {  	[smem:$0x3FB2] =	sst s0;
	s0 =	simm.s32 @!p2 $0x0  }
0x16: {  	s3 =	sld [smem:$0x3FDB];
	s0 =	simm.s32 @p2 $0x1  }
0x17: {  	s4 =	simm.s32 $0x1BF5;
	[smem:$0x3FB4] =	sst s0  }
0x18: {  	s0 =	sld [smem:$0x3F97];
	_ =	swait.ge [sflag:s4], $0x0  }
0x19: {  	s7 =	sld [smem:$0x3F98]  }
0x1a: {  	s8 =	sadd.s32 $0xFFFFE003, lr  }
0x1b: {  	s9 =	sadd.s32 $0xFFFFFEF7, lr;
	s5 =	simm.s32 $0xFFFFFFFF;
	p2 =	slt.u32 s8, $0xFFFFF086  }
0x1c: {  	p1 =	slt.u32 s9, $0xF7A;
	s5 =	simm.s32 @!p2 $0x0  }
0x1d: {  	s5 =	simm.s32 @p1 $0x1;
	p0 =	seq.s32 s7, s2  }
0x1e: {  	s7 =	smul.u32 @!p0 $0xF7A, s2;
	p2 =	seq.s32 @!p0 s5, $0x0  }
0x1f: {  	s9 =	smul.u32 $0xF7A, s1;
	s8 =	simm.s32 @!p0 $0x1BF5;
	p2 =	por !p2, p0  }
0x20: {  	[sflag:s8] =	ssyncset.s32 @!p0 $0xFFFFF086;
	s6 =	sadd.s32 @!p0 s3, s7;
	s7 =	simm.s32 @!p0 $0x108  }
0x21: {  	s3 =	sadd.s32 s3, s9;
	s6 =	sadd.s32 @!p0 $0x88, s6;
	s7 =	simm.s32 @p2 $0x1082  }
0x22: {  	[simem:s7], [sflag:s8] =	dma.local @!p0 [hbm:s6], $0xF7A  }
0x23: {  	s9 =	sor.u32 $0xD0000000, s2;
	s6 =	simm.s32 $0x108;
	_ =	swait.ge @!p0 [sflag:s8], $0x0  }
0x24: {  	s3 =	sadd.s32 $0x88, s3;
	s6 =	simm.s32 @!p1 $0x1082;
	[sflag:s4] =	ssyncset.s32 $0xFFFFF086  }
0x25: {  	[simem:s6], [sflag:s4] =	dma.local [hbm:s3], $0xF7A  }
0x26: {  	[smem:$0x3F98] =	sst s1;
	(tag) =	ssettag s2;
	_ =	strace s9  }
0x27: {  	s1 =	sld [smem:$0x3FA8]  }
0x28: {  	s2 =	sld [smem:$0x3FA9]  }
0x29: {  	s4 =	sld [smem:$0x3FAB]  }
0x2a: {  	p0 =	seq.s32 s5, $0x0;
	s5 =	sld [smem:$0x3FAC]  }
0x2b: {  	s6 =	sld [smem:$0x3FAD]  }
0x2c: {  	s7 =	sld [smem:$0x3FAE]  }
0x2d: {  	s3 =	simm.s32 $0x108;
	s8 =	sld [smem:$0x3FAF]  }
0x2e: {  	s3 =	simm.s32 @!p0 $0x1082;
	s9 =	sld [smem:$0x3FB0]  }
0x2f: {  	lr =	sadd.s32 s0, s3;
	s0 =	sld [smem:$0x3FA7]  }
0x30: {  	s3 =	sld [smem:$0x3FAA]  }
0x31: {  	[smem:$0x3FB3] =	sst s10  }
0x32: {  	s10 =	sld [smem:$0x3FB1];
	_ =	sdelay $0x3  }
0x33: {  	p0 =	seq.s32 s10, $0x1;
	s10 =	sld [smem:$0x3FB3];
	_ =	sdelay $0x3  }
0x34: {  	[smem:$0x3FB3] =	sst s10  }
0x35: {  	s10 =	sld [smem:$0x3FB2];
	_ =	sdelay $0x3  }
0x36: {  	p1 =	seq.s32 s10, $0x1;
	s10 =	sld [smem:$0x3FB3];
	_ =	sdelay $0x3  }
0x37: {  	[smem:$0x3FB3] =	sst s10  }
0x38: {  	s10 =	sld [smem:$0x3FB4]  }
0x39: {  	_ = 	snop;
	(pc) =	sbr.ind lr, $3  }
0x3a: {  	_ = 	snop  }
0x3b: {  	_ = 	snop  }
0x3c: {  	p2 =	seq.s32 s10, $0x1;
	s10 =	sld [smem:$0x3FB3]  }
0x3d: {  	_ =	shalt  }
0x3e: {  	_ =	shalt  }
0x3f: {  	_ =	shalt  }
0x40: {  	_ =	shalt  }
0x41: {  	_ =	shalt  }
0x42: {  	_ =	shalt  }
0x43: {  	_ =	shalt  }
0x44: {  	_ =	shalt  }
0x45: {  	_ =	shalt  }
0x46: {  	_ =	shalt  }
0x47: {  	_ =	shalt  }
0x48: {  	_ =	shalt  }
0x49: {  	_ =	shalt  }
0x4a: {  	_ =	shalt  }
0x4b: {  	_ =	shalt  }
0x4c: {  	_ =	shalt  }
0x4d: {  	_ =	shalt  }
0x4e: {  	_ =	shalt  }
0x4f: {  	_ =	shalt  }
0x50: {  	_ =	shalt  }
0x51: {  	_ =	shalt  }
0x52: {  	_ =	shalt  }
0x53: {  	_ =	shalt  }
0x54: {  	_ =	shalt  }
0x55: {  	_ =	shalt  }
0x56: {  	_ =	shalt  }
0x57: {  	_ =	shalt  }
0x58: {  	_ =	shalt  }
0x59: {  	_ =	shalt  }
0x5a: {  	_ =	shalt  }
0x5b: {  	_ =	shalt  }
0x5c: {  	_ =	shalt  }
0x5d: {  	_ =	shalt  }
0x5e: {  	_ =	shalt  }
0x5f: {  	_ =	shalt  }
0x60: {  	_ =	shalt  }
0x61: {  	_ =	shalt  }
0x62: {  	_ =	shalt  }
0x63: {  	_ =	shalt  }
0x64: {  	_ =	shalt  }
0x65: {  	_ =	shalt  }
0x66: {  	_ =	shalt  }
0x67: {  	_ =	shalt  }
0x68: {  	_ =	shalt  }
0x69: {  	_ =	shalt  }
0x6a: {  	_ =	shalt  }
0x6b: {  	_ =	shalt  }
0x6c: {  	_ =	shalt  }
0x6d: {  	_ =	shalt  }
0x6e: {  	_ =	shalt  }
0x6f: {  	_ =	shalt  }
0x70: {  	_ =	shalt  }
0x71: {  	_ =	shalt  }
0x72: {  	_ =	shalt  }
0x73: {  	_ =	shalt  }
0x74: {  	_ =	shalt  }
0x75: {  	_ =	shalt  }
0x76: {  	_ =	shalt  }
0x77: {  	_ =	shalt  }
0x78: {  	_ =	shalt  }
0x79: {  	_ =	shalt  }
0x7a: {  	_ =	shalt  }
0x7b: {  	_ =	shalt  }
0x7c: {  	_ =	shalt  }
0x7d: {  	_ =	shalt  }
0x7e: {  	_ =	shalt  }
0x7f: {  	_ =	shalt  }
0x80: {  	_ =	shalt  }
0x81: {  	_ =	shalt  }
0x82: {  	_ =	shalt  }
0x83: {  	_ =	shalt  }
0x84: {  	_ =	shalt  }
0x85: {  	_ =	shalt  }
0x86: {  	_ =	shalt  }
0x87: {  	_ =	shalt  }
.Lfunc_end0:
.L_simem_size_0:
called_computation.2_lowered:
.L_overlay_start_0:
0x88: {  	s2 =	sld [smem:$0x3FD9]  }
0x89: {  	s3 =	sld [smem:$0x3FFE];
	_ =	sdelay $0x1  }
0x8a: {  	s1 =	srdreg.scid  }
0x8b: {  	s0 =	sand.u32 $0x1, s1  }
0x8c: {  	s17 =	sshll.u32 s0, $0xA;
	s2 =	sadd.s32 s3, s2  }
0x8d: {  	s2 =	sadd.s32 s2, s17  }
0x8e: {  	[smem:$0x3FBF] =	sst s2  }
0x8f: {  	_ = 	snop  }
0x90: {  	(tm) =	ssettm $0x1  }
0x91: {  	s18 =	sld [smem:$0x3FFB];
	_ =	sdelay $0x3  }
0x92: {  	_ =	strace s18  }
0x93: {  	s2 =	sld [smem:$0x3FFC];
	_ =	sdelay $0x3  }
0x94: {  	_ =	strace s2  }
0x95: {  	s2 =	sld [smem:$0x3FFD];
	_ =	sdelay $0x3  }
0x96: {  	_ =	strace s2  }
0x97: {  	_ =	strace $0x8FFFFFFF  }
0x98: {  	s19 =	sld [smem:$0x3FDB];
	_ =	sdelay $0x1  }
0x99: {  	s20 =	simm.s32 $_scs_section_size  }
0x9a: {  	s4 =	simm.s32 $_size__tile_overlayer_lowered;
	s5 =	simm.s32 $_tile_overlayer_lowered  }
0x9b: {  	s6 =	simm.s32 $0x1BFF;
	s21 =	sshll.u32 s5, $0x1;
	s3 =	sadd.s32 s20, s19  }
0x9c: {  	s22 =	simm.s32 $0x0;
	s4 =	sshll.u32 s4, $0x1;
	s5 =	sadd.s32 s21, s3  }
0x9d: {  	[timem:s22], [sflag:s6] =	dma.local [hbm:s5], s4  }
0x9e: {  	_ =	swait.ge [sflag:s6], s4  }
0x9f: {  	s4 =	ssub.s32 $0x0, s4;
	[sflag:s6] =	ssyncset.done $0x0  }
0xa0: {  	[sflag:s6] =	ssyncadd.s32 s4;
	_ =	sdelay $0x1  }
0xa1: {  	s23 =	simm.s32 $0x1B8B  }
0xa2: {  	_ =	swait.ge [sflag:s23], $0x1  }
0xa3: {  	[sflag:s23] =	ssyncset.done $0x0  }
0xa4: {  	[sflag:s23] =	ssyncadd.s32 $0xFFFFFFFF  }
0xa5: {  	s4 =	sld [smem:$0x0]  }
0xa6: {  	s5 =	sand.u32 $0xFFFFFFFE, s1  }
0xa7: {  	p0 =	sne.s32 s1, s5  }
0xa8: {  	s5 =	sshll.u32 @p0 s5, $0xE  }
0xa9: {  	s5 =	sadd.s32 @p0 $0x11B8D, s5;
	s6 =	sshll.u32 @p0 s4, $0x11  }
0xaa: {  	s5 =	sor.u32 @p0 s6, s5  }
0xab: {  	[sflag:s5] =	ssyncadd.remote.s32 @p0 $0x1;
	_ =	sdelay $0x1  }
0xac: {  	s5 =	simm.s32 @p0 $0x1B8D  }
0xad: {  	_ =	swait.eq @p0 [sflag:s5], $0x1  }
0xae: {  	[sflag:s5] =	ssyncadd.s32 @p0 $0xFFFFFFFF  }
0xaf: {  	s6 =	sshll.u32 @!p0 s1, $0xE  }
0xb0: {  	s6 =	sor.u32 @!p0 $0x4000, s6;
	s5 =	simm.s32 @!p0 $0x1B8D  }
0xb1: {  	s4 =	sshll.u32 @!p0 s4, $0x11;
	s6 =	sadd.s32 @!p0 $0x11B8D, s6;
	_ =	swait.eq @!p0 [sflag:s5], $0x1  }
0xb2: {  	s4 =	sor.u32 @!p0 s4, s6;
	[sflag:s5] =	ssyncadd.s32 @!p0 $0xFFFFFFFF  }
0xb3: {  	s25 =	simm.s32 $0x1B8E;
	s24 =	sld [smem:$0x3FFE];
	[sflag:s4] =	ssyncadd.remote.s32 @!p0 $0x1  }
0xb4: {  	s26 =	simm.s32 $execute0_lowered;
	[smem:$0x3FD2] =	sst s25  }
0xb5: {  	s5 =	sshll.u32 s26, $0x1;
	_ =	strace $0x8000004C;
	[dreg:$0x1] =	wrdreg $0xFFFFFFFF  }
0xb6: {  	s28 =	simm.s32 $_size_execute0_lowered;
	s3 =	sadd.s32 s3, s5;
	[dreg:$0x0] =	wrdreg $0x0  }
0xb7: {  	s5 =	sshll.u32 s28, $0x1;
	[dreg:$0x2] =	wrdreg s3  }
0xb8: {  	[dreg:$0x3] =	wrdreg s5  }
0xb9: {  	[dreg:$0x4] =	wrdreg $0xC0  }
0xba: {  	_ =	task [dreg:s22], $0x5FFFF  }
0xbb: {  	[dreg:$0x1] =	wrdreg $0xFFFFFFFF  }
0xbc: {  	[dreg:$0x0] =	wrdreg $0x60  }
0xbd: {  	[dreg:$0x2] =	wrdreg s24  }
0xbe: {  	[dreg:$0x3] =	wrdreg $0xB  }
0xbf: {  	_ =	task.clear_ibuf [dreg:s22], $0x4FFFF;
	_ =	strace $0x9000004C  }
0xc0: {  	s29 =	simm.s32 $0xB;
	_ =	strace $0x8000004E  }
0xc1: {  	_ =	swait.ge [sflag:s29], $0x1  }
0xc2: {  	[sflag:s29] =	ssyncadd.s32 $0xFFFFFFFF  }
0xc3: {  	_ =	strace $0x9000004E  }
0xc4: {  	_ =	sfence  }
0xc5: {  	s30 =	sld [smem:$0x0];
	_ =	sdelay $0x2  }
0xc6: {  	s31 =	sshll.u32 s1, $0xD;
	s1 =	sshrl.u32 s1, $0x2  }
0xc7: {  	s4 =	sand.u32 $0x4000, s31;
	s1 =	sadd.s32 s1, s30  }
0xc8: {  	s0 =	sor.u32 s4, s0;
	s1 =	sshll.u32 s1, $0x11  }
0xc9: {  	s0 =	sor.u32 s1, s0  }
0xca: {  	s0 =	sadd.s32 $0x8F2B, s0  }
0xcb: {  	[sflag:s0] =	ssyncadd.remote.s32 $0x1  }
0xcc: {  	_ =	sfence.sel $0xFFFF  }
0xcd: {  	[dreg:$0x0] =	wrdreg $0xFFFFFFFF;
	(pc) =	sbr.abs _section_cstart, $3  }
0xce: {  	[dreg:$0x1] =	wrdreg $0xFFFFFFFF  }
0xcf: {  	_ =	task.clear_ibuf [dreg:s22], $0x2FFFF;
	_ =	strace $0x9FFFFFFF  }
0xd0: {  	(tm) =	ssettm $0x7FFFFFFF  }
0xd1: {  	_ =	shalt  }
tec
execute0_lowered:
.L_overlay_start_1:
0x0: {  	(tag) =	ssettag $0x1  }
0x1: {  	s4 =	rddreg [dreg:$0x0];
	s1 =	simm.s32 $0x0  }
0x2: {  	s5 =	srdreg.scid;
	s0 =	stileid.u32;
	s11 =	simm.s32 $0x200  }
0x3: {  	s12 =	simm.s32 $0x4200;
	s13 =	simm.s32 $0x100;
	s14 =	simm.s32 $0x8200  }
0x4: {  	s15 =	simm.s32 $0x180;
	s16 =	simm.s32 $0xC200;
	s17 =	simm.s32 $0x1  }
0x5: {  	s18 =	simm.s32 $0x2;
	s19 =	simm.s32 $0x3;
	s20 =	simm.s32 $0x4  }
0x6: {  	s21 =	simm.s32 $0x5;
	s22 =	simm.s32 $0x6;
	s23 =	simm.s32 $0x7  }
0x7: {  	s24 =	simm.s32 $0x8;
	s25 =	simm.s32 $0x0;
	[smem:$0x7FF] =	sst s1  }
0x8: {  	s3 =	sadd.s32 $0x25400, s4;
	s5 =	sand.u32 $0x1, s5;
	s8 =	sadd.s32 $0x247400, s4  }
0x9: {  	s6 =	sshll.u32 s0, $0x10;
	s10 =	sshll.u32 s0, $0xC;
	_ =	strace $0x8000004D  }
0xa: {  	s7 =	ssub.s32 $0x2, s5;
	s4 =	sadd.s32 s6, s4;
	s9 =	sshll.u32 s5, $0xF  }
0xb: {  	s5 =	sshll.u32 s5, $0xB;
	s26 =	sshrl.u32 s7, $0x1;
	s4 =	sadd.s32 s9, s4  }
0xc: {  	s29 =	sor.u32 s5, s10;
	s10 =	simm.s32 $0x80;
	s6 =	ssub.s32 s7, s26  }
0xd: {  	s28 =	sadd.s32 $0x249400, s4;
	s5 =	sor.u32 $0x180, s29;
	s30 =	sor.u32 $0x100, s29  }
0xe: {  	s31 =	sor.u32 $0x80, s29;
	s9 =	sshrl.u32 s29, $0x3;
	s4 =	smax.u32 s6, $0x1  }
0xf: {  	[dreg:$0x2] =	wrdreg s28;
	s5 =	sshrl.u32 s5, $0x3;
	s6 =	sshrl.u32 s30, $0x3  }
0x10: {  	s7 =	sshrl.u32 s31, $0x3;
	s5 =	sadd.s32 s5, s8;
	s6 =	sadd.s32 s6, s8  }
0x11: {  	s7 =	sadd.s32 s7, s8;
	s8 =	sadd.s32 s9, s8;
	s9 =	simm.s32 $0x9  }
.LBB2_1:
0x12: {  	[tilespmem:s1], [sflag:$0x9] =	stream.linear.gather [hbm4b:s8+s1], $0x80, $0x38;
	[tilespmem:$0x10200] =	vst v63  }
0x13: {  	_ =	swait.ge [sflag:s9], $0x80  }
0x14: {  	[sflag:s9] =	ssyncset.done $0x0  }
0x15: {  	[sflag:s9] =	ssyncadd.s32 $0xFFFFFF80  }
0x16: {  	[tilespmem:s11], [sflag:$0x1] =	stream.indirect.gather [hbm4b:s3+s10], $0x80, s1, s10, $0xb8;
	[tilespmem:$0x10200] =	vst v63  }
0x17: {  	_ = 	snop  }
0x18: {  	[tilespmem:s10], [sflag:$0x9] =	stream.linear.gather [hbm4b:s7+s1], $0x80, $0x38;
	[tilespmem:$0x10200] =	vst v63  }
0x19: {  	_ =	swait.ge [sflag:s9], $0x80  }
0x1a: {  	[sflag:s9] =	ssyncset.done $0x0  }
0x1b: {  	[sflag:s9] =	ssyncadd.s32 $0xFFFFFF80  }
0x1c: {  	[tilespmem:s12], [sflag:$0x2] =	stream.indirect.gather [hbm4b:s3+s10], $0x80, s10, s10, $0xb8;
	[tilespmem:$0x10200] =	vst v63  }
0x1d: {  	_ = 	snop  }
0x1e: {  	[tilespmem:s13], [sflag:$0x9] =	stream.linear.gather [hbm4b:s6+s1], $0x80, $0x38;
	[tilespmem:$0x10200] =	vst v63  }
0x1f: {  	_ =	swait.ge [sflag:s9], $0x80  }
0x20: {  	[sflag:s9] =	ssyncset.done $0x0  }
0x21: {  	[sflag:s9] =	ssyncadd.s32 $0xFFFFFF80  }
0x22: {  	[tilespmem:s14], [sflag:$0x3] =	stream.indirect.gather [hbm4b:s3+s10], $0x80, s13, s10, $0xb8;
	[tilespmem:$0x10200] =	vst v63  }
0x23: {  	_ = 	snop  }
0x24: {  	[tilespmem:s15], [sflag:$0x9] =	stream.linear.gather [hbm4b:s5+s1], $0x80, $0x38;
	[tilespmem:$0x10200] =	vst v63  }
0x25: {  	_ =	swait.ge [sflag:s9], $0x80  }
0x26: {  	[sflag:s9] =	ssyncset.done $0x0  }
0x27: {  	[sflag:s9] =	ssyncadd.s32 $0xFFFFFF80  }
0x28: {  	[tilespmem:s16], [sflag:$0x4] =	stream.indirect.gather [hbm4b:s3+s10], $0x80, s15, s10, $0xb8;
	[tilespmem:$0x10200] =	vst v63  }
0x29: {  	_ =	swait.ge [sflag:s17], $0x4000  }
0x2a: {  	s26 =	rddreg [dreg:$0x2];
	[sflag:s17] =	ssyncset.done $0x0  }
0x2b: {  	[sflag:s17] =	ssyncadd.s32 $0xFFFFC000;
	s26 =	sadd.s32 $0x0, s26  }
0x2c: {  	[hbm4b:s26+s1] =	stream.linear.scatter [tilespmem:s11], [sflag:$0x5], $0x4000, $0x38;
	[tilespmem:$0x10200] =	vst v63  }
0x2d: {  	_ =	swait.ge [sflag:s18], $0x4000  }
0x2e: {  	[sflag:s18] =	ssyncset.done $0x0  }
0x2f: {  	s28 =	sadd.s32 $0x800, s26;
	[sflag:s18] =	ssyncadd.s32 $0xFFFFC000  }
0x30: {  	[hbm4b:s28+s1] =	stream.linear.scatter [tilespmem:s12], [sflag:$0x6], $0x4000, $0x38;
	[tilespmem:$0x10200] =	vst v63  }
0x31: {  	_ =	swait.ge [sflag:s19], $0x4000  }
0x32: {  	[sflag:s19] =	ssyncset.done $0x0  }
0x33: {  	s28 =	sadd.s32 $0x1000, s26;
	[sflag:s19] =	ssyncadd.s32 $0xFFFFC000  }
0x34: {  	[hbm4b:s28+s1] =	stream.linear.scatter [tilespmem:s14], [sflag:$0x7], $0x4000, $0x38;
	[tilespmem:$0x10200] =	vst v63  }
0x35: {  	_ =	swait.ge [sflag:s20], $0x4000  }
0x36: {  	[sflag:s20] =	ssyncset.done $0x0  }
0x37: {  	s26 =	sadd.s32 $0x1800, s26;
	[sflag:s20] =	ssyncadd.s32 $0xFFFFC000  }
0x38: {  	[hbm4b:s26+s1] =	stream.linear.scatter [tilespmem:s16], [sflag:$0x8], $0x4000, $0x38;
	[tilespmem:$0x10200] =	vst v63  }
0x39: {  	_ =	swait.ge [sflag:s21], $0x4000  }
0x3a: {  	[sflag:s21] =	ssyncset.done $0x0  }
0x3b: {  	[sflag:s21] =	ssyncadd.s32 $0xFFFFC000  }
0x3c: {  	_ =	swait.ge [sflag:s22], $0x4000  }
0x3d: {  	[sflag:s22] =	ssyncset.done $0x0  }
0x3e: {  	[sflag:s22] =	ssyncadd.s32 $0xFFFFC000  }
0x3f: {  	_ =	swait.ge [sflag:s23], $0x4000  }
0x40: {  	[sflag:s23] =	ssyncset.done $0x0  }
0x41: {  	s29 =	sadd.s32 $0x40, s8;
	[sflag:s23] =	ssyncadd.s32 $0xFFFFC000  }
0x42: {  	s30 =	smov.u32 s5;
	s31 =	smov.u32 s6;
	_ =	swait.ge [sflag:s24], $0x4000  }
0x43: {  	s28 =	sadd.s32 $0x40, s7;
	s26 =	simm.s32 $0x2000;
	[sflag:s24] =	ssyncset.done $0x0  }
.LBB2_2:
0x44: {  	[sflag:s24] =	ssyncadd.s32 $0xFFFFC000  }
0x45: {  	[tilespmem:s1], [sflag:$0x9] =	stream.linear.gather [hbm4b:s29+s1], $0x80, $0x38;
	[tilespmem:$0x10200] =	vst v63  }
0x46: {  	_ =	swait.ge [sflag:s9], $0x80  }
0x47: {  	[sflag:s9] =	ssyncset.done $0x0  }
0x48: {  	[sflag:s9] =	ssyncadd.s32 $0xFFFFFF80  }
0x49: {  	[tilespmem:s11], [sflag:$0x1] =	stream.indirect.gather [hbm4b:s3+s10], $0x80, s1, s10, $0xb8;
	[tilespmem:$0x10200] =	vst v63  }
0x4a: {  	_ = 	snop  }
0x4b: {  	[tilespmem:s10], [sflag:$0x9] =	stream.linear.gather [hbm4b:s28+s1], $0x80, $0x38;
	[tilespmem:$0x10200] =	vst v63  }
0x4c: {  	_ =	swait.ge [sflag:s9], $0x80  }
0x4d: {  	[sflag:s9] =	ssyncset.done $0x0  }
0x4e: {  	[sflag:s9] =	ssyncadd.s32 $0xFFFFFF80  }
0x4f: {  	[tilespmem:s12], [sflag:$0x2] =	stream.indirect.gather [hbm4b:s3+s10], $0x80, s10, s10, $0xb8;
	[tilespmem:$0x10200] =	vst v63  }
0x50: {  	s31 =	sadd.s32 $0x40, s31  }
0x51: {  	[tilespmem:s13], [sflag:$0x9] =	stream.linear.gather [hbm4b:s31+s1], $0x80, $0x38;
	[tilespmem:$0x10200] =	vst v63  }
0x52: {  	_ =	swait.ge [sflag:s9], $0x80  }
0x53: {  	[sflag:s9] =	ssyncset.done $0x0  }
0x54: {  	[sflag:s9] =	ssyncadd.s32 $0xFFFFFF80  }
0x55: {  	[tilespmem:s14], [sflag:$0x3] =	stream.indirect.gather [hbm4b:s3+s10], $0x80, s13, s10, $0xb8;
	[tilespmem:$0x10200] =	vst v63  }
0x56: {  	s30 =	sadd.s32 $0x40, s30  }
0x57: {  	[tilespmem:s15], [sflag:$0x9] =	stream.linear.gather [hbm4b:s30+s1], $0x80, $0x38;
	[tilespmem:$0x10200] =	vst v63  }
0x58: {  	_ =	swait.ge [sflag:s9], $0x80  }
0x59: {  	[sflag:s9] =	ssyncset.done $0x0  }
0x5a: {  	[sflag:s9] =	ssyncadd.s32 $0xFFFFFF80  }
0x5b: {  	[tilespmem:s16], [sflag:$0x4] =	stream.indirect.gather [hbm4b:s3+s10], $0x80, s15, s10, $0xb8;
	[tilespmem:$0x10200] =	vst v63  }
0x5c: {  	_ =	swait.ge [sflag:s17], $0x4000  }
0x5d: {  	s0 =	smov.u32 s26;
	s2 =	rddreg [dreg:$0x2];
	[sflag:s17] =	ssyncset.done $0x0  }
0x5e: {  	[sflag:s17] =	ssyncadd.s32 $0xFFFFC000;
	s0 =	sadd.s32 s0, s2  }
0x5f: {  	[hbm4b:s0+s1] =	stream.linear.scatter [tilespmem:s11], [sflag:$0x5], $0x4000, $0x38;
	[tilespmem:$0x10200] =	vst v63  }
0x60: {  	_ =	swait.ge [sflag:s18], $0x4000  }
0x61: {  	[sflag:s18] =	ssyncset.done $0x0  }
0x62: {  	s2 =	sadd.s32 $0x800, s0;
	[sflag:s18] =	ssyncadd.s32 $0xFFFFC000  }
0x63: {  	[hbm4b:s2+s1] =	stream.linear.scatter [tilespmem:s12], [sflag:$0x6], $0x4000, $0x38;
	[tilespmem:$0x10200] =	vst v63  }
0x64: {  	_ =	swait.ge [sflag:s19], $0x4000  }
0x65: {  	[sflag:s19] =	ssyncset.done $0x0  }
0x66: {  	s2 =	sadd.s32 $0x1000, s0;
	[sflag:s19] =	ssyncadd.s32 $0xFFFFC000  }
0x67: {  	[hbm4b:s2+s1] =	stream.linear.scatter [tilespmem:s14], [sflag:$0x7], $0x4000, $0x38;
	[tilespmem:$0x10200] =	vst v63  }
0x68: {  	_ =	swait.ge [sflag:s20], $0x4000  }
0x69: {  	[sflag:s20] =	ssyncset.done $0x0  }
0x6a: {  	s0 =	sadd.s32 $0x1800, s0;
	[sflag:s20] =	ssyncadd.s32 $0xFFFFC000  }
0x6b: {  	[hbm4b:s0+s1] =	stream.linear.scatter [tilespmem:s16], [sflag:$0x8], $0x4000, $0x38;
	[tilespmem:$0x10200] =	vst v63  }
0x6c: {  	_ =	swait.ge [sflag:s21], $0x4000  }
0x6d: {  	[sflag:s21] =	ssyncset.done $0x0  }
0x6e: {  	[sflag:s21] =	ssyncadd.s32 $0xFFFFC000  }
0x6f: {  	_ =	swait.ge [sflag:s22], $0x4000  }
0x70: {  	[sflag:s22] =	ssyncset.done $0x0  }
0x71: {  	p0 =	sne.s32 s26, $0x6000;
	[sflag:s22] =	ssyncadd.s32 $0xFFFFC000  }
.Ltmp0:
0x72: {  	_ =	swait.ge [sflag:s23], $0x4000;
	(pc) =	sbr.rel @p0 .LBB2_2-.Ltmp0, $4  }
0x73: {  	[sflag:s23] =	ssyncset.done $0x0  }
0x74: {  	[sflag:s23] =	ssyncadd.s32 $0xFFFFC000  }
0x75: {  	s26 =	sadd.s32 $0x2000, s26;
	_ =	swait.ge [sflag:s24], $0x4000  }
0x76: {  	s29 =	sadd.s32 $0x40, s29;
	s28 =	sadd.s32 $0x40, s28;
	[sflag:s24] =	ssyncset.done $0x0  }
0x77: {  	s25 =	sadd.s32 $0x1, s25  }
0x78: {  	p0 =	sne.s32 s25, s4  }
.Ltmp1:
0x79: {  	_ = 	snop;
	(pc) =	sbr.rel @p0 .LBB2_1-.Ltmp1, $2  }
0x7a: {  	_ =	sdelay $0x2  }
0x7b: {  	[sflag:s24] =	ssyncadd.s32 $0xFFFFC000  }
0x7c: {  	_ =	sfence.sel $0x180000  }
0x7d: {  	[bflag:$0x0] =	sbarrier.arrive $0xFFFF  }
0x7e: {  	_ =	strace $0x9000004D  }
0x7f: {  	s0 =	stileid.u32;
	[bflag:$0x2] =	sbarrier.arrive $0xFFFF  }
0x80: {  	p0 =	sne.s32 s0, $0x0;
	s0 =	rddreg [dreg:$0x1]  }
0x81: {  	s0 =	sadd.s32 @!p0 $0x100000, s0  }
0x82: {  	[sflag:s0] =	ssyncadd.tile.s32 @!p0 $0x1;
	_ =	shalt  }
.Lfunc_end2:
_tile_overlayer_lowered:
.L_overlay_start_2:
0x83: {  	(tag) =	ssettag $0x2  }
0x84: {  	s0 =	rddreg [dreg:$0x0];
	s2 =	stileid.u32  }
0x85: {  	s1 =	rddreg [dreg:$0x1];
	p0 =	sne.s32 s2, $0x0  }
0x86: {  	s3 =	rddreg [dreg:$0x2];
	[bflag:$0x3] =	sbarrier.arrive $0xFFFF;
	s2 =	simm.s32 @!p0 $0x1C09  }
0x87: {  	[timem:s3], [sflag:s2] =	dma.local @!p0 [hbm:s0], s1  }
0x88: {  	s0 =	simm.s32 @!p0 $0x9  }
0x89: {  	_ =	swait.ge @!p0 [sflag:s0], s1  }
0x8a: {  	s1 =	ssub.s32 @!p0 $0x0, s1;
	[sflag:s0] =	ssyncset.done @!p0 $0x0  }
0x8b: {  	[sflag:s0] =	ssyncadd.s32 @!p0 s1  }
0x8c: {  	[bflag:$0x3] =	sbarrier.arrive $0xFFFF  }
0x8d: {  	_ =	shalt  }

// kernel: kernel.24.cloned.1.call-start
scs
__scs_entry_jumppad:
0x0: {  	(pc) =	sbr.rel $0x88, $3  }
0x1: {  	(tag) =	ssettag $0x0;
	lr =	simm.s32 $0x1  }
0x2: {  	[smem:$0x3F98] =	sst lr;
	_ =	strace $0xD0000000  }
0x3: {  	_ = 	snop  }
0x4: {  	_ = 	snop  }
0x5: {  	_ = 	snop  }
0x6: {  	_ = 	snop  }
0x7: {  	_ = 	snop  }
__scs_overlays_trampoline_lowered:
0x8: {  	[smem:$0x3FA7] =	sst s0  }
0x9: {  	[smem:$0x3FA8] =	sst s1  }
0xa: {  	[smem:$0x3FA9] =	sst s2  }
0xb: {  	[smem:$0x3FAA] =	sst s3  }
0xc: {  	[smem:$0x3FAB] =	sst s4  }
0xd: {  	[smem:$0x3FAC] =	sst s5  }
0xe: {  	[smem:$0x3FAD] =	sst s6  }
0xf: {  	[smem:$0x3FAE] =	sst s7  }
0x10: {  	[smem:$0x3FAF] =	sst s8  }
0x11: {  	[smem:$0x3FB0] =	sst s9;
	s0 =	simm.s32 @!p0 $0x0  }
0x12: {  	s1 =	sld [smem:$0x3F96];
	s0 =	simm.s32 @p0 $0x1  }
0x13: {  	[smem:$0x3FB1] =	sst s0;
	s0 =	simm.s32 @!p1 $0x0  }
0x14: {  	s2 =	sld [smem:$0x3F95];
	s0 =	simm.s32 @p1 $0x1  }
0x15: {  	[smem:$0x3FB2] =	sst s0;
	s0 =	simm.s32 @!p2 $0x0  }
0x16: {  	s3 =	sld [smem:$0x3FDB];
	s0 =	simm.s32 @p2 $0x1  }
0x17: {  	s4 =	simm.s32 $0x1BF5;
	[smem:$0x3FB4] =	sst s0  }
0x18: {  	s0 =	sld [smem:$0x3F97];
	_ =	swait.ge [sflag:s4], $0x0  }
0x19: {  	s7 =	sld [smem:$0x3F98]  }
0x1a: {  	s8 =	sadd.s32 $0xFFFFE003, lr  }
0x1b: {  	s9 =	sadd.s32 $0xFFFFFEF7, lr;
	s5 =	simm.s32 $0xFFFFFFFF;
	p2 =	slt.u32 s8, $0xFFFFF086  }
0x1c: {  	p1 =	slt.u32 s9, $0xF7A;
	s5 =	simm.s32 @!p2 $0x0  }
0x1d: {  	s5 =	simm.s32 @p1 $0x1;
	p0 =	seq.s32 s7, s2  }
0x1e: {  	s7 =	smul.u32 @!p0 $0xF7A, s2;
	p2 =	seq.s32 @!p0 s5, $0x0  }
0x1f: {  	s9 =	smul.u32 $0xF7A, s1;
	s8 =	simm.s32 @!p0 $0x1BF5;
	p2 =	por !p2, p0  }
0x20: {  	[sflag:s8] =	ssyncset.s32 @!p0 $0xFFFFF086;
	s6 =	sadd.s32 @!p0 s3, s7;
	s7 =	simm.s32 @!p0 $0x108  }
0x21: {  	s3 =	sadd.s32 s3, s9;
	s6 =	sadd.s32 @!p0 $0x88, s6;
	s7 =	simm.s32 @p2 $0x1082  }
0x22: {  	[simem:s7], [sflag:s8] =	dma.local @!p0 [hbm:s6], $0xF7A  }
0x23: {  	s9 =	sor.u32 $0xD0000000, s2;
	s6 =	simm.s32 $0x108;
	_ =	swait.ge @!p0 [sflag:s8], $0x0  }
0x24: {  	s3 =	sadd.s32 $0x88, s3;
	s6 =	simm.s32 @!p1 $0x1082;
	[sflag:s4] =	ssyncset.s32 $0xFFFFF086  }
0x25: {  	[simem:s6], [sflag:s4] =	dma.local [hbm:s3], $0xF7A  }
0x26: {  	[smem:$0x3F98] =	sst s1;
	(tag) =	ssettag s2;
	_ =	strace s9  }
0x27: {  	s1 =	sld [smem:$0x3FA8]  }
0x28: {  	s2 =	sld [smem:$0x3FA9]  }
0x29: {  	s4 =	sld [smem:$0x3FAB]  }
0x2a: {  	p0 =	seq.s32 s5, $0x0;
	s5 =	sld [smem:$0x3FAC]  }
0x2b: {  	s6 =	sld [smem:$0x3FAD]  }
0x2c: {  	s7 =	sld [smem:$0x3FAE]  }
0x2d: {  	s3 =	simm.s32 $0x108;
	s8 =	sld [smem:$0x3FAF]  }
0x2e: {  	s3 =	simm.s32 @!p0 $0x1082;
	s9 =	sld [smem:$0x3FB0]  }
0x2f: {  	lr =	sadd.s32 s0, s3;
	s0 =	sld [smem:$0x3FA7]  }
0x30: {  	s3 =	sld [smem:$0x3FAA]  }
0x31: {  	[smem:$0x3FB3] =	sst s10  }
0x32: {  	s10 =	sld [smem:$0x3FB1];
	_ =	sdelay $0x3  }
0x33: {  	p0 =	seq.s32 s10, $0x1;
	s10 =	sld [smem:$0x3FB3];
	_ =	sdelay $0x3  }
0x34: {  	[smem:$0x3FB3] =	sst s10  }
0x35: {  	s10 =	sld [smem:$0x3FB2];
	_ =	sdelay $0x3  }
0x36: {  	p1 =	seq.s32 s10, $0x1;
	s10 =	sld [smem:$0x3FB3];
	_ =	sdelay $0x3  }
0x37: {  	[smem:$0x3FB3] =	sst s10  }
0x38: {  	s10 =	sld [smem:$0x3FB4]  }
0x39: {  	_ = 	snop;
	(pc) =	sbr.ind lr, $3  }
0x3a: {  	_ = 	snop  }
0x3b: {  	_ = 	snop  }
0x3c: {  	p2 =	seq.s32 s10, $0x1;
	s10 =	sld [smem:$0x3FB3]  }
0x3d: {  	_ =	shalt  }
0x3e: {  	_ =	shalt  }
0x3f: {  	_ =	shalt  }
0x40: {  	_ =	shalt  }
0x41: {  	_ =	shalt  }
0x42: {  	_ =	shalt  }
0x43: {  	_ =	shalt  }
0x44: {  	_ =	shalt  }
0x45: {  	_ =	shalt  }
0x46: {  	_ =	shalt  }
0x47: {  	_ =	shalt  }
0x48: {  	_ =	shalt  }
0x49: {  	_ =	shalt  }
0x4a: {  	_ =	shalt  }
0x4b: {  	_ =	shalt  }
0x4c: {  	_ =	shalt  }
0x4d: {  	_ =	shalt  }
0x4e: {  	_ =	shalt  }
0x4f: {  	_ =	shalt  }
0x50: {  	_ =	shalt  }
0x51: {  	_ =	shalt  }
0x52: {  	_ =	shalt  }
0x53: {  	_ =	shalt  }
0x54: {  	_ =	shalt  }
0x55: {  	_ =	shalt  }
0x56: {  	_ =	shalt  }
0x57: {  	_ =	shalt  }
0x58: {  	_ =	shalt  }
0x59: {  	_ =	shalt  }
0x5a: {  	_ =	shalt  }
0x5b: {  	_ =	shalt  }
0x5c: {  	_ =	shalt  }
0x5d: {  	_ =	shalt  }
0x5e: {  	_ =	shalt  }
0x5f: {  	_ =	shalt  }
0x60: {  	_ =	shalt  }
0x61: {  	_ =	shalt  }
0x62: {  	_ =	shalt  }
0x63: {  	_ =	shalt  }
0x64: {  	_ =	shalt  }
0x65: {  	_ =	shalt  }
0x66: {  	_ =	shalt  }
0x67: {  	_ =	shalt  }
0x68: {  	_ =	shalt  }
0x69: {  	_ =	shalt  }
0x6a: {  	_ =	shalt  }
0x6b: {  	_ =	shalt  }
0x6c: {  	_ =	shalt  }
0x6d: {  	_ =	shalt  }
0x6e: {  	_ =	shalt  }
0x6f: {  	_ =	shalt  }
0x70: {  	_ =	shalt  }
0x71: {  	_ =	shalt  }
0x72: {  	_ =	shalt  }
0x73: {  	_ =	shalt  }
0x74: {  	_ =	shalt  }
0x75: {  	_ =	shalt  }
0x76: {  	_ =	shalt  }
0x77: {  	_ =	shalt  }
0x78: {  	_ =	shalt  }
0x79: {  	_ =	shalt  }
0x7a: {  	_ =	shalt  }
0x7b: {  	_ =	shalt  }
0x7c: {  	_ =	shalt  }
0x7d: {  	_ =	shalt  }
0x7e: {  	_ =	shalt  }
0x7f: {  	_ =	shalt  }
0x80: {  	_ =	shalt  }
0x81: {  	_ =	shalt  }
0x82: {  	_ =	shalt  }
0x83: {  	_ =	shalt  }
0x84: {  	_ =	shalt  }
0x85: {  	_ =	shalt  }
0x86: {  	_ =	shalt  }
0x87: {  	_ =	shalt  }
.Lfunc_end0:
.L_simem_size_0:
called_computation.3_lowered:
.L_overlay_start_0:
0x88: {  	s2 =	sld [smem:$0x3FD9]  }
0x89: {  	s3 =	sld [smem:$0x3FFE];
	_ =	sdelay $0x1  }
0x8a: {  	s1 =	srdreg.scid  }
0x8b: {  	s0 =	sand.u32 $0x1, s1  }
0x8c: {  	s17 =	sshll.u32 s0, $0xA;
	s2 =	sadd.s32 s3, s2  }
0x8d: {  	s2 =	sadd.s32 s2, s17  }
0x8e: {  	[smem:$0x3FBF] =	sst s2  }
0x8f: {  	_ = 	snop  }
0x90: {  	(tm) =	ssettm $0x1  }
0x91: {  	s18 =	sld [smem:$0x3FFB];
	_ =	sdelay $0x3  }
0x92: {  	_ =	strace s18  }
0x93: {  	s2 =	sld [smem:$0x3FFC];
	_ =	sdelay $0x3  }
0x94: {  	_ =	strace s2  }
0x95: {  	s2 =	sld [smem:$0x3FFD];
	_ =	sdelay $0x3  }
0x96: {  	_ =	strace s2  }
0x97: {  	_ =	strace $0x8FFFFFFF  }
0x98: {  	s19 =	sld [smem:$0x3FDB];
	_ =	sdelay $0x1  }
0x99: {  	s20 =	simm.s32 $_scs_section_size  }
0x9a: {  	s4 =	simm.s32 $_size__tile_overlayer_lowered;
	s5 =	simm.s32 $_tile_overlayer_lowered  }
0x9b: {  	s6 =	simm.s32 $0x1BFF;
	s21 =	sshll.u32 s5, $0x1;
	s3 =	sadd.s32 s20, s19  }
0x9c: {  	s22 =	simm.s32 $0x0;
	s4 =	sshll.u32 s4, $0x1;
	s5 =	sadd.s32 s21, s3  }
0x9d: {  	[timem:s22], [sflag:s6] =	dma.local [hbm:s5], s4  }
0x9e: {  	_ =	swait.ge [sflag:s6], s4  }
0x9f: {  	s4 =	ssub.s32 $0x0, s4;
	[sflag:s6] =	ssyncset.done $0x0  }
0xa0: {  	[sflag:s6] =	ssyncadd.s32 s4;
	_ =	sdelay $0x1  }
0xa1: {  	s23 =	simm.s32 $0x1B8B  }
0xa2: {  	_ =	swait.ge [sflag:s23], $0x1  }
0xa3: {  	[sflag:s23] =	ssyncset.done $0x0  }
0xa4: {  	[sflag:s23] =	ssyncadd.s32 $0xFFFFFFFF  }
0xa5: {  	s4 =	sld [smem:$0x0]  }
0xa6: {  	s5 =	sand.u32 $0xFFFFFFFE, s1  }
0xa7: {  	p0 =	sne.s32 s1, s5  }
0xa8: {  	s5 =	sshll.u32 @p0 s5, $0xE  }
0xa9: {  	s5 =	sadd.s32 @p0 $0x11B8D, s5;
	s6 =	sshll.u32 @p0 s4, $0x11  }
0xaa: {  	s5 =	sor.u32 @p0 s6, s5  }
0xab: {  	[sflag:s5] =	ssyncadd.remote.s32 @p0 $0x1;
	_ =	sdelay $0x1  }
0xac: {  	s5 =	simm.s32 @p0 $0x1B8D  }
0xad: {  	_ =	swait.eq @p0 [sflag:s5], $0x1  }
0xae: {  	[sflag:s5] =	ssyncadd.s32 @p0 $0xFFFFFFFF  }
0xaf: {  	s6 =	sshll.u32 @!p0 s1, $0xE  }
0xb0: {  	s6 =	sor.u32 @!p0 $0x4000, s6;
	s5 =	simm.s32 @!p0 $0x1B8D  }
0xb1: {  	s4 =	sshll.u32 @!p0 s4, $0x11;
	s6 =	sadd.s32 @!p0 $0x11B8D, s6;
	_ =	swait.eq @!p0 [sflag:s5], $0x1  }
0xb2: {  	s4 =	sor.u32 @!p0 s4, s6;
	[sflag:s5] =	ssyncadd.s32 @!p0 $0xFFFFFFFF  }
0xb3: {  	s25 =	simm.s32 $0x1B8E;
	s24 =	sld [smem:$0x3FFE];
	[sflag:s4] =	ssyncadd.remote.s32 @!p0 $0x1  }
0xb4: {  	s26 =	simm.s32 $execute0_lowered;
	[smem:$0x3FD2] =	sst s25  }
0xb5: {  	s5 =	sshll.u32 s26, $0x1;
	_ =	strace $0x80000049;
	[dreg:$0x1] =	wrdreg $0xFFFFFFFF  }
0xb6: {  	s28 =	simm.s32 $_size_execute0_lowered;
	s3 =	sadd.s32 s3, s5;
	[dreg:$0x0] =	wrdreg $0x0  }
0xb7: {  	s5 =	sshll.u32 s28, $0x1;
	[dreg:$0x2] =	wrdreg s3  }
0xb8: {  	[dreg:$0x3] =	wrdreg s5  }
0xb9: {  	[dreg:$0x4] =	wrdreg $0xC0  }
0xba: {  	_ =	task [dreg:s22], $0x5FFFF  }
0xbb: {  	[dreg:$0x1] =	wrdreg $0xFFFFFFFF  }
0xbc: {  	[dreg:$0x0] =	wrdreg $0x60  }
0xbd: {  	[dreg:$0x2] =	wrdreg s24  }
0xbe: {  	[dreg:$0x3] =	wrdreg $0xC  }
0xbf: {  	_ =	task.clear_ibuf [dreg:s22], $0x4FFFF;
	_ =	strace $0x90000049  }
0xc0: {  	s29 =	simm.s32 $0xC;
	_ =	strace $0x8000004B  }
0xc1: {  	_ =	swait.ge [sflag:s29], $0x1  }
0xc2: {  	[sflag:s29] =	ssyncadd.s32 $0xFFFFFFFF  }
0xc3: {  	_ =	strace $0x9000004B  }
0xc4: {  	_ =	sfence  }
0xc5: {  	s30 =	sld [smem:$0x0];
	_ =	sdelay $0x2  }
0xc6: {  	s31 =	sshll.u32 s1, $0xD;
	s1 =	sshrl.u32 s1, $0x2  }
0xc7: {  	s4 =	sand.u32 $0x4000, s31;
	s1 =	sadd.s32 s1, s30  }
0xc8: {  	s0 =	sor.u32 s4, s0;
	s1 =	sshll.u32 s1, $0x11  }
0xc9: {  	s0 =	sor.u32 s1, s0  }
0xca: {  	s0 =	sadd.s32 $0x8F2B, s0  }
0xcb: {  	[sflag:s0] =	ssyncadd.remote.s32 $0x1  }
0xcc: {  	_ =	sfence.sel $0xFFFF  }
0xcd: {  	[dreg:$0x0] =	wrdreg $0xFFFFFFFF;
	(pc) =	sbr.abs _section_cstart, $3  }
0xce: {  	[dreg:$0x1] =	wrdreg $0xFFFFFFFF  }
0xcf: {  	_ =	task.clear_ibuf [dreg:s22], $0x2FFFF;
	_ =	strace $0x9FFFFFFF  }
0xd0: {  	(tm) =	ssettm $0x7FFFFFFF  }
0xd1: {  	_ =	shalt  }
tec
execute0_lowered:
.L_overlay_start_1:
0x0: {  	(tag) =	ssettag $0x1  }
0x1: {  	s4 =	rddreg [dreg:$0x0];
	s1 =	simm.s32 $0x0  }
0x2: {  	s5 =	srdreg.scid;
	s0 =	stileid.u32;
	s11 =	simm.s32 $0x200  }
0x3: {  	s12 =	simm.s32 $0x4200;
	s13 =	simm.s32 $0x100;
	s14 =	simm.s32 $0x8200  }
0x4: {  	s15 =	simm.s32 $0x180;
	s16 =	simm.s32 $0xC200;
	s17 =	simm.s32 $0x1  }
0x5: {  	s18 =	simm.s32 $0x2;
	s19 =	simm.s32 $0x3;
	s20 =	simm.s32 $0x4  }
0x6: {  	s21 =	simm.s32 $0x5;
	s22 =	simm.s32 $0x6;
	s23 =	simm.s32 $0x7  }
0x7: {  	s24 =	simm.s32 $0x8;
	s25 =	simm.s32 $0x0;
	[smem:$0x7FF] =	sst s1  }
0x8: {  	s3 =	sadd.s32 $0x15400, s4;
	s5 =	sand.u32 $0x1, s5;
	s8 =	sadd.s32 $0x145400, s4  }
0x9: {  	s6 =	sshll.u32 s0, $0x10;
	s10 =	sshll.u32 s0, $0xC;
	_ =	strace $0x8000004A  }
0xa: {  	s7 =	ssub.s32 $0x2, s5;
	s4 =	sadd.s32 s6, s4;
	s9 =	sshll.u32 s5, $0xF  }
0xb: {  	s5 =	sshll.u32 s5, $0xB;
	s26 =	sshrl.u32 s7, $0x1;
	s4 =	sadd.s32 s9, s4  }
0xc: {  	s29 =	sor.u32 s5, s10;
	s10 =	simm.s32 $0x80;
	s6 =	ssub.s32 s7, s26  }
0xd: {  	s28 =	sadd.s32 $0x147400, s4;
	s5 =	sor.u32 $0x180, s29;
	s30 =	sor.u32 $0x100, s29  }
0xe: {  	s31 =	sor.u32 $0x80, s29;
	s9 =	sshrl.u32 s29, $0x3;
	s4 =	smax.u32 s6, $0x1  }
0xf: {  	[dreg:$0x2] =	wrdreg s28;
	s5 =	sshrl.u32 s5, $0x3;
	s6 =	sshrl.u32 s30, $0x3  }
0x10: {  	s7 =	sshrl.u32 s31, $0x3;
	s5 =	sadd.s32 s5, s8;
	s6 =	sadd.s32 s6, s8  }
0x11: {  	s7 =	sadd.s32 s7, s8;
	s8 =	sadd.s32 s9, s8;
	s9 =	simm.s32 $0x9  }
.LBB2_1:
0x12: {  	[tilespmem:s1], [sflag:$0x9] =	stream.linear.gather [hbm4b:s8+s1], $0x80, $0x38;
	[tilespmem:$0x10200] =	vst v63  }
0x13: {  	_ =	swait.ge [sflag:s9], $0x80  }
0x14: {  	[sflag:s9] =	ssyncset.done $0x0  }
0x15: {  	[sflag:s9] =	ssyncadd.s32 $0xFFFFFF80  }
0x16: {  	[tilespmem:s11], [sflag:$0x1] =	stream.indirect.gather [hbm4b:s3+s10], $0x80, s1, s10, $0xb8;
	[tilespmem:$0x10200] =	vst v63  }
0x17: {  	_ = 	snop  }
0x18: {  	[tilespmem:s10], [sflag:$0x9] =	stream.linear.gather [hbm4b:s7+s1], $0x80, $0x38;
	[tilespmem:$0x10200] =	vst v63  }
0x19: {  	_ =	swait.ge [sflag:s9], $0x80  }
0x1a: {  	[sflag:s9] =	ssyncset.done $0x0  }
0x1b: {  	[sflag:s9] =	ssyncadd.s32 $0xFFFFFF80  }
0x1c: {  	[tilespmem:s12], [sflag:$0x2] =	stream.indirect.gather [hbm4b:s3+s10], $0x80, s10, s10, $0xb8;
	[tilespmem:$0x10200] =	vst v63  }
0x1d: {  	_ = 	snop  }
0x1e: {  	[tilespmem:s13], [sflag:$0x9] =	stream.linear.gather [hbm4b:s6+s1], $0x80, $0x38;
	[tilespmem:$0x10200] =	vst v63  }
0x1f: {  	_ =	swait.ge [sflag:s9], $0x80  }
0x20: {  	[sflag:s9] =	ssyncset.done $0x0  }
0x21: {  	[sflag:s9] =	ssyncadd.s32 $0xFFFFFF80  }
0x22: {  	[tilespmem:s14], [sflag:$0x3] =	stream.indirect.gather [hbm4b:s3+s10], $0x80, s13, s10, $0xb8;
	[tilespmem:$0x10200] =	vst v63  }
0x23: {  	_ = 	snop  }
0x24: {  	[tilespmem:s15], [sflag:$0x9] =	stream.linear.gather [hbm4b:s5+s1], $0x80, $0x38;
	[tilespmem:$0x10200] =	vst v63  }
0x25: {  	_ =	swait.ge [sflag:s9], $0x80  }
0x26: {  	[sflag:s9] =	ssyncset.done $0x0  }
0x27: {  	[sflag:s9] =	ssyncadd.s32 $0xFFFFFF80  }
0x28: {  	[tilespmem:s16], [sflag:$0x4] =	stream.indirect.gather [hbm4b:s3+s10], $0x80, s15, s10, $0xb8;
	[tilespmem:$0x10200] =	vst v63  }
0x29: {  	_ =	swait.ge [sflag:s17], $0x4000  }
0x2a: {  	s26 =	rddreg [dreg:$0x2];
	[sflag:s17] =	ssyncset.done $0x0  }
0x2b: {  	[sflag:s17] =	ssyncadd.s32 $0xFFFFC000;
	s26 =	sadd.s32 $0x0, s26  }
0x2c: {  	[hbm4b:s26+s1] =	stream.linear.scatter [tilespmem:s11], [sflag:$0x5], $0x4000, $0x38;
	[tilespmem:$0x10200] =	vst v63  }
0x2d: {  	_ =	swait.ge [sflag:s18], $0x4000  }
0x2e: {  	[sflag:s18] =	ssyncset.done $0x0  }
0x2f: {  	s28 =	sadd.s32 $0x800, s26;
	[sflag:s18] =	ssyncadd.s32 $0xFFFFC000  }
0x30: {  	[hbm4b:s28+s1] =	stream.linear.scatter [tilespmem:s12], [sflag:$0x6], $0x4000, $0x38;
	[tilespmem:$0x10200] =	vst v63  }
0x31: {  	_ =	swait.ge [sflag:s19], $0x4000  }
0x32: {  	[sflag:s19] =	ssyncset.done $0x0  }
0x33: {  	s28 =	sadd.s32 $0x1000, s26;
	[sflag:s19] =	ssyncadd.s32 $0xFFFFC000  }
0x34: {  	[hbm4b:s28+s1] =	stream.linear.scatter [tilespmem:s14], [sflag:$0x7], $0x4000, $0x38;
	[tilespmem:$0x10200] =	vst v63  }
0x35: {  	_ =	swait.ge [sflag:s20], $0x4000  }
0x36: {  	[sflag:s20] =	ssyncset.done $0x0  }
0x37: {  	s26 =	sadd.s32 $0x1800, s26;
	[sflag:s20] =	ssyncadd.s32 $0xFFFFC000  }
0x38: {  	[hbm4b:s26+s1] =	stream.linear.scatter [tilespmem:s16], [sflag:$0x8], $0x4000, $0x38;
	[tilespmem:$0x10200] =	vst v63  }
0x39: {  	_ =	swait.ge [sflag:s21], $0x4000  }
0x3a: {  	[sflag:s21] =	ssyncset.done $0x0  }
0x3b: {  	[sflag:s21] =	ssyncadd.s32 $0xFFFFC000  }
0x3c: {  	_ =	swait.ge [sflag:s22], $0x4000  }
0x3d: {  	[sflag:s22] =	ssyncset.done $0x0  }
0x3e: {  	[sflag:s22] =	ssyncadd.s32 $0xFFFFC000  }
0x3f: {  	_ =	swait.ge [sflag:s23], $0x4000  }
0x40: {  	[sflag:s23] =	ssyncset.done $0x0  }
0x41: {  	s29 =	sadd.s32 $0x40, s8;
	[sflag:s23] =	ssyncadd.s32 $0xFFFFC000  }
0x42: {  	s30 =	smov.u32 s5;
	s31 =	smov.u32 s6;
	_ =	swait.ge [sflag:s24], $0x4000  }
0x43: {  	s28 =	sadd.s32 $0x40, s7;
	s26 =	simm.s32 $0x2000;
	[sflag:s24] =	ssyncset.done $0x0  }
.LBB2_2:
0x44: {  	[sflag:s24] =	ssyncadd.s32 $0xFFFFC000  }
0x45: {  	[tilespmem:s1], [sflag:$0x9] =	stream.linear.gather [hbm4b:s29+s1], $0x80, $0x38;
	[tilespmem:$0x10200] =	vst v63  }
0x46: {  	_ =	swait.ge [sflag:s9], $0x80  }
0x47: {  	[sflag:s9] =	ssyncset.done $0x0  }
0x48: {  	[sflag:s9] =	ssyncadd.s32 $0xFFFFFF80  }
0x49: {  	[tilespmem:s11], [sflag:$0x1] =	stream.indirect.gather [hbm4b:s3+s10], $0x80, s1, s10, $0xb8;
	[tilespmem:$0x10200] =	vst v63  }
0x4a: {  	_ = 	snop  }
0x4b: {  	[tilespmem:s10], [sflag:$0x9] =	stream.linear.gather [hbm4b:s28+s1], $0x80, $0x38;
	[tilespmem:$0x10200] =	vst v63  }
0x4c: {  	_ =	swait.ge [sflag:s9], $0x80  }
0x4d: {  	[sflag:s9] =	ssyncset.done $0x0  }
0x4e: {  	[sflag:s9] =	ssyncadd.s32 $0xFFFFFF80  }
0x4f: {  	[tilespmem:s12], [sflag:$0x2] =	stream.indirect.gather [hbm4b:s3+s10], $0x80, s10, s10, $0xb8;
	[tilespmem:$0x10200] =	vst v63  }
0x50: {  	s31 =	sadd.s32 $0x40, s31  }
0x51: {  	[tilespmem:s13], [sflag:$0x9] =	stream.linear.gather [hbm4b:s31+s1], $0x80, $0x38;
	[tilespmem:$0x10200] =	vst v63  }
0x52: {  	_ =	swait.ge [sflag:s9], $0x80  }
0x53: {  	[sflag:s9] =	ssyncset.done $0x0  }
0x54: {  	[sflag:s9] =	ssyncadd.s32 $0xFFFFFF80  }
0x55: {  	[tilespmem:s14], [sflag:$0x3] =	stream.indirect.gather [hbm4b:s3+s10], $0x80, s13, s10, $0xb8;
	[tilespmem:$0x10200] =	vst v63  }
0x56: {  	s30 =	sadd.s32 $0x40, s30  }
0x57: {  	[tilespmem:s15], [sflag:$0x9] =	stream.linear.gather [hbm4b:s30+s1], $0x80, $0x38;
	[tilespmem:$0x10200] =	vst v63  }
0x58: {  	_ =	swait.ge [sflag:s9], $0x80  }
0x59: {  	[sflag:s9] =	ssyncset.done $0x0  }
0x5a: {  	[sflag:s9] =	ssyncadd.s32 $0xFFFFFF80  }
0x5b: {  	[tilespmem:s16], [sflag:$0x4] =	stream.indirect.gather [hbm4b:s3+s10], $0x80, s15, s10, $0xb8;
	[tilespmem:$0x10200] =	vst v63  }
0x5c: {  	_ =	swait.ge [sflag:s17], $0x4000  }
0x5d: {  	s0 =	smov.u32 s26;
	s2 =	rddreg [dreg:$0x2];
	[sflag:s17] =	ssyncset.done $0x0  }
0x5e: {  	[sflag:s17] =	ssyncadd.s32 $0xFFFFC000;
	s0 =	sadd.s32 s0, s2  }
0x5f: {  	[hbm4b:s0+s1] =	stream.linear.scatter [tilespmem:s11], [sflag:$0x5], $0x4000, $0x38;
	[tilespmem:$0x10200] =	vst v63  }
0x60: {  	_ =	swait.ge [sflag:s18], $0x4000  }
0x61: {  	[sflag:s18] =	ssyncset.done $0x0  }
0x62: {  	s2 =	sadd.s32 $0x800, s0;
	[sflag:s18] =	ssyncadd.s32 $0xFFFFC000  }
0x63: {  	[hbm4b:s2+s1] =	stream.linear.scatter [tilespmem:s12], [sflag:$0x6], $0x4000, $0x38;
	[tilespmem:$0x10200] =	vst v63  }
0x64: {  	_ =	swait.ge [sflag:s19], $0x4000  }
0x65: {  	[sflag:s19] =	ssyncset.done $0x0  }
0x66: {  	s2 =	sadd.s32 $0x1000, s0;
	[sflag:s19] =	ssyncadd.s32 $0xFFFFC000  }
0x67: {  	[hbm4b:s2+s1] =	stream.linear.scatter [tilespmem:s14], [sflag:$0x7], $0x4000, $0x38;
	[tilespmem:$0x10200] =	vst v63  }
0x68: {  	_ =	swait.ge [sflag:s20], $0x4000  }
0x69: {  	[sflag:s20] =	ssyncset.done $0x0  }
0x6a: {  	s0 =	sadd.s32 $0x1800, s0;
	[sflag:s20] =	ssyncadd.s32 $0xFFFFC000  }
0x6b: {  	[hbm4b:s0+s1] =	stream.linear.scatter [tilespmem:s16], [sflag:$0x8], $0x4000, $0x38;
	[tilespmem:$0x10200] =	vst v63  }
0x6c: {  	_ =	swait.ge [sflag:s21], $0x4000  }
0x6d: {  	[sflag:s21] =	ssyncset.done $0x0  }
0x6e: {  	[sflag:s21] =	ssyncadd.s32 $0xFFFFC000  }
0x6f: {  	_ =	swait.ge [sflag:s22], $0x4000  }
0x70: {  	[sflag:s22] =	ssyncset.done $0x0  }
0x71: {  	p0 =	sne.s32 s26, $0x6000;
	[sflag:s22] =	ssyncadd.s32 $0xFFFFC000  }
.Ltmp0:
0x72: {  	_ =	swait.ge [sflag:s23], $0x4000;
	(pc) =	sbr.rel @p0 .LBB2_2-.Ltmp0, $4  }
0x73: {  	[sflag:s23] =	ssyncset.done $0x0  }
0x74: {  	[sflag:s23] =	ssyncadd.s32 $0xFFFFC000  }
0x75: {  	s26 =	sadd.s32 $0x2000, s26;
	_ =	swait.ge [sflag:s24], $0x4000  }
0x76: {  	s29 =	sadd.s32 $0x40, s29;
	s28 =	sadd.s32 $0x40, s28;
	[sflag:s24] =	ssyncset.done $0x0  }
0x77: {  	s25 =	sadd.s32 $0x1, s25  }
0x78: {  	p0 =	sne.s32 s25, s4  }
.Ltmp1:
0x79: {  	_ = 	snop;
	(pc) =	sbr.rel @p0 .LBB2_1-.Ltmp1, $2  }
0x7a: {  	_ =	sdelay $0x2  }
0x7b: {  	[sflag:s24] =	ssyncadd.s32 $0xFFFFC000  }
0x7c: {  	_ =	sfence.sel $0x180000  }
0x7d: {  	[bflag:$0x0] =	sbarrier.arrive $0xFFFF  }
0x7e: {  	_ =	strace $0x9000004A  }
0x7f: {  	s0 =	stileid.u32;
	[bflag:$0x2] =	sbarrier.arrive $0xFFFF  }
0x80: {  	p0 =	sne.s32 s0, $0x0;
	s0 =	rddreg [dreg:$0x1]  }
0x81: {  	s0 =	sadd.s32 @!p0 $0x100000, s0  }
0x82: {  	[sflag:s0] =	ssyncadd.tile.s32 @!p0 $0x1;
	_ =	shalt  }
.Lfunc_end2:
_tile_overlayer_lowered:
.L_overlay_start_2:
0x83: {  	(tag) =	ssettag $0x2  }
0x84: {  	s0 =	rddreg [dreg:$0x0];
	s2 =	stileid.u32  }
0x85: {  	s1 =	rddreg [dreg:$0x1];
	p0 =	sne.s32 s2, $0x0  }
0x86: {  	s3 =	rddreg [dreg:$0x2];
	[bflag:$0x3] =	sbarrier.arrive $0xFFFF;
	s2 =	simm.s32 @!p0 $0x1C09  }
0x87: {  	[timem:s3], [sflag:s2] =	dma.local @!p0 [hbm:s0], s1  }
0x88: {  	s0 =	simm.s32 @!p0 $0x9  }
0x89: {  	_ =	swait.ge @!p0 [sflag:s0], s1  }
0x8a: {  	s1 =	ssub.s32 @!p0 $0x0, s1;
	[sflag:s0] =	ssyncset.done @!p0 $0x0  }
0x8b: {  	[sflag:s0] =	ssyncadd.s32 @!p0 s1  }
0x8c: {  	[bflag:$0x3] =	sbarrier.arrive $0xFFFF  }
0x8d: {  	_ =	shalt  }

</sc_bundles>
